<compile_context>
chip_gen: v7x
topology: tpu7x:2x2x1
jax: 0.10.2.dev20260603
libtpu: 0.0.44.dev20260713+nightly
codegen_flags: <defaults>
</compile_context>

<pallas_src>
import functools
import math

import jax
import jax.numpy as jnp
from jax import lax
from jax.experimental import pallas as pl
from jax.experimental.pallas import tpu as pltpu
from jax.experimental.pallas import tpu_sc as plsc

_VOCAB = 1000
_D = 128
_BATCH = 4096
_HIST = 50
_NC = 2
_NS = 16
_NW = _NC * _NS
_BPW = _BATCH // _NW
_SCALE = math.sqrt(float(_D))

_SROWS = 64
_SLAST = _VOCAB - (_NS - 1) * _SROWS

_HALF = _BPW // 2
_NCHUNK = _HIST * 2
_NB = 5
_NPAIR = _NCHUNK // (2 * _NB)

_MESH = plsc.VectorSubcoreMesh(core_axis_name="c", subcore_axis_name="s")
_PARAMS = pltpu.CompilerParams(use_tc_tiling_on_sc=True)


@functools.partial(
    pl.kernel,
    out_type=jax.ShapeDtypeStruct((_HIST, _BATCH, _D), jnp.float32),
    mesh=_MESH,
    compiler_params=_PARAMS,
    scratch_types=[
        pltpu.VMEM((_HIST, _BPW), jnp.int32),
        pltpu.VMEM((2 * _NB, _HALF, _D), jnp.float32),
        pltpu.VMEM_SHARED((_VOCAB, _D), jnp.float32),
        pltpu.SemaphoreType.DMA,
        [pltpu.SemaphoreType.DMA] * (2 * _NB),
        [pltpu.SemaphoreType.DMA] * (2 * _NB),
    ],
)
def _embed(lut_hbm, idx_hbm, out_hbm, idx_v, rows_v, table_sh, isem,
           gsems, ssems):
    sid = lax.axis_index("s")
    wid = sid * _NC + lax.axis_index("c")
    out_base = wid * _BPW

    idx_desc = pltpu.async_copy(idx_hbm.at[wid], idx_v, isem)

    def scale_slice(rows, base):
        stage = rows_v.at[0, pl.ds(0, rows)]
        pltpu.sync_copy(lut_hbm.at[pl.ds(base, rows)], stage)

        def body(r, carry):
            for c in range(_D // 16):
                sl = pl.ds(c * 16, 16)
                stage[r, sl] = stage[r, sl] * _SCALE
            return carry

        lax.fori_loop(0, rows, body, 0)
        pltpu.sync_copy(stage, table_sh.at[pl.ds(base, rows)])

    @pl.when(sid < _NS - 1)
    def _():
        scale_slice(_SROWS, sid * _SROWS)

    @pl.when(sid == _NS - 1)
    def _():
        scale_slice(_SLAST, (_NS - 1) * _SROWS)

    idx_desc.wait()
    plsc.subcore_barrier()

    def idx_ref(ck):
        return idx_v.at[ck // 2, pl.ds((ck % 2) * _HALF, _HALF)]

    def gather_start(ck, b):
        pltpu.async_copy(table_sh.at[idx_ref(ck)], rows_v.at[b], gsems[b])

    def gather_wait(ck, b):
        pltpu.make_async_copy(table_sh.at[idx_ref(ck)], rows_v.at[b],
                              gsems[b]).wait()

    def store_start(ck, b):
        dst = out_hbm.at[ck // 2,
                         pl.ds(out_base + (ck % 2) * _HALF, _HALF)]
        return pltpu.async_copy(rows_v.at[b], dst, ssems[b])

    for b in range(2 * _NB):
        gather_start(b, b)

    def body(g, refill):
        base = g * 2 * _NB
        descs = []
        for b in range(2 * _NB):
            gather_wait(base + b, b)
            descs.append(store_start(base + b, b))
        for b in range(2 * _NB):
            descs[b].wait()
            if refill:
                gather_start(base + 2 * _NB + b, b)

    def loop_body(g, carry):
        body(g, True)
        return carry

    lax.fori_loop(0, _NPAIR - 1, loop_body, 0)
    body(_NPAIR - 1, False)


def kernel(x, lut):
    idx_t = x.reshape(_NW, _BPW, _HIST).transpose(0, 2, 1)
    out_t = _embed(lut, idx_t)
    return out_t.transpose(1, 0, 2)

# --- scband reference (transcript-rebuilt; emitter-appended) ---
"""Pipeline reference for scband-embeddings-19756849561640 (READ-ONLY COPY).

The authoritative reference and input builder live on the scoring server;
editing this copy changes nothing except your own understanding.
"""

import jax, jax.numpy as jnp
import numpy as np
import math

VOCAB = 1000
D_MODEL = 128
BATCH = 4096
HIST = 50

def setup_inputs(seed: int = 0) -> dict:
    key = jax.random.key(seed)
    k1, k2 = jax.random.split(key)
    # indices into the embedding table (values strictly < VOCAB; 950 gives safety margin)
    x = jax.random.randint(k1, (BATCH, HIST), 0, 950, dtype=jnp.int32)
    # learned parameter: nn.Embedding weight, sized per init_kwargs (len(encoder)=VOCAB, d_model=D_MODEL)
    lut = jax.random.normal(k2, (VOCAB, D_MODEL), dtype=jnp.float32) * 0.02
    return {"x": x, "lut": lut}

def reference(x, lut):
    # Faithful translation of Embeddings.forward: self.lut(x) * sqrt(d_model)
    emb = jnp.take(lut, x, axis=0)
    return emb * math.sqrt(D_MODEL)

if __name__ == "__main__":
    import jax
    _d = setup_inputs()
    print(jax.jit(kernel)(*tuple(_d.values())))

</pallas_src>

<mosaic_0001>
#map = affine_map<(d0, d1) -> (0, 0)>
#map1 = affine_map<(d0, d1) -> (0, 0, 0)>
module attributes {stable_mosaic.version = 14 : i64} {
  func.func @_embed(%arg0: i32, %arg1: i32, %arg2: memref<1000x128xf32, #tpu.memory_space<hbm>>, %arg3: memref<32x50x128xi32, #tpu.memory_space<hbm>>, %arg4: memref<50x4096x128xf32, #tpu.memory_space<hbm>>, %arg5: memref<50x128xi32, #tpu.memory_space<vmem>>, %arg6: memref<10x64x128xf32, #tpu.memory_space<vmem>>, %arg7: memref<1000x128xf32, #tpu.memory_space<vmem_shared>>, %arg8: memref<!tpu.dma_semaphore, #tpu.memory_space<semaphore_mem>>, %arg9: memref<!tpu.dma_semaphore, #tpu.memory_space<semaphore_mem>>, %arg10: memref<!tpu.dma_semaphore, #tpu.memory_space<semaphore_mem>>, %arg11: memref<!tpu.dma_semaphore, #tpu.memory_space<semaphore_mem>>, %arg12: memref<!tpu.dma_semaphore, #tpu.memory_space<semaphore_mem>>, %arg13: memref<!tpu.dma_semaphore, #tpu.memory_space<semaphore_mem>>, %arg14: memref<!tpu.dma_semaphore, #tpu.memory_space<semaphore_mem>>, %arg15: memref<!tpu.dma_semaphore, #tpu.memory_space<semaphore_mem>>, %arg16: memref<!tpu.dma_semaphore, #tpu.memory_space<semaphore_mem>>, %arg17: memref<!tpu.dma_semaphore, #tpu.memory_space<semaphore_mem>>, %arg18: memref<!tpu.dma_semaphore, #tpu.memory_space<semaphore_mem>>, %arg19: memref<!tpu.dma_semaphore, #tpu.memory_space<semaphore_mem>>, %arg20: memref<!tpu.dma_semaphore, #tpu.memory_space<semaphore_mem>>, %arg21: memref<!tpu.dma_semaphore, #tpu.memory_space<semaphore_mem>>, %arg22: memref<!tpu.dma_semaphore, #tpu.memory_space<semaphore_mem>>, %arg23: memref<!tpu.dma_semaphore, #tpu.memory_space<semaphore_mem>>, %arg24: memref<!tpu.dma_semaphore, #tpu.memory_space<semaphore_mem>>, %arg25: memref<!tpu.dma_semaphore, #tpu.memory_space<semaphore_mem>>, %arg26: memref<!tpu.dma_semaphore, #tpu.memory_space<semaphore_mem>>, %arg27: memref<!tpu.dma_semaphore, #tpu.memory_space<semaphore_mem>>, %arg28: memref<!tpu.dma_semaphore, #tpu.memory_space<semaphore_mem>>) attributes {dimension_semantics = [#tpu.dimension_semantics<core_parallel>, #tpu.dimension_semantics<subcore_parallel>], iteration_bounds = array<i64: 2, 16>, scalar_prefetch = 0 : i64, scratch_operands = 24 : i64, tpu.core_type = #tpu.core_type<sc_vector_subcore>, window_params = [{transform_indices = #map}, {transform_indices = #map1}, {transform_indices = #map1}]} {
    %mul3A = arith.constant 2 : i32
    %mul3A_0 = arith.muli %arg1, %mul3A : i32
    %add3A = arith.addi %mul3A_0, %arg0 : i32
    %mul3A_1 = arith.constant 128 : i32
    %mul3A_2 = arith.muli %add3A, %mul3A_1 : i32
    %dma_start3A = arith.constant 0 : i32
    %dma_start3A_3 = arith.constant 0 : i32
    %dma_start3A_4 = tpu.memref_slice %arg3[%add3A, %dma_start3A, %dma_start3A_3] : memref<32x50x128xi32, #tpu.memory_space<hbm>> -> memref<1x50x128xi32, #tpu.memory_space<hbm>>
    %dma_start3A_5 = tpu.memref_squeeze %dma_start3A_4 : memref<1x50x128xi32, #tpu.memory_space<hbm>> -> memref<50x128xi32, #tpu.memory_space<hbm>>
    %dma_start3A_6 = arith.constant 0 : i32
    %dma_start3A_7 = arith.constant 0 : i32
    %dma_start3A_8 = tpu.memref_slice %arg3[%add3A, %dma_start3A_6, %dma_start3A_7] : memref<32x50x128xi32, #tpu.memory_space<hbm>> -> memref<1x50x128xi32, #tpu.memory_space<hbm>>
    %dma_start3A_9 = tpu.memref_squeeze %dma_start3A_8 : memref<1x50x128xi32, #tpu.memory_space<hbm>> -> memref<50x128xi32, #tpu.memory_space<hbm>>
    tpu.enqueue_dma source(%dma_start3A_9 : memref<50x128xi32, #tpu.memory_space<hbm>>) target(%arg5 : memref<50x128xi32, #tpu.memory_space<vmem>>) target_semaphore(%arg8 : memref<!tpu.dma_semaphore, #tpu.memory_space<semaphore_mem>>)
    %lt3A = arith.constant 15 : i32
    %lt3A_10 = arith.cmpi slt, %arg1, %lt3A : i32
    %convert_element_type3A = arith.extui %lt3A_10 : i1 to i32
    %cond3A = arith.constant 0 : i32
    %cond3A_11 = arith.cmpi ne, %convert_element_type3A, %cond3A : i32
    scf.if %cond3A_11 {
      %mul3A_608 = arith.constant 64 : i32
      %mul3A_609 = arith.muli %arg1, %mul3A_608 : i32
      %run_scoped3A = arith.constant 0 : i32
      "tpu.region"() ({
        %run_scoped3A_618 = tpu.sem_alloc : memref<!tpu.dma_semaphore, #tpu.memory_space<semaphore_mem>>
        %dma_start3A_619 = arith.constant 0 : i32
        %dma_start3A_620 = arith.constant 0 : i32
        %dma_start3A_621 = tpu.memref_slice %arg6[%run_scoped3A, %dma_start3A_619, %dma_start3A_620] : memref<10x64x128xf32, #tpu.memory_space<vmem>> -> memref<1x64x128xf32, #tpu.memory_space<vmem>>
        %dma_start3A_622 = tpu.memref_squeeze %dma_start3A_621 : memref<1x64x128xf32, #tpu.memory_space<vmem>> -> memref<64x128xf32, #tpu.memory_space<vmem>>
        %dma_start3A_623 = arith.constant 0 : i32
        %dma_start3A_624 = tpu.memref_slice %arg2[%mul3A_609, %dma_start3A_623] : memref<1000x128xf32, #tpu.memory_space<hbm>> -> memref<64x128xf32, #tpu.memory_space<hbm>>
        %dma_start3A_625 = arith.constant 0 : i32
        %dma_start3A_626 = arith.constant 0 : i32
        %dma_start3A_627 = tpu.memref_slice %arg6[%run_scoped3A, %dma_start3A_625, %dma_start3A_626] : memref<10x64x128xf32, #tpu.memory_space<vmem>> -> memref<1x64x128xf32, #tpu.memory_space<vmem>>
        %dma_start3A_628 = tpu.memref_squeeze %dma_start3A_627 : memref<1x64x128xf32, #tpu.memory_space<vmem>> -> memref<64x128xf32, #tpu.memory_space<vmem>>
        %dma_start3A_629 = arith.constant 0 : i32
        %dma_start3A_630 = tpu.memref_slice %arg2[%mul3A_609, %dma_start3A_629] : memref<1000x128xf32, #tpu.memory_space<hbm>> -> memref<64x128xf32, #tpu.memory_space<hbm>>
        tpu.enqueue_dma source(%dma_start3A_630 : memref<64x128xf32, #tpu.memory_space<hbm>>) target(%dma_start3A_628 : memref<64x128xf32, #tpu.memory_space<vmem>>) target_semaphore(%run_scoped3A_618 : memref<!tpu.dma_semaphore, #tpu.memory_space<semaphore_mem>>)
        %dma_wait3A_631 = arith.constant 0 : i32
        %dma_wait3A_632 = arith.constant 0 : i32
        %dma_wait3A_633 = tpu.memref_slice %arg6[%run_scoped3A, %dma_wait3A_631, %dma_wait3A_632] : memref<10x64x128xf32, #tpu.memory_space<vmem>> -> memref<1x64x128xf32, #tpu.memory_space<vmem>>
        %dma_wait3A_634 = tpu.memref_squeeze %dma_wait3A_633 : memref<1x64x128xf32, #tpu.memory_space<vmem>> -> memref<64x128xf32, #tpu.memory_space<vmem>>
        %dma_wait3A_635 = arith.constant 0 : i32
        %dma_wait3A_636 = tpu.memref_slice %arg2[%mul3A_609, %dma_wait3A_635] : memref<1000x128xf32, #tpu.memory_space<hbm>> -> memref<64x128xf32, #tpu.memory_space<hbm>>
        %dma_wait3A_637 = arith.constant 0 : i32
        %dma_wait3A_638 = arith.constant 0 : i32
        %dma_wait3A_639 = tpu.memref_slice %arg6[%run_scoped3A, %dma_wait3A_637, %dma_wait3A_638] : memref<10x64x128xf32, #tpu.memory_space<vmem>> -> memref<1x64x128xf32, #tpu.memory_space<vmem>>
        %dma_wait3A_640 = tpu.memref_squeeze %dma_wait3A_639 : memref<1x64x128xf32, #tpu.memory_space<vmem>> -> memref<64x128xf32, #tpu.memory_space<vmem>>
        %dma_wait3A_641 = arith.constant 0 : i32
        %dma_wait3A_642 = tpu.memref_slice %arg2[%mul3A_609, %dma_wait3A_641] : memref<1000x128xf32, #tpu.memory_space<hbm>> -> memref<64x128xf32, #tpu.memory_space<hbm>>
        tpu.wait_dma2 semaphore(%run_scoped3A_618 : memref<!tpu.dma_semaphore, #tpu.memory_space<semaphore_mem>>) src(%dma_wait3A_642 : memref<64x128xf32, #tpu.memory_space<hbm>>) dst(%dma_wait3A_640 : memref<64x128xf32, #tpu.memory_space<vmem>>)
        tpu.yield
      }) : () -> ()
      %scan3A_610 = arith.constant 0 : i32
      %scan3A_611 = arith.constant 0 : i32
      %scan3A_612 = arith.constant 0 : i32
      %scan3A_613 = arith.constant 64 : i32
      %scan3A_614 = arith.addi %scan3A_612, %scan3A_613 : i32
      %scan3A_615 = arith.constant 1 : i32
      scf.for %scan3A_618 = %scan3A_612 to %scan3A_614 step %scan3A_615  : i32 {
        %get3A = arith.constant 0 : i32
        %get3A_619 = arith.constant 0 : i32
        %get3A_620 = tpu.memref_slice %arg6[%scan3A_611, %get3A, %get3A_619] : memref<10x64x128xf32, #tpu.memory_space<vmem>> -> memref<1x64x128xf32, #tpu.memory_space<vmem>>
        %get3A_621 = tpu.memref_squeeze %get3A_620 : memref<1x64x128xf32, #tpu.memory_space<vmem>> -> memref<64x128xf32, #tpu.memory_space<vmem>>
        %get3A_622 = arith.index_cast %scan3A_618 : i32 to index
        %get3A_623 = arith.constant 0 : index
        %get3A_624 = tpu.vector_load %get3A_621[%get3A_622, %get3A_623] {strides = array<i32>} : memref<64x128xf32, #tpu.memory_space<vmem>>, vector<1x16xf32>,
        %get3A_625 = vector.shape_cast %get3A_624 : vector<1x16xf32> to vector<16xf32>
        %mul3A_626 = arith.constant 11.3137083 : f32
        %mul3A_627 = vector.broadcast %mul3A_626 : f32 to vector<16xf32>
        %mul3A_628 = arith.mulf %get3A_625, %mul3A_627 : vector<16xf32>
        %swap3A = arith.constant 0 : i32
        %swap3A_629 = arith.constant 0 : i32
        %swap3A_630 = tpu.memref_slice %arg6[%scan3A_611, %swap3A, %swap3A_629] : memref<10x64x128xf32, #tpu.memory_space<vmem>> -> memref<1x64x128xf32, #tpu.memory_space<vmem>>
        %swap3A_631 = tpu.memref_squeeze %swap3A_630 : memref<1x64x128xf32, #tpu.memory_space<vmem>> -> memref<64x128xf32, #tpu.memory_space<vmem>>
        %swap3A_632 = arith.index_cast %scan3A_618 : i32 to index
        %swap3A_633 = arith.constant 0 : index
        %swap3A_634 = tpu.vector_load %swap3A_631[%swap3A_632, %swap3A_633] {strides = array<i32>} : memref<64x128xf32, #tpu.memory_space<vmem>>, vector<1x16xf32>,
        %swap3A_635 = vector.shape_cast %swap3A_634 : vector<1x16xf32> to vector<16xf32>
        %swap3A_636 = vector.shape_cast %mul3A_628 : vector<16xf32> to vector<1x16xf32>
        tpu.vector_store %swap3A_631[%swap3A_632, %swap3A_633], %swap3A_636 {strides = array<i32>} : memref<64x128xf32, #tpu.memory_space<vmem>>, vector<1x16xf32>,
        %get3A_637 = arith.constant 0 : i32
        %get3A_638 = arith.constant 0 : i32
        %get3A_639 = tpu.memref_slice %arg6[%scan3A_611, %get3A_637, %get3A_638] : memref<10x64x128xf32, #tpu.memory_space<vmem>> -> memref<1x64x128xf32, #tpu.memory_space<vmem>>
        %get3A_640 = tpu.memref_squeeze %get3A_639 : memref<1x64x128xf32, #tpu.memory_space<vmem>> -> memref<64x128xf32, #tpu.memory_space<vmem>>
        %get3A_641 = arith.index_cast %scan3A_618 : i32 to index
        %get3A_642 = arith.constant 16 : index
        %get3A_643 = tpu.vector_load %get3A_640[%get3A_641, %get3A_642] {strides = array<i32>} : memref<64x128xf32, #tpu.memory_space<vmem>>, vector<1x16xf32>,
        %get3A_644 = vector.shape_cast %get3A_643 : vector<1x16xf32> to vector<16xf32>
        %mul3A_645 = arith.constant 11.3137083 : f32
        %mul3A_646 = vector.broadcast %mul3A_645 : f32 to vector<16xf32>
        %mul3A_647 = arith.mulf %get3A_644, %mul3A_646 : vector<16xf32>
        %swap3A_648 = arith.constant 0 : i32
        %swap3A_649 = arith.constant 0 : i32
        %swap3A_650 = tpu.memref_slice %arg6[%scan3A_611, %swap3A_648, %swap3A_649] : memref<10x64x128xf32, #tpu.memory_space<vmem>> -> memref<1x64x128xf32, #tpu.memory_space<vmem>>
        %swap3A_651 = tpu.memref_squeeze %swap3A_650 : memref<1x64x128xf32, #tpu.memory_space<vmem>> -> memref<64x128xf32, #tpu.memory_space<vmem>>
        %swap3A_652 = arith.index_cast %scan3A_618 : i32 to index
        %swap3A_653 = arith.constant 16 : index
        %swap3A_654 = tpu.vector_load %swap3A_651[%swap3A_652, %swap3A_653] {strides = array<i32>} : memref<64x128xf32, #tpu.memory_space<vmem>>, vector<1x16xf32>,
        %swap3A_655 = vector.shape_cast %swap3A_654 : vector<1x16xf32> to vector<16xf32>
        %swap3A_656 = vector.shape_cast %mul3A_647 : vector<16xf32> to vector<1x16xf32>
        tpu.vector_store %swap3A_651[%swap3A_652, %swap3A_653], %swap3A_656 {strides = array<i32>} : memref<64x128xf32, #tpu.memory_space<vmem>>, vector<1x16xf32>,
        %get3A_657 = arith.constant 0 : i32
        %get3A_658 = arith.constant 0 : i32
        %get3A_659 = tpu.memref_slice %arg6[%scan3A_611, %get3A_657, %get3A_658] : memref<10x64x128xf32, #tpu.memory_space<vmem>> -> memref<1x64x128xf32, #tpu.memory_space<vmem>>
        %get3A_660 = tpu.memref_squeeze %get3A_659 : memref<1x64x128xf32, #tpu.memory_space<vmem>> -> memref<64x128xf32, #tpu.memory_space<vmem>>
        %get3A_661 = arith.index_cast %scan3A_618 : i32 to index
        %get3A_662 = arith.constant 32 : index
        %get3A_663 = tpu.vector_load %get3A_660[%get3A_661, %get3A_662] {strides = array<i32>} : memref<64x128xf32, #tpu.memory_space<vmem>>, vector<1x16xf32>,
        %get3A_664 = vector.shape_cast %get3A_663 : vector<1x16xf32> to vector<16xf32>
        %mul3A_665 = arith.constant 11.3137083 : f32
        %mul3A_666 = vector.broadcast %mul3A_665 : f32 to vector<16xf32>
        %mul3A_667 = arith.mulf %get3A_664, %mul3A_666 : vector<16xf32>
        %swap3A_668 = arith.constant 0 : i32
        %swap3A_669 = arith.constant 0 : i32
        %swap3A_670 = tpu.memref_slice %arg6[%scan3A_611, %swap3A_668, %swap3A_669] : memref<10x64x128xf32, #tpu.memory_space<vmem>> -> memref<1x64x128xf32, #tpu.memory_space<vmem>>
        %swap3A_671 = tpu.memref_squeeze %swap3A_670 : memref<1x64x128xf32, #tpu.memory_space<vmem>> -> memref<64x128xf32, #tpu.memory_space<vmem>>
        %swap3A_672 = arith.index_cast %scan3A_618 : i32 to index
        %swap3A_673 = arith.constant 32 : index
        %swap3A_674 = tpu.vector_load %swap3A_671[%swap3A_672, %swap3A_673] {strides = array<i32>} : memref<64x128xf32, #tpu.memory_space<vmem>>, vector<1x16xf32>,
        %swap3A_675 = vector.shape_cast %swap3A_674 : vector<1x16xf32> to vector<16xf32>
        %swap3A_676 = vector.shape_cast %mul3A_667 : vector<16xf32> to vector<1x16xf32>
        tpu.vector_store %swap3A_671[%swap3A_672, %swap3A_673], %swap3A_676 {strides = array<i32>} : memref<64x128xf32, #tpu.memory_space<vmem>>, vector<1x16xf32>,
        %get3A_677 = arith.constant 0 : i32
        %get3A_678 = arith.constant 0 : i32
        %get3A_679 = tpu.memref_slice %arg6[%scan3A_611, %get3A_677, %get3A_678] : memref<10x64x128xf32, #tpu.memory_space<vmem>> -> memref<1x64x128xf32, #tpu.memory_space<vmem>>
        %get3A_680 = tpu.memref_squeeze %get3A_679 : memref<1x64x128xf32, #tpu.memory_space<vmem>> -> memref<64x128xf32, #tpu.memory_space<vmem>>
        %get3A_681 = arith.index_cast %scan3A_618 : i32 to index
        %get3A_682 = arith.constant 48 : index
        %get3A_683 = tpu.vector_load %get3A_680[%get3A_681, %get3A_682] {strides = array<i32>} : memref<64x128xf32, #tpu.memory_space<vmem>>, vector<1x16xf32>,
        %get3A_684 = vector.shape_cast %get3A_683 : vector<1x16xf32> to vector<16xf32>
        %mul3A_685 = arith.constant 11.3137083 : f32
        %mul3A_686 = vector.broadcast %mul3A_685 : f32 to vector<16xf32>
        %mul3A_687 = arith.mulf %get3A_684, %mul3A_686 : vector<16xf32>
        %swap3A_688 = arith.constant 0 : i32
        %swap3A_689 = arith.constant 0 : i32
        %swap3A_690 = tpu.memref_slice %arg6[%scan3A_611, %swap3A_688, %swap3A_689] : memref<10x64x128xf32, #tpu.memory_space<vmem>> -> memref<1x64x128xf32, #tpu.memory_space<vmem>>
        %swap3A_691 = tpu.memref_squeeze %swap3A_690 : memref<1x64x128xf32, #tpu.memory_space<vmem>> -> memref<64x128xf32, #tpu.memory_space<vmem>>
        %swap3A_692 = arith.index_cast %scan3A_618 : i32 to index
        %swap3A_693 = arith.constant 48 : index
        %swap3A_694 = tpu.vector_load %swap3A_691[%swap3A_692, %swap3A_693] {strides = array<i32>} : memref<64x128xf32, #tpu.memory_space<vmem>>, vector<1x16xf32>,
        %swap3A_695 = vector.shape_cast %swap3A_694 : vector<1x16xf32> to vector<16xf32>
        %swap3A_696 = vector.shape_cast %mul3A_687 : vector<16xf32> to vector<1x16xf32>
        tpu.vector_store %swap3A_691[%swap3A_692, %swap3A_693], %swap3A_696 {strides = array<i32>} : memref<64x128xf32, #tpu.memory_space<vmem>>, vector<1x16xf32>,
        %get3A_697 = arith.constant 0 : i32
        %get3A_698 = arith.constant 0 : i32
        %get3A_699 = tpu.memref_slice %arg6[%scan3A_611, %get3A_697, %get3A_698] : memref<10x64x128xf32, #tpu.memory_space<vmem>> -> memref<1x64x128xf32, #tpu.memory_space<vmem>>
        %get3A_700 = tpu.memref_squeeze %get3A_699 : memref<1x64x128xf32, #tpu.memory_space<vmem>> -> memref<64x128xf32, #tpu.memory_space<vmem>>
        %get3A_701 = arith.index_cast %scan3A_618 : i32 to index
        %get3A_702 = arith.constant 64 : index
        %get3A_703 = tpu.vector_load %get3A_700[%get3A_701, %get3A_702] {strides = array<i32>} : memref<64x128xf32, #tpu.memory_space<vmem>>, vector<1x16xf32>,
        %get3A_704 = vector.shape_cast %get3A_703 : vector<1x16xf32> to vector<16xf32>
        %mul3A_705 = arith.constant 11.3137083 : f32
        %mul3A_706 = vector.broadcast %mul3A_705 : f32 to vector<16xf32>
        %mul3A_707 = arith.mulf %get3A_704, %mul3A_706 : vector<16xf32>
        %swap3A_708 = arith.constant 0 : i32
        %swap3A_709 = arith.constant 0 : i32
        %swap3A_710 = tpu.memref_slice %arg6[%scan3A_611, %swap3A_708, %swap3A_709] : memref<10x64x128xf32, #tpu.memory_space<vmem>> -> memref<1x64x128xf32, #tpu.memory_space<vmem>>
        %swap3A_711 = tpu.memref_squeeze %swap3A_710 : memref<1x64x128xf32, #tpu.memory_space<vmem>> -> memref<64x128xf32, #tpu.memory_space<vmem>>
        %swap3A_712 = arith.index_cast %scan3A_618 : i32 to index
        %swap3A_713 = arith.constant 64 : index
        %swap3A_714 = tpu.vector_load %swap3A_711[%swap3A_712, %swap3A_713] {strides = array<i32>} : memref<64x128xf32, #tpu.memory_space<vmem>>, vector<1x16xf32>,
        %swap3A_715 = vector.shape_cast %swap3A_714 : vector<1x16xf32> to vector<16xf32>
        %swap3A_716 = vector.shape_cast %mul3A_707 : vector<16xf32> to vector<1x16xf32>
        tpu.vector_store %swap3A_711[%swap3A_712, %swap3A_713], %swap3A_716 {strides = array<i32>} : memref<64x128xf32, #tpu.memory_space<vmem>>, vector<1x16xf32>,
        %get3A_717 = arith.constant 0 : i32
        %get3A_718 = arith.constant 0 : i32
        %get3A_719 = tpu.memref_slice %arg6[%scan3A_611, %get3A_717, %get3A_718] : memref<10x64x128xf32, #tpu.memory_space<vmem>> -> memref<1x64x128xf32, #tpu.memory_space<vmem>>
        %get3A_720 = tpu.memref_squeeze %get3A_719 : memref<1x64x128xf32, #tpu.memory_space<vmem>> -> memref<64x128xf32, #tpu.memory_space<vmem>>
        %get3A_721 = arith.index_cast %scan3A_618 : i32 to index
        %get3A_722 = arith.constant 80 : index
        %get3A_723 = tpu.vector_load %get3A_720[%get3A_721, %get3A_722] {strides = array<i32>} : memref<64x128xf32, #tpu.memory_space<vmem>>, vector<1x16xf32>,
        %get3A_724 = vector.shape_cast %get3A_723 : vector<1x16xf32> to vector<16xf32>
        %mul3A_725 = arith.constant 11.3137083 : f32
        %mul3A_726 = vector.broadcast %mul3A_725 : f32 to vector<16xf32>
        %mul3A_727 = arith.mulf %get3A_724, %mul3A_726 : vector<16xf32>
        %swap3A_728 = arith.constant 0 : i32
        %swap3A_729 = arith.constant 0 : i32
        %swap3A_730 = tpu.memref_slice %arg6[%scan3A_611, %swap3A_728, %swap3A_729] : memref<10x64x128xf32, #tpu.memory_space<vmem>> -> memref<1x64x128xf32, #tpu.memory_space<vmem>>
        %swap3A_731 = tpu.memref_squeeze %swap3A_730 : memref<1x64x128xf32, #tpu.memory_space<vmem>> -> memref<64x128xf32, #tpu.memory_space<vmem>>
        %swap3A_732 = arith.index_cast %scan3A_618 : i32 to index
        %swap3A_733 = arith.constant 80 : index
        %swap3A_734 = tpu.vector_load %swap3A_731[%swap3A_732, %swap3A_733] {strides = array<i32>} : memref<64x128xf32, #tpu.memory_space<vmem>>, vector<1x16xf32>,
        %swap3A_735 = vector.shape_cast %swap3A_734 : vector<1x16xf32> to vector<16xf32>
        %swap3A_736 = vector.shape_cast %mul3A_727 : vector<16xf32> to vector<1x16xf32>
        tpu.vector_store %swap3A_731[%swap3A_732, %swap3A_733], %swap3A_736 {strides = array<i32>} : memref<64x128xf32, #tpu.memory_space<vmem>>, vector<1x16xf32>,
        %get3A_737 = arith.constant 0 : i32
        %get3A_738 = arith.constant 0 : i32
        %get3A_739 = tpu.memref_slice %arg6[%scan3A_611, %get3A_737, %get3A_738] : memref<10x64x128xf32, #tpu.memory_space<vmem>> -> memref<1x64x128xf32, #tpu.memory_space<vmem>>
        %get3A_740 = tpu.memref_squeeze %get3A_739 : memref<1x64x128xf32, #tpu.memory_space<vmem>> -> memref<64x128xf32, #tpu.memory_space<vmem>>
        %get3A_741 = arith.index_cast %scan3A_618 : i32 to index
        %get3A_742 = arith.constant 96 : index
        %get3A_743 = tpu.vector_load %get3A_740[%get3A_741, %get3A_742] {strides = array<i32>} : memref<64x128xf32, #tpu.memory_space<vmem>>, vector<1x16xf32>,
        %get3A_744 = vector.shape_cast %get3A_743 : vector<1x16xf32> to vector<16xf32>
        %mul3A_745 = arith.constant 11.3137083 : f32
        %mul3A_746 = vector.broadcast %mul3A_745 : f32 to vector<16xf32>
        %mul3A_747 = arith.mulf %get3A_744, %mul3A_746 : vector<16xf32>
        %swap3A_748 = arith.constant 0 : i32
        %swap3A_749 = arith.constant 0 : i32
        %swap3A_750 = tpu.memref_slice %arg6[%scan3A_611, %swap3A_748, %swap3A_749] : memref<10x64x128xf32, #tpu.memory_space<vmem>> -> memref<1x64x128xf32, #tpu.memory_space<vmem>>
        %swap3A_751 = tpu.memref_squeeze %swap3A_750 : memref<1x64x128xf32, #tpu.memory_space<vmem>> -> memref<64x128xf32, #tpu.memory_space<vmem>>
        %swap3A_752 = arith.index_cast %scan3A_618 : i32 to index
        %swap3A_753 = arith.constant 96 : index
        %swap3A_754 = tpu.vector_load %swap3A_751[%swap3A_752, %swap3A_753] {strides = array<i32>} : memref<64x128xf32, #tpu.memory_space<vmem>>, vector<1x16xf32>,
        %swap3A_755 = vector.shape_cast %swap3A_754 : vector<1x16xf32> to vector<16xf32>
        %swap3A_756 = vector.shape_cast %mul3A_747 : vector<16xf32> to vector<1x16xf32>
        tpu.vector_store %swap3A_751[%swap3A_752, %swap3A_753], %swap3A_756 {strides = array<i32>} : memref<64x128xf32, #tpu.memory_space<vmem>>, vector<1x16xf32>,
        %get3A_757 = arith.constant 0 : i32
        %get3A_758 = arith.constant 0 : i32
        %get3A_759 = tpu.memref_slice %arg6[%scan3A_611, %get3A_757, %get3A_758] : memref<10x64x128xf32, #tpu.memory_space<vmem>> -> memref<1x64x128xf32, #tpu.memory_space<vmem>>
        %get3A_760 = tpu.memref_squeeze %get3A_759 : memref<1x64x128xf32, #tpu.memory_space<vmem>> -> memref<64x128xf32, #tpu.memory_space<vmem>>
        %get3A_761 = arith.index_cast %scan3A_618 : i32 to index
        %get3A_762 = arith.constant 112 : index
        %get3A_763 = tpu.vector_load %get3A_760[%get3A_761, %get3A_762] {strides = array<i32>} : memref<64x128xf32, #tpu.memory_space<vmem>>, vector<1x16xf32>,
        %get3A_764 = vector.shape_cast %get3A_763 : vector<1x16xf32> to vector<16xf32>
        %mul3A_765 = arith.constant 11.3137083 : f32
        %mul3A_766 = vector.broadcast %mul3A_765 : f32 to vector<16xf32>
        %mul3A_767 = arith.mulf %get3A_764, %mul3A_766 : vector<16xf32>
        %swap3A_768 = arith.constant 0 : i32
        %swap3A_769 = arith.constant 0 : i32
        %swap3A_770 = tpu.memref_slice %arg6[%scan3A_611, %swap3A_768, %swap3A_769] : memref<10x64x128xf32, #tpu.memory_space<vmem>> -> memref<1x64x128xf32, #tpu.memory_space<vmem>>
        %swap3A_771 = tpu.memref_squeeze %swap3A_770 : memref<1x64x128xf32, #tpu.memory_space<vmem>> -> memref<64x128xf32, #tpu.memory_space<vmem>>
        %swap3A_772 = arith.index_cast %scan3A_618 : i32 to index
        %swap3A_773 = arith.constant 112 : index
        %swap3A_774 = tpu.vector_load %swap3A_771[%swap3A_772, %swap3A_773] {strides = array<i32>} : memref<64x128xf32, #tpu.memory_space<vmem>>, vector<1x16xf32>,
        %swap3A_775 = vector.shape_cast %swap3A_774 : vector<1x16xf32> to vector<16xf32>
        %swap3A_776 = vector.shape_cast %mul3A_767 : vector<16xf32> to vector<1x16xf32>
        tpu.vector_store %swap3A_771[%swap3A_772, %swap3A_773], %swap3A_776 {strides = array<i32>} : memref<64x128xf32, #tpu.memory_space<vmem>>, vector<1x16xf32>,
      }
      %scan3A_616 = arith.constant 64 : i32
      %run_scoped3A_617 = arith.constant 0 : i32
      "tpu.region"() ({
        %run_scoped3A_618 = tpu.sem_alloc : memref<!tpu.dma_semaphore, #tpu.memory_space<semaphore_mem>>
        %dma_start3A_619 = arith.constant 0 : i32
        %dma_start3A_620 = arith.constant 0 : i32
        %dma_start3A_621 = tpu.memref_slice %arg6[%run_scoped3A_617, %dma_start3A_619, %dma_start3A_620] : memref<10x64x128xf32, #tpu.memory_space<vmem>> -> memref<1x64x128xf32, #tpu.memory_space<vmem>>
        %dma_start3A_622 = tpu.memref_squeeze %dma_start3A_621 : memref<1x64x128xf32, #tpu.memory_space<vmem>> -> memref<64x128xf32, #tpu.memory_space<vmem>>
        %dma_start3A_623 = arith.constant 0 : i32
        %dma_start3A_624 = tpu.memref_slice %arg7[%mul3A_609, %dma_start3A_623] : memref<1000x128xf32, #tpu.memory_space<vmem_shared>> -> memref<64x128xf32, #tpu.memory_space<vmem_shared>>
        %dma_start3A_625 = arith.constant 0 : i32
        %dma_start3A_626 = tpu.memref_slice %arg7[%mul3A_609, %dma_start3A_625] : memref<1000x128xf32, #tpu.memory_space<vmem_shared>> -> memref<64x128xf32, #tpu.memory_space<vmem_shared>>
        %dma_start3A_627 = arith.constant 0 : i32
        %dma_start3A_628 = arith.constant 0 : i32
        %dma_start3A_629 = tpu.memref_slice %arg6[%run_scoped3A_617, %dma_start3A_627, %dma_start3A_628] : memref<10x64x128xf32, #tpu.memory_space<vmem>> -> memref<1x64x128xf32, #tpu.memory_space<vmem>>
        %dma_start3A_630 = tpu.memref_squeeze %dma_start3A_629 : memref<1x64x128xf32, #tpu.memory_space<vmem>> -> memref<64x128xf32, #tpu.memory_space<vmem>>
        tpu.enqueue_dma source(%dma_start3A_630 : memref<64x128xf32, #tpu.memory_space<vmem>>) target(%dma_start3A_626 : memref<64x128xf32, #tpu.memory_space<vmem_shared>>) target_semaphore(%run_scoped3A_618 : memref<!tpu.dma_semaphore, #tpu.memory_space<semaphore_mem>>)
        %dma_wait3A_631 = arith.constant 0 : i32
        %dma_wait3A_632 = arith.constant 0 : i32
        %dma_wait3A_633 = tpu.memref_slice %arg6[%run_scoped3A_617, %dma_wait3A_631, %dma_wait3A_632] : memref<10x64x128xf32, #tpu.memory_space<vmem>> -> memref<1x64x128xf32, #tpu.memory_space<vmem>>
        %dma_wait3A_634 = tpu.memref_squeeze %dma_wait3A_633 : memref<1x64x128xf32, #tpu.memory_space<vmem>> -> memref<64x128xf32, #tpu.memory_space<vmem>>
        %dma_wait3A_635 = arith.constant 0 : i32
        %dma_wait3A_636 = tpu.memref_slice %arg7[%mul3A_609, %dma_wait3A_635] : memref<1000x128xf32, #tpu.memory_space<vmem_shared>> -> memref<64x128xf32, #tpu.memory_space<vmem_shared>>
        %dma_wait3A_637 = arith.constant 0 : i32
        %dma_wait3A_638 = tpu.memref_slice %arg7[%mul3A_609, %dma_wait3A_637] : memref<1000x128xf32, #tpu.memory_space<vmem_shared>> -> memref<64x128xf32, #tpu.memory_space<vmem_shared>>
        %dma_wait3A_639 = arith.constant 0 : i32
        %dma_wait3A_640 = arith.constant 0 : i32
        %dma_wait3A_641 = tpu.memref_slice %arg6[%run_scoped3A_617, %dma_wait3A_639, %dma_wait3A_640] : memref<10x64x128xf32, #tpu.memory_space<vmem>> -> memref<1x64x128xf32, #tpu.memory_space<vmem>>
        %dma_wait3A_642 = tpu.memref_squeeze %dma_wait3A_641 : memref<1x64x128xf32, #tpu.memory_space<vmem>> -> memref<64x128xf32, #tpu.memory_space<vmem>>
        tpu.wait_dma2 semaphore(%run_scoped3A_618 : memref<!tpu.dma_semaphore, #tpu.memory_space<semaphore_mem>>) src(%dma_wait3A_642 : memref<64x128xf32, #tpu.memory_space<vmem>>) dst(%dma_wait3A_638 : memref<64x128xf32, #tpu.memory_space<vmem_shared>>)
        tpu.yield
      }) : () -> ()
    } else {
    }
    %eq3A = arith.constant 15 : i32
    %eq3A_12 = arith.cmpi eq, %arg1, %eq3A : i32
    %convert_element_type3A_13 = arith.extui %eq3A_12 : i1 to i32
    %cond3A_14 = arith.constant 0 : i32
    %cond3A_15 = arith.cmpi ne, %convert_element_type3A_13, %cond3A_14 : i32
    scf.if %cond3A_15 {
      %run_scoped3A = arith.constant 0 : i32
      "tpu.region"() ({
        %run_scoped3A_616 = tpu.sem_alloc : memref<!tpu.dma_semaphore, #tpu.memory_space<semaphore_mem>>
        %dma_start3A_617 = arith.constant 0 : i32
        %dma_start3A_618 = arith.constant 0 : i32
        %dma_start3A_619 = tpu.memref_slice %arg6[%run_scoped3A, %dma_start3A_617, %dma_start3A_618] : memref<10x64x128xf32, #tpu.memory_space<vmem>> -> memref<1x40x128xf32, #tpu.memory_space<vmem>>
        %dma_start3A_620 = tpu.memref_squeeze %dma_start3A_619 : memref<1x40x128xf32, #tpu.memory_space<vmem>> -> memref<40x128xf32, #tpu.memory_space<vmem>>
        %dma_start3A_621 = arith.constant 960 : i32
        %dma_start3A_622 = arith.constant 0 : i32
        %dma_start3A_623 = tpu.memref_slice %arg2[%dma_start3A_621, %dma_start3A_622] : memref<1000x128xf32, #tpu.memory_space<hbm>> -> memref<40x128xf32, #tpu.memory_space<hbm>>
        %dma_start3A_624 = arith.constant 0 : i32
        %dma_start3A_625 = arith.constant 0 : i32
        %dma_start3A_626 = tpu.memref_slice %arg6[%run_scoped3A, %dma_start3A_624, %dma_start3A_625] : memref<10x64x128xf32, #tpu.memory_space<vmem>> -> memref<1x40x128xf32, #tpu.memory_space<vmem>>
        %dma_start3A_627 = tpu.memref_squeeze %dma_start3A_626 : memref<1x40x128xf32, #tpu.memory_space<vmem>> -> memref<40x128xf32, #tpu.memory_space<vmem>>
        %dma_start3A_628 = arith.constant 960 : i32
        %dma_start3A_629 = arith.constant 0 : i32
        %dma_start3A_630 = tpu.memref_slice %arg2[%dma_start3A_628, %dma_start3A_629] : memref<1000x128xf32, #tpu.memory_space<hbm>> -> memref<40x128xf32, #tpu.memory_space<hbm>>
        tpu.enqueue_dma source(%dma_start3A_630 : memref<40x128xf32, #tpu.memory_space<hbm>>) target(%dma_start3A_627 : memref<40x128xf32, #tpu.memory_space<vmem>>) target_semaphore(%run_scoped3A_616 : memref<!tpu.dma_semaphore, #tpu.memory_space<semaphore_mem>>)
        %dma_wait3A_631 = arith.constant 0 : i32
        %dma_wait3A_632 = arith.constant 0 : i32
        %dma_wait3A_633 = tpu.memref_slice %arg6[%run_scoped3A, %dma_wait3A_631, %dma_wait3A_632] : memref<10x64x128xf32, #tpu.memory_space<vmem>> -> memref<1x40x128xf32, #tpu.memory_space<vmem>>
        %dma_wait3A_634 = tpu.memref_squeeze %dma_wait3A_633 : memref<1x40x128xf32, #tpu.memory_space<vmem>> -> memref<40x128xf32, #tpu.memory_space<vmem>>
        %dma_wait3A_635 = arith.constant 960 : i32
        %dma_wait3A_636 = arith.constant 0 : i32
        %dma_wait3A_637 = tpu.memref_slice %arg2[%dma_wait3A_635, %dma_wait3A_636] : memref<1000x128xf32, #tpu.memory_space<hbm>> -> memref<40x128xf32, #tpu.memory_space<hbm>>
        %dma_wait3A_638 = arith.constant 0 : i32
        %dma_wait3A_639 = arith.constant 0 : i32
        %dma_wait3A_640 = tpu.memref_slice %arg6[%run_scoped3A, %dma_wait3A_638, %dma_wait3A_639] : memref<10x64x128xf32, #tpu.memory_space<vmem>> -> memref<1x40x128xf32, #tpu.memory_space<vmem>>
        %dma_wait3A_641 = tpu.memref_squeeze %dma_wait3A_640 : memref<1x40x128xf32, #tpu.memory_space<vmem>> -> memref<40x128xf32, #tpu.memory_space<vmem>>
        %dma_wait3A_642 = arith.constant 960 : i32
        %dma_wait3A_643 = arith.constant 0 : i32
        %dma_wait3A_644 = tpu.memref_slice %arg2[%dma_wait3A_642, %dma_wait3A_643] : memref<1000x128xf32, #tpu.memory_space<hbm>> -> memref<40x128xf32, #tpu.memory_space<hbm>>
        tpu.wait_dma2 semaphore(%run_scoped3A_616 : memref<!tpu.dma_semaphore, #tpu.memory_space<semaphore_mem>>) src(%dma_wait3A_644 : memref<40x128xf32, #tpu.memory_space<hbm>>) dst(%dma_wait3A_641 : memref<40x128xf32, #tpu.memory_space<vmem>>)
        tpu.yield
      }) : () -> ()
      %scan3A_608 = arith.constant 0 : i32
      %scan3A_609 = arith.constant 0 : i32
      %scan3A_610 = arith.constant 0 : i32
      %scan3A_611 = arith.constant 40 : i32
      %scan3A_612 = arith.addi %scan3A_610, %scan3A_611 : i32
      %scan3A_613 = arith.constant 1 : i32
      scf.for %scan3A_616 = %scan3A_610 to %scan3A_612 step %scan3A_613  : i32 {
        %get3A = arith.constant 0 : i32
        %get3A_617 = arith.constant 0 : i32
        %get3A_618 = tpu.memref_slice %arg6[%scan3A_609, %get3A, %get3A_617] : memref<10x64x128xf32, #tpu.memory_space<vmem>> -> memref<1x40x128xf32, #tpu.memory_space<vmem>>
        %get3A_619 = tpu.memref_squeeze %get3A_618 : memref<1x40x128xf32, #tpu.memory_space<vmem>> -> memref<40x128xf32, #tpu.memory_space<vmem>>
        %get3A_620 = arith.index_cast %scan3A_616 : i32 to index
        %get3A_621 = arith.constant 0 : index
        %get3A_622 = tpu.vector_load %get3A_619[%get3A_620, %get3A_621] {strides = array<i32>} : memref<40x128xf32, #tpu.memory_space<vmem>>, vector<1x16xf32>,
        %get3A_623 = vector.shape_cast %get3A_622 : vector<1x16xf32> to vector<16xf32>
        %mul3A_624 = arith.constant 11.3137083 : f32
        %mul3A_625 = vector.broadcast %mul3A_624 : f32 to vector<16xf32>
        %mul3A_626 = arith.mulf %get3A_623, %mul3A_625 : vector<16xf32>
        %swap3A = arith.constant 0 : i32
        %swap3A_627 = arith.constant 0 : i32
        %swap3A_628 = tpu.memref_slice %arg6[%scan3A_609, %swap3A, %swap3A_627] : memref<10x64x128xf32, #tpu.memory_space<vmem>> -> memref<1x40x128xf32, #tpu.memory_space<vmem>>
        %swap3A_629 = tpu.memref_squeeze %swap3A_628 : memref<1x40x128xf32, #tpu.memory_space<vmem>> -> memref<40x128xf32, #tpu.memory_space<vmem>>
        %swap3A_630 = arith.index_cast %scan3A_616 : i32 to index
        %swap3A_631 = arith.constant 0 : index
        %swap3A_632 = tpu.vector_load %swap3A_629[%swap3A_630, %swap3A_631] {strides = array<i32>} : memref<40x128xf32, #tpu.memory_space<vmem>>, vector<1x16xf32>,
        %swap3A_633 = vector.shape_cast %swap3A_632 : vector<1x16xf32> to vector<16xf32>
        %swap3A_634 = vector.shape_cast %mul3A_626 : vector<16xf32> to vector<1x16xf32>
        tpu.vector_store %swap3A_629[%swap3A_630, %swap3A_631], %swap3A_634 {strides = array<i32>} : memref<40x128xf32, #tpu.memory_space<vmem>>, vector<1x16xf32>,
        %get3A_635 = arith.constant 0 : i32
        %get3A_636 = arith.constant 0 : i32
        %get3A_637 = tpu.memref_slice %arg6[%scan3A_609, %get3A_635, %get3A_636] : memref<10x64x128xf32, #tpu.memory_space<vmem>> -> memref<1x40x128xf32, #tpu.memory_space<vmem>>
        %get3A_638 = tpu.memref_squeeze %get3A_637 : memref<1x40x128xf32, #tpu.memory_space<vmem>> -> memref<40x128xf32, #tpu.memory_space<vmem>>
        %get3A_639 = arith.index_cast %scan3A_616 : i32 to index
        %get3A_640 = arith.constant 16 : index
        %get3A_641 = tpu.vector_load %get3A_638[%get3A_639, %get3A_640] {strides = array<i32>} : memref<40x128xf32, #tpu.memory_space<vmem>>, vector<1x16xf32>,
        %get3A_642 = vector.shape_cast %get3A_641 : vector<1x16xf32> to vector<16xf32>
        %mul3A_643 = arith.constant 11.3137083 : f32
        %mul3A_644 = vector.broadcast %mul3A_643 : f32 to vector<16xf32>
        %mul3A_645 = arith.mulf %get3A_642, %mul3A_644 : vector<16xf32>
        %swap3A_646 = arith.constant 0 : i32
        %swap3A_647 = arith.constant 0 : i32
        %swap3A_648 = tpu.memref_slice %arg6[%scan3A_609, %swap3A_646, %swap3A_647] : memref<10x64x128xf32, #tpu.memory_space<vmem>> -> memref<1x40x128xf32, #tpu.memory_space<vmem>>
        %swap3A_649 = tpu.memref_squeeze %swap3A_648 : memref<1x40x128xf32, #tpu.memory_space<vmem>> -> memref<40x128xf32, #tpu.memory_space<vmem>>
        %swap3A_650 = arith.index_cast %scan3A_616 : i32 to index
        %swap3A_651 = arith.constant 16 : index
        %swap3A_652 = tpu.vector_load %swap3A_649[%swap3A_650, %swap3A_651] {strides = array<i32>} : memref<40x128xf32, #tpu.memory_space<vmem>>, vector<1x16xf32>,
        %swap3A_653 = vector.shape_cast %swap3A_652 : vector<1x16xf32> to vector<16xf32>
        %swap3A_654 = vector.shape_cast %mul3A_645 : vector<16xf32> to vector<1x16xf32>
        tpu.vector_store %swap3A_649[%swap3A_650, %swap3A_651], %swap3A_654 {strides = array<i32>} : memref<40x128xf32, #tpu.memory_space<vmem>>, vector<1x16xf32>,
        %get3A_655 = arith.constant 0 : i32
        %get3A_656 = arith.constant 0 : i32
        %get3A_657 = tpu.memref_slice %arg6[%scan3A_609, %get3A_655, %get3A_656] : memref<10x64x128xf32, #tpu.memory_space<vmem>> -> memref<1x40x128xf32, #tpu.memory_space<vmem>>
        %get3A_658 = tpu.memref_squeeze %get3A_657 : memref<1x40x128xf32, #tpu.memory_space<vmem>> -> memref<40x128xf32, #tpu.memory_space<vmem>>
        %get3A_659 = arith.index_cast %scan3A_616 : i32 to index
        %get3A_660 = arith.constant 32 : index
        %get3A_661 = tpu.vector_load %get3A_658[%get3A_659, %get3A_660] {strides = array<i32>} : memref<40x128xf32, #tpu.memory_space<vmem>>, vector<1x16xf32>,
        %get3A_662 = vector.shape_cast %get3A_661 : vector<1x16xf32> to vector<16xf32>
        %mul3A_663 = arith.constant 11.3137083 : f32
        %mul3A_664 = vector.broadcast %mul3A_663 : f32 to vector<16xf32>
        %mul3A_665 = arith.mulf %get3A_662, %mul3A_664 : vector<16xf32>
        %swap3A_666 = arith.constant 0 : i32
        %swap3A_667 = arith.constant 0 : i32
        %swap3A_668 = tpu.memref_slice %arg6[%scan3A_609, %swap3A_666, %swap3A_667] : memref<10x64x128xf32, #tpu.memory_space<vmem>> -> memref<1x40x128xf32, #tpu.memory_space<vmem>>
        %swap3A_669 = tpu.memref_squeeze %swap3A_668 : memref<1x40x128xf32, #tpu.memory_space<vmem>> -> memref<40x128xf32, #tpu.memory_space<vmem>>
        %swap3A_670 = arith.index_cast %scan3A_616 : i32 to index
        %swap3A_671 = arith.constant 32 : index
        %swap3A_672 = tpu.vector_load %swap3A_669[%swap3A_670, %swap3A_671] {strides = array<i32>} : memref<40x128xf32, #tpu.memory_space<vmem>>, vector<1x16xf32>,
        %swap3A_673 = vector.shape_cast %swap3A_672 : vector<1x16xf32> to vector<16xf32>
        %swap3A_674 = vector.shape_cast %mul3A_665 : vector<16xf32> to vector<1x16xf32>
        tpu.vector_store %swap3A_669[%swap3A_670, %swap3A_671], %swap3A_674 {strides = array<i32>} : memref<40x128xf32, #tpu.memory_space<vmem>>, vector<1x16xf32>,
        %get3A_675 = arith.constant 0 : i32
        %get3A_676 = arith.constant 0 : i32
        %get3A_677 = tpu.memref_slice %arg6[%scan3A_609, %get3A_675, %get3A_676] : memref<10x64x128xf32, #tpu.memory_space<vmem>> -> memref<1x40x128xf32, #tpu.memory_space<vmem>>
        %get3A_678 = tpu.memref_squeeze %get3A_677 : memref<1x40x128xf32, #tpu.memory_space<vmem>> -> memref<40x128xf32, #tpu.memory_space<vmem>>
        %get3A_679 = arith.index_cast %scan3A_616 : i32 to index
        %get3A_680 = arith.constant 48 : index
        %get3A_681 = tpu.vector_load %get3A_678[%get3A_679, %get3A_680] {strides = array<i32>} : memref<40x128xf32, #tpu.memory_space<vmem>>, vector<1x16xf32>,
        %get3A_682 = vector.shape_cast %get3A_681 : vector<1x16xf32> to vector<16xf32>
        %mul3A_683 = arith.constant 11.3137083 : f32
        %mul3A_684 = vector.broadcast %mul3A_683 : f32 to vector<16xf32>
        %mul3A_685 = arith.mulf %get3A_682, %mul3A_684 : vector<16xf32>
        %swap3A_686 = arith.constant 0 : i32
        %swap3A_687 = arith.constant 0 : i32
        %swap3A_688 = tpu.memref_slice %arg6[%scan3A_609, %swap3A_686, %swap3A_687] : memref<10x64x128xf32, #tpu.memory_space<vmem>> -> memref<1x40x128xf32, #tpu.memory_space<vmem>>
        %swap3A_689 = tpu.memref_squeeze %swap3A_688 : memref<1x40x128xf32, #tpu.memory_space<vmem>> -> memref<40x128xf32, #tpu.memory_space<vmem>>
        %swap3A_690 = arith.index_cast %scan3A_616 : i32 to index
        %swap3A_691 = arith.constant 48 : index
        %swap3A_692 = tpu.vector_load %swap3A_689[%swap3A_690, %swap3A_691] {strides = array<i32>} : memref<40x128xf32, #tpu.memory_space<vmem>>, vector<1x16xf32>,
        %swap3A_693 = vector.shape_cast %swap3A_692 : vector<1x16xf32> to vector<16xf32>
        %swap3A_694 = vector.shape_cast %mul3A_685 : vector<16xf32> to vector<1x16xf32>
        tpu.vector_store %swap3A_689[%swap3A_690, %swap3A_691], %swap3A_694 {strides = array<i32>} : memref<40x128xf32, #tpu.memory_space<vmem>>, vector<1x16xf32>,
        %get3A_695 = arith.constant 0 : i32
        %get3A_696 = arith.constant 0 : i32
        %get3A_697 = tpu.memref_slice %arg6[%scan3A_609, %get3A_695, %get3A_696] : memref<10x64x128xf32, #tpu.memory_space<vmem>> -> memref<1x40x128xf32, #tpu.memory_space<vmem>>
        %get3A_698 = tpu.memref_squeeze %get3A_697 : memref<1x40x128xf32, #tpu.memory_space<vmem>> -> memref<40x128xf32, #tpu.memory_space<vmem>>
        %get3A_699 = arith.index_cast %scan3A_616 : i32 to index
        %get3A_700 = arith.constant 64 : index
        %get3A_701 = tpu.vector_load %get3A_698[%get3A_699, %get3A_700] {strides = array<i32>} : memref<40x128xf32, #tpu.memory_space<vmem>>, vector<1x16xf32>,
        %get3A_702 = vector.shape_cast %get3A_701 : vector<1x16xf32> to vector<16xf32>
        %mul3A_703 = arith.constant 11.3137083 : f32
        %mul3A_704 = vector.broadcast %mul3A_703 : f32 to vector<16xf32>
        %mul3A_705 = arith.mulf %get3A_702, %mul3A_704 : vector<16xf32>
        %swap3A_706 = arith.constant 0 : i32
        %swap3A_707 = arith.constant 0 : i32
        %swap3A_708 = tpu.memref_slice %arg6[%scan3A_609, %swap3A_706, %swap3A_707] : memref<10x64x128xf32, #tpu.memory_space<vmem>> -> memref<1x40x128xf32, #tpu.memory_space<vmem>>
        %swap3A_709 = tpu.memref_squeeze %swap3A_708 : memref<1x40x128xf32, #tpu.memory_space<vmem>> -> memref<40x128xf32, #tpu.memory_space<vmem>>
        %swap3A_710 = arith.index_cast %scan3A_616 : i32 to index
        %swap3A_711 = arith.constant 64 : index
        %swap3A_712 = tpu.vector_load %swap3A_709[%swap3A_710, %swap3A_711] {strides = array<i32>} : memref<40x128xf32, #tpu.memory_space<vmem>>, vector<1x16xf32>,
        %swap3A_713 = vector.shape_cast %swap3A_712 : vector<1x16xf32> to vector<16xf32>
        %swap3A_714 = vector.shape_cast %mul3A_705 : vector<16xf32> to vector<1x16xf32>
        tpu.vector_store %swap3A_709[%swap3A_710, %swap3A_711], %swap3A_714 {strides = array<i32>} : memref<40x128xf32, #tpu.memory_space<vmem>>, vector<1x16xf32>,
        %get3A_715 = arith.constant 0 : i32
        %get3A_716 = arith.constant 0 : i32
        %get3A_717 = tpu.memref_slice %arg6[%scan3A_609, %get3A_715, %get3A_716] : memref<10x64x128xf32, #tpu.memory_space<vmem>> -> memref<1x40x128xf32, #tpu.memory_space<vmem>>
        %get3A_718 = tpu.memref_squeeze %get3A_717 : memref<1x40x128xf32, #tpu.memory_space<vmem>> -> memref<40x128xf32, #tpu.memory_space<vmem>>
        %get3A_719 = arith.index_cast %scan3A_616 : i32 to index
        %get3A_720 = arith.constant 80 : index
        %get3A_721 = tpu.vector_load %get3A_718[%get3A_719, %get3A_720] {strides = array<i32>} : memref<40x128xf32, #tpu.memory_space<vmem>>, vector<1x16xf32>,
        %get3A_722 = vector.shape_cast %get3A_721 : vector<1x16xf32> to vector<16xf32>
        %mul3A_723 = arith.constant 11.3137083 : f32
        %mul3A_724 = vector.broadcast %mul3A_723 : f32 to vector<16xf32>
        %mul3A_725 = arith.mulf %get3A_722, %mul3A_724 : vector<16xf32>
        %swap3A_726 = arith.constant 0 : i32
        %swap3A_727 = arith.constant 0 : i32
        %swap3A_728 = tpu.memref_slice %arg6[%scan3A_609, %swap3A_726, %swap3A_727] : memref<10x64x128xf32, #tpu.memory_space<vmem>> -> memref<1x40x128xf32, #tpu.memory_space<vmem>>
        %swap3A_729 = tpu.memref_squeeze %swap3A_728 : memref<1x40x128xf32, #tpu.memory_space<vmem>> -> memref<40x128xf32, #tpu.memory_space<vmem>>
        %swap3A_730 = arith.index_cast %scan3A_616 : i32 to index
        %swap3A_731 = arith.constant 80 : index
        %swap3A_732 = tpu.vector_load %swap3A_729[%swap3A_730, %swap3A_731] {strides = array<i32>} : memref<40x128xf32, #tpu.memory_space<vmem>>, vector<1x16xf32>,
        %swap3A_733 = vector.shape_cast %swap3A_732 : vector<1x16xf32> to vector<16xf32>
        %swap3A_734 = vector.shape_cast %mul3A_725 : vector<16xf32> to vector<1x16xf32>
        tpu.vector_store %swap3A_729[%swap3A_730, %swap3A_731], %swap3A_734 {strides = array<i32>} : memref<40x128xf32, #tpu.memory_space<vmem>>, vector<1x16xf32>,
        %get3A_735 = arith.constant 0 : i32
        %get3A_736 = arith.constant 0 : i32
        %get3A_737 = tpu.memref_slice %arg6[%scan3A_609, %get3A_735, %get3A_736] : memref<10x64x128xf32, #tpu.memory_space<vmem>> -> memref<1x40x128xf32, #tpu.memory_space<vmem>>
        %get3A_738 = tpu.memref_squeeze %get3A_737 : memref<1x40x128xf32, #tpu.memory_space<vmem>> -> memref<40x128xf32, #tpu.memory_space<vmem>>
        %get3A_739 = arith.index_cast %scan3A_616 : i32 to index
        %get3A_740 = arith.constant 96 : index
        %get3A_741 = tpu.vector_load %get3A_738[%get3A_739, %get3A_740] {strides = array<i32>} : memref<40x128xf32, #tpu.memory_space<vmem>>, vector<1x16xf32>,
        %get3A_742 = vector.shape_cast %get3A_741 : vector<1x16xf32> to vector<16xf32>
        %mul3A_743 = arith.constant 11.3137083 : f32
        %mul3A_744 = vector.broadcast %mul3A_743 : f32 to vector<16xf32>
        %mul3A_745 = arith.mulf %get3A_742, %mul3A_744 : vector<16xf32>
        %swap3A_746 = arith.constant 0 : i32
        %swap3A_747 = arith.constant 0 : i32
        %swap3A_748 = tpu.memref_slice %arg6[%scan3A_609, %swap3A_746, %swap3A_747] : memref<10x64x128xf32, #tpu.memory_space<vmem>> -> memref<1x40x128xf32, #tpu.memory_space<vmem>>
        %swap3A_749 = tpu.memref_squeeze %swap3A_748 : memref<1x40x128xf32, #tpu.memory_space<vmem>> -> memref<40x128xf32, #tpu.memory_space<vmem>>
        %swap3A_750 = arith.index_cast %scan3A_616 : i32 to index
        %swap3A_751 = arith.constant 96 : index
        %swap3A_752 = tpu.vector_load %swap3A_749[%swap3A_750, %swap3A_751] {strides = array<i32>} : memref<40x128xf32, #tpu.memory_space<vmem>>, vector<1x16xf32>,
        %swap3A_753 = vector.shape_cast %swap3A_752 : vector<1x16xf32> to vector<16xf32>
        %swap3A_754 = vector.shape_cast %mul3A_745 : vector<16xf32> to vector<1x16xf32>
        tpu.vector_store %swap3A_749[%swap3A_750, %swap3A_751], %swap3A_754 {strides = array<i32>} : memref<40x128xf32, #tpu.memory_space<vmem>>, vector<1x16xf32>,
        %get3A_755 = arith.constant 0 : i32
        %get3A_756 = arith.constant 0 : i32
        %get3A_757 = tpu.memref_slice %arg6[%scan3A_609, %get3A_755, %get3A_756] : memref<10x64x128xf32, #tpu.memory_space<vmem>> -> memref<1x40x128xf32, #tpu.memory_space<vmem>>
        %get3A_758 = tpu.memref_squeeze %get3A_757 : memref<1x40x128xf32, #tpu.memory_space<vmem>> -> memref<40x128xf32, #tpu.memory_space<vmem>>
        %get3A_759 = arith.index_cast %scan3A_616 : i32 to index
        %get3A_760 = arith.constant 112 : index
        %get3A_761 = tpu.vector_load %get3A_758[%get3A_759, %get3A_760] {strides = array<i32>} : memref<40x128xf32, #tpu.memory_space<vmem>>, vector<1x16xf32>,
        %get3A_762 = vector.shape_cast %get3A_761 : vector<1x16xf32> to vector<16xf32>
        %mul3A_763 = arith.constant 11.3137083 : f32
        %mul3A_764 = vector.broadcast %mul3A_763 : f32 to vector<16xf32>
        %mul3A_765 = arith.mulf %get3A_762, %mul3A_764 : vector<16xf32>
        %swap3A_766 = arith.constant 0 : i32
        %swap3A_767 = arith.constant 0 : i32
        %swap3A_768 = tpu.memref_slice %arg6[%scan3A_609, %swap3A_766, %swap3A_767] : memref<10x64x128xf32, #tpu.memory_space<vmem>> -> memref<1x40x128xf32, #tpu.memory_space<vmem>>
        %swap3A_769 = tpu.memref_squeeze %swap3A_768 : memref<1x40x128xf32, #tpu.memory_space<vmem>> -> memref<40x128xf32, #tpu.memory_space<vmem>>
        %swap3A_770 = arith.index_cast %scan3A_616 : i32 to index
        %swap3A_771 = arith.constant 112 : index
        %swap3A_772 = tpu.vector_load %swap3A_769[%swap3A_770, %swap3A_771] {strides = array<i32>} : memref<40x128xf32, #tpu.memory_space<vmem>>, vector<1x16xf32>,
        %swap3A_773 = vector.shape_cast %swap3A_772 : vector<1x16xf32> to vector<16xf32>
        %swap3A_774 = vector.shape_cast %mul3A_765 : vector<16xf32> to vector<1x16xf32>
        tpu.vector_store %swap3A_769[%swap3A_770, %swap3A_771], %swap3A_774 {strides = array<i32>} : memref<40x128xf32, #tpu.memory_space<vmem>>, vector<1x16xf32>,
      }
      %scan3A_614 = arith.constant 40 : i32
      %run_scoped3A_615 = arith.constant 0 : i32
      "tpu.region"() ({
        %run_scoped3A_616 = tpu.sem_alloc : memref<!tpu.dma_semaphore, #tpu.memory_space<semaphore_mem>>
        %dma_start3A_617 = arith.constant 0 : i32
        %dma_start3A_618 = arith.constant 0 : i32
        %dma_start3A_619 = tpu.memref_slice %arg6[%run_scoped3A_615, %dma_start3A_617, %dma_start3A_618] : memref<10x64x128xf32, #tpu.memory_space<vmem>> -> memref<1x40x128xf32, #tpu.memory_space<vmem>>
        %dma_start3A_620 = tpu.memref_squeeze %dma_start3A_619 : memref<1x40x128xf32, #tpu.memory_space<vmem>> -> memref<40x128xf32, #tpu.memory_space<vmem>>
        %dma_start3A_621 = arith.constant 960 : i32
        %dma_start3A_622 = arith.constant 0 : i32
        %dma_start3A_623 = tpu.memref_slice %arg7[%dma_start3A_621, %dma_start3A_622] : memref<1000x128xf32, #tpu.memory_space<vmem_shared>> -> memref<40x128xf32, #tpu.memory_space<vmem_shared>>
        %dma_start3A_624 = arith.constant 960 : i32
        %dma_start3A_625 = arith.constant 0 : i32
        %dma_start3A_626 = tpu.memref_slice %arg7[%dma_start3A_624, %dma_start3A_625] : memref<1000x128xf32, #tpu.memory_space<vmem_shared>> -> memref<40x128xf32, #tpu.memory_space<vmem_shared>>
        %dma_start3A_627 = arith.constant 0 : i32
        %dma_start3A_628 = arith.constant 0 : i32
        %dma_start3A_629 = tpu.memref_slice %arg6[%run_scoped3A_615, %dma_start3A_627, %dma_start3A_628] : memref<10x64x128xf32, #tpu.memory_space<vmem>> -> memref<1x40x128xf32, #tpu.memory_space<vmem>>
        %dma_start3A_630 = tpu.memref_squeeze %dma_start3A_629 : memref<1x40x128xf32, #tpu.memory_space<vmem>> -> memref<40x128xf32, #tpu.memory_space<vmem>>
        tpu.enqueue_dma source(%dma_start3A_630 : memref<40x128xf32, #tpu.memory_space<vmem>>) target(%dma_start3A_626 : memref<40x128xf32, #tpu.memory_space<vmem_shared>>) target_semaphore(%run_scoped3A_616 : memref<!tpu.dma_semaphore, #tpu.memory_space<semaphore_mem>>)
        %dma_wait3A_631 = arith.constant 0 : i32
        %dma_wait3A_632 = arith.constant 0 : i32
        %dma_wait3A_633 = tpu.memref_slice %arg6[%run_scoped3A_615, %dma_wait3A_631, %dma_wait3A_632] : memref<10x64x128xf32, #tpu.memory_space<vmem>> -> memref<1x40x128xf32, #tpu.memory_space<vmem>>
        %dma_wait3A_634 = tpu.memref_squeeze %dma_wait3A_633 : memref<1x40x128xf32, #tpu.memory_space<vmem>> -> memref<40x128xf32, #tpu.memory_space<vmem>>
        %dma_wait3A_635 = arith.constant 960 : i32
        %dma_wait3A_636 = arith.constant 0 : i32
        %dma_wait3A_637 = tpu.memref_slice %arg7[%dma_wait3A_635, %dma_wait3A_636] : memref<1000x128xf32, #tpu.memory_space<vmem_shared>> -> memref<40x128xf32, #tpu.memory_space<vmem_shared>>
        %dma_wait3A_638 = arith.constant 960 : i32
        %dma_wait3A_639 = arith.constant 0 : i32
        %dma_wait3A_640 = tpu.memref_slice %arg7[%dma_wait3A_638, %dma_wait3A_639] : memref<1000x128xf32, #tpu.memory_space<vmem_shared>> -> memref<40x128xf32, #tpu.memory_space<vmem_shared>>
        %dma_wait3A_641 = arith.constant 0 : i32
        %dma_wait3A_642 = arith.constant 0 : i32
        %dma_wait3A_643 = tpu.memref_slice %arg6[%run_scoped3A_615, %dma_wait3A_641, %dma_wait3A_642] : memref<10x64x128xf32, #tpu.memory_space<vmem>> -> memref<1x40x128xf32, #tpu.memory_space<vmem>>
        %dma_wait3A_644 = tpu.memref_squeeze %dma_wait3A_643 : memref<1x40x128xf32, #tpu.memory_space<vmem>> -> memref<40x128xf32, #tpu.memory_space<vmem>>
        tpu.wait_dma2 semaphore(%run_scoped3A_616 : memref<!tpu.dma_semaphore, #tpu.memory_space<semaphore_mem>>) src(%dma_wait3A_644 : memref<40x128xf32, #tpu.memory_space<vmem>>) dst(%dma_wait3A_640 : memref<40x128xf32, #tpu.memory_space<vmem_shared>>)
        tpu.yield
      }) : () -> ()
    } else {
    }
    %dma_wait3A = arith.constant 0 : i32
    %dma_wait3A_16 = arith.constant 0 : i32
    %dma_wait3A_17 = tpu.memref_slice %arg3[%add3A, %dma_wait3A, %dma_wait3A_16] : memref<32x50x128xi32, #tpu.memory_space<hbm>> -> memref<1x50x128xi32, #tpu.memory_space<hbm>>
    %dma_wait3A_18 = tpu.memref_squeeze %dma_wait3A_17 : memref<1x50x128xi32, #tpu.memory_space<hbm>> -> memref<50x128xi32, #tpu.memory_space<hbm>>
    %dma_wait3A_19 = arith.constant 0 : i32
    %dma_wait3A_20 = arith.constant 0 : i32
    %dma_wait3A_21 = tpu.memref_slice %arg3[%add3A, %dma_wait3A_19, %dma_wait3A_20] : memref<32x50x128xi32, #tpu.memory_space<hbm>> -> memref<1x50x128xi32, #tpu.memory_space<hbm>>
    %dma_wait3A_22 = tpu.memref_squeeze %dma_wait3A_21 : memref<1x50x128xi32, #tpu.memory_space<hbm>> -> memref<50x128xi32, #tpu.memory_space<hbm>>
    tpu.wait_dma2 semaphore(%arg8 : memref<!tpu.dma_semaphore, #tpu.memory_space<semaphore_mem>>) src(%dma_wait3A_22 : memref<50x128xi32, #tpu.memory_space<hbm>>) dst(%arg5 : memref<50x128xi32, #tpu.memory_space<vmem>>)
    %barrier3A = arith.constant 0 : index
    tpu.barrier barrier_id(%barrier3A)
    %dma_start3A_23 = arith.constant 0 : i32
    %dma_start3A_24 = arith.constant 0 : i32
    %dma_start3A_25 = arith.constant 0 : i32
    %dma_start3A_26 = arith.constant 0 : i32
    %dma_start3A_27 = tpu.memref_slice %arg6[%dma_start3A_24, %dma_start3A_25, %dma_start3A_26] : memref<10x64x128xf32, #tpu.memory_space<vmem>> -> memref<1x64x128xf32, #tpu.memory_space<vmem>>
    %dma_start3A_28 = tpu.memref_squeeze %dma_start3A_27 : memref<1x64x128xf32, #tpu.memory_space<vmem>> -> memref<64x128xf32, #tpu.memory_space<vmem>>
    %dma_start3A_29 = arith.constant 0 : i32
    %dma_start3A_30 = tpu.memref_slice %arg5[%dma_start3A_23, %dma_start3A_29] : memref<50x128xi32, #tpu.memory_space<vmem>> -> memref<1x64xi32, #tpu.memory_space<vmem>>
    %dma_start3A_31 = tpu.memref_squeeze %dma_start3A_30 : memref<1x64xi32, #tpu.memory_space<vmem>> -> memref<64xi32, #tpu.memory_space<vmem>>
    %dma_start3A_32 = arith.constant 0 : i32
    %dma_start3A_33 = arith.constant 0 : i32
    %dma_start3A_34 = tpu.memref_slice %arg7[%dma_start3A_32, %dma_start3A_33] : memref<1000x128xf32, #tpu.memory_space<vmem_shared>> -> memref<1000x128xf32, #tpu.memory_space<vmem_shared>>
    tpu.enqueue_indirect_dma source(%dma_start3A_34 : memref<1000x128xf32, #tpu.memory_space<vmem_shared>>) target(%dma_start3A_28 : memref<64x128xf32, #tpu.memory_space<vmem>>) offsets(%dma_start3A_31 : memref<64xi32, #tpu.memory_space<vmem>>) semaphore(%arg9 : memref<!tpu.dma_semaphore, #tpu.memory_space<semaphore_mem>>)
    %dma_start3A_35 = arith.constant 0 : i32
    %dma_start3A_36 = arith.constant 1 : i32
    %dma_start3A_37 = arith.constant 0 : i32
    %dma_start3A_38 = arith.constant 0 : i32
    %dma_start3A_39 = tpu.memref_slice %arg6[%dma_start3A_36, %dma_start3A_37, %dma_start3A_38] : memref<10x64x128xf32, #tpu.memory_space<vmem>> -> memref<1x64x128xf32, #tpu.memory_space<vmem>>
    %dma_start3A_40 = tpu.memref_squeeze %dma_start3A_39 : memref<1x64x128xf32, #tpu.memory_space<vmem>> -> memref<64x128xf32, #tpu.memory_space<vmem>>
    %dma_start3A_41 = arith.constant 64 : i32
    %dma_start3A_42 = tpu.memref_slice %arg5[%dma_start3A_35, %dma_start3A_41] : memref<50x128xi32, #tpu.memory_space<vmem>> -> memref<1x64xi32, #tpu.memory_space<vmem>>
    %dma_start3A_43 = tpu.memref_squeeze %dma_start3A_42 : memref<1x64xi32, #tpu.memory_space<vmem>> -> memref<64xi32, #tpu.memory_space<vmem>>
    %dma_start3A_44 = arith.constant 0 : i32
    %dma_start3A_45 = arith.constant 0 : i32
    %dma_start3A_46 = tpu.memref_slice %arg7[%dma_start3A_44, %dma_start3A_45] : memref<1000x128xf32, #tpu.memory_space<vmem_shared>> -> memref<1000x128xf32, #tpu.memory_space<vmem_shared>>
    tpu.enqueue_indirect_dma source(%dma_start3A_46 : memref<1000x128xf32, #tpu.memory_space<vmem_shared>>) target(%dma_start3A_40 : memref<64x128xf32, #tpu.memory_space<vmem>>) offsets(%dma_start3A_43 : memref<64xi32, #tpu.memory_space<vmem>>) semaphore(%arg10 : memref<!tpu.dma_semaphore, #tpu.memory_space<semaphore_mem>>)
    %dma_start3A_47 = arith.constant 1 : i32
    %dma_start3A_48 = arith.constant 2 : i32
    %dma_start3A_49 = arith.constant 0 : i32
    %dma_start3A_50 = arith.constant 0 : i32
    %dma_start3A_51 = tpu.memref_slice %arg6[%dma_start3A_48, %dma_start3A_49, %dma_start3A_50] : memref<10x64x128xf32, #tpu.memory_space<vmem>> -> memref<1x64x128xf32, #tpu.memory_space<vmem>>
    %dma_start3A_52 = tpu.memref_squeeze %dma_start3A_51 : memref<1x64x128xf32, #tpu.memory_space<vmem>> -> memref<64x128xf32, #tpu.memory_space<vmem>>
    %dma_start3A_53 = arith.constant 0 : i32
    %dma_start3A_54 = tpu.memref_slice %arg5[%dma_start3A_47, %dma_start3A_53] : memref<50x128xi32, #tpu.memory_space<vmem>> -> memref<1x64xi32, #tpu.memory_space<vmem>>
    %dma_start3A_55 = tpu.memref_squeeze %dma_start3A_54 : memref<1x64xi32, #tpu.memory_space<vmem>> -> memref<64xi32, #tpu.memory_space<vmem>>
    %dma_start3A_56 = arith.constant 0 : i32
    %dma_start3A_57 = arith.constant 0 : i32
    %dma_start3A_58 = tpu.memref_slice %arg7[%dma_start3A_56, %dma_start3A_57] : memref<1000x128xf32, #tpu.memory_space<vmem_shared>> -> memref<1000x128xf32, #tpu.memory_space<vmem_shared>>
    tpu.enqueue_indirect_dma source(%dma_start3A_58 : memref<1000x128xf32, #tpu.memory_space<vmem_shared>>) target(%dma_start3A_52 : memref<64x128xf32, #tpu.memory_space<vmem>>) offsets(%dma_start3A_55 : memref<64xi32, #tpu.memory_space<vmem>>) semaphore(%arg11 : memref<!tpu.dma_semaphore, #tpu.memory_space<semaphore_mem>>)
    %dma_start3A_59 = arith.constant 1 : i32
    %dma_start3A_60 = arith.constant 3 : i32
    %dma_start3A_61 = arith.constant 0 : i32
    %dma_start3A_62 = arith.constant 0 : i32
    %dma_start3A_63 = tpu.memref_slice %arg6[%dma_start3A_60, %dma_start3A_61, %dma_start3A_62] : memref<10x64x128xf32, #tpu.memory_space<vmem>> -> memref<1x64x128xf32, #tpu.memory_space<vmem>>
    %dma_start3A_64 = tpu.memref_squeeze %dma_start3A_63 : memref<1x64x128xf32, #tpu.memory_space<vmem>> -> memref<64x128xf32, #tpu.memory_space<vmem>>
    %dma_start3A_65 = arith.constant 64 : i32
    %dma_start3A_66 = tpu.memref_slice %arg5[%dma_start3A_59, %dma_start3A_65] : memref<50x128xi32, #tpu.memory_space<vmem>> -> memref<1x64xi32, #tpu.memory_space<vmem>>
    %dma_start3A_67 = tpu.memref_squeeze %dma_start3A_66 : memref<1x64xi32, #tpu.memory_space<vmem>> -> memref<64xi32, #tpu.memory_space<vmem>>
    %dma_start3A_68 = arith.constant 0 : i32
    %dma_start3A_69 = arith.constant 0 : i32
    %dma_start3A_70 = tpu.memref_slice %arg7[%dma_start3A_68, %dma_start3A_69] : memref<1000x128xf32, #tpu.memory_space<vmem_shared>> -> memref<1000x128xf32, #tpu.memory_space<vmem_shared>>
    tpu.enqueue_indirect_dma source(%dma_start3A_70 : memref<1000x128xf32, #tpu.memory_space<vmem_shared>>) target(%dma_start3A_64 : memref<64x128xf32, #tpu.memory_space<vmem>>) offsets(%dma_start3A_67 : memref<64xi32, #tpu.memory_space<vmem>>) semaphore(%arg12 : memref<!tpu.dma_semaphore, #tpu.memory_space<semaphore_mem>>)
    %dma_start3A_71 = arith.constant 2 : i32
    %dma_start3A_72 = arith.constant 4 : i32
    %dma_start3A_73 = arith.constant 0 : i32
    %dma_start3A_74 = arith.constant 0 : i32
    %dma_start3A_75 = tpu.memref_slice %arg6[%dma_start3A_72, %dma_start3A_73, %dma_start3A_74] : memref<10x64x128xf32, #tpu.memory_space<vmem>> -> memref<1x64x128xf32, #tpu.memory_space<vmem>>
    %dma_start3A_76 = tpu.memref_squeeze %dma_start3A_75 : memref<1x64x128xf32, #tpu.memory_space<vmem>> -> memref<64x128xf32, #tpu.memory_space<vmem>>
    %dma_start3A_77 = arith.constant 0 : i32
    %dma_start3A_78 = tpu.memref_slice %arg5[%dma_start3A_71, %dma_start3A_77] : memref<50x128xi32, #tpu.memory_space<vmem>> -> memref<1x64xi32, #tpu.memory_space<vmem>>
    %dma_start3A_79 = tpu.memref_squeeze %dma_start3A_78 : memref<1x64xi32, #tpu.memory_space<vmem>> -> memref<64xi32, #tpu.memory_space<vmem>>
    %dma_start3A_80 = arith.constant 0 : i32
    %dma_start3A_81 = arith.constant 0 : i32
    %dma_start3A_82 = tpu.memref_slice %arg7[%dma_start3A_80, %dma_start3A_81] : memref<1000x128xf32, #tpu.memory_space<vmem_shared>> -> memref<1000x128xf32, #tpu.memory_space<vmem_shared>>
    tpu.enqueue_indirect_dma source(%dma_start3A_82 : memref<1000x128xf32, #tpu.memory_space<vmem_shared>>) target(%dma_start3A_76 : memref<64x128xf32, #tpu.memory_space<vmem>>) offsets(%dma_start3A_79 : memref<64xi32, #tpu.memory_space<vmem>>) semaphore(%arg13 : memref<!tpu.dma_semaphore, #tpu.memory_space<semaphore_mem>>)
    %dma_start3A_83 = arith.constant 2 : i32
    %dma_start3A_84 = arith.constant 5 : i32
    %dma_start3A_85 = arith.constant 0 : i32
    %dma_start3A_86 = arith.constant 0 : i32
    %dma_start3A_87 = tpu.memref_slice %arg6[%dma_start3A_84, %dma_start3A_85, %dma_start3A_86] : memref<10x64x128xf32, #tpu.memory_space<vmem>> -> memref<1x64x128xf32, #tpu.memory_space<vmem>>
    %dma_start3A_88 = tpu.memref_squeeze %dma_start3A_87 : memref<1x64x128xf32, #tpu.memory_space<vmem>> -> memref<64x128xf32, #tpu.memory_space<vmem>>
    %dma_start3A_89 = arith.constant 64 : i32
    %dma_start3A_90 = tpu.memref_slice %arg5[%dma_start3A_83, %dma_start3A_89] : memref<50x128xi32, #tpu.memory_space<vmem>> -> memref<1x64xi32, #tpu.memory_space<vmem>>
    %dma_start3A_91 = tpu.memref_squeeze %dma_start3A_90 : memref<1x64xi32, #tpu.memory_space<vmem>> -> memref<64xi32, #tpu.memory_space<vmem>>
    %dma_start3A_92 = arith.constant 0 : i32
    %dma_start3A_93 = arith.constant 0 : i32
    %dma_start3A_94 = tpu.memref_slice %arg7[%dma_start3A_92, %dma_start3A_93] : memref<1000x128xf32, #tpu.memory_space<vmem_shared>> -> memref<1000x128xf32, #tpu.memory_space<vmem_shared>>
    tpu.enqueue_indirect_dma source(%dma_start3A_94 : memref<1000x128xf32, #tpu.memory_space<vmem_shared>>) target(%dma_start3A_88 : memref<64x128xf32, #tpu.memory_space<vmem>>) offsets(%dma_start3A_91 : memref<64xi32, #tpu.memory_space<vmem>>) semaphore(%arg14 : memref<!tpu.dma_semaphore, #tpu.memory_space<semaphore_mem>>)
    %dma_start3A_95 = arith.constant 3 : i32
    %dma_start3A_96 = arith.constant 6 : i32
    %dma_start3A_97 = arith.constant 0 : i32
    %dma_start3A_98 = arith.constant 0 : i32
    %dma_start3A_99 = tpu.memref_slice %arg6[%dma_start3A_96, %dma_start3A_97, %dma_start3A_98] : memref<10x64x128xf32, #tpu.memory_space<vmem>> -> memref<1x64x128xf32, #tpu.memory_space<vmem>>
    %dma_start3A_100 = tpu.memref_squeeze %dma_start3A_99 : memref<1x64x128xf32, #tpu.memory_space<vmem>> -> memref<64x128xf32, #tpu.memory_space<vmem>>
    %dma_start3A_101 = arith.constant 0 : i32
    %dma_start3A_102 = tpu.memref_slice %arg5[%dma_start3A_95, %dma_start3A_101] : memref<50x128xi32, #tpu.memory_space<vmem>> -> memref<1x64xi32, #tpu.memory_space<vmem>>
    %dma_start3A_103 = tpu.memref_squeeze %dma_start3A_102 : memref<1x64xi32, #tpu.memory_space<vmem>> -> memref<64xi32, #tpu.memory_space<vmem>>
    %dma_start3A_104 = arith.constant 0 : i32
    %dma_start3A_105 = arith.constant 0 : i32
    %dma_start3A_106 = tpu.memref_slice %arg7[%dma_start3A_104, %dma_start3A_105] : memref<1000x128xf32, #tpu.memory_space<vmem_shared>> -> memref<1000x128xf32, #tpu.memory_space<vmem_shared>>
    tpu.enqueue_indirect_dma source(%dma_start3A_106 : memref<1000x128xf32, #tpu.memory_space<vmem_shared>>) target(%dma_start3A_100 : memref<64x128xf32, #tpu.memory_space<vmem>>) offsets(%dma_start3A_103 : memref<64xi32, #tpu.memory_space<vmem>>) semaphore(%arg15 : memref<!tpu.dma_semaphore, #tpu.memory_space<semaphore_mem>>)
    %dma_start3A_107 = arith.constant 3 : i32
    %dma_start3A_108 = arith.constant 7 : i32
    %dma_start3A_109 = arith.constant 0 : i32
    %dma_start3A_110 = arith.constant 0 : i32
    %dma_start3A_111 = tpu.memref_slice %arg6[%dma_start3A_108, %dma_start3A_109, %dma_start3A_110] : memref<10x64x128xf32, #tpu.memory_space<vmem>> -> memref<1x64x128xf32, #tpu.memory_space<vmem>>
    %dma_start3A_112 = tpu.memref_squeeze %dma_start3A_111 : memref<1x64x128xf32, #tpu.memory_space<vmem>> -> memref<64x128xf32, #tpu.memory_space<vmem>>
    %dma_start3A_113 = arith.constant 64 : i32
    %dma_start3A_114 = tpu.memref_slice %arg5[%dma_start3A_107, %dma_start3A_113] : memref<50x128xi32, #tpu.memory_space<vmem>> -> memref<1x64xi32, #tpu.memory_space<vmem>>
    %dma_start3A_115 = tpu.memref_squeeze %dma_start3A_114 : memref<1x64xi32, #tpu.memory_space<vmem>> -> memref<64xi32, #tpu.memory_space<vmem>>
    %dma_start3A_116 = arith.constant 0 : i32
    %dma_start3A_117 = arith.constant 0 : i32
    %dma_start3A_118 = tpu.memref_slice %arg7[%dma_start3A_116, %dma_start3A_117] : memref<1000x128xf32, #tpu.memory_space<vmem_shared>> -> memref<1000x128xf32, #tpu.memory_space<vmem_shared>>
    tpu.enqueue_indirect_dma source(%dma_start3A_118 : memref<1000x128xf32, #tpu.memory_space<vmem_shared>>) target(%dma_start3A_112 : memref<64x128xf32, #tpu.memory_space<vmem>>) offsets(%dma_start3A_115 : memref<64xi32, #tpu.memory_space<vmem>>) semaphore(%arg16 : memref<!tpu.dma_semaphore, #tpu.memory_space<semaphore_mem>>)
    %dma_start3A_119 = arith.constant 4 : i32
    %dma_start3A_120 = arith.constant 8 : i32
    %dma_start3A_121 = arith.constant 0 : i32
    %dma_start3A_122 = arith.constant 0 : i32
    %dma_start3A_123 = tpu.memref_slice %arg6[%dma_start3A_120, %dma_start3A_121, %dma_start3A_122] : memref<10x64x128xf32, #tpu.memory_space<vmem>> -> memref<1x64x128xf32, #tpu.memory_space<vmem>>
    %dma_start3A_124 = tpu.memref_squeeze %dma_start3A_123 : memref<1x64x128xf32, #tpu.memory_space<vmem>> -> memref<64x128xf32, #tpu.memory_space<vmem>>
    %dma_start3A_125 = arith.constant 0 : i32
    %dma_start3A_126 = tpu.memref_slice %arg5[%dma_start3A_119, %dma_start3A_125] : memref<50x128xi32, #tpu.memory_space<vmem>> -> memref<1x64xi32, #tpu.memory_space<vmem>>
    %dma_start3A_127 = tpu.memref_squeeze %dma_start3A_126 : memref<1x64xi32, #tpu.memory_space<vmem>> -> memref<64xi32, #tpu.memory_space<vmem>>
    %dma_start3A_128 = arith.constant 0 : i32
    %dma_start3A_129 = arith.constant 0 : i32
    %dma_start3A_130 = tpu.memref_slice %arg7[%dma_start3A_128, %dma_start3A_129] : memref<1000x128xf32, #tpu.memory_space<vmem_shared>> -> memref<1000x128xf32, #tpu.memory_space<vmem_shared>>
    tpu.enqueue_indirect_dma source(%dma_start3A_130 : memref<1000x128xf32, #tpu.memory_space<vmem_shared>>) target(%dma_start3A_124 : memref<64x128xf32, #tpu.memory_space<vmem>>) offsets(%dma_start3A_127 : memref<64xi32, #tpu.memory_space<vmem>>) semaphore(%arg17 : memref<!tpu.dma_semaphore, #tpu.memory_space<semaphore_mem>>)
    %dma_start3A_131 = arith.constant 4 : i32
    %dma_start3A_132 = arith.constant 9 : i32
    %dma_start3A_133 = arith.constant 0 : i32
    %dma_start3A_134 = arith.constant 0 : i32
    %dma_start3A_135 = tpu.memref_slice %arg6[%dma_start3A_132, %dma_start3A_133, %dma_start3A_134] : memref<10x64x128xf32, #tpu.memory_space<vmem>> -> memref<1x64x128xf32, #tpu.memory_space<vmem>>
    %dma_start3A_136 = tpu.memref_squeeze %dma_start3A_135 : memref<1x64x128xf32, #tpu.memory_space<vmem>> -> memref<64x128xf32, #tpu.memory_space<vmem>>
    %dma_start3A_137 = arith.constant 64 : i32
    %dma_start3A_138 = tpu.memref_slice %arg5[%dma_start3A_131, %dma_start3A_137] : memref<50x128xi32, #tpu.memory_space<vmem>> -> memref<1x64xi32, #tpu.memory_space<vmem>>
    %dma_start3A_139 = tpu.memref_squeeze %dma_start3A_138 : memref<1x64xi32, #tpu.memory_space<vmem>> -> memref<64xi32, #tpu.memory_space<vmem>>
    %dma_start3A_140 = arith.constant 0 : i32
    %dma_start3A_141 = arith.constant 0 : i32
    %dma_start3A_142 = tpu.memref_slice %arg7[%dma_start3A_140, %dma_start3A_141] : memref<1000x128xf32, #tpu.memory_space<vmem_shared>> -> memref<1000x128xf32, #tpu.memory_space<vmem_shared>>
    tpu.enqueue_indirect_dma source(%dma_start3A_142 : memref<1000x128xf32, #tpu.memory_space<vmem_shared>>) target(%dma_start3A_136 : memref<64x128xf32, #tpu.memory_space<vmem>>) offsets(%dma_start3A_139 : memref<64xi32, #tpu.memory_space<vmem>>) semaphore(%arg18 : memref<!tpu.dma_semaphore, #tpu.memory_space<semaphore_mem>>)
    %scan3A = arith.constant 0 : i32
    %scan3A_143 = arith.constant 0 : i32
    %scan3A_144 = arith.constant 9 : i32
    %scan3A_145 = arith.addi %scan3A_143, %scan3A_144 : i32
    %scan3A_146 = arith.constant 1 : i32
    scf.for %scan3A_608 = %scan3A_143 to %scan3A_145 step %scan3A_146  : i32 {
      %mul3A_609 = arith.constant 2 : i32
      %mul3A_610 = arith.muli %scan3A_608, %mul3A_609 : i32
      %mul3A_611 = arith.constant 5 : i32
      %mul3A_612 = arith.muli %mul3A_610, %mul3A_611 : i32
      %add3A_613 = arith.constant 0 : i32
      %add3A_614 = arith.addi %mul3A_612, %add3A_613 : i32
      %jit3A = arith.constant 2 : i32
      %div3A = arith.divsi %add3A_614, %jit3A : i32
      %sign3A = arith.constant 0 : i32
      %sign3A_615 = arith.cmpi sgt, %add3A_614, %sign3A : i32
      %sign3A_616 = arith.extui %sign3A_615 : i1 to i32
      %sign3A_617 = arith.constant 0 : i32
      %sign3A_618 = arith.cmpi slt, %add3A_614, %sign3A_617 : i32
      %sign3A_619 = arith.extui %sign3A_618 : i1 to i32
      %sign3A_620 = arith.subi %sign3A_616, %sign3A_619 : i32
      %sign3A_621 = arith.constant 0 : i32
      %sign3A_622 = arith.cmpi sgt, %jit3A, %sign3A_621 : i32
      %sign3A_623 = arith.extui %sign3A_622 : i1 to i32
      %sign3A_624 = arith.constant 0 : i32
      %sign3A_625 = arith.cmpi slt, %jit3A, %sign3A_624 : i32
      %sign3A_626 = arith.extui %sign3A_625 : i1 to i32
      %sign3A_627 = arith.subi %sign3A_623, %sign3A_626 : i32
      %ne3A = arith.cmpi ne, %sign3A_620, %sign3A_627 : i32
      %rem3A = arith.remsi %add3A_614, %jit3A : i32
      %ne3A_628 = arith.constant 0 : i32
      %ne3A_629 = arith.cmpi ne, %rem3A, %ne3A_628 : i32
      %and3A = arith.andi %ne3A, %ne3A_629 : i1
      %sub3A = arith.constant 1 : i32
      %sub3A_630 = arith.subi %div3A, %sub3A : i32
      %select_n3A = arith.select %and3A, %sub3A_630, %div3A : i32
      %jit3A_631 = arith.constant 2 : i32
      %eq3A_632 = arith.constant 0 : i32
      %eq3A_633 = arith.cmpi eq, %jit3A_631, %eq3A_632 : i32
      %jit3A_634 = arith.constant 1 : i32
      %select_n3A_635 = arith.select %eq3A_633, %jit3A_634, %jit3A_631 : i32
      %rem3A_636 = arith.remsi %add3A_614, %select_n3A_635 : i32
      %ne3A_637 = arith.constant 0 : i32
      %ne3A_638 = arith.cmpi ne, %rem3A_636, %ne3A_637 : i32
      %lt3A_639 = arith.constant 0 : i32
      %lt3A_640 = arith.cmpi slt, %rem3A_636, %lt3A_639 : i32
      %lt3A_641 = arith.constant 0 : i32
      %lt3A_642 = arith.cmpi slt, %select_n3A_635, %lt3A_641 : i32
      %ne3A_643 = arith.xori %lt3A_640, %lt3A_642 : i1
      %and3A_644 = arith.andi %ne3A_643, %ne3A_638 : i1
      %add3A_645 = arith.addi %rem3A_636, %select_n3A_635 : i32
      %select_n3A_646 = arith.select %and3A_644, %add3A_645, %rem3A_636 : i32
      %mul3A_647 = arith.constant 64 : i32
      %mul3A_648 = arith.muli %select_n3A_646, %mul3A_647 : i32
      %dma_wait3A_649 = arith.constant 0 : i32
      %dma_wait3A_650 = arith.constant 0 : i32
      %dma_wait3A_651 = arith.constant 0 : i32
      %dma_wait3A_652 = tpu.memref_slice %arg6[%dma_wait3A_649, %dma_wait3A_650, %dma_wait3A_651] : memref<10x64x128xf32, #tpu.memory_space<vmem>> -> memref<1x64x128xf32, #tpu.memory_space<vmem>>
      %dma_wait3A_653 = tpu.memref_squeeze %dma_wait3A_652 : memref<1x64x128xf32, #tpu.memory_space<vmem>> -> memref<64x128xf32, #tpu.memory_space<vmem>>
      %dma_wait3A_654 = tpu.memref_slice %arg5[%select_n3A, %mul3A_648] : memref<50x128xi32, #tpu.memory_space<vmem>> -> memref<1x64xi32, #tpu.memory_space<vmem>>
      %dma_wait3A_655 = tpu.memref_squeeze %dma_wait3A_654 : memref<1x64xi32, #tpu.memory_space<vmem>> -> memref<64xi32, #tpu.memory_space<vmem>>
      %dma_wait3A_656 = arith.constant 0 : i32
      %dma_wait3A_657 = arith.constant 0 : i32
      %dma_wait3A_658 = tpu.memref_slice %arg7[%dma_wait3A_656, %dma_wait3A_657] : memref<1000x128xf32, #tpu.memory_space<vmem_shared>> -> memref<1000x128xf32, #tpu.memory_space<vmem_shared>>
      tpu.wait_indirect_dma semaphore(%arg9 : memref<!tpu.dma_semaphore, #tpu.memory_space<semaphore_mem>>) src(%dma_wait3A_658 : memref<1000x128xf32, #tpu.memory_space<vmem_shared>>) dst(%dma_wait3A_653 : memref<64x128xf32, #tpu.memory_space<vmem>>)
      %add3A_659 = arith.constant 0 : i32
      %add3A_660 = arith.addi %mul3A_612, %add3A_659 : i32
      %jit3A_661 = arith.constant 2 : i32
      %div3A_662 = arith.divsi %add3A_660, %jit3A_661 : i32
      %sign3A_663 = arith.constant 0 : i32
      %sign3A_664 = arith.cmpi sgt, %add3A_660, %sign3A_663 : i32
      %sign3A_665 = arith.extui %sign3A_664 : i1 to i32
      %sign3A_666 = arith.constant 0 : i32
      %sign3A_667 = arith.cmpi slt, %add3A_660, %sign3A_666 : i32
      %sign3A_668 = arith.extui %sign3A_667 : i1 to i32
      %sign3A_669 = arith.subi %sign3A_665, %sign3A_668 : i32
      %sign3A_670 = arith.constant 0 : i32
      %sign3A_671 = arith.cmpi sgt, %jit3A_661, %sign3A_670 : i32
      %sign3A_672 = arith.extui %sign3A_671 : i1 to i32
      %sign3A_673 = arith.constant 0 : i32
      %sign3A_674 = arith.cmpi slt, %jit3A_661, %sign3A_673 : i32
      %sign3A_675 = arith.extui %sign3A_674 : i1 to i32
      %sign3A_676 = arith.subi %sign3A_672, %sign3A_675 : i32
      %ne3A_677 = arith.cmpi ne, %sign3A_669, %sign3A_676 : i32
      %rem3A_678 = arith.remsi %add3A_660, %jit3A_661 : i32
      %ne3A_679 = arith.constant 0 : i32
      %ne3A_680 = arith.cmpi ne, %rem3A_678, %ne3A_679 : i32
      %and3A_681 = arith.andi %ne3A_677, %ne3A_680 : i1
      %sub3A_682 = arith.constant 1 : i32
      %sub3A_683 = arith.subi %div3A_662, %sub3A_682 : i32
      %select_n3A_684 = arith.select %and3A_681, %sub3A_683, %div3A_662 : i32
      %jit3A_685 = arith.constant 2 : i32
      %eq3A_686 = arith.constant 0 : i32
      %eq3A_687 = arith.cmpi eq, %jit3A_685, %eq3A_686 : i32
      %jit3A_688 = arith.constant 1 : i32
      %select_n3A_689 = arith.select %eq3A_687, %jit3A_688, %jit3A_685 : i32
      %rem3A_690 = arith.remsi %add3A_660, %select_n3A_689 : i32
      %ne3A_691 = arith.constant 0 : i32
      %ne3A_692 = arith.cmpi ne, %rem3A_690, %ne3A_691 : i32
      %lt3A_693 = arith.constant 0 : i32
      %lt3A_694 = arith.cmpi slt, %rem3A_690, %lt3A_693 : i32
      %lt3A_695 = arith.constant 0 : i32
      %lt3A_696 = arith.cmpi slt, %select_n3A_689, %lt3A_695 : i32
      %ne3A_697 = arith.xori %lt3A_694, %lt3A_696 : i1
      %and3A_698 = arith.andi %ne3A_697, %ne3A_692 : i1
      %add3A_699 = arith.addi %rem3A_690, %select_n3A_689 : i32
      %select_n3A_700 = arith.select %and3A_698, %add3A_699, %rem3A_690 : i32
      %mul3A_701 = arith.constant 64 : i32
      %mul3A_702 = arith.muli %select_n3A_700, %mul3A_701 : i32
      %add3A_703 = arith.addi %mul3A_2, %mul3A_702 : i32
      %dma_start3A_704 = arith.constant 0 : i32
      %dma_start3A_705 = arith.constant 0 : i32
      %dma_start3A_706 = arith.constant 0 : i32
      %dma_start3A_707 = tpu.memref_slice %arg6[%dma_start3A_704, %dma_start3A_705, %dma_start3A_706] : memref<10x64x128xf32, #tpu.memory_space<vmem>> -> memref<1x64x128xf32, #tpu.memory_space<vmem>>
      %dma_start3A_708 = tpu.memref_squeeze %dma_start3A_707 : memref<1x64x128xf32, #tpu.memory_space<vmem>> -> memref<64x128xf32, #tpu.memory_space<vmem>>
      %dma_start3A_709 = arith.constant 0 : i32
      %dma_start3A_710 = tpu.memref_slice %arg4[%select_n3A_684, %add3A_703, %dma_start3A_709] : memref<50x4096x128xf32, #tpu.memory_space<hbm>> -> memref<1x64x128xf32, #tpu.memory_space<hbm>>
      %dma_start3A_711 = tpu.memref_squeeze %dma_start3A_710 : memref<1x64x128xf32, #tpu.memory_space<hbm>> -> memref<64x128xf32, #tpu.memory_space<hbm>>
      %dma_start3A_712 = arith.constant 0 : i32
      %dma_start3A_713 = tpu.memref_slice %arg4[%select_n3A_684, %add3A_703, %dma_start3A_712] : memref<50x4096x128xf32, #tpu.memory_space<hbm>> -> memref<1x64x128xf32, #tpu.memory_space<hbm>>
      %dma_start3A_714 = tpu.memref_squeeze %dma_start3A_713 : memref<1x64x128xf32, #tpu.memory_space<hbm>> -> memref<64x128xf32, #tpu.memory_space<hbm>>
      %dma_start3A_715 = arith.constant 0 : i32
      %dma_start3A_716 = arith.constant 0 : i32
      %dma_start3A_717 = tpu.memref_slice %arg6[%dma_start3A_704, %dma_start3A_715, %dma_start3A_716] : memref<10x64x128xf32, #tpu.memory_space<vmem>> -> memref<1x64x128xf32, #tpu.memory_space<vmem>>
      %dma_start3A_718 = tpu.memref_squeeze %dma_start3A_717 : memref<1x64x128xf32, #tpu.memory_space<vmem>> -> memref<64x128xf32, #tpu.memory_space<vmem>>
      tpu.enqueue_dma source(%dma_start3A_718 : memref<64x128xf32, #tpu.memory_space<vmem>>) target(%dma_start3A_714 : memref<64x128xf32, #tpu.memory_space<hbm>>) target_semaphore(%arg19 : memref<!tpu.dma_semaphore, #tpu.memory_space<semaphore_mem>>)
      %add3A_719 = arith.constant 1 : i32
      %add3A_720 = arith.addi %mul3A_612, %add3A_719 : i32
      %jit3A_721 = arith.constant 2 : i32
      %div3A_722 = arith.divsi %add3A_720, %jit3A_721 : i32
      %sign3A_723 = arith.constant 0 : i32
      %sign3A_724 = arith.cmpi sgt, %add3A_720, %sign3A_723 : i32
      %sign3A_725 = arith.extui %sign3A_724 : i1 to i32
      %sign3A_726 = arith.constant 0 : i32
      %sign3A_727 = arith.cmpi slt, %add3A_720, %sign3A_726 : i32
      %sign3A_728 = arith.extui %sign3A_727 : i1 to i32
      %sign3A_729 = arith.subi %sign3A_725, %sign3A_728 : i32
      %sign3A_730 = arith.constant 0 : i32
      %sign3A_731 = arith.cmpi sgt, %jit3A_721, %sign3A_730 : i32
      %sign3A_732 = arith.extui %sign3A_731 : i1 to i32
      %sign3A_733 = arith.constant 0 : i32
      %sign3A_734 = arith.cmpi slt, %jit3A_721, %sign3A_733 : i32
      %sign3A_735 = arith.extui %sign3A_734 : i1 to i32
      %sign3A_736 = arith.subi %sign3A_732, %sign3A_735 : i32
      %ne3A_737 = arith.cmpi ne, %sign3A_729, %sign3A_736 : i32
      %rem3A_738 = arith.remsi %add3A_720, %jit3A_721 : i32
      %ne3A_739 = arith.constant 0 : i32
      %ne3A_740 = arith.cmpi ne, %rem3A_738, %ne3A_739 : i32
      %and3A_741 = arith.andi %ne3A_737, %ne3A_740 : i1
      %sub3A_742 = arith.constant 1 : i32
      %sub3A_743 = arith.subi %div3A_722, %sub3A_742 : i32
      %select_n3A_744 = arith.select %and3A_741, %sub3A_743, %div3A_722 : i32
      %jit3A_745 = arith.constant 2 : i32
      %eq3A_746 = arith.constant 0 : i32
      %eq3A_747 = arith.cmpi eq, %jit3A_745, %eq3A_746 : i32
      %jit3A_748 = arith.constant 1 : i32
      %select_n3A_749 = arith.select %eq3A_747, %jit3A_748, %jit3A_745 : i32
      %rem3A_750 = arith.remsi %add3A_720, %select_n3A_749 : i32
      %ne3A_751 = arith.constant 0 : i32
      %ne3A_752 = arith.cmpi ne, %rem3A_750, %ne3A_751 : i32
      %lt3A_753 = arith.constant 0 : i32
      %lt3A_754 = arith.cmpi slt, %rem3A_750, %lt3A_753 : i32
      %lt3A_755 = arith.constant 0 : i32
      %lt3A_756 = arith.cmpi slt, %select_n3A_749, %lt3A_755 : i32
      %ne3A_757 = arith.xori %lt3A_754, %lt3A_756 : i1
      %and3A_758 = arith.andi %ne3A_757, %ne3A_752 : i1
      %add3A_759 = arith.addi %rem3A_750, %select_n3A_749 : i32
      %select_n3A_760 = arith.select %and3A_758, %add3A_759, %rem3A_750 : i32
      %mul3A_761 = arith.constant 64 : i32
      %mul3A_762 = arith.muli %select_n3A_760, %mul3A_761 : i32
      %dma_wait3A_763 = arith.constant 1 : i32
      %dma_wait3A_764 = arith.constant 0 : i32
      %dma_wait3A_765 = arith.constant 0 : i32
      %dma_wait3A_766 = tpu.memref_slice %arg6[%dma_wait3A_763, %dma_wait3A_764, %dma_wait3A_765] : memref<10x64x128xf32, #tpu.memory_space<vmem>> -> memref<1x64x128xf32, #tpu.memory_space<vmem>>
      %dma_wait3A_767 = tpu.memref_squeeze %dma_wait3A_766 : memref<1x64x128xf32, #tpu.memory_space<vmem>> -> memref<64x128xf32, #tpu.memory_space<vmem>>
      %dma_wait3A_768 = tpu.memref_slice %arg5[%select_n3A_744, %mul3A_762] : memref<50x128xi32, #tpu.memory_space<vmem>> -> memref<1x64xi32, #tpu.memory_space<vmem>>
      %dma_wait3A_769 = tpu.memref_squeeze %dma_wait3A_768 : memref<1x64xi32, #tpu.memory_space<vmem>> -> memref<64xi32, #tpu.memory_space<vmem>>
      %dma_wait3A_770 = arith.constant 0 : i32
      %dma_wait3A_771 = arith.constant 0 : i32
      %dma_wait3A_772 = tpu.memref_slice %arg7[%dma_wait3A_770, %dma_wait3A_771] : memref<1000x128xf32, #tpu.memory_space<vmem_shared>> -> memref<1000x128xf32, #tpu.memory_space<vmem_shared>>
      tpu.wait_indirect_dma semaphore(%arg10 : memref<!tpu.dma_semaphore, #tpu.memory_space<semaphore_mem>>) src(%dma_wait3A_772 : memref<1000x128xf32, #tpu.memory_space<vmem_shared>>) dst(%dma_wait3A_767 : memref<64x128xf32, #tpu.memory_space<vmem>>)
      %add3A_773 = arith.constant 1 : i32
      %add3A_774 = arith.addi %mul3A_612, %add3A_773 : i32
      %jit3A_775 = arith.constant 2 : i32
      %div3A_776 = arith.divsi %add3A_774, %jit3A_775 : i32
      %sign3A_777 = arith.constant 0 : i32
      %sign3A_778 = arith.cmpi sgt, %add3A_774, %sign3A_777 : i32
      %sign3A_779 = arith.extui %sign3A_778 : i1 to i32
      %sign3A_780 = arith.constant 0 : i32
      %sign3A_781 = arith.cmpi slt, %add3A_774, %sign3A_780 : i32
      %sign3A_782 = arith.extui %sign3A_781 : i1 to i32
      %sign3A_783 = arith.subi %sign3A_779, %sign3A_782 : i32
      %sign3A_784 = arith.constant 0 : i32
      %sign3A_785 = arith.cmpi sgt, %jit3A_775, %sign3A_784 : i32
      %sign3A_786 = arith.extui %sign3A_785 : i1 to i32
      %sign3A_787 = arith.constant 0 : i32
      %sign3A_788 = arith.cmpi slt, %jit3A_775, %sign3A_787 : i32
      %sign3A_789 = arith.extui %sign3A_788 : i1 to i32
      %sign3A_790 = arith.subi %sign3A_786, %sign3A_789 : i32
      %ne3A_791 = arith.cmpi ne, %sign3A_783, %sign3A_790 : i32
      %rem3A_792 = arith.remsi %add3A_774, %jit3A_775 : i32
      %ne3A_793 = arith.constant 0 : i32
      %ne3A_794 = arith.cmpi ne, %rem3A_792, %ne3A_793 : i32
      %and3A_795 = arith.andi %ne3A_791, %ne3A_794 : i1
      %sub3A_796 = arith.constant 1 : i32
      %sub3A_797 = arith.subi %div3A_776, %sub3A_796 : i32
      %select_n3A_798 = arith.select %and3A_795, %sub3A_797, %div3A_776 : i32
      %jit3A_799 = arith.constant 2 : i32
      %eq3A_800 = arith.constant 0 : i32
      %eq3A_801 = arith.cmpi eq, %jit3A_799, %eq3A_800 : i32
      %jit3A_802 = arith.constant 1 : i32
      %select_n3A_803 = arith.select %eq3A_801, %jit3A_802, %jit3A_799 : i32
      %rem3A_804 = arith.remsi %add3A_774, %select_n3A_803 : i32
      %ne3A_805 = arith.constant 0 : i32
      %ne3A_806 = arith.cmpi ne, %rem3A_804, %ne3A_805 : i32
      %lt3A_807 = arith.constant 0 : i32
      %lt3A_808 = arith.cmpi slt, %rem3A_804, %lt3A_807 : i32
      %lt3A_809 = arith.constant 0 : i32
      %lt3A_810 = arith.cmpi slt, %select_n3A_803, %lt3A_809 : i32
      %ne3A_811 = arith.xori %lt3A_808, %lt3A_810 : i1
      %and3A_812 = arith.andi %ne3A_811, %ne3A_806 : i1
      %add3A_813 = arith.addi %rem3A_804, %select_n3A_803 : i32
      %select_n3A_814 = arith.select %and3A_812, %add3A_813, %rem3A_804 : i32
      %mul3A_815 = arith.constant 64 : i32
      %mul3A_816 = arith.muli %select_n3A_814, %mul3A_815 : i32
      %add3A_817 = arith.addi %mul3A_2, %mul3A_816 : i32
      %dma_start3A_818 = arith.constant 1 : i32
      %dma_start3A_819 = arith.constant 0 : i32
      %dma_start3A_820 = arith.constant 0 : i32
      %dma_start3A_821 = tpu.memref_slice %arg6[%dma_start3A_818, %dma_start3A_819, %dma_start3A_820] : memref<10x64x128xf32, #tpu.memory_space<vmem>> -> memref<1x64x128xf32, #tpu.memory_space<vmem>>
      %dma_start3A_822 = tpu.memref_squeeze %dma_start3A_821 : memref<1x64x128xf32, #tpu.memory_space<vmem>> -> memref<64x128xf32, #tpu.memory_space<vmem>>
      %dma_start3A_823 = arith.constant 0 : i32
      %dma_start3A_824 = tpu.memref_slice %arg4[%select_n3A_798, %add3A_817, %dma_start3A_823] : memref<50x4096x128xf32, #tpu.memory_space<hbm>> -> memref<1x64x128xf32, #tpu.memory_space<hbm>>
      %dma_start3A_825 = tpu.memref_squeeze %dma_start3A_824 : memref<1x64x128xf32, #tpu.memory_space<hbm>> -> memref<64x128xf32, #tpu.memory_space<hbm>>
      %dma_start3A_826 = arith.constant 0 : i32
      %dma_start3A_827 = tpu.memref_slice %arg4[%select_n3A_798, %add3A_817, %dma_start3A_826] : memref<50x4096x128xf32, #tpu.memory_space<hbm>> -> memref<1x64x128xf32, #tpu.memory_space<hbm>>
      %dma_start3A_828 = tpu.memref_squeeze %dma_start3A_827 : memref<1x64x128xf32, #tpu.memory_space<hbm>> -> memref<64x128xf32, #tpu.memory_space<hbm>>
      %dma_start3A_829 = arith.constant 0 : i32
      %dma_start3A_830 = arith.constant 0 : i32
      %dma_start3A_831 = tpu.memref_slice %arg6[%dma_start3A_818, %dma_start3A_829, %dma_start3A_830] : memref<10x64x128xf32, #tpu.memory_space<vmem>> -> memref<1x64x128xf32, #tpu.memory_space<vmem>>
      %dma_start3A_832 = tpu.memref_squeeze %dma_start3A_831 : memref<1x64x128xf32, #tpu.memory_space<vmem>> -> memref<64x128xf32, #tpu.memory_space<vmem>>
      tpu.enqueue_dma source(%dma_start3A_832 : memref<64x128xf32, #tpu.memory_space<vmem>>) target(%dma_start3A_828 : memref<64x128xf32, #tpu.memory_space<hbm>>) target_semaphore(%arg20 : memref<!tpu.dma_semaphore, #tpu.memory_space<semaphore_mem>>)
      %add3A_833 = arith.constant 2 : i32
      %add3A_834 = arith.addi %mul3A_612, %add3A_833 : i32
      %jit3A_835 = arith.constant 2 : i32
      %div3A_836 = arith.divsi %add3A_834, %jit3A_835 : i32
      %sign3A_837 = arith.constant 0 : i32
      %sign3A_838 = arith.cmpi sgt, %add3A_834, %sign3A_837 : i32
      %sign3A_839 = arith.extui %sign3A_838 : i1 to i32
      %sign3A_840 = arith.constant 0 : i32
      %sign3A_841 = arith.cmpi slt, %add3A_834, %sign3A_840 : i32
      %sign3A_842 = arith.extui %sign3A_841 : i1 to i32
      %sign3A_843 = arith.subi %sign3A_839, %sign3A_842 : i32
      %sign3A_844 = arith.constant 0 : i32
      %sign3A_845 = arith.cmpi sgt, %jit3A_835, %sign3A_844 : i32
      %sign3A_846 = arith.extui %sign3A_845 : i1 to i32
      %sign3A_847 = arith.constant 0 : i32
      %sign3A_848 = arith.cmpi slt, %jit3A_835, %sign3A_847 : i32
      %sign3A_849 = arith.extui %sign3A_848 : i1 to i32
      %sign3A_850 = arith.subi %sign3A_846, %sign3A_849 : i32
      %ne3A_851 = arith.cmpi ne, %sign3A_843, %sign3A_850 : i32
      %rem3A_852 = arith.remsi %add3A_834, %jit3A_835 : i32
      %ne3A_853 = arith.constant 0 : i32
      %ne3A_854 = arith.cmpi ne, %rem3A_852, %ne3A_853 : i32
      %and3A_855 = arith.andi %ne3A_851, %ne3A_854 : i1
      %sub3A_856 = arith.constant 1 : i32
      %sub3A_857 = arith.subi %div3A_836, %sub3A_856 : i32
      %select_n3A_858 = arith.select %and3A_855, %sub3A_857, %div3A_836 : i32
      %jit3A_859 = arith.constant 2 : i32
      %eq3A_860 = arith.constant 0 : i32
      %eq3A_861 = arith.cmpi eq, %jit3A_859, %eq3A_860 : i32
      %jit3A_862 = arith.constant 1 : i32
      %select_n3A_863 = arith.select %eq3A_861, %jit3A_862, %jit3A_859 : i32
      %rem3A_864 = arith.remsi %add3A_834, %select_n3A_863 : i32
      %ne3A_865 = arith.constant 0 : i32
      %ne3A_866 = arith.cmpi ne, %rem3A_864, %ne3A_865 : i32
      %lt3A_867 = arith.constant 0 : i32
      %lt3A_868 = arith.cmpi slt, %rem3A_864, %lt3A_867 : i32
      %lt3A_869 = arith.constant 0 : i32
      %lt3A_870 = arith.cmpi slt, %select_n3A_863, %lt3A_869 : i32
      %ne3A_871 = arith.xori %lt3A_868, %lt3A_870 : i1
      %and3A_872 = arith.andi %ne3A_871, %ne3A_866 : i1
      %add3A_873 = arith.addi %rem3A_864, %select_n3A_863 : i32
      %select_n3A_874 = arith.select %and3A_872, %add3A_873, %rem3A_864 : i32
      %mul3A_875 = arith.constant 64 : i32
      %mul3A_876 = arith.muli %select_n3A_874, %mul3A_875 : i32
      %dma_wait3A_877 = arith.constant 2 : i32
      %dma_wait3A_878 = arith.constant 0 : i32
      %dma_wait3A_879 = arith.constant 0 : i32
      %dma_wait3A_880 = tpu.memref_slice %arg6[%dma_wait3A_877, %dma_wait3A_878, %dma_wait3A_879] : memref<10x64x128xf32, #tpu.memory_space<vmem>> -> memref<1x64x128xf32, #tpu.memory_space<vmem>>
      %dma_wait3A_881 = tpu.memref_squeeze %dma_wait3A_880 : memref<1x64x128xf32, #tpu.memory_space<vmem>> -> memref<64x128xf32, #tpu.memory_space<vmem>>
      %dma_wait3A_882 = tpu.memref_slice %arg5[%select_n3A_858, %mul3A_876] : memref<50x128xi32, #tpu.memory_space<vmem>> -> memref<1x64xi32, #tpu.memory_space<vmem>>
      %dma_wait3A_883 = tpu.memref_squeeze %dma_wait3A_882 : memref<1x64xi32, #tpu.memory_space<vmem>> -> memref<64xi32, #tpu.memory_space<vmem>>
      %dma_wait3A_884 = arith.constant 0 : i32
      %dma_wait3A_885 = arith.constant 0 : i32
      %dma_wait3A_886 = tpu.memref_slice %arg7[%dma_wait3A_884, %dma_wait3A_885] : memref<1000x128xf32, #tpu.memory_space<vmem_shared>> -> memref<1000x128xf32, #tpu.memory_space<vmem_shared>>
      tpu.wait_indirect_dma semaphore(%arg11 : memref<!tpu.dma_semaphore, #tpu.memory_space<semaphore_mem>>) src(%dma_wait3A_886 : memref<1000x128xf32, #tpu.memory_space<vmem_shared>>) dst(%dma_wait3A_881 : memref<64x128xf32, #tpu.memory_space<vmem>>)
      %add3A_887 = arith.constant 2 : i32
      %add3A_888 = arith.addi %mul3A_612, %add3A_887 : i32
      %jit3A_889 = arith.constant 2 : i32
      %div3A_890 = arith.divsi %add3A_888, %jit3A_889 : i32
      %sign3A_891 = arith.constant 0 : i32
      %sign3A_892 = arith.cmpi sgt, %add3A_888, %sign3A_891 : i32
      %sign3A_893 = arith.extui %sign3A_892 : i1 to i32
      %sign3A_894 = arith.constant 0 : i32
      %sign3A_895 = arith.cmpi slt, %add3A_888, %sign3A_894 : i32
      %sign3A_896 = arith.extui %sign3A_895 : i1 to i32
      %sign3A_897 = arith.subi %sign3A_893, %sign3A_896 : i32
      %sign3A_898 = arith.constant 0 : i32
      %sign3A_899 = arith.cmpi sgt, %jit3A_889, %sign3A_898 : i32
      %sign3A_900 = arith.extui %sign3A_899 : i1 to i32
      %sign3A_901 = arith.constant 0 : i32
      %sign3A_902 = arith.cmpi slt, %jit3A_889, %sign3A_901 : i32
      %sign3A_903 = arith.extui %sign3A_902 : i1 to i32
      %sign3A_904 = arith.subi %sign3A_900, %sign3A_903 : i32
      %ne3A_905 = arith.cmpi ne, %sign3A_897, %sign3A_904 : i32
      %rem3A_906 = arith.remsi %add3A_888, %jit3A_889 : i32
      %ne3A_907 = arith.constant 0 : i32
      %ne3A_908 = arith.cmpi ne, %rem3A_906, %ne3A_907 : i32
      %and3A_909 = arith.andi %ne3A_905, %ne3A_908 : i1
      %sub3A_910 = arith.constant 1 : i32
      %sub3A_911 = arith.subi %div3A_890, %sub3A_910 : i32
      %select_n3A_912 = arith.select %and3A_909, %sub3A_911, %div3A_890 : i32
      %jit3A_913 = arith.constant 2 : i32
      %eq3A_914 = arith.constant 0 : i32
      %eq3A_915 = arith.cmpi eq, %jit3A_913, %eq3A_914 : i32
      %jit3A_916 = arith.constant 1 : i32
      %select_n3A_917 = arith.select %eq3A_915, %jit3A_916, %jit3A_913 : i32
      %rem3A_918 = arith.remsi %add3A_888, %select_n3A_917 : i32
      %ne3A_919 = arith.constant 0 : i32
      %ne3A_920 = arith.cmpi ne, %rem3A_918, %ne3A_919 : i32
      %lt3A_921 = arith.constant 0 : i32
      %lt3A_922 = arith.cmpi slt, %rem3A_918, %lt3A_921 : i32
      %lt3A_923 = arith.constant 0 : i32
      %lt3A_924 = arith.cmpi slt, %select_n3A_917, %lt3A_923 : i32
      %ne3A_925 = arith.xori %lt3A_922, %lt3A_924 : i1
      %and3A_926 = arith.andi %ne3A_925, %ne3A_920 : i1
      %add3A_927 = arith.addi %rem3A_918, %select_n3A_917 : i32
      %select_n3A_928 = arith.select %and3A_926, %add3A_927, %rem3A_918 : i32
      %mul3A_929 = arith.constant 64 : i32
      %mul3A_930 = arith.muli %select_n3A_928, %mul3A_929 : i32
      %add3A_931 = arith.addi %mul3A_2, %mul3A_930 : i32
      %dma_start3A_932 = arith.constant 2 : i32
      %dma_start3A_933 = arith.constant 0 : i32
      %dma_start3A_934 = arith.constant 0 : i32
      %dma_start3A_935 = tpu.memref_slice %arg6[%dma_start3A_932, %dma_start3A_933, %dma_start3A_934] : memref<10x64x128xf32, #tpu.memory_space<vmem>> -> memref<1x64x128xf32, #tpu.memory_space<vmem>>
      %dma_start3A_936 = tpu.memref_squeeze %dma_start3A_935 : memref<1x64x128xf32, #tpu.memory_space<vmem>> -> memref<64x128xf32, #tpu.memory_space<vmem>>
      %dma_start3A_937 = arith.constant 0 : i32
      %dma_start3A_938 = tpu.memref_slice %arg4[%select_n3A_912, %add3A_931, %dma_start3A_937] : memref<50x4096x128xf32, #tpu.memory_space<hbm>> -> memref<1x64x128xf32, #tpu.memory_space<hbm>>
      %dma_start3A_939 = tpu.memref_squeeze %dma_start3A_938 : memref<1x64x128xf32, #tpu.memory_space<hbm>> -> memref<64x128xf32, #tpu.memory_space<hbm>>
      %dma_start3A_940 = arith.constant 0 : i32
      %dma_start3A_941 = tpu.memref_slice %arg4[%select_n3A_912, %add3A_931, %dma_start3A_940] : memref<50x4096x128xf32, #tpu.memory_space<hbm>> -> memref<1x64x128xf32, #tpu.memory_space<hbm>>
      %dma_start3A_942 = tpu.memref_squeeze %dma_start3A_941 : memref<1x64x128xf32, #tpu.memory_space<hbm>> -> memref<64x128xf32, #tpu.memory_space<hbm>>
      %dma_start3A_943 = arith.constant 0 : i32
      %dma_start3A_944 = arith.constant 0 : i32
      %dma_start3A_945 = tpu.memref_slice %arg6[%dma_start3A_932, %dma_start3A_943, %dma_start3A_944] : memref<10x64x128xf32, #tpu.memory_space<vmem>> -> memref<1x64x128xf32, #tpu.memory_space<vmem>>
      %dma_start3A_946 = tpu.memref_squeeze %dma_start3A_945 : memref<1x64x128xf32, #tpu.memory_space<vmem>> -> memref<64x128xf32, #tpu.memory_space<vmem>>
      tpu.enqueue_dma source(%dma_start3A_946 : memref<64x128xf32, #tpu.memory_space<vmem>>) target(%dma_start3A_942 : memref<64x128xf32, #tpu.memory_space<hbm>>) target_semaphore(%arg21 : memref<!tpu.dma_semaphore, #tpu.memory_space<semaphore_mem>>)
      %add3A_947 = arith.constant 3 : i32
      %add3A_948 = arith.addi %mul3A_612, %add3A_947 : i32
      %jit3A_949 = arith.constant 2 : i32
      %div3A_950 = arith.divsi %add3A_948, %jit3A_949 : i32
      %sign3A_951 = arith.constant 0 : i32
      %sign3A_952 = arith.cmpi sgt, %add3A_948, %sign3A_951 : i32
      %sign3A_953 = arith.extui %sign3A_952 : i1 to i32
      %sign3A_954 = arith.constant 0 : i32
      %sign3A_955 = arith.cmpi slt, %add3A_948, %sign3A_954 : i32
      %sign3A_956 = arith.extui %sign3A_955 : i1 to i32
      %sign3A_957 = arith.subi %sign3A_953, %sign3A_956 : i32
      %sign3A_958 = arith.constant 0 : i32
      %sign3A_959 = arith.cmpi sgt, %jit3A_949, %sign3A_958 : i32
      %sign3A_960 = arith.extui %sign3A_959 : i1 to i32
      %sign3A_961 = arith.constant 0 : i32
      %sign3A_962 = arith.cmpi slt, %jit3A_949, %sign3A_961 : i32
      %sign3A_963 = arith.extui %sign3A_962 : i1 to i32
      %sign3A_964 = arith.subi %sign3A_960, %sign3A_963 : i32
      %ne3A_965 = arith.cmpi ne, %sign3A_957, %sign3A_964 : i32
      %rem3A_966 = arith.remsi %add3A_948, %jit3A_949 : i32
      %ne3A_967 = arith.constant 0 : i32
      %ne3A_968 = arith.cmpi ne, %rem3A_966, %ne3A_967 : i32
      %and3A_969 = arith.andi %ne3A_965, %ne3A_968 : i1
      %sub3A_970 = arith.constant 1 : i32
      %sub3A_971 = arith.subi %div3A_950, %sub3A_970 : i32
      %select_n3A_972 = arith.select %and3A_969, %sub3A_971, %div3A_950 : i32
      %jit3A_973 = arith.constant 2 : i32
      %eq3A_974 = arith.constant 0 : i32
      %eq3A_975 = arith.cmpi eq, %jit3A_973, %eq3A_974 : i32
      %jit3A_976 = arith.constant 1 : i32
      %select_n3A_977 = arith.select %eq3A_975, %jit3A_976, %jit3A_973 : i32
      %rem3A_978 = arith.remsi %add3A_948, %select_n3A_977 : i32
      %ne3A_979 = arith.constant 0 : i32
      %ne3A_980 = arith.cmpi ne, %rem3A_978, %ne3A_979 : i32
      %lt3A_981 = arith.constant 0 : i32
      %lt3A_982 = arith.cmpi slt, %rem3A_978, %lt3A_981 : i32
      %lt3A_983 = arith.constant 0 : i32
      %lt3A_984 = arith.cmpi slt, %select_n3A_977, %lt3A_983 : i32
      %ne3A_985 = arith.xori %lt3A_982, %lt3A_984 : i1
      %and3A_986 = arith.andi %ne3A_985, %ne3A_980 : i1
      %add3A_987 = arith.addi %rem3A_978, %select_n3A_977 : i32
      %select_n3A_988 = arith.select %and3A_986, %add3A_987, %rem3A_978 : i32
      %mul3A_989 = arith.constant 64 : i32
      %mul3A_990 = arith.muli %select_n3A_988, %mul3A_989 : i32
      %dma_wait3A_991 = arith.constant 3 : i32
      %dma_wait3A_992 = arith.constant 0 : i32
      %dma_wait3A_993 = arith.constant 0 : i32
      %dma_wait3A_994 = tpu.memref_slice %arg6[%dma_wait3A_991, %dma_wait3A_992, %dma_wait3A_993] : memref<10x64x128xf32, #tpu.memory_space<vmem>> -> memref<1x64x128xf32, #tpu.memory_space<vmem>>
      %dma_wait3A_995 = tpu.memref_squeeze %dma_wait3A_994 : memref<1x64x128xf32, #tpu.memory_space<vmem>> -> memref<64x128xf32, #tpu.memory_space<vmem>>
      %dma_wait3A_996 = tpu.memref_slice %arg5[%select_n3A_972, %mul3A_990] : memref<50x128xi32, #tpu.memory_space<vmem>> -> memref<1x64xi32, #tpu.memory_space<vmem>>
      %dma_wait3A_997 = tpu.memref_squeeze %dma_wait3A_996 : memref<1x64xi32, #tpu.memory_space<vmem>> -> memref<64xi32, #tpu.memory_space<vmem>>
      %dma_wait3A_998 = arith.constant 0 : i32
      %dma_wait3A_999 = arith.constant 0 : i32
      %dma_wait3A_1000 = tpu.memref_slice %arg7[%dma_wait3A_998, %dma_wait3A_999] : memref<1000x128xf32, #tpu.memory_space<vmem_shared>> -> memref<1000x128xf32, #tpu.memory_space<vmem_shared>>
      tpu.wait_indirect_dma semaphore(%arg12 : memref<!tpu.dma_semaphore, #tpu.memory_space<semaphore_mem>>) src(%dma_wait3A_1000 : memref<1000x128xf32, #tpu.memory_space<vmem_shared>>) dst(%dma_wait3A_995 : memref<64x128xf32, #tpu.memory_space<vmem>>)
      %add3A_1001 = arith.constant 3 : i32
      %add3A_1002 = arith.addi %mul3A_612, %add3A_1001 : i32
      %jit3A_1003 = arith.constant 2 : i32
      %div3A_1004 = arith.divsi %add3A_1002, %jit3A_1003 : i32
      %sign3A_1005 = arith.constant 0 : i32
      %sign3A_1006 = arith.cmpi sgt, %add3A_1002, %sign3A_1005 : i32
      %sign3A_1007 = arith.extui %sign3A_1006 : i1 to i32
      %sign3A_1008 = arith.constant 0 : i32
      %sign3A_1009 = arith.cmpi slt, %add3A_1002, %sign3A_1008 : i32
      %sign3A_1010 = arith.extui %sign3A_1009 : i1 to i32
      %sign3A_1011 = arith.subi %sign3A_1007, %sign3A_1010 : i32
      %sign3A_1012 = arith.constant 0 : i32
      %sign3A_1013 = arith.cmpi sgt, %jit3A_1003, %sign3A_1012 : i32
      %sign3A_1014 = arith.extui %sign3A_1013 : i1 to i32
      %sign3A_1015 = arith.constant 0 : i32
      %sign3A_1016 = arith.cmpi slt, %jit3A_1003, %sign3A_1015 : i32
      %sign3A_1017 = arith.extui %sign3A_1016 : i1 to i32
      %sign3A_1018 = arith.subi %sign3A_1014, %sign3A_1017 : i32
      %ne3A_1019 = arith.cmpi ne, %sign3A_1011, %sign3A_1018 : i32
      %rem3A_1020 = arith.remsi %add3A_1002, %jit3A_1003 : i32
      %ne3A_1021 = arith.constant 0 : i32
      %ne3A_1022 = arith.cmpi ne, %rem3A_1020, %ne3A_1021 : i32
      %and3A_1023 = arith.andi %ne3A_1019, %ne3A_1022 : i1
      %sub3A_1024 = arith.constant 1 : i32
      %sub3A_1025 = arith.subi %div3A_1004, %sub3A_1024 : i32
      %select_n3A_1026 = arith.select %and3A_1023, %sub3A_1025, %div3A_1004 : i32
      %jit3A_1027 = arith.constant 2 : i32
      %eq3A_1028 = arith.constant 0 : i32
      %eq3A_1029 = arith.cmpi eq, %jit3A_1027, %eq3A_1028 : i32
      %jit3A_1030 = arith.constant 1 : i32
      %select_n3A_1031 = arith.select %eq3A_1029, %jit3A_1030, %jit3A_1027 : i32
      %rem3A_1032 = arith.remsi %add3A_1002, %select_n3A_1031 : i32
      %ne3A_1033 = arith.constant 0 : i32
      %ne3A_1034 = arith.cmpi ne, %rem3A_1032, %ne3A_1033 : i32
      %lt3A_1035 = arith.constant 0 : i32
      %lt3A_1036 = arith.cmpi slt, %rem3A_1032, %lt3A_1035 : i32
      %lt3A_1037 = arith.constant 0 : i32
      %lt3A_1038 = arith.cmpi slt, %select_n3A_1031, %lt3A_1037 : i32
      %ne3A_1039 = arith.xori %lt3A_1036, %lt3A_1038 : i1
      %and3A_1040 = arith.andi %ne3A_1039, %ne3A_1034 : i1
      %add3A_1041 = arith.addi %rem3A_1032, %select_n3A_1031 : i32
      %select_n3A_1042 = arith.select %and3A_1040, %add3A_1041, %rem3A_1032 : i32
      %mul3A_1043 = arith.constant 64 : i32
      %mul3A_1044 = arith.muli %select_n3A_1042, %mul3A_1043 : i32
      %add3A_1045 = arith.addi %mul3A_2, %mul3A_1044 : i32
      %dma_start3A_1046 = arith.constant 3 : i32
      %dma_start3A_1047 = arith.constant 0 : i32
      %dma_start3A_1048 = arith.constant 0 : i32
      %dma_start3A_1049 = tpu.memref_slice %arg6[%dma_start3A_1046, %dma_start3A_1047, %dma_start3A_1048] : memref<10x64x128xf32, #tpu.memory_space<vmem>> -> memref<1x64x128xf32, #tpu.memory_space<vmem>>
      %dma_start3A_1050 = tpu.memref_squeeze %dma_start3A_1049 : memref<1x64x128xf32, #tpu.memory_space<vmem>> -> memref<64x128xf32, #tpu.memory_space<vmem>>
      %dma_start3A_1051 = arith.constant 0 : i32
      %dma_start3A_1052 = tpu.memref_slice %arg4[%select_n3A_1026, %add3A_1045, %dma_start3A_1051] : memref<50x4096x128xf32, #tpu.memory_space<hbm>> -> memref<1x64x128xf32, #tpu.memory_space<hbm>>
      %dma_start3A_1053 = tpu.memref_squeeze %dma_start3A_1052 : memref<1x64x128xf32, #tpu.memory_space<hbm>> -> memref<64x128xf32, #tpu.memory_space<hbm>>
      %dma_start3A_1054 = arith.constant 0 : i32
      %dma_start3A_1055 = tpu.memref_slice %arg4[%select_n3A_1026, %add3A_1045, %dma_start3A_1054] : memref<50x4096x128xf32, #tpu.memory_space<hbm>> -> memref<1x64x128xf32, #tpu.memory_space<hbm>>
      %dma_start3A_1056 = tpu.memref_squeeze %dma_start3A_1055 : memref<1x64x128xf32, #tpu.memory_space<hbm>> -> memref<64x128xf32, #tpu.memory_space<hbm>>
      %dma_start3A_1057 = arith.constant 0 : i32
      %dma_start3A_1058 = arith.constant 0 : i32
      %dma_start3A_1059 = tpu.memref_slice %arg6[%dma_start3A_1046, %dma_start3A_1057, %dma_start3A_1058] : memref<10x64x128xf32, #tpu.memory_space<vmem>> -> memref<1x64x128xf32, #tpu.memory_space<vmem>>
      %dma_start3A_1060 = tpu.memref_squeeze %dma_start3A_1059 : memref<1x64x128xf32, #tpu.memory_space<vmem>> -> memref<64x128xf32, #tpu.memory_space<vmem>>
      tpu.enqueue_dma source(%dma_start3A_1060 : memref<64x128xf32, #tpu.memory_space<vmem>>) target(%dma_start3A_1056 : memref<64x128xf32, #tpu.memory_space<hbm>>) target_semaphore(%arg22 : memref<!tpu.dma_semaphore, #tpu.memory_space<semaphore_mem>>)
      %add3A_1061 = arith.constant 4 : i32
      %add3A_1062 = arith.addi %mul3A_612, %add3A_1061 : i32
      %jit3A_1063 = arith.constant 2 : i32
      %div3A_1064 = arith.divsi %add3A_1062, %jit3A_1063 : i32
      %sign3A_1065 = arith.constant 0 : i32
      %sign3A_1066 = arith.cmpi sgt, %add3A_1062, %sign3A_1065 : i32
      %sign3A_1067 = arith.extui %sign3A_1066 : i1 to i32
      %sign3A_1068 = arith.constant 0 : i32
      %sign3A_1069 = arith.cmpi slt, %add3A_1062, %sign3A_1068 : i32
      %sign3A_1070 = arith.extui %sign3A_1069 : i1 to i32
      %sign3A_1071 = arith.subi %sign3A_1067, %sign3A_1070 : i32
      %sign3A_1072 = arith.constant 0 : i32
      %sign3A_1073 = arith.cmpi sgt, %jit3A_1063, %sign3A_1072 : i32
      %sign3A_1074 = arith.extui %sign3A_1073 : i1 to i32
      %sign3A_1075 = arith.constant 0 : i32
      %sign3A_1076 = arith.cmpi slt, %jit3A_1063, %sign3A_1075 : i32
      %sign3A_1077 = arith.extui %sign3A_1076 : i1 to i32
      %sign3A_1078 = arith.subi %sign3A_1074, %sign3A_1077 : i32
      %ne3A_1079 = arith.cmpi ne, %sign3A_1071, %sign3A_1078 : i32
      %rem3A_1080 = arith.remsi %add3A_1062, %jit3A_1063 : i32
      %ne3A_1081 = arith.constant 0 : i32
      %ne3A_1082 = arith.cmpi ne, %rem3A_1080, %ne3A_1081 : i32
      %and3A_1083 = arith.andi %ne3A_1079, %ne3A_1082 : i1
      %sub3A_1084 = arith.constant 1 : i32
      %sub3A_1085 = arith.subi %div3A_1064, %sub3A_1084 : i32
      %select_n3A_1086 = arith.select %and3A_1083, %sub3A_1085, %div3A_1064 : i32
      %jit3A_1087 = arith.constant 2 : i32
      %eq3A_1088 = arith.constant 0 : i32
      %eq3A_1089 = arith.cmpi eq, %jit3A_1087, %eq3A_1088 : i32
      %jit3A_1090 = arith.constant 1 : i32
      %select_n3A_1091 = arith.select %eq3A_1089, %jit3A_1090, %jit3A_1087 : i32
      %rem3A_1092 = arith.remsi %add3A_1062, %select_n3A_1091 : i32
      %ne3A_1093 = arith.constant 0 : i32
      %ne3A_1094 = arith.cmpi ne, %rem3A_1092, %ne3A_1093 : i32
      %lt3A_1095 = arith.constant 0 : i32
      %lt3A_1096 = arith.cmpi slt, %rem3A_1092, %lt3A_1095 : i32
      %lt3A_1097 = arith.constant 0 : i32
      %lt3A_1098 = arith.cmpi slt, %select_n3A_1091, %lt3A_1097 : i32
      %ne3A_1099 = arith.xori %lt3A_1096, %lt3A_1098 : i1
      %and3A_1100 = arith.andi %ne3A_1099, %ne3A_1094 : i1
      %add3A_1101 = arith.addi %rem3A_1092, %select_n3A_1091 : i32
      %select_n3A_1102 = arith.select %and3A_1100, %add3A_1101, %rem3A_1092 : i32
      %mul3A_1103 = arith.constant 64 : i32
      %mul3A_1104 = arith.muli %select_n3A_1102, %mul3A_1103 : i32
      %dma_wait3A_1105 = arith.constant 4 : i32
      %dma_wait3A_1106 = arith.constant 0 : i32
      %dma_wait3A_1107 = arith.constant 0 : i32
      %dma_wait3A_1108 = tpu.memref_slice %arg6[%dma_wait3A_1105, %dma_wait3A_1106, %dma_wait3A_1107] : memref<10x64x128xf32, #tpu.memory_space<vmem>> -> memref<1x64x128xf32, #tpu.memory_space<vmem>>
      %dma_wait3A_1109 = tpu.memref_squeeze %dma_wait3A_1108 : memref<1x64x128xf32, #tpu.memory_space<vmem>> -> memref<64x128xf32, #tpu.memory_space<vmem>>
      %dma_wait3A_1110 = tpu.memref_slice %arg5[%select_n3A_1086, %mul3A_1104] : memref<50x128xi32, #tpu.memory_space<vmem>> -> memref<1x64xi32, #tpu.memory_space<vmem>>
      %dma_wait3A_1111 = tpu.memref_squeeze %dma_wait3A_1110 : memref<1x64xi32, #tpu.memory_space<vmem>> -> memref<64xi32, #tpu.memory_space<vmem>>
      %dma_wait3A_1112 = arith.constant 0 : i32
      %dma_wait3A_1113 = arith.constant 0 : i32
      %dma_wait3A_1114 = tpu.memref_slice %arg7[%dma_wait3A_1112, %dma_wait3A_1113] : memref<1000x128xf32, #tpu.memory_space<vmem_shared>> -> memref<1000x128xf32, #tpu.memory_space<vmem_shared>>
      tpu.wait_indirect_dma semaphore(%arg13 : memref<!tpu.dma_semaphore, #tpu.memory_space<semaphore_mem>>) src(%dma_wait3A_1114 : memref<1000x128xf32, #tpu.memory_space<vmem_shared>>) dst(%dma_wait3A_1109 : memref<64x128xf32, #tpu.memory_space<vmem>>)
      %add3A_1115 = arith.constant 4 : i32
      %add3A_1116 = arith.addi %mul3A_612, %add3A_1115 : i32
      %jit3A_1117 = arith.constant 2 : i32
      %div3A_1118 = arith.divsi %add3A_1116, %jit3A_1117 : i32
      %sign3A_1119 = arith.constant 0 : i32
      %sign3A_1120 = arith.cmpi sgt, %add3A_1116, %sign3A_1119 : i32
      %sign3A_1121 = arith.extui %sign3A_1120 : i1 to i32
      %sign3A_1122 = arith.constant 0 : i32
      %sign3A_1123 = arith.cmpi slt, %add3A_1116, %sign3A_1122 : i32
      %sign3A_1124 = arith.extui %sign3A_1123 : i1 to i32
      %sign3A_1125 = arith.subi %sign3A_1121, %sign3A_1124 : i32
      %sign3A_1126 = arith.constant 0 : i32
      %sign3A_1127 = arith.cmpi sgt, %jit3A_1117, %sign3A_1126 : i32
      %sign3A_1128 = arith.extui %sign3A_1127 : i1 to i32
      %sign3A_1129 = arith.constant 0 : i32
      %sign3A_1130 = arith.cmpi slt, %jit3A_1117, %sign3A_1129 : i32
      %sign3A_1131 = arith.extui %sign3A_1130 : i1 to i32
      %sign3A_1132 = arith.subi %sign3A_1128, %sign3A_1131 : i32
      %ne3A_1133 = arith.cmpi ne, %sign3A_1125, %sign3A_1132 : i32
      %rem3A_1134 = arith.remsi %add3A_1116, %jit3A_1117 : i32
      %ne3A_1135 = arith.constant 0 : i32
      %ne3A_1136 = arith.cmpi ne, %rem3A_1134, %ne3A_1135 : i32
      %and3A_1137 = arith.andi %ne3A_1133, %ne3A_1136 : i1
      %sub3A_1138 = arith.constant 1 : i32
      %sub3A_1139 = arith.subi %div3A_1118, %sub3A_1138 : i32
      %select_n3A_1140 = arith.select %and3A_1137, %sub3A_1139, %div3A_1118 : i32
      %jit3A_1141 = arith.constant 2 : i32
      %eq3A_1142 = arith.constant 0 : i32
      %eq3A_1143 = arith.cmpi eq, %jit3A_1141, %eq3A_1142 : i32
      %jit3A_1144 = arith.constant 1 : i32
      %select_n3A_1145 = arith.select %eq3A_1143, %jit3A_1144, %jit3A_1141 : i32
      %rem3A_1146 = arith.remsi %add3A_1116, %select_n3A_1145 : i32
      %ne3A_1147 = arith.constant 0 : i32
      %ne3A_1148 = arith.cmpi ne, %rem3A_1146, %ne3A_1147 : i32
      %lt3A_1149 = arith.constant 0 : i32
      %lt3A_1150 = arith.cmpi slt, %rem3A_1146, %lt3A_1149 : i32
      %lt3A_1151 = arith.constant 0 : i32
      %lt3A_1152 = arith.cmpi slt, %select_n3A_1145, %lt3A_1151 : i32
      %ne3A_1153 = arith.xori %lt3A_1150, %lt3A_1152 : i1
      %and3A_1154 = arith.andi %ne3A_1153, %ne3A_1148 : i1
      %add3A_1155 = arith.addi %rem3A_1146, %select_n3A_1145 : i32
      %select_n3A_1156 = arith.select %and3A_1154, %add3A_1155, %rem3A_1146 : i32
      %mul3A_1157 = arith.constant 64 : i32
      %mul3A_1158 = arith.muli %select_n3A_1156, %mul3A_1157 : i32
      %add3A_1159 = arith.addi %mul3A_2, %mul3A_1158 : i32
      %dma_start3A_1160 = arith.constant 4 : i32
      %dma_start3A_1161 = arith.constant 0 : i32
      %dma_start3A_1162 = arith.constant 0 : i32
      %dma_start3A_1163 = tpu.memref_slice %arg6[%dma_start3A_1160, %dma_start3A_1161, %dma_start3A_1162] : memref<10x64x128xf32, #tpu.memory_space<vmem>> -> memref<1x64x128xf32, #tpu.memory_space<vmem>>
      %dma_start3A_1164 = tpu.memref_squeeze %dma_start3A_1163 : memref<1x64x128xf32, #tpu.memory_space<vmem>> -> memref<64x128xf32, #tpu.memory_space<vmem>>
      %dma_start3A_1165 = arith.constant 0 : i32
      %dma_start3A_1166 = tpu.memref_slice %arg4[%select_n3A_1140, %add3A_1159, %dma_start3A_1165] : memref<50x4096x128xf32, #tpu.memory_space<hbm>> -> memref<1x64x128xf32, #tpu.memory_space<hbm>>
      %dma_start3A_1167 = tpu.memref_squeeze %dma_start3A_1166 : memref<1x64x128xf32, #tpu.memory_space<hbm>> -> memref<64x128xf32, #tpu.memory_space<hbm>>
      %dma_start3A_1168 = arith.constant 0 : i32
      %dma_start3A_1169 = tpu.memref_slice %arg4[%select_n3A_1140, %add3A_1159, %dma_start3A_1168] : memref<50x4096x128xf32, #tpu.memory_space<hbm>> -> memref<1x64x128xf32, #tpu.memory_space<hbm>>
      %dma_start3A_1170 = tpu.memref_squeeze %dma_start3A_1169 : memref<1x64x128xf32, #tpu.memory_space<hbm>> -> memref<64x128xf32, #tpu.memory_space<hbm>>
      %dma_start3A_1171 = arith.constant 0 : i32
      %dma_start3A_1172 = arith.constant 0 : i32
      %dma_start3A_1173 = tpu.memref_slice %arg6[%dma_start3A_1160, %dma_start3A_1171, %dma_start3A_1172] : memref<10x64x128xf32, #tpu.memory_space<vmem>> -> memref<1x64x128xf32, #tpu.memory_space<vmem>>
      %dma_start3A_1174 = tpu.memref_squeeze %dma_start3A_1173 : memref<1x64x128xf32, #tpu.memory_space<vmem>> -> memref<64x128xf32, #tpu.memory_space<vmem>>
      tpu.enqueue_dma source(%dma_start3A_1174 : memref<64x128xf32, #tpu.memory_space<vmem>>) target(%dma_start3A_1170 : memref<64x128xf32, #tpu.memory_space<hbm>>) target_semaphore(%arg23 : memref<!tpu.dma_semaphore, #tpu.memory_space<semaphore_mem>>)
      %add3A_1175 = arith.constant 5 : i32
      %add3A_1176 = arith.addi %mul3A_612, %add3A_1175 : i32
      %jit3A_1177 = arith.constant 2 : i32
      %div3A_1178 = arith.divsi %add3A_1176, %jit3A_1177 : i32
      %sign3A_1179 = arith.constant 0 : i32
      %sign3A_1180 = arith.cmpi sgt, %add3A_1176, %sign3A_1179 : i32
      %sign3A_1181 = arith.extui %sign3A_1180 : i1 to i32
      %sign3A_1182 = arith.constant 0 : i32
      %sign3A_1183 = arith.cmpi slt, %add3A_1176, %sign3A_1182 : i32
      %sign3A_1184 = arith.extui %sign3A_1183 : i1 to i32
      %sign3A_1185 = arith.subi %sign3A_1181, %sign3A_1184 : i32
      %sign3A_1186 = arith.constant 0 : i32
      %sign3A_1187 = arith.cmpi sgt, %jit3A_1177, %sign3A_1186 : i32
      %sign3A_1188 = arith.extui %sign3A_1187 : i1 to i32
      %sign3A_1189 = arith.constant 0 : i32
      %sign3A_1190 = arith.cmpi slt, %jit3A_1177, %sign3A_1189 : i32
      %sign3A_1191 = arith.extui %sign3A_1190 : i1 to i32
      %sign3A_1192 = arith.subi %sign3A_1188, %sign3A_1191 : i32
      %ne3A_1193 = arith.cmpi ne, %sign3A_1185, %sign3A_1192 : i32
      %rem3A_1194 = arith.remsi %add3A_1176, %jit3A_1177 : i32
      %ne3A_1195 = arith.constant 0 : i32
      %ne3A_1196 = arith.cmpi ne, %rem3A_1194, %ne3A_1195 : i32
      %and3A_1197 = arith.andi %ne3A_1193, %ne3A_1196 : i1
      %sub3A_1198 = arith.constant 1 : i32
      %sub3A_1199 = arith.subi %div3A_1178, %sub3A_1198 : i32
      %select_n3A_1200 = arith.select %and3A_1197, %sub3A_1199, %div3A_1178 : i32
      %jit3A_1201 = arith.constant 2 : i32
      %eq3A_1202 = arith.constant 0 : i32
      %eq3A_1203 = arith.cmpi eq, %jit3A_1201, %eq3A_1202 : i32
      %jit3A_1204 = arith.constant 1 : i32
      %select_n3A_1205 = arith.select %eq3A_1203, %jit3A_1204, %jit3A_1201 : i32
      %rem3A_1206 = arith.remsi %add3A_1176, %select_n3A_1205 : i32
      %ne3A_1207 = arith.constant 0 : i32
      %ne3A_1208 = arith.cmpi ne, %rem3A_1206, %ne3A_1207 : i32
      %lt3A_1209 = arith.constant 0 : i32
      %lt3A_1210 = arith.cmpi slt, %rem3A_1206, %lt3A_1209 : i32
      %lt3A_1211 = arith.constant 0 : i32
      %lt3A_1212 = arith.cmpi slt, %select_n3A_1205, %lt3A_1211 : i32
      %ne3A_1213 = arith.xori %lt3A_1210, %lt3A_1212 : i1
      %and3A_1214 = arith.andi %ne3A_1213, %ne3A_1208 : i1
      %add3A_1215 = arith.addi %rem3A_1206, %select_n3A_1205 : i32
      %select_n3A_1216 = arith.select %and3A_1214, %add3A_1215, %rem3A_1206 : i32
      %mul3A_1217 = arith.constant 64 : i32
      %mul3A_1218 = arith.muli %select_n3A_1216, %mul3A_1217 : i32
      %dma_wait3A_1219 = arith.constant 5 : i32
      %dma_wait3A_1220 = arith.constant 0 : i32
      %dma_wait3A_1221 = arith.constant 0 : i32
      %dma_wait3A_1222 = tpu.memref_slice %arg6[%dma_wait3A_1219, %dma_wait3A_1220, %dma_wait3A_1221] : memref<10x64x128xf32, #tpu.memory_space<vmem>> -> memref<1x64x128xf32, #tpu.memory_space<vmem>>
      %dma_wait3A_1223 = tpu.memref_squeeze %dma_wait3A_1222 : memref<1x64x128xf32, #tpu.memory_space<vmem>> -> memref<64x128xf32, #tpu.memory_space<vmem>>
      %dma_wait3A_1224 = tpu.memref_slice %arg5[%select_n3A_1200, %mul3A_1218] : memref<50x128xi32, #tpu.memory_space<vmem>> -> memref<1x64xi32, #tpu.memory_space<vmem>>
      %dma_wait3A_1225 = tpu.memref_squeeze %dma_wait3A_1224 : memref<1x64xi32, #tpu.memory_space<vmem>> -> memref<64xi32, #tpu.memory_space<vmem>>
      %dma_wait3A_1226 = arith.constant 0 : i32
      %dma_wait3A_1227 = arith.constant 0 : i32
      %dma_wait3A_1228 = tpu.memref_slice %arg7[%dma_wait3A_1226, %dma_wait3A_1227] : memref<1000x128xf32, #tpu.memory_space<vmem_shared>> -> memref<1000x128xf32, #tpu.memory_space<vmem_shared>>
      tpu.wait_indirect_dma semaphore(%arg14 : memref<!tpu.dma_semaphore, #tpu.memory_space<semaphore_mem>>) src(%dma_wait3A_1228 : memref<1000x128xf32, #tpu.memory_space<vmem_shared>>) dst(%dma_wait3A_1223 : memref<64x128xf32, #tpu.memory_space<vmem>>)
      %add3A_1229 = arith.constant 5 : i32
      %add3A_1230 = arith.addi %mul3A_612, %add3A_1229 : i32
      %jit3A_1231 = arith.constant 2 : i32
      %div3A_1232 = arith.divsi %add3A_1230, %jit3A_1231 : i32
      %sign3A_1233 = arith.constant 0 : i32
      %sign3A_1234 = arith.cmpi sgt, %add3A_1230, %sign3A_1233 : i32
      %sign3A_1235 = arith.extui %sign3A_1234 : i1 to i32
      %sign3A_1236 = arith.constant 0 : i32
      %sign3A_1237 = arith.cmpi slt, %add3A_1230, %sign3A_1236 : i32
      %sign3A_1238 = arith.extui %sign3A_1237 : i1 to i32
      %sign3A_1239 = arith.subi %sign3A_1235, %sign3A_1238 : i32
      %sign3A_1240 = arith.constant 0 : i32
      %sign3A_1241 = arith.cmpi sgt, %jit3A_1231, %sign3A_1240 : i32
      %sign3A_1242 = arith.extui %sign3A_1241 : i1 to i32
      %sign3A_1243 = arith.constant 0 : i32
      %sign3A_1244 = arith.cmpi slt, %jit3A_1231, %sign3A_1243 : i32
      %sign3A_1245 = arith.extui %sign3A_1244 : i1 to i32
      %sign3A_1246 = arith.subi %sign3A_1242, %sign3A_1245 : i32
      %ne3A_1247 = arith.cmpi ne, %sign3A_1239, %sign3A_1246 : i32
      %rem3A_1248 = arith.remsi %add3A_1230, %jit3A_1231 : i32
      %ne3A_1249 = arith.constant 0 : i32
      %ne3A_1250 = arith.cmpi ne, %rem3A_1248, %ne3A_1249 : i32
      %and3A_1251 = arith.andi %ne3A_1247, %ne3A_1250 : i1
      %sub3A_1252 = arith.constant 1 : i32
      %sub3A_1253 = arith.subi %div3A_1232, %sub3A_1252 : i32
      %select_n3A_1254 = arith.select %and3A_1251, %sub3A_1253, %div3A_1232 : i32
      %jit3A_1255 = arith.constant 2 : i32
      %eq3A_1256 = arith.constant 0 : i32
      %eq3A_1257 = arith.cmpi eq, %jit3A_1255, %eq3A_1256 : i32
      %jit3A_1258 = arith.constant 1 : i32
      %select_n3A_1259 = arith.select %eq3A_1257, %jit3A_1258, %jit3A_1255 : i32
      %rem3A_1260 = arith.remsi %add3A_1230, %select_n3A_1259 : i32
      %ne3A_1261 = arith.constant 0 : i32
      %ne3A_1262 = arith.cmpi ne, %rem3A_1260, %ne3A_1261 : i32
      %lt3A_1263 = arith.constant 0 : i32
      %lt3A_1264 = arith.cmpi slt, %rem3A_1260, %lt3A_1263 : i32
      %lt3A_1265 = arith.constant 0 : i32
      %lt3A_1266 = arith.cmpi slt, %select_n3A_1259, %lt3A_1265 : i32
      %ne3A_1267 = arith.xori %lt3A_1264, %lt3A_1266 : i1
      %and3A_1268 = arith.andi %ne3A_1267, %ne3A_1262 : i1
      %add3A_1269 = arith.addi %rem3A_1260, %select_n3A_1259 : i32
      %select_n3A_1270 = arith.select %and3A_1268, %add3A_1269, %rem3A_1260 : i32
      %mul3A_1271 = arith.constant 64 : i32
      %mul3A_1272 = arith.muli %select_n3A_1270, %mul3A_1271 : i32
      %add3A_1273 = arith.addi %mul3A_2, %mul3A_1272 : i32
      %dma_start3A_1274 = arith.constant 5 : i32
      %dma_start3A_1275 = arith.constant 0 : i32
      %dma_start3A_1276 = arith.constant 0 : i32
      %dma_start3A_1277 = tpu.memref_slice %arg6[%dma_start3A_1274, %dma_start3A_1275, %dma_start3A_1276] : memref<10x64x128xf32, #tpu.memory_space<vmem>> -> memref<1x64x128xf32, #tpu.memory_space<vmem>>
      %dma_start3A_1278 = tpu.memref_squeeze %dma_start3A_1277 : memref<1x64x128xf32, #tpu.memory_space<vmem>> -> memref<64x128xf32, #tpu.memory_space<vmem>>
      %dma_start3A_1279 = arith.constant 0 : i32
      %dma_start3A_1280 = tpu.memref_slice %arg4[%select_n3A_1254, %add3A_1273, %dma_start3A_1279] : memref<50x4096x128xf32, #tpu.memory_space<hbm>> -> memref<1x64x128xf32, #tpu.memory_space<hbm>>
      %dma_start3A_1281 = tpu.memref_squeeze %dma_start3A_1280 : memref<1x64x128xf32, #tpu.memory_space<hbm>> -> memref<64x128xf32, #tpu.memory_space<hbm>>
      %dma_start3A_1282 = arith.constant 0 : i32
      %dma_start3A_1283 = tpu.memref_slice %arg4[%select_n3A_1254, %add3A_1273, %dma_start3A_1282] : memref<50x4096x128xf32, #tpu.memory_space<hbm>> -> memref<1x64x128xf32, #tpu.memory_space<hbm>>
      %dma_start3A_1284 = tpu.memref_squeeze %dma_start3A_1283 : memref<1x64x128xf32, #tpu.memory_space<hbm>> -> memref<64x128xf32, #tpu.memory_space<hbm>>
      %dma_start3A_1285 = arith.constant 0 : i32
      %dma_start3A_1286 = arith.constant 0 : i32
      %dma_start3A_1287 = tpu.memref_slice %arg6[%dma_start3A_1274, %dma_start3A_1285, %dma_start3A_1286] : memref<10x64x128xf32, #tpu.memory_space<vmem>> -> memref<1x64x128xf32, #tpu.memory_space<vmem>>
      %dma_start3A_1288 = tpu.memref_squeeze %dma_start3A_1287 : memref<1x64x128xf32, #tpu.memory_space<vmem>> -> memref<64x128xf32, #tpu.memory_space<vmem>>
      tpu.enqueue_dma source(%dma_start3A_1288 : memref<64x128xf32, #tpu.memory_space<vmem>>) target(%dma_start3A_1284 : memref<64x128xf32, #tpu.memory_space<hbm>>) target_semaphore(%arg24 : memref<!tpu.dma_semaphore, #tpu.memory_space<semaphore_mem>>)
      %add3A_1289 = arith.constant 6 : i32
      %add3A_1290 = arith.addi %mul3A_612, %add3A_1289 : i32
      %jit3A_1291 = arith.constant 2 : i32
      %div3A_1292 = arith.divsi %add3A_1290, %jit3A_1291 : i32
      %sign3A_1293 = arith.constant 0 : i32
      %sign3A_1294 = arith.cmpi sgt, %add3A_1290, %sign3A_1293 : i32
      %sign3A_1295 = arith.extui %sign3A_1294 : i1 to i32
      %sign3A_1296 = arith.constant 0 : i32
      %sign3A_1297 = arith.cmpi slt, %add3A_1290, %sign3A_1296 : i32
      %sign3A_1298 = arith.extui %sign3A_1297 : i1 to i32
      %sign3A_1299 = arith.subi %sign3A_1295, %sign3A_1298 : i32
      %sign3A_1300 = arith.constant 0 : i32
      %sign3A_1301 = arith.cmpi sgt, %jit3A_1291, %sign3A_1300 : i32
      %sign3A_1302 = arith.extui %sign3A_1301 : i1 to i32
      %sign3A_1303 = arith.constant 0 : i32
      %sign3A_1304 = arith.cmpi slt, %jit3A_1291, %sign3A_1303 : i32
      %sign3A_1305 = arith.extui %sign3A_1304 : i1 to i32
      %sign3A_1306 = arith.subi %sign3A_1302, %sign3A_1305 : i32
      %ne3A_1307 = arith.cmpi ne, %sign3A_1299, %sign3A_1306 : i32
      %rem3A_1308 = arith.remsi %add3A_1290, %jit3A_1291 : i32
      %ne3A_1309 = arith.constant 0 : i32
      %ne3A_1310 = arith.cmpi ne, %rem3A_1308, %ne3A_1309 : i32
      %and3A_1311 = arith.andi %ne3A_1307, %ne3A_1310 : i1
      %sub3A_1312 = arith.constant 1 : i32
      %sub3A_1313 = arith.subi %div3A_1292, %sub3A_1312 : i32
      %select_n3A_1314 = arith.select %and3A_1311, %sub3A_1313, %div3A_1292 : i32
      %jit3A_1315 = arith.constant 2 : i32
      %eq3A_1316 = arith.constant 0 : i32
      %eq3A_1317 = arith.cmpi eq, %jit3A_1315, %eq3A_1316 : i32
      %jit3A_1318 = arith.constant 1 : i32
      %select_n3A_1319 = arith.select %eq3A_1317, %jit3A_1318, %jit3A_1315 : i32
      %rem3A_1320 = arith.remsi %add3A_1290, %select_n3A_1319 : i32
      %ne3A_1321 = arith.constant 0 : i32
      %ne3A_1322 = arith.cmpi ne, %rem3A_1320, %ne3A_1321 : i32
      %lt3A_1323 = arith.constant 0 : i32
      %lt3A_1324 = arith.cmpi slt, %rem3A_1320, %lt3A_1323 : i32
      %lt3A_1325 = arith.constant 0 : i32
      %lt3A_1326 = arith.cmpi slt, %select_n3A_1319, %lt3A_1325 : i32
      %ne3A_1327 = arith.xori %lt3A_1324, %lt3A_1326 : i1
      %and3A_1328 = arith.andi %ne3A_1327, %ne3A_1322 : i1
      %add3A_1329 = arith.addi %rem3A_1320, %select_n3A_1319 : i32
      %select_n3A_1330 = arith.select %and3A_1328, %add3A_1329, %rem3A_1320 : i32
      %mul3A_1331 = arith.constant 64 : i32
      %mul3A_1332 = arith.muli %select_n3A_1330, %mul3A_1331 : i32
      %dma_wait3A_1333 = arith.constant 6 : i32
      %dma_wait3A_1334 = arith.constant 0 : i32
      %dma_wait3A_1335 = arith.constant 0 : i32
      %dma_wait3A_1336 = tpu.memref_slice %arg6[%dma_wait3A_1333, %dma_wait3A_1334, %dma_wait3A_1335] : memref<10x64x128xf32, #tpu.memory_space<vmem>> -> memref<1x64x128xf32, #tpu.memory_space<vmem>>
      %dma_wait3A_1337 = tpu.memref_squeeze %dma_wait3A_1336 : memref<1x64x128xf32, #tpu.memory_space<vmem>> -> memref<64x128xf32, #tpu.memory_space<vmem>>
      %dma_wait3A_1338 = tpu.memref_slice %arg5[%select_n3A_1314, %mul3A_1332] : memref<50x128xi32, #tpu.memory_space<vmem>> -> memref<1x64xi32, #tpu.memory_space<vmem>>
      %dma_wait3A_1339 = tpu.memref_squeeze %dma_wait3A_1338 : memref<1x64xi32, #tpu.memory_space<vmem>> -> memref<64xi32, #tpu.memory_space<vmem>>
      %dma_wait3A_1340 = arith.constant 0 : i32
      %dma_wait3A_1341 = arith.constant 0 : i32
      %dma_wait3A_1342 = tpu.memref_slice %arg7[%dma_wait3A_1340, %dma_wait3A_1341] : memref<1000x128xf32, #tpu.memory_space<vmem_shared>> -> memref<1000x128xf32, #tpu.memory_space<vmem_shared>>
      tpu.wait_indirect_dma semaphore(%arg15 : memref<!tpu.dma_semaphore, #tpu.memory_space<semaphore_mem>>) src(%dma_wait3A_1342 : memref<1000x128xf32, #tpu.memory_space<vmem_shared>>) dst(%dma_wait3A_1337 : memref<64x128xf32, #tpu.memory_space<vmem>>)
      %add3A_1343 = arith.constant 6 : i32
      %add3A_1344 = arith.addi %mul3A_612, %add3A_1343 : i32
      %jit3A_1345 = arith.constant 2 : i32
      %div3A_1346 = arith.divsi %add3A_1344, %jit3A_1345 : i32
      %sign3A_1347 = arith.constant 0 : i32
      %sign3A_1348 = arith.cmpi sgt, %add3A_1344, %sign3A_1347 : i32
      %sign3A_1349 = arith.extui %sign3A_1348 : i1 to i32
      %sign3A_1350 = arith.constant 0 : i32
      %sign3A_1351 = arith.cmpi slt, %add3A_1344, %sign3A_1350 : i32
      %sign3A_1352 = arith.extui %sign3A_1351 : i1 to i32
      %sign3A_1353 = arith.subi %sign3A_1349, %sign3A_1352 : i32
      %sign3A_1354 = arith.constant 0 : i32
      %sign3A_1355 = arith.cmpi sgt, %jit3A_1345, %sign3A_1354 : i32
      %sign3A_1356 = arith.extui %sign3A_1355 : i1 to i32
      %sign3A_1357 = arith.constant 0 : i32
      %sign3A_1358 = arith.cmpi slt, %jit3A_1345, %sign3A_1357 : i32
      %sign3A_1359 = arith.extui %sign3A_1358 : i1 to i32
      %sign3A_1360 = arith.subi %sign3A_1356, %sign3A_1359 : i32
      %ne3A_1361 = arith.cmpi ne, %sign3A_1353, %sign3A_1360 : i32
      %rem3A_1362 = arith.remsi %add3A_1344, %jit3A_1345 : i32
      %ne3A_1363 = arith.constant 0 : i32
      %ne3A_1364 = arith.cmpi ne, %rem3A_1362, %ne3A_1363 : i32
      %and3A_1365 = arith.andi %ne3A_1361, %ne3A_1364 : i1
      %sub3A_1366 = arith.constant 1 : i32
      %sub3A_1367 = arith.subi %div3A_1346, %sub3A_1366 : i32
      %select_n3A_1368 = arith.select %and3A_1365, %sub3A_1367, %div3A_1346 : i32
      %jit3A_1369 = arith.constant 2 : i32
      %eq3A_1370 = arith.constant 0 : i32
      %eq3A_1371 = arith.cmpi eq, %jit3A_1369, %eq3A_1370 : i32
      %jit3A_1372 = arith.constant 1 : i32
      %select_n3A_1373 = arith.select %eq3A_1371, %jit3A_1372, %jit3A_1369 : i32
      %rem3A_1374 = arith.remsi %add3A_1344, %select_n3A_1373 : i32
      %ne3A_1375 = arith.constant 0 : i32
      %ne3A_1376 = arith.cmpi ne, %rem3A_1374, %ne3A_1375 : i32
      %lt3A_1377 = arith.constant 0 : i32
      %lt3A_1378 = arith.cmpi slt, %rem3A_1374, %lt3A_1377 : i32
      %lt3A_1379 = arith.constant 0 : i32
      %lt3A_1380 = arith.cmpi slt, %select_n3A_1373, %lt3A_1379 : i32
      %ne3A_1381 = arith.xori %lt3A_1378, %lt3A_1380 : i1
      %and3A_1382 = arith.andi %ne3A_1381, %ne3A_1376 : i1
      %add3A_1383 = arith.addi %rem3A_1374, %select_n3A_1373 : i32
      %select_n3A_1384 = arith.select %and3A_1382, %add3A_1383, %rem3A_1374 : i32
      %mul3A_1385 = arith.constant 64 : i32
      %mul3A_1386 = arith.muli %select_n3A_1384, %mul3A_1385 : i32
      %add3A_1387 = arith.addi %mul3A_2, %mul3A_1386 : i32
      %dma_start3A_1388 = arith.constant 6 : i32
      %dma_start3A_1389 = arith.constant 0 : i32
      %dma_start3A_1390 = arith.constant 0 : i32
      %dma_start3A_1391 = tpu.memref_slice %arg6[%dma_start3A_1388, %dma_start3A_1389, %dma_start3A_1390] : memref<10x64x128xf32, #tpu.memory_space<vmem>> -> memref<1x64x128xf32, #tpu.memory_space<vmem>>
      %dma_start3A_1392 = tpu.memref_squeeze %dma_start3A_1391 : memref<1x64x128xf32, #tpu.memory_space<vmem>> -> memref<64x128xf32, #tpu.memory_space<vmem>>
      %dma_start3A_1393 = arith.constant 0 : i32
      %dma_start3A_1394 = tpu.memref_slice %arg4[%select_n3A_1368, %add3A_1387, %dma_start3A_1393] : memref<50x4096x128xf32, #tpu.memory_space<hbm>> -> memref<1x64x128xf32, #tpu.memory_space<hbm>>
      %dma_start3A_1395 = tpu.memref_squeeze %dma_start3A_1394 : memref<1x64x128xf32, #tpu.memory_space<hbm>> -> memref<64x128xf32, #tpu.memory_space<hbm>>
      %dma_start3A_1396 = arith.constant 0 : i32
      %dma_start3A_1397 = tpu.memref_slice %arg4[%select_n3A_1368, %add3A_1387, %dma_start3A_1396] : memref<50x4096x128xf32, #tpu.memory_space<hbm>> -> memref<1x64x128xf32, #tpu.memory_space<hbm>>
      %dma_start3A_1398 = tpu.memref_squeeze %dma_start3A_1397 : memref<1x64x128xf32, #tpu.memory_space<hbm>> -> memref<64x128xf32, #tpu.memory_space<hbm>>
      %dma_start3A_1399 = arith.constant 0 : i32
      %dma_start3A_1400 = arith.constant 0 : i32
      %dma_start3A_1401 = tpu.memref_slice %arg6[%dma_start3A_1388, %dma_start3A_1399, %dma_start3A_1400] : memref<10x64x128xf32, #tpu.memory_space<vmem>> -> memref<1x64x128xf32, #tpu.memory_space<vmem>>
      %dma_start3A_1402 = tpu.memref_squeeze %dma_start3A_1401 : memref<1x64x128xf32, #tpu.memory_space<vmem>> -> memref<64x128xf32, #tpu.memory_space<vmem>>
      tpu.enqueue_dma source(%dma_start3A_1402 : memref<64x128xf32, #tpu.memory_space<vmem>>) target(%dma_start3A_1398 : memref<64x128xf32, #tpu.memory_space<hbm>>) target_semaphore(%arg25 : memref<!tpu.dma_semaphore, #tpu.memory_space<semaphore_mem>>)
      %add3A_1403 = arith.constant 7 : i32
      %add3A_1404 = arith.addi %mul3A_612, %add3A_1403 : i32
      %jit3A_1405 = arith.constant 2 : i32
      %div3A_1406 = arith.divsi %add3A_1404, %jit3A_1405 : i32
      %sign3A_1407 = arith.constant 0 : i32
      %sign3A_1408 = arith.cmpi sgt, %add3A_1404, %sign3A_1407 : i32
      %sign3A_1409 = arith.extui %sign3A_1408 : i1 to i32
      %sign3A_1410 = arith.constant 0 : i32
      %sign3A_1411 = arith.cmpi slt, %add3A_1404, %sign3A_1410 : i32
      %sign3A_1412 = arith.extui %sign3A_1411 : i1 to i32
      %sign3A_1413 = arith.subi %sign3A_1409, %sign3A_1412 : i32
      %sign3A_1414 = arith.constant 0 : i32
      %sign3A_1415 = arith.cmpi sgt, %jit3A_1405, %sign3A_1414 : i32
      %sign3A_1416 = arith.extui %sign3A_1415 : i1 to i32
      %sign3A_1417 = arith.constant 0 : i32
      %sign3A_1418 = arith.cmpi slt, %jit3A_1405, %sign3A_1417 : i32
      %sign3A_1419 = arith.extui %sign3A_1418 : i1 to i32
      %sign3A_1420 = arith.subi %sign3A_1416, %sign3A_1419 : i32
      %ne3A_1421 = arith.cmpi ne, %sign3A_1413, %sign3A_1420 : i32
      %rem3A_1422 = arith.remsi %add3A_1404, %jit3A_1405 : i32
      %ne3A_1423 = arith.constant 0 : i32
      %ne3A_1424 = arith.cmpi ne, %rem3A_1422, %ne3A_1423 : i32
      %and3A_1425 = arith.andi %ne3A_1421, %ne3A_1424 : i1
      %sub3A_1426 = arith.constant 1 : i32
      %sub3A_1427 = arith.subi %div3A_1406, %sub3A_1426 : i32
      %select_n3A_1428 = arith.select %and3A_1425, %sub3A_1427, %div3A_1406 : i32
      %jit3A_1429 = arith.constant 2 : i32
      %eq3A_1430 = arith.constant 0 : i32
      %eq3A_1431 = arith.cmpi eq, %jit3A_1429, %eq3A_1430 : i32
      %jit3A_1432 = arith.constant 1 : i32
      %select_n3A_1433 = arith.select %eq3A_1431, %jit3A_1432, %jit3A_1429 : i32
      %rem3A_1434 = arith.remsi %add3A_1404, %select_n3A_1433 : i32
      %ne3A_1435 = arith.constant 0 : i32
      %ne3A_1436 = arith.cmpi ne, %rem3A_1434, %ne3A_1435 : i32
      %lt3A_1437 = arith.constant 0 : i32
      %lt3A_1438 = arith.cmpi slt, %rem3A_1434, %lt3A_1437 : i32
      %lt3A_1439 = arith.constant 0 : i32
      %lt3A_1440 = arith.cmpi slt, %select_n3A_1433, %lt3A_1439 : i32
      %ne3A_1441 = arith.xori %lt3A_1438, %lt3A_1440 : i1
      %and3A_1442 = arith.andi %ne3A_1441, %ne3A_1436 : i1
      %add3A_1443 = arith.addi %rem3A_1434, %select_n3A_1433 : i32
      %select_n3A_1444 = arith.select %and3A_1442, %add3A_1443, %rem3A_1434 : i32
      %mul3A_1445 = arith.constant 64 : i32
      %mul3A_1446 = arith.muli %select_n3A_1444, %mul3A_1445 : i32
      %dma_wait3A_1447 = arith.constant 7 : i32
      %dma_wait3A_1448 = arith.constant 0 : i32
      %dma_wait3A_1449 = arith.constant 0 : i32
      %dma_wait3A_1450 = tpu.memref_slice %arg6[%dma_wait3A_1447, %dma_wait3A_1448, %dma_wait3A_1449] : memref<10x64x128xf32, #tpu.memory_space<vmem>> -> memref<1x64x128xf32, #tpu.memory_space<vmem>>
      %dma_wait3A_1451 = tpu.memref_squeeze %dma_wait3A_1450 : memref<1x64x128xf32, #tpu.memory_space<vmem>> -> memref<64x128xf32, #tpu.memory_space<vmem>>
      %dma_wait3A_1452 = tpu.memref_slice %arg5[%select_n3A_1428, %mul3A_1446] : memref<50x128xi32, #tpu.memory_space<vmem>> -> memref<1x64xi32, #tpu.memory_space<vmem>>
      %dma_wait3A_1453 = tpu.memref_squeeze %dma_wait3A_1452 : memref<1x64xi32, #tpu.memory_space<vmem>> -> memref<64xi32, #tpu.memory_space<vmem>>
      %dma_wait3A_1454 = arith.constant 0 : i32
      %dma_wait3A_1455 = arith.constant 0 : i32
      %dma_wait3A_1456 = tpu.memref_slice %arg7[%dma_wait3A_1454, %dma_wait3A_1455] : memref<1000x128xf32, #tpu.memory_space<vmem_shared>> -> memref<1000x128xf32, #tpu.memory_space<vmem_shared>>
      tpu.wait_indirect_dma semaphore(%arg16 : memref<!tpu.dma_semaphore, #tpu.memory_space<semaphore_mem>>) src(%dma_wait3A_1456 : memref<1000x128xf32, #tpu.memory_space<vmem_shared>>) dst(%dma_wait3A_1451 : memref<64x128xf32, #tpu.memory_space<vmem>>)
      %add3A_1457 = arith.constant 7 : i32
      %add3A_1458 = arith.addi %mul3A_612, %add3A_1457 : i32
      %jit3A_1459 = arith.constant 2 : i32
      %div3A_1460 = arith.divsi %add3A_1458, %jit3A_1459 : i32
      %sign3A_1461 = arith.constant 0 : i32
      %sign3A_1462 = arith.cmpi sgt, %add3A_1458, %sign3A_1461 : i32
      %sign3A_1463 = arith.extui %sign3A_1462 : i1 to i32
      %sign3A_1464 = arith.constant 0 : i32
      %sign3A_1465 = arith.cmpi slt, %add3A_1458, %sign3A_1464 : i32
      %sign3A_1466 = arith.extui %sign3A_1465 : i1 to i32
      %sign3A_1467 = arith.subi %sign3A_1463, %sign3A_1466 : i32
      %sign3A_1468 = arith.constant 0 : i32
      %sign3A_1469 = arith.cmpi sgt, %jit3A_1459, %sign3A_1468 : i32
      %sign3A_1470 = arith.extui %sign3A_1469 : i1 to i32
      %sign3A_1471 = arith.constant 0 : i32
      %sign3A_1472 = arith.cmpi slt, %jit3A_1459, %sign3A_1471 : i32
      %sign3A_1473 = arith.extui %sign3A_1472 : i1 to i32
      %sign3A_1474 = arith.subi %sign3A_1470, %sign3A_1473 : i32
      %ne3A_1475 = arith.cmpi ne, %sign3A_1467, %sign3A_1474 : i32
      %rem3A_1476 = arith.remsi %add3A_1458, %jit3A_1459 : i32
      %ne3A_1477 = arith.constant 0 : i32
      %ne3A_1478 = arith.cmpi ne, %rem3A_1476, %ne3A_1477 : i32
      %and3A_1479 = arith.andi %ne3A_1475, %ne3A_1478 : i1
      %sub3A_1480 = arith.constant 1 : i32
      %sub3A_1481 = arith.subi %div3A_1460, %sub3A_1480 : i32
      %select_n3A_1482 = arith.select %and3A_1479, %sub3A_1481, %div3A_1460 : i32
      %jit3A_1483 = arith.constant 2 : i32
      %eq3A_1484 = arith.constant 0 : i32
      %eq3A_1485 = arith.cmpi eq, %jit3A_1483, %eq3A_1484 : i32
      %jit3A_1486 = arith.constant 1 : i32
      %select_n3A_1487 = arith.select %eq3A_1485, %jit3A_1486, %jit3A_1483 : i32
      %rem3A_1488 = arith.remsi %add3A_1458, %select_n3A_1487 : i32
      %ne3A_1489 = arith.constant 0 : i32
      %ne3A_1490 = arith.cmpi ne, %rem3A_1488, %ne3A_1489 : i32
      %lt3A_1491 = arith.constant 0 : i32
      %lt3A_1492 = arith.cmpi slt, %rem3A_1488, %lt3A_1491 : i32
      %lt3A_1493 = arith.constant 0 : i32
      %lt3A_1494 = arith.cmpi slt, %select_n3A_1487, %lt3A_1493 : i32
      %ne3A_1495 = arith.xori %lt3A_1492, %lt3A_1494 : i1
      %and3A_1496 = arith.andi %ne3A_1495, %ne3A_1490 : i1
      %add3A_1497 = arith.addi %rem3A_1488, %select_n3A_1487 : i32
      %select_n3A_1498 = arith.select %and3A_1496, %add3A_1497, %rem3A_1488 : i32
      %mul3A_1499 = arith.constant 64 : i32
      %mul3A_1500 = arith.muli %select_n3A_1498, %mul3A_1499 : i32
      %add3A_1501 = arith.addi %mul3A_2, %mul3A_1500 : i32
      %dma_start3A_1502 = arith.constant 7 : i32
      %dma_start3A_1503 = arith.constant 0 : i32
      %dma_start3A_1504 = arith.constant 0 : i32
      %dma_start3A_1505 = tpu.memref_slice %arg6[%dma_start3A_1502, %dma_start3A_1503, %dma_start3A_1504] : memref<10x64x128xf32, #tpu.memory_space<vmem>> -> memref<1x64x128xf32, #tpu.memory_space<vmem>>
      %dma_start3A_1506 = tpu.memref_squeeze %dma_start3A_1505 : memref<1x64x128xf32, #tpu.memory_space<vmem>> -> memref<64x128xf32, #tpu.memory_space<vmem>>
      %dma_start3A_1507 = arith.constant 0 : i32
      %dma_start3A_1508 = tpu.memref_slice %arg4[%select_n3A_1482, %add3A_1501, %dma_start3A_1507] : memref<50x4096x128xf32, #tpu.memory_space<hbm>> -> memref<1x64x128xf32, #tpu.memory_space<hbm>>
      %dma_start3A_1509 = tpu.memref_squeeze %dma_start3A_1508 : memref<1x64x128xf32, #tpu.memory_space<hbm>> -> memref<64x128xf32, #tpu.memory_space<hbm>>
      %dma_start3A_1510 = arith.constant 0 : i32
      %dma_start3A_1511 = tpu.memref_slice %arg4[%select_n3A_1482, %add3A_1501, %dma_start3A_1510] : memref<50x4096x128xf32, #tpu.memory_space<hbm>> -> memref<1x64x128xf32, #tpu.memory_space<hbm>>
      %dma_start3A_1512 = tpu.memref_squeeze %dma_start3A_1511 : memref<1x64x128xf32, #tpu.memory_space<hbm>> -> memref<64x128xf32, #tpu.memory_space<hbm>>
      %dma_start3A_1513 = arith.constant 0 : i32
      %dma_start3A_1514 = arith.constant 0 : i32
      %dma_start3A_1515 = tpu.memref_slice %arg6[%dma_start3A_1502, %dma_start3A_1513, %dma_start3A_1514] : memref<10x64x128xf32, #tpu.memory_space<vmem>> -> memref<1x64x128xf32, #tpu.memory_space<vmem>>
      %dma_start3A_1516 = tpu.memref_squeeze %dma_start3A_1515 : memref<1x64x128xf32, #tpu.memory_space<vmem>> -> memref<64x128xf32, #tpu.memory_space<vmem>>
      tpu.enqueue_dma source(%dma_start3A_1516 : memref<64x128xf32, #tpu.memory_space<vmem>>) target(%dma_start3A_1512 : memref<64x128xf32, #tpu.memory_space<hbm>>) target_semaphore(%arg26 : memref<!tpu.dma_semaphore, #tpu.memory_space<semaphore_mem>>)
      %add3A_1517 = arith.constant 8 : i32
      %add3A_1518 = arith.addi %mul3A_612, %add3A_1517 : i32
      %jit3A_1519 = arith.constant 2 : i32
      %div3A_1520 = arith.divsi %add3A_1518, %jit3A_1519 : i32
      %sign3A_1521 = arith.constant 0 : i32
      %sign3A_1522 = arith.cmpi sgt, %add3A_1518, %sign3A_1521 : i32
      %sign3A_1523 = arith.extui %sign3A_1522 : i1 to i32
      %sign3A_1524 = arith.constant 0 : i32
      %sign3A_1525 = arith.cmpi slt, %add3A_1518, %sign3A_1524 : i32
      %sign3A_1526 = arith.extui %sign3A_1525 : i1 to i32
      %sign3A_1527 = arith.subi %sign3A_1523, %sign3A_1526 : i32
      %sign3A_1528 = arith.constant 0 : i32
      %sign3A_1529 = arith.cmpi sgt, %jit3A_1519, %sign3A_1528 : i32
      %sign3A_1530 = arith.extui %sign3A_1529 : i1 to i32
      %sign3A_1531 = arith.constant 0 : i32
      %sign3A_1532 = arith.cmpi slt, %jit3A_1519, %sign3A_1531 : i32
      %sign3A_1533 = arith.extui %sign3A_1532 : i1 to i32
      %sign3A_1534 = arith.subi %sign3A_1530, %sign3A_1533 : i32
      %ne3A_1535 = arith.cmpi ne, %sign3A_1527, %sign3A_1534 : i32
      %rem3A_1536 = arith.remsi %add3A_1518, %jit3A_1519 : i32
      %ne3A_1537 = arith.constant 0 : i32
      %ne3A_1538 = arith.cmpi ne, %rem3A_1536, %ne3A_1537 : i32
      %and3A_1539 = arith.andi %ne3A_1535, %ne3A_1538 : i1
      %sub3A_1540 = arith.constant 1 : i32
      %sub3A_1541 = arith.subi %div3A_1520, %sub3A_1540 : i32
      %select_n3A_1542 = arith.select %and3A_1539, %sub3A_1541, %div3A_1520 : i32
      %jit3A_1543 = arith.constant 2 : i32
      %eq3A_1544 = arith.constant 0 : i32
      %eq3A_1545 = arith.cmpi eq, %jit3A_1543, %eq3A_1544 : i32
      %jit3A_1546 = arith.constant 1 : i32
      %select_n3A_1547 = arith.select %eq3A_1545, %jit3A_1546, %jit3A_1543 : i32
      %rem3A_1548 = arith.remsi %add3A_1518, %select_n3A_1547 : i32
      %ne3A_1549 = arith.constant 0 : i32
      %ne3A_1550 = arith.cmpi ne, %rem3A_1548, %ne3A_1549 : i32
      %lt3A_1551 = arith.constant 0 : i32
      %lt3A_1552 = arith.cmpi slt, %rem3A_1548, %lt3A_1551 : i32
      %lt3A_1553 = arith.constant 0 : i32
      %lt3A_1554 = arith.cmpi slt, %select_n3A_1547, %lt3A_1553 : i32
      %ne3A_1555 = arith.xori %lt3A_1552, %lt3A_1554 : i1
      %and3A_1556 = arith.andi %ne3A_1555, %ne3A_1550 : i1
      %add3A_1557 = arith.addi %rem3A_1548, %select_n3A_1547 : i32
      %select_n3A_1558 = arith.select %and3A_1556, %add3A_1557, %rem3A_1548 : i32
      %mul3A_1559 = arith.constant 64 : i32
      %mul3A_1560 = arith.muli %select_n3A_1558, %mul3A_1559 : i32
      %dma_wait3A_1561 = arith.constant 8 : i32
      %dma_wait3A_1562 = arith.constant 0 : i32
      %dma_wait3A_1563 = arith.constant 0 : i32
      %dma_wait3A_1564 = tpu.memref_slice %arg6[%dma_wait3A_1561, %dma_wait3A_1562, %dma_wait3A_1563] : memref<10x64x128xf32, #tpu.memory_space<vmem>> -> memref<1x64x128xf32, #tpu.memory_space<vmem>>
      %dma_wait3A_1565 = tpu.memref_squeeze %dma_wait3A_1564 : memref<1x64x128xf32, #tpu.memory_space<vmem>> -> memref<64x128xf32, #tpu.memory_space<vmem>>
      %dma_wait3A_1566 = tpu.memref_slice %arg5[%select_n3A_1542, %mul3A_1560] : memref<50x128xi32, #tpu.memory_space<vmem>> -> memref<1x64xi32, #tpu.memory_space<vmem>>
      %dma_wait3A_1567 = tpu.memref_squeeze %dma_wait3A_1566 : memref<1x64xi32, #tpu.memory_space<vmem>> -> memref<64xi32, #tpu.memory_space<vmem>>
      %dma_wait3A_1568 = arith.constant 0 : i32
      %dma_wait3A_1569 = arith.constant 0 : i32
      %dma_wait3A_1570 = tpu.memref_slice %arg7[%dma_wait3A_1568, %dma_wait3A_1569] : memref<1000x128xf32, #tpu.memory_space<vmem_shared>> -> memref<1000x128xf32, #tpu.memory_space<vmem_shared>>
      tpu.wait_indirect_dma semaphore(%arg17 : memref<!tpu.dma_semaphore, #tpu.memory_space<semaphore_mem>>) src(%dma_wait3A_1570 : memref<1000x128xf32, #tpu.memory_space<vmem_shared>>) dst(%dma_wait3A_1565 : memref<64x128xf32, #tpu.memory_space<vmem>>)
      %add3A_1571 = arith.constant 8 : i32
      %add3A_1572 = arith.addi %mul3A_612, %add3A_1571 : i32
      %jit3A_1573 = arith.constant 2 : i32
      %div3A_1574 = arith.divsi %add3A_1572, %jit3A_1573 : i32
      %sign3A_1575 = arith.constant 0 : i32
      %sign3A_1576 = arith.cmpi sgt, %add3A_1572, %sign3A_1575 : i32
      %sign3A_1577 = arith.extui %sign3A_1576 : i1 to i32
      %sign3A_1578 = arith.constant 0 : i32
      %sign3A_1579 = arith.cmpi slt, %add3A_1572, %sign3A_1578 : i32
      %sign3A_1580 = arith.extui %sign3A_1579 : i1 to i32
      %sign3A_1581 = arith.subi %sign3A_1577, %sign3A_1580 : i32
      %sign3A_1582 = arith.constant 0 : i32
      %sign3A_1583 = arith.cmpi sgt, %jit3A_1573, %sign3A_1582 : i32
      %sign3A_1584 = arith.extui %sign3A_1583 : i1 to i32
      %sign3A_1585 = arith.constant 0 : i32
      %sign3A_1586 = arith.cmpi slt, %jit3A_1573, %sign3A_1585 : i32
      %sign3A_1587 = arith.extui %sign3A_1586 : i1 to i32
      %sign3A_1588 = arith.subi %sign3A_1584, %sign3A_1587 : i32
      %ne3A_1589 = arith.cmpi ne, %sign3A_1581, %sign3A_1588 : i32
      %rem3A_1590 = arith.remsi %add3A_1572, %jit3A_1573 : i32
      %ne3A_1591 = arith.constant 0 : i32
      %ne3A_1592 = arith.cmpi ne, %rem3A_1590, %ne3A_1591 : i32
      %and3A_1593 = arith.andi %ne3A_1589, %ne3A_1592 : i1
      %sub3A_1594 = arith.constant 1 : i32
      %sub3A_1595 = arith.subi %div3A_1574, %sub3A_1594 : i32
      %select_n3A_1596 = arith.select %and3A_1593, %sub3A_1595, %div3A_1574 : i32
      %jit3A_1597 = arith.constant 2 : i32
      %eq3A_1598 = arith.constant 0 : i32
      %eq3A_1599 = arith.cmpi eq, %jit3A_1597, %eq3A_1598 : i32
      %jit3A_1600 = arith.constant 1 : i32
      %select_n3A_1601 = arith.select %eq3A_1599, %jit3A_1600, %jit3A_1597 : i32
      %rem3A_1602 = arith.remsi %add3A_1572, %select_n3A_1601 : i32
      %ne3A_1603 = arith.constant 0 : i32
      %ne3A_1604 = arith.cmpi ne, %rem3A_1602, %ne3A_1603 : i32
      %lt3A_1605 = arith.constant 0 : i32
      %lt3A_1606 = arith.cmpi slt, %rem3A_1602, %lt3A_1605 : i32
      %lt3A_1607 = arith.constant 0 : i32
      %lt3A_1608 = arith.cmpi slt, %select_n3A_1601, %lt3A_1607 : i32
      %ne3A_1609 = arith.xori %lt3A_1606, %lt3A_1608 : i1
      %and3A_1610 = arith.andi %ne3A_1609, %ne3A_1604 : i1
      %add3A_1611 = arith.addi %rem3A_1602, %select_n3A_1601 : i32
      %select_n3A_1612 = arith.select %and3A_1610, %add3A_1611, %rem3A_1602 : i32
      %mul3A_1613 = arith.constant 64 : i32
      %mul3A_1614 = arith.muli %select_n3A_1612, %mul3A_1613 : i32
      %add3A_1615 = arith.addi %mul3A_2, %mul3A_1614 : i32
      %dma_start3A_1616 = arith.constant 8 : i32
      %dma_start3A_1617 = arith.constant 0 : i32
      %dma_start3A_1618 = arith.constant 0 : i32
      %dma_start3A_1619 = tpu.memref_slice %arg6[%dma_start3A_1616, %dma_start3A_1617, %dma_start3A_1618] : memref<10x64x128xf32, #tpu.memory_space<vmem>> -> memref<1x64x128xf32, #tpu.memory_space<vmem>>
      %dma_start3A_1620 = tpu.memref_squeeze %dma_start3A_1619 : memref<1x64x128xf32, #tpu.memory_space<vmem>> -> memref<64x128xf32, #tpu.memory_space<vmem>>
      %dma_start3A_1621 = arith.constant 0 : i32
      %dma_start3A_1622 = tpu.memref_slice %arg4[%select_n3A_1596, %add3A_1615, %dma_start3A_1621] : memref<50x4096x128xf32, #tpu.memory_space<hbm>> -> memref<1x64x128xf32, #tpu.memory_space<hbm>>
      %dma_start3A_1623 = tpu.memref_squeeze %dma_start3A_1622 : memref<1x64x128xf32, #tpu.memory_space<hbm>> -> memref<64x128xf32, #tpu.memory_space<hbm>>
      %dma_start3A_1624 = arith.constant 0 : i32
      %dma_start3A_1625 = tpu.memref_slice %arg4[%select_n3A_1596, %add3A_1615, %dma_start3A_1624] : memref<50x4096x128xf32, #tpu.memory_space<hbm>> -> memref<1x64x128xf32, #tpu.memory_space<hbm>>
      %dma_start3A_1626 = tpu.memref_squeeze %dma_start3A_1625 : memref<1x64x128xf32, #tpu.memory_space<hbm>> -> memref<64x128xf32, #tpu.memory_space<hbm>>
      %dma_start3A_1627 = arith.constant 0 : i32
      %dma_start3A_1628 = arith.constant 0 : i32
      %dma_start3A_1629 = tpu.memref_slice %arg6[%dma_start3A_1616, %dma_start3A_1627, %dma_start3A_1628] : memref<10x64x128xf32, #tpu.memory_space<vmem>> -> memref<1x64x128xf32, #tpu.memory_space<vmem>>
      %dma_start3A_1630 = tpu.memref_squeeze %dma_start3A_1629 : memref<1x64x128xf32, #tpu.memory_space<vmem>> -> memref<64x128xf32, #tpu.memory_space<vmem>>
      tpu.enqueue_dma source(%dma_start3A_1630 : memref<64x128xf32, #tpu.memory_space<vmem>>) target(%dma_start3A_1626 : memref<64x128xf32, #tpu.memory_space<hbm>>) target_semaphore(%arg27 : memref<!tpu.dma_semaphore, #tpu.memory_space<semaphore_mem>>)
      %add3A_1631 = arith.constant 9 : i32
      %add3A_1632 = arith.addi %mul3A_612, %add3A_1631 : i32
      %jit3A_1633 = arith.constant 2 : i32
      %div3A_1634 = arith.divsi %add3A_1632, %jit3A_1633 : i32
      %sign3A_1635 = arith.constant 0 : i32
      %sign3A_1636 = arith.cmpi sgt, %add3A_1632, %sign3A_1635 : i32
      %sign3A_1637 = arith.extui %sign3A_1636 : i1 to i32
      %sign3A_1638 = arith.constant 0 : i32
      %sign3A_1639 = arith.cmpi slt, %add3A_1632, %sign3A_1638 : i32
      %sign3A_1640 = arith.extui %sign3A_1639 : i1 to i32
      %sign3A_1641 = arith.subi %sign3A_1637, %sign3A_1640 : i32
      %sign3A_1642 = arith.constant 0 : i32
      %sign3A_1643 = arith.cmpi sgt, %jit3A_1633, %sign3A_1642 : i32
      %sign3A_1644 = arith.extui %sign3A_1643 : i1 to i32
      %sign3A_1645 = arith.constant 0 : i32
      %sign3A_1646 = arith.cmpi slt, %jit3A_1633, %sign3A_1645 : i32
      %sign3A_1647 = arith.extui %sign3A_1646 : i1 to i32
      %sign3A_1648 = arith.subi %sign3A_1644, %sign3A_1647 : i32
      %ne3A_1649 = arith.cmpi ne, %sign3A_1641, %sign3A_1648 : i32
      %rem3A_1650 = arith.remsi %add3A_1632, %jit3A_1633 : i32
      %ne3A_1651 = arith.constant 0 : i32
      %ne3A_1652 = arith.cmpi ne, %rem3A_1650, %ne3A_1651 : i32
      %and3A_1653 = arith.andi %ne3A_1649, %ne3A_1652 : i1
      %sub3A_1654 = arith.constant 1 : i32
      %sub3A_1655 = arith.subi %div3A_1634, %sub3A_1654 : i32
      %select_n3A_1656 = arith.select %and3A_1653, %sub3A_1655, %div3A_1634 : i32
      %jit3A_1657 = arith.constant 2 : i32
      %eq3A_1658 = arith.constant 0 : i32
      %eq3A_1659 = arith.cmpi eq, %jit3A_1657, %eq3A_1658 : i32
      %jit3A_1660 = arith.constant 1 : i32
      %select_n3A_1661 = arith.select %eq3A_1659, %jit3A_1660, %jit3A_1657 : i32
      %rem3A_1662 = arith.remsi %add3A_1632, %select_n3A_1661 : i32
      %ne3A_1663 = arith.constant 0 : i32
      %ne3A_1664 = arith.cmpi ne, %rem3A_1662, %ne3A_1663 : i32
      %lt3A_1665 = arith.constant 0 : i32
      %lt3A_1666 = arith.cmpi slt, %rem3A_1662, %lt3A_1665 : i32
      %lt3A_1667 = arith.constant 0 : i32
      %lt3A_1668 = arith.cmpi slt, %select_n3A_1661, %lt3A_1667 : i32
      %ne3A_1669 = arith.xori %lt3A_1666, %lt3A_1668 : i1
      %and3A_1670 = arith.andi %ne3A_1669, %ne3A_1664 : i1
      %add3A_1671 = arith.addi %rem3A_1662, %select_n3A_1661 : i32
      %select_n3A_1672 = arith.select %and3A_1670, %add3A_1671, %rem3A_1662 : i32
      %mul3A_1673 = arith.constant 64 : i32
      %mul3A_1674 = arith.muli %select_n3A_1672, %mul3A_1673 : i32
      %dma_wait3A_1675 = arith.constant 9 : i32
      %dma_wait3A_1676 = arith.constant 0 : i32
      %dma_wait3A_1677 = arith.constant 0 : i32
      %dma_wait3A_1678 = tpu.memref_slice %arg6[%dma_wait3A_1675, %dma_wait3A_1676, %dma_wait3A_1677] : memref<10x64x128xf32, #tpu.memory_space<vmem>> -> memref<1x64x128xf32, #tpu.memory_space<vmem>>
      %dma_wait3A_1679 = tpu.memref_squeeze %dma_wait3A_1678 : memref<1x64x128xf32, #tpu.memory_space<vmem>> -> memref<64x128xf32, #tpu.memory_space<vmem>>
      %dma_wait3A_1680 = tpu.memref_slice %arg5[%select_n3A_1656, %mul3A_1674] : memref<50x128xi32, #tpu.memory_space<vmem>> -> memref<1x64xi32, #tpu.memory_space<vmem>>
      %dma_wait3A_1681 = tpu.memref_squeeze %dma_wait3A_1680 : memref<1x64xi32, #tpu.memory_space<vmem>> -> memref<64xi32, #tpu.memory_space<vmem>>
      %dma_wait3A_1682 = arith.constant 0 : i32
      %dma_wait3A_1683 = arith.constant 0 : i32
      %dma_wait3A_1684 = tpu.memref_slice %arg7[%dma_wait3A_1682, %dma_wait3A_1683] : memref<1000x128xf32, #tpu.memory_space<vmem_shared>> -> memref<1000x128xf32, #tpu.memory_space<vmem_shared>>
      tpu.wait_indirect_dma semaphore(%arg18 : memref<!tpu.dma_semaphore, #tpu.memory_space<semaphore_mem>>) src(%dma_wait3A_1684 : memref<1000x128xf32, #tpu.memory_space<vmem_shared>>) dst(%dma_wait3A_1679 : memref<64x128xf32, #tpu.memory_space<vmem>>)
      %add3A_1685 = arith.constant 9 : i32
      %add3A_1686 = arith.addi %mul3A_612, %add3A_1685 : i32
      %jit3A_1687 = arith.constant 2 : i32
      %div3A_1688 = arith.divsi %add3A_1686, %jit3A_1687 : i32
      %sign3A_1689 = arith.constant 0 : i32
      %sign3A_1690 = arith.cmpi sgt, %add3A_1686, %sign3A_1689 : i32
      %sign3A_1691 = arith.extui %sign3A_1690 : i1 to i32
      %sign3A_1692 = arith.constant 0 : i32
      %sign3A_1693 = arith.cmpi slt, %add3A_1686, %sign3A_1692 : i32
      %sign3A_1694 = arith.extui %sign3A_1693 : i1 to i32
      %sign3A_1695 = arith.subi %sign3A_1691, %sign3A_1694 : i32
      %sign3A_1696 = arith.constant 0 : i32
      %sign3A_1697 = arith.cmpi sgt, %jit3A_1687, %sign3A_1696 : i32
      %sign3A_1698 = arith.extui %sign3A_1697 : i1 to i32
      %sign3A_1699 = arith.constant 0 : i32
      %sign3A_1700 = arith.cmpi slt, %jit3A_1687, %sign3A_1699 : i32
      %sign3A_1701 = arith.extui %sign3A_1700 : i1 to i32
      %sign3A_1702 = arith.subi %sign3A_1698, %sign3A_1701 : i32
      %ne3A_1703 = arith.cmpi ne, %sign3A_1695, %sign3A_1702 : i32
      %rem3A_1704 = arith.remsi %add3A_1686, %jit3A_1687 : i32
      %ne3A_1705 = arith.constant 0 : i32
      %ne3A_1706 = arith.cmpi ne, %rem3A_1704, %ne3A_1705 : i32
      %and3A_1707 = arith.andi %ne3A_1703, %ne3A_1706 : i1
      %sub3A_1708 = arith.constant 1 : i32
      %sub3A_1709 = arith.subi %div3A_1688, %sub3A_1708 : i32
      %select_n3A_1710 = arith.select %and3A_1707, %sub3A_1709, %div3A_1688 : i32
      %jit3A_1711 = arith.constant 2 : i32
      %eq3A_1712 = arith.constant 0 : i32
      %eq3A_1713 = arith.cmpi eq, %jit3A_1711, %eq3A_1712 : i32
      %jit3A_1714 = arith.constant 1 : i32
      %select_n3A_1715 = arith.select %eq3A_1713, %jit3A_1714, %jit3A_1711 : i32
      %rem3A_1716 = arith.remsi %add3A_1686, %select_n3A_1715 : i32
      %ne3A_1717 = arith.constant 0 : i32
      %ne3A_1718 = arith.cmpi ne, %rem3A_1716, %ne3A_1717 : i32
      %lt3A_1719 = arith.constant 0 : i32
      %lt3A_1720 = arith.cmpi slt, %rem3A_1716, %lt3A_1719 : i32
      %lt3A_1721 = arith.constant 0 : i32
      %lt3A_1722 = arith.cmpi slt, %select_n3A_1715, %lt3A_1721 : i32
      %ne3A_1723 = arith.xori %lt3A_1720, %lt3A_1722 : i1
      %and3A_1724 = arith.andi %ne3A_1723, %ne3A_1718 : i1
      %add3A_1725 = arith.addi %rem3A_1716, %select_n3A_1715 : i32
      %select_n3A_1726 = arith.select %and3A_1724, %add3A_1725, %rem3A_1716 : i32
      %mul3A_1727 = arith.constant 64 : i32
      %mul3A_1728 = arith.muli %select_n3A_1726, %mul3A_1727 : i32
      %add3A_1729 = arith.addi %mul3A_2, %mul3A_1728 : i32
      %dma_start3A_1730 = arith.constant 9 : i32
      %dma_start3A_1731 = arith.constant 0 : i32
      %dma_start3A_1732 = arith.constant 0 : i32
      %dma_start3A_1733 = tpu.memref_slice %arg6[%dma_start3A_1730, %dma_start3A_1731, %dma_start3A_1732] : memref<10x64x128xf32, #tpu.memory_space<vmem>> -> memref<1x64x128xf32, #tpu.memory_space<vmem>>
      %dma_start3A_1734 = tpu.memref_squeeze %dma_start3A_1733 : memref<1x64x128xf32, #tpu.memory_space<vmem>> -> memref<64x128xf32, #tpu.memory_space<vmem>>
      %dma_start3A_1735 = arith.constant 0 : i32
      %dma_start3A_1736 = tpu.memref_slice %arg4[%select_n3A_1710, %add3A_1729, %dma_start3A_1735] : memref<50x4096x128xf32, #tpu.memory_space<hbm>> -> memref<1x64x128xf32, #tpu.memory_space<hbm>>
      %dma_start3A_1737 = tpu.memref_squeeze %dma_start3A_1736 : memref<1x64x128xf32, #tpu.memory_space<hbm>> -> memref<64x128xf32, #tpu.memory_space<hbm>>
      %dma_start3A_1738 = arith.constant 0 : i32
      %dma_start3A_1739 = tpu.memref_slice %arg4[%select_n3A_1710, %add3A_1729, %dma_start3A_1738] : memref<50x4096x128xf32, #tpu.memory_space<hbm>> -> memref<1x64x128xf32, #tpu.memory_space<hbm>>
      %dma_start3A_1740 = tpu.memref_squeeze %dma_start3A_1739 : memref<1x64x128xf32, #tpu.memory_space<hbm>> -> memref<64x128xf32, #tpu.memory_space<hbm>>
      %dma_start3A_1741 = arith.constant 0 : i32
      %dma_start3A_1742 = arith.constant 0 : i32
      %dma_start3A_1743 = tpu.memref_slice %arg6[%dma_start3A_1730, %dma_start3A_1741, %dma_start3A_1742] : memref<10x64x128xf32, #tpu.memory_space<vmem>> -> memref<1x64x128xf32, #tpu.memory_space<vmem>>
      %dma_start3A_1744 = tpu.memref_squeeze %dma_start3A_1743 : memref<1x64x128xf32, #tpu.memory_space<vmem>> -> memref<64x128xf32, #tpu.memory_space<vmem>>
      tpu.enqueue_dma source(%dma_start3A_1744 : memref<64x128xf32, #tpu.memory_space<vmem>>) target(%dma_start3A_1740 : memref<64x128xf32, #tpu.memory_space<hbm>>) target_semaphore(%arg28 : memref<!tpu.dma_semaphore, #tpu.memory_space<semaphore_mem>>)
      %dma_wait3A_1745 = arith.constant 0 : i32
      %dma_wait3A_1746 = arith.constant 0 : i32
      %dma_wait3A_1747 = arith.constant 0 : i32
      %dma_wait3A_1748 = tpu.memref_slice %arg6[%dma_wait3A_1745, %dma_wait3A_1746, %dma_wait3A_1747] : memref<10x64x128xf32, #tpu.memory_space<vmem>> -> memref<1x64x128xf32, #tpu.memory_space<vmem>>
      %dma_wait3A_1749 = tpu.memref_squeeze %dma_wait3A_1748 : memref<1x64x128xf32, #tpu.memory_space<vmem>> -> memref<64x128xf32, #tpu.memory_space<vmem>>
      %dma_wait3A_1750 = arith.constant 0 : i32
      %dma_wait3A_1751 = tpu.memref_slice %arg4[%select_n3A_684, %add3A_703, %dma_wait3A_1750] : memref<50x4096x128xf32, #tpu.memory_space<hbm>> -> memref<1x64x128xf32, #tpu.memory_space<hbm>>
      %dma_wait3A_1752 = tpu.memref_squeeze %dma_wait3A_1751 : memref<1x64x128xf32, #tpu.memory_space<hbm>> -> memref<64x128xf32, #tpu.memory_space<hbm>>
      %dma_wait3A_1753 = arith.constant 0 : i32
      %dma_wait3A_1754 = tpu.memref_slice %arg4[%select_n3A_684, %add3A_703, %dma_wait3A_1753] : memref<50x4096x128xf32, #tpu.memory_space<hbm>> -> memref<1x64x128xf32, #tpu.memory_space<hbm>>
      %dma_wait3A_1755 = tpu.memref_squeeze %dma_wait3A_1754 : memref<1x64x128xf32, #tpu.memory_space<hbm>> -> memref<64x128xf32, #tpu.memory_space<hbm>>
      %dma_wait3A_1756 = arith.constant 0 : i32
      %dma_wait3A_1757 = arith.constant 0 : i32
      %dma_wait3A_1758 = tpu.memref_slice %arg6[%dma_wait3A_1745, %dma_wait3A_1756, %dma_wait3A_1757] : memref<10x64x128xf32, #tpu.memory_space<vmem>> -> memref<1x64x128xf32, #tpu.memory_space<vmem>>
      %dma_wait3A_1759 = tpu.memref_squeeze %dma_wait3A_1758 : memref<1x64x128xf32, #tpu.memory_space<vmem>> -> memref<64x128xf32, #tpu.memory_space<vmem>>
      tpu.wait_dma2 semaphore(%arg19 : memref<!tpu.dma_semaphore, #tpu.memory_space<semaphore_mem>>) src(%dma_wait3A_1759 : memref<64x128xf32, #tpu.memory_space<vmem>>) dst(%dma_wait3A_1755 : memref<64x128xf32, #tpu.memory_space<hbm>>)
      %add3A_1760 = arith.constant 10 : i32
      %add3A_1761 = arith.addi %mul3A_612, %add3A_1760 : i32
      %add3A_1762 = arith.constant 0 : i32
      %add3A_1763 = arith.addi %add3A_1761, %add3A_1762 : i32
      %jit3A_1764 = arith.constant 2 : i32
      %div3A_1765 = arith.divsi %add3A_1763, %jit3A_1764 : i32
      %sign3A_1766 = arith.constant 0 : i32
      %sign3A_1767 = arith.cmpi sgt, %add3A_1763, %sign3A_1766 : i32
      %sign3A_1768 = arith.extui %sign3A_1767 : i1 to i32
      %sign3A_1769 = arith.constant 0 : i32
      %sign3A_1770 = arith.cmpi slt, %add3A_1763, %sign3A_1769 : i32
      %sign3A_1771 = arith.extui %sign3A_1770 : i1 to i32
      %sign3A_1772 = arith.subi %sign3A_1768, %sign3A_1771 : i32
      %sign3A_1773 = arith.constant 0 : i32
      %sign3A_1774 = arith.cmpi sgt, %jit3A_1764, %sign3A_1773 : i32
      %sign3A_1775 = arith.extui %sign3A_1774 : i1 to i32
      %sign3A_1776 = arith.constant 0 : i32
      %sign3A_1777 = arith.cmpi slt, %jit3A_1764, %sign3A_1776 : i32
      %sign3A_1778 = arith.extui %sign3A_1777 : i1 to i32
      %sign3A_1779 = arith.subi %sign3A_1775, %sign3A_1778 : i32
      %ne3A_1780 = arith.cmpi ne, %sign3A_1772, %sign3A_1779 : i32
      %rem3A_1781 = arith.remsi %add3A_1763, %jit3A_1764 : i32
      %ne3A_1782 = arith.constant 0 : i32
      %ne3A_1783 = arith.cmpi ne, %rem3A_1781, %ne3A_1782 : i32
      %and3A_1784 = arith.andi %ne3A_1780, %ne3A_1783 : i1
      %sub3A_1785 = arith.constant 1 : i32
      %sub3A_1786 = arith.subi %div3A_1765, %sub3A_1785 : i32
      %select_n3A_1787 = arith.select %and3A_1784, %sub3A_1786, %div3A_1765 : i32
      %jit3A_1788 = arith.constant 2 : i32
      %eq3A_1789 = arith.constant 0 : i32
      %eq3A_1790 = arith.cmpi eq, %jit3A_1788, %eq3A_1789 : i32
      %jit3A_1791 = arith.constant 1 : i32
      %select_n3A_1792 = arith.select %eq3A_1790, %jit3A_1791, %jit3A_1788 : i32
      %rem3A_1793 = arith.remsi %add3A_1763, %select_n3A_1792 : i32
      %ne3A_1794 = arith.constant 0 : i32
      %ne3A_1795 = arith.cmpi ne, %rem3A_1793, %ne3A_1794 : i32
      %lt3A_1796 = arith.constant 0 : i32
      %lt3A_1797 = arith.cmpi slt, %rem3A_1793, %lt3A_1796 : i32
      %lt3A_1798 = arith.constant 0 : i32
      %lt3A_1799 = arith.cmpi slt, %select_n3A_1792, %lt3A_1798 : i32
      %ne3A_1800 = arith.xori %lt3A_1797, %lt3A_1799 : i1
      %and3A_1801 = arith.andi %ne3A_1800, %ne3A_1795 : i1
      %add3A_1802 = arith.addi %rem3A_1793, %select_n3A_1792 : i32
      %select_n3A_1803 = arith.select %and3A_1801, %add3A_1802, %rem3A_1793 : i32
      %mul3A_1804 = arith.constant 64 : i32
      %mul3A_1805 = arith.muli %select_n3A_1803, %mul3A_1804 : i32
      %dma_start3A_1806 = arith.constant 0 : i32
      %dma_start3A_1807 = arith.constant 0 : i32
      %dma_start3A_1808 = arith.constant 0 : i32
      %dma_start3A_1809 = tpu.memref_slice %arg6[%dma_start3A_1806, %dma_start3A_1807, %dma_start3A_1808] : memref<10x64x128xf32, #tpu.memory_space<vmem>> -> memref<1x64x128xf32, #tpu.memory_space<vmem>>
      %dma_start3A_1810 = tpu.memref_squeeze %dma_start3A_1809 : memref<1x64x128xf32, #tpu.memory_space<vmem>> -> memref<64x128xf32, #tpu.memory_space<vmem>>
      %dma_start3A_1811 = tpu.memref_slice %arg5[%select_n3A_1787, %mul3A_1805] : memref<50x128xi32, #tpu.memory_space<vmem>> -> memref<1x64xi32, #tpu.memory_space<vmem>>
      %dma_start3A_1812 = tpu.memref_squeeze %dma_start3A_1811 : memref<1x64xi32, #tpu.memory_space<vmem>> -> memref<64xi32, #tpu.memory_space<vmem>>
      %dma_start3A_1813 = arith.constant 0 : i32
      %dma_start3A_1814 = arith.constant 0 : i32
      %dma_start3A_1815 = tpu.memref_slice %arg7[%dma_start3A_1813, %dma_start3A_1814] : memref<1000x128xf32, #tpu.memory_space<vmem_shared>> -> memref<1000x128xf32, #tpu.memory_space<vmem_shared>>
      tpu.enqueue_indirect_dma source(%dma_start3A_1815 : memref<1000x128xf32, #tpu.memory_space<vmem_shared>>) target(%dma_start3A_1810 : memref<64x128xf32, #tpu.memory_space<vmem>>) offsets(%dma_start3A_1812 : memref<64xi32, #tpu.memory_space<vmem>>) semaphore(%arg9 : memref<!tpu.dma_semaphore, #tpu.memory_space<semaphore_mem>>)
      %dma_wait3A_1816 = arith.constant 1 : i32
      %dma_wait3A_1817 = arith.constant 0 : i32
      %dma_wait3A_1818 = arith.constant 0 : i32
      %dma_wait3A_1819 = tpu.memref_slice %arg6[%dma_wait3A_1816, %dma_wait3A_1817, %dma_wait3A_1818] : memref<10x64x128xf32, #tpu.memory_space<vmem>> -> memref<1x64x128xf32, #tpu.memory_space<vmem>>
      %dma_wait3A_1820 = tpu.memref_squeeze %dma_wait3A_1819 : memref<1x64x128xf32, #tpu.memory_space<vmem>> -> memref<64x128xf32, #tpu.memory_space<vmem>>
      %dma_wait3A_1821 = arith.constant 0 : i32
      %dma_wait3A_1822 = tpu.memref_slice %arg4[%select_n3A_798, %add3A_817, %dma_wait3A_1821] : memref<50x4096x128xf32, #tpu.memory_space<hbm>> -> memref<1x64x128xf32, #tpu.memory_space<hbm>>
      %dma_wait3A_1823 = tpu.memref_squeeze %dma_wait3A_1822 : memref<1x64x128xf32, #tpu.memory_space<hbm>> -> memref<64x128xf32, #tpu.memory_space<hbm>>
      %dma_wait3A_1824 = arith.constant 0 : i32
      %dma_wait3A_1825 = tpu.memref_slice %arg4[%select_n3A_798, %add3A_817, %dma_wait3A_1824] : memref<50x4096x128xf32, #tpu.memory_space<hbm>> -> memref<1x64x128xf32, #tpu.memory_space<hbm>>
      %dma_wait3A_1826 = tpu.memref_squeeze %dma_wait3A_1825 : memref<1x64x128xf32, #tpu.memory_space<hbm>> -> memref<64x128xf32, #tpu.memory_space<hbm>>
      %dma_wait3A_1827 = arith.constant 0 : i32
      %dma_wait3A_1828 = arith.constant 0 : i32
      %dma_wait3A_1829 = tpu.memref_slice %arg6[%dma_wait3A_1816, %dma_wait3A_1827, %dma_wait3A_1828] : memref<10x64x128xf32, #tpu.memory_space<vmem>> -> memref<1x64x128xf32, #tpu.memory_space<vmem>>
      %dma_wait3A_1830 = tpu.memref_squeeze %dma_wait3A_1829 : memref<1x64x128xf32, #tpu.memory_space<vmem>> -> memref<64x128xf32, #tpu.memory_space<vmem>>
      tpu.wait_dma2 semaphore(%arg20 : memref<!tpu.dma_semaphore, #tpu.memory_space<semaphore_mem>>) src(%dma_wait3A_1830 : memref<64x128xf32, #tpu.memory_space<vmem>>) dst(%dma_wait3A_1826 : memref<64x128xf32, #tpu.memory_space<hbm>>)
      %add3A_1831 = arith.constant 10 : i32
      %add3A_1832 = arith.addi %mul3A_612, %add3A_1831 : i32
      %add3A_1833 = arith.constant 1 : i32
      %add3A_1834 = arith.addi %add3A_1832, %add3A_1833 : i32
      %jit3A_1835 = arith.constant 2 : i32
      %div3A_1836 = arith.divsi %add3A_1834, %jit3A_1835 : i32
      %sign3A_1837 = arith.constant 0 : i32
      %sign3A_1838 = arith.cmpi sgt, %add3A_1834, %sign3A_1837 : i32
      %sign3A_1839 = arith.extui %sign3A_1838 : i1 to i32
      %sign3A_1840 = arith.constant 0 : i32
      %sign3A_1841 = arith.cmpi slt, %add3A_1834, %sign3A_1840 : i32
      %sign3A_1842 = arith.extui %sign3A_1841 : i1 to i32
      %sign3A_1843 = arith.subi %sign3A_1839, %sign3A_1842 : i32
      %sign3A_1844 = arith.constant 0 : i32
      %sign3A_1845 = arith.cmpi sgt, %jit3A_1835, %sign3A_1844 : i32
      %sign3A_1846 = arith.extui %sign3A_1845 : i1 to i32
      %sign3A_1847 = arith.constant 0 : i32
      %sign3A_1848 = arith.cmpi slt, %jit3A_1835, %sign3A_1847 : i32
      %sign3A_1849 = arith.extui %sign3A_1848 : i1 to i32
      %sign3A_1850 = arith.subi %sign3A_1846, %sign3A_1849 : i32
      %ne3A_1851 = arith.cmpi ne, %sign3A_1843, %sign3A_1850 : i32
      %rem3A_1852 = arith.remsi %add3A_1834, %jit3A_1835 : i32
      %ne3A_1853 = arith.constant 0 : i32
      %ne3A_1854 = arith.cmpi ne, %rem3A_1852, %ne3A_1853 : i32
      %and3A_1855 = arith.andi %ne3A_1851, %ne3A_1854 : i1
      %sub3A_1856 = arith.constant 1 : i32
      %sub3A_1857 = arith.subi %div3A_1836, %sub3A_1856 : i32
      %select_n3A_1858 = arith.select %and3A_1855, %sub3A_1857, %div3A_1836 : i32
      %jit3A_1859 = arith.constant 2 : i32
      %eq3A_1860 = arith.constant 0 : i32
      %eq3A_1861 = arith.cmpi eq, %jit3A_1859, %eq3A_1860 : i32
      %jit3A_1862 = arith.constant 1 : i32
      %select_n3A_1863 = arith.select %eq3A_1861, %jit3A_1862, %jit3A_1859 : i32
      %rem3A_1864 = arith.remsi %add3A_1834, %select_n3A_1863 : i32
      %ne3A_1865 = arith.constant 0 : i32
      %ne3A_1866 = arith.cmpi ne, %rem3A_1864, %ne3A_1865 : i32
      %lt3A_1867 = arith.constant 0 : i32
      %lt3A_1868 = arith.cmpi slt, %rem3A_1864, %lt3A_1867 : i32
      %lt3A_1869 = arith.constant 0 : i32
      %lt3A_1870 = arith.cmpi slt, %select_n3A_1863, %lt3A_1869 : i32
      %ne3A_1871 = arith.xori %lt3A_1868, %lt3A_1870 : i1
      %and3A_1872 = arith.andi %ne3A_1871, %ne3A_1866 : i1
      %add3A_1873 = arith.addi %rem3A_1864, %select_n3A_1863 : i32
      %select_n3A_1874 = arith.select %and3A_1872, %add3A_1873, %rem3A_1864 : i32
      %mul3A_1875 = arith.constant 64 : i32
      %mul3A_1876 = arith.muli %select_n3A_1874, %mul3A_1875 : i32
      %dma_start3A_1877 = arith.constant 1 : i32
      %dma_start3A_1878 = arith.constant 0 : i32
      %dma_start3A_1879 = arith.constant 0 : i32
      %dma_start3A_1880 = tpu.memref_slice %arg6[%dma_start3A_1877, %dma_start3A_1878, %dma_start3A_1879] : memref<10x64x128xf32, #tpu.memory_space<vmem>> -> memref<1x64x128xf32, #tpu.memory_space<vmem>>
      %dma_start3A_1881 = tpu.memref_squeeze %dma_start3A_1880 : memref<1x64x128xf32, #tpu.memory_space<vmem>> -> memref<64x128xf32, #tpu.memory_space<vmem>>
      %dma_start3A_1882 = tpu.memref_slice %arg5[%select_n3A_1858, %mul3A_1876] : memref<50x128xi32, #tpu.memory_space<vmem>> -> memref<1x64xi32, #tpu.memory_space<vmem>>
      %dma_start3A_1883 = tpu.memref_squeeze %dma_start3A_1882 : memref<1x64xi32, #tpu.memory_space<vmem>> -> memref<64xi32, #tpu.memory_space<vmem>>
      %dma_start3A_1884 = arith.constant 0 : i32
      %dma_start3A_1885 = arith.constant 0 : i32
      %dma_start3A_1886 = tpu.memref_slice %arg7[%dma_start3A_1884, %dma_start3A_1885] : memref<1000x128xf32, #tpu.memory_space<vmem_shared>> -> memref<1000x128xf32, #tpu.memory_space<vmem_shared>>
      tpu.enqueue_indirect_dma source(%dma_start3A_1886 : memref<1000x128xf32, #tpu.memory_space<vmem_shared>>) target(%dma_start3A_1881 : memref<64x128xf32, #tpu.memory_space<vmem>>) offsets(%dma_start3A_1883 : memref<64xi32, #tpu.memory_space<vmem>>) semaphore(%arg10 : memref<!tpu.dma_semaphore, #tpu.memory_space<semaphore_mem>>)
      %dma_wait3A_1887 = arith.constant 2 : i32
      %dma_wait3A_1888 = arith.constant 0 : i32
      %dma_wait3A_1889 = arith.constant 0 : i32
      %dma_wait3A_1890 = tpu.memref_slice %arg6[%dma_wait3A_1887, %dma_wait3A_1888, %dma_wait3A_1889] : memref<10x64x128xf32, #tpu.memory_space<vmem>> -> memref<1x64x128xf32, #tpu.memory_space<vmem>>
      %dma_wait3A_1891 = tpu.memref_squeeze %dma_wait3A_1890 : memref<1x64x128xf32, #tpu.memory_space<vmem>> -> memref<64x128xf32, #tpu.memory_space<vmem>>
      %dma_wait3A_1892 = arith.constant 0 : i32
      %dma_wait3A_1893 = tpu.memref_slice %arg4[%select_n3A_912, %add3A_931, %dma_wait3A_1892] : memref<50x4096x128xf32, #tpu.memory_space<hbm>> -> memref<1x64x128xf32, #tpu.memory_space<hbm>>
      %dma_wait3A_1894 = tpu.memref_squeeze %dma_wait3A_1893 : memref<1x64x128xf32, #tpu.memory_space<hbm>> -> memref<64x128xf32, #tpu.memory_space<hbm>>
      %dma_wait3A_1895 = arith.constant 0 : i32
      %dma_wait3A_1896 = tpu.memref_slice %arg4[%select_n3A_912, %add3A_931, %dma_wait3A_1895] : memref<50x4096x128xf32, #tpu.memory_space<hbm>> -> memref<1x64x128xf32, #tpu.memory_space<hbm>>
      %dma_wait3A_1897 = tpu.memref_squeeze %dma_wait3A_1896 : memref<1x64x128xf32, #tpu.memory_space<hbm>> -> memref<64x128xf32, #tpu.memory_space<hbm>>
      %dma_wait3A_1898 = arith.constant 0 : i32
      %dma_wait3A_1899 = arith.constant 0 : i32
      %dma_wait3A_1900 = tpu.memref_slice %arg6[%dma_wait3A_1887, %dma_wait3A_1898, %dma_wait3A_1899] : memref<10x64x128xf32, #tpu.memory_space<vmem>> -> memref<1x64x128xf32, #tpu.memory_space<vmem>>
      %dma_wait3A_1901 = tpu.memref_squeeze %dma_wait3A_1900 : memref<1x64x128xf32, #tpu.memory_space<vmem>> -> memref<64x128xf32, #tpu.memory_space<vmem>>
      tpu.wait_dma2 semaphore(%arg21 : memref<!tpu.dma_semaphore, #tpu.memory_space<semaphore_mem>>) src(%dma_wait3A_1901 : memref<64x128xf32, #tpu.memory_space<vmem>>) dst(%dma_wait3A_1897 : memref<64x128xf32, #tpu.memory_space<hbm>>)
      %add3A_1902 = arith.constant 10 : i32
      %add3A_1903 = arith.addi %mul3A_612, %add3A_1902 : i32
      %add3A_1904 = arith.constant 2 : i32
      %add3A_1905 = arith.addi %add3A_1903, %add3A_1904 : i32
      %jit3A_1906 = arith.constant 2 : i32
      %div3A_1907 = arith.divsi %add3A_1905, %jit3A_1906 : i32
      %sign3A_1908 = arith.constant 0 : i32
      %sign3A_1909 = arith.cmpi sgt, %add3A_1905, %sign3A_1908 : i32
      %sign3A_1910 = arith.extui %sign3A_1909 : i1 to i32
      %sign3A_1911 = arith.constant 0 : i32
      %sign3A_1912 = arith.cmpi slt, %add3A_1905, %sign3A_1911 : i32
      %sign3A_1913 = arith.extui %sign3A_1912 : i1 to i32
      %sign3A_1914 = arith.subi %sign3A_1910, %sign3A_1913 : i32
      %sign3A_1915 = arith.constant 0 : i32
      %sign3A_1916 = arith.cmpi sgt, %jit3A_1906, %sign3A_1915 : i32
      %sign3A_1917 = arith.extui %sign3A_1916 : i1 to i32
      %sign3A_1918 = arith.constant 0 : i32
      %sign3A_1919 = arith.cmpi slt, %jit3A_1906, %sign3A_1918 : i32
      %sign3A_1920 = arith.extui %sign3A_1919 : i1 to i32
      %sign3A_1921 = arith.subi %sign3A_1917, %sign3A_1920 : i32
      %ne3A_1922 = arith.cmpi ne, %sign3A_1914, %sign3A_1921 : i32
      %rem3A_1923 = arith.remsi %add3A_1905, %jit3A_1906 : i32
      %ne3A_1924 = arith.constant 0 : i32
      %ne3A_1925 = arith.cmpi ne, %rem3A_1923, %ne3A_1924 : i32
      %and3A_1926 = arith.andi %ne3A_1922, %ne3A_1925 : i1
      %sub3A_1927 = arith.constant 1 : i32
      %sub3A_1928 = arith.subi %div3A_1907, %sub3A_1927 : i32
      %select_n3A_1929 = arith.select %and3A_1926, %sub3A_1928, %div3A_1907 : i32
      %jit3A_1930 = arith.constant 2 : i32
      %eq3A_1931 = arith.constant 0 : i32
      %eq3A_1932 = arith.cmpi eq, %jit3A_1930, %eq3A_1931 : i32
      %jit3A_1933 = arith.constant 1 : i32
      %select_n3A_1934 = arith.select %eq3A_1932, %jit3A_1933, %jit3A_1930 : i32
      %rem3A_1935 = arith.remsi %add3A_1905, %select_n3A_1934 : i32
      %ne3A_1936 = arith.constant 0 : i32
      %ne3A_1937 = arith.cmpi ne, %rem3A_1935, %ne3A_1936 : i32
      %lt3A_1938 = arith.constant 0 : i32
      %lt3A_1939 = arith.cmpi slt, %rem3A_1935, %lt3A_1938 : i32
      %lt3A_1940 = arith.constant 0 : i32
      %lt3A_1941 = arith.cmpi slt, %select_n3A_1934, %lt3A_1940 : i32
      %ne3A_1942 = arith.xori %lt3A_1939, %lt3A_1941 : i1
      %and3A_1943 = arith.andi %ne3A_1942, %ne3A_1937 : i1
      %add3A_1944 = arith.addi %rem3A_1935, %select_n3A_1934 : i32
      %select_n3A_1945 = arith.select %and3A_1943, %add3A_1944, %rem3A_1935 : i32
      %mul3A_1946 = arith.constant 64 : i32
      %mul3A_1947 = arith.muli %select_n3A_1945, %mul3A_1946 : i32
      %dma_start3A_1948 = arith.constant 2 : i32
      %dma_start3A_1949 = arith.constant 0 : i32
      %dma_start3A_1950 = arith.constant 0 : i32
      %dma_start3A_1951 = tpu.memref_slice %arg6[%dma_start3A_1948, %dma_start3A_1949, %dma_start3A_1950] : memref<10x64x128xf32, #tpu.memory_space<vmem>> -> memref<1x64x128xf32, #tpu.memory_space<vmem>>
      %dma_start3A_1952 = tpu.memref_squeeze %dma_start3A_1951 : memref<1x64x128xf32, #tpu.memory_space<vmem>> -> memref<64x128xf32, #tpu.memory_space<vmem>>
      %dma_start3A_1953 = tpu.memref_slice %arg5[%select_n3A_1929, %mul3A_1947] : memref<50x128xi32, #tpu.memory_space<vmem>> -> memref<1x64xi32, #tpu.memory_space<vmem>>
      %dma_start3A_1954 = tpu.memref_squeeze %dma_start3A_1953 : memref<1x64xi32, #tpu.memory_space<vmem>> -> memref<64xi32, #tpu.memory_space<vmem>>
      %dma_start3A_1955 = arith.constant 0 : i32
      %dma_start3A_1956 = arith.constant 0 : i32
      %dma_start3A_1957 = tpu.memref_slice %arg7[%dma_start3A_1955, %dma_start3A_1956] : memref<1000x128xf32, #tpu.memory_space<vmem_shared>> -> memref<1000x128xf32, #tpu.memory_space<vmem_shared>>
      tpu.enqueue_indirect_dma source(%dma_start3A_1957 : memref<1000x128xf32, #tpu.memory_space<vmem_shared>>) target(%dma_start3A_1952 : memref<64x128xf32, #tpu.memory_space<vmem>>) offsets(%dma_start3A_1954 : memref<64xi32, #tpu.memory_space<vmem>>) semaphore(%arg11 : memref<!tpu.dma_semaphore, #tpu.memory_space<semaphore_mem>>)
      %dma_wait3A_1958 = arith.constant 3 : i32
      %dma_wait3A_1959 = arith.constant 0 : i32
      %dma_wait3A_1960 = arith.constant 0 : i32
      %dma_wait3A_1961 = tpu.memref_slice %arg6[%dma_wait3A_1958, %dma_wait3A_1959, %dma_wait3A_1960] : memref<10x64x128xf32, #tpu.memory_space<vmem>> -> memref<1x64x128xf32, #tpu.memory_space<vmem>>
      %dma_wait3A_1962 = tpu.memref_squeeze %dma_wait3A_1961 : memref<1x64x128xf32, #tpu.memory_space<vmem>> -> memref<64x128xf32, #tpu.memory_space<vmem>>
      %dma_wait3A_1963 = arith.constant 0 : i32
      %dma_wait3A_1964 = tpu.memref_slice %arg4[%select_n3A_1026, %add3A_1045, %dma_wait3A_1963] : memref<50x4096x128xf32, #tpu.memory_space<hbm>> -> memref<1x64x128xf32, #tpu.memory_space<hbm>>
      %dma_wait3A_1965 = tpu.memref_squeeze %dma_wait3A_1964 : memref<1x64x128xf32, #tpu.memory_space<hbm>> -> memref<64x128xf32, #tpu.memory_space<hbm>>
      %dma_wait3A_1966 = arith.constant 0 : i32
      %dma_wait3A_1967 = tpu.memref_slice %arg4[%select_n3A_1026, %add3A_1045, %dma_wait3A_1966] : memref<50x4096x128xf32, #tpu.memory_space<hbm>> -> memref<1x64x128xf32, #tpu.memory_space<hbm>>
      %dma_wait3A_1968 = tpu.memref_squeeze %dma_wait3A_1967 : memref<1x64x128xf32, #tpu.memory_space<hbm>> -> memref<64x128xf32, #tpu.memory_space<hbm>>
      %dma_wait3A_1969 = arith.constant 0 : i32
      %dma_wait3A_1970 = arith.constant 0 : i32
      %dma_wait3A_1971 = tpu.memref_slice %arg6[%dma_wait3A_1958, %dma_wait3A_1969, %dma_wait3A_1970] : memref<10x64x128xf32, #tpu.memory_space<vmem>> -> memref<1x64x128xf32, #tpu.memory_space<vmem>>
      %dma_wait3A_1972 = tpu.memref_squeeze %dma_wait3A_1971 : memref<1x64x128xf32, #tpu.memory_space<vmem>> -> memref<64x128xf32, #tpu.memory_space<vmem>>
      tpu.wait_dma2 semaphore(%arg22 : memref<!tpu.dma_semaphore, #tpu.memory_space<semaphore_mem>>) src(%dma_wait3A_1972 : memref<64x128xf32, #tpu.memory_space<vmem>>) dst(%dma_wait3A_1968 : memref<64x128xf32, #tpu.memory_space<hbm>>)
      %add3A_1973 = arith.constant 10 : i32
      %add3A_1974 = arith.addi %mul3A_612, %add3A_1973 : i32
      %add3A_1975 = arith.constant 3 : i32
      %add3A_1976 = arith.addi %add3A_1974, %add3A_1975 : i32
      %jit3A_1977 = arith.constant 2 : i32
      %div3A_1978 = arith.divsi %add3A_1976, %jit3A_1977 : i32
      %sign3A_1979 = arith.constant 0 : i32
      %sign3A_1980 = arith.cmpi sgt, %add3A_1976, %sign3A_1979 : i32
      %sign3A_1981 = arith.extui %sign3A_1980 : i1 to i32
      %sign3A_1982 = arith.constant 0 : i32
      %sign3A_1983 = arith.cmpi slt, %add3A_1976, %sign3A_1982 : i32
      %sign3A_1984 = arith.extui %sign3A_1983 : i1 to i32
      %sign3A_1985 = arith.subi %sign3A_1981, %sign3A_1984 : i32
      %sign3A_1986 = arith.constant 0 : i32
      %sign3A_1987 = arith.cmpi sgt, %jit3A_1977, %sign3A_1986 : i32
      %sign3A_1988 = arith.extui %sign3A_1987 : i1 to i32
      %sign3A_1989 = arith.constant 0 : i32
      %sign3A_1990 = arith.cmpi slt, %jit3A_1977, %sign3A_1989 : i32
      %sign3A_1991 = arith.extui %sign3A_1990 : i1 to i32
      %sign3A_1992 = arith.subi %sign3A_1988, %sign3A_1991 : i32
      %ne3A_1993 = arith.cmpi ne, %sign3A_1985, %sign3A_1992 : i32
      %rem3A_1994 = arith.remsi %add3A_1976, %jit3A_1977 : i32
      %ne3A_1995 = arith.constant 0 : i32
      %ne3A_1996 = arith.cmpi ne, %rem3A_1994, %ne3A_1995 : i32
      %and3A_1997 = arith.andi %ne3A_1993, %ne3A_1996 : i1
      %sub3A_1998 = arith.constant 1 : i32
      %sub3A_1999 = arith.subi %div3A_1978, %sub3A_1998 : i32
      %select_n3A_2000 = arith.select %and3A_1997, %sub3A_1999, %div3A_1978 : i32
      %jit3A_2001 = arith.constant 2 : i32
      %eq3A_2002 = arith.constant 0 : i32
      %eq3A_2003 = arith.cmpi eq, %jit3A_2001, %eq3A_2002 : i32
      %jit3A_2004 = arith.constant 1 : i32
      %select_n3A_2005 = arith.select %eq3A_2003, %jit3A_2004, %jit3A_2001 : i32
      %rem3A_2006 = arith.remsi %add3A_1976, %select_n3A_2005 : i32
      %ne3A_2007 = arith.constant 0 : i32
      %ne3A_2008 = arith.cmpi ne, %rem3A_2006, %ne3A_2007 : i32
      %lt3A_2009 = arith.constant 0 : i32
      %lt3A_2010 = arith.cmpi slt, %rem3A_2006, %lt3A_2009 : i32
      %lt3A_2011 = arith.constant 0 : i32
      %lt3A_2012 = arith.cmpi slt, %select_n3A_2005, %lt3A_2011 : i32
      %ne3A_2013 = arith.xori %lt3A_2010, %lt3A_2012 : i1
      %and3A_2014 = arith.andi %ne3A_2013, %ne3A_2008 : i1
      %add3A_2015 = arith.addi %rem3A_2006, %select_n3A_2005 : i32
      %select_n3A_2016 = arith.select %and3A_2014, %add3A_2015, %rem3A_2006 : i32
      %mul3A_2017 = arith.constant 64 : i32
      %mul3A_2018 = arith.muli %select_n3A_2016, %mul3A_2017 : i32
      %dma_start3A_2019 = arith.constant 3 : i32
      %dma_start3A_2020 = arith.constant 0 : i32
      %dma_start3A_2021 = arith.constant 0 : i32
      %dma_start3A_2022 = tpu.memref_slice %arg6[%dma_start3A_2019, %dma_start3A_2020, %dma_start3A_2021] : memref<10x64x128xf32, #tpu.memory_space<vmem>> -> memref<1x64x128xf32, #tpu.memory_space<vmem>>
      %dma_start3A_2023 = tpu.memref_squeeze %dma_start3A_2022 : memref<1x64x128xf32, #tpu.memory_space<vmem>> -> memref<64x128xf32, #tpu.memory_space<vmem>>
      %dma_start3A_2024 = tpu.memref_slice %arg5[%select_n3A_2000, %mul3A_2018] : memref<50x128xi32, #tpu.memory_space<vmem>> -> memref<1x64xi32, #tpu.memory_space<vmem>>
      %dma_start3A_2025 = tpu.memref_squeeze %dma_start3A_2024 : memref<1x64xi32, #tpu.memory_space<vmem>> -> memref<64xi32, #tpu.memory_space<vmem>>
      %dma_start3A_2026 = arith.constant 0 : i32
      %dma_start3A_2027 = arith.constant 0 : i32
      %dma_start3A_2028 = tpu.memref_slice %arg7[%dma_start3A_2026, %dma_start3A_2027] : memref<1000x128xf32, #tpu.memory_space<vmem_shared>> -> memref<1000x128xf32, #tpu.memory_space<vmem_shared>>
      tpu.enqueue_indirect_dma source(%dma_start3A_2028 : memref<1000x128xf32, #tpu.memory_space<vmem_shared>>) target(%dma_start3A_2023 : memref<64x128xf32, #tpu.memory_space<vmem>>) offsets(%dma_start3A_2025 : memref<64xi32, #tpu.memory_space<vmem>>) semaphore(%arg12 : memref<!tpu.dma_semaphore, #tpu.memory_space<semaphore_mem>>)
      %dma_wait3A_2029 = arith.constant 4 : i32
      %dma_wait3A_2030 = arith.constant 0 : i32
      %dma_wait3A_2031 = arith.constant 0 : i32
      %dma_wait3A_2032 = tpu.memref_slice %arg6[%dma_wait3A_2029, %dma_wait3A_2030, %dma_wait3A_2031] : memref<10x64x128xf32, #tpu.memory_space<vmem>> -> memref<1x64x128xf32, #tpu.memory_space<vmem>>
      %dma_wait3A_2033 = tpu.memref_squeeze %dma_wait3A_2032 : memref<1x64x128xf32, #tpu.memory_space<vmem>> -> memref<64x128xf32, #tpu.memory_space<vmem>>
      %dma_wait3A_2034 = arith.constant 0 : i32
      %dma_wait3A_2035 = tpu.memref_slice %arg4[%select_n3A_1140, %add3A_1159, %dma_wait3A_2034] : memref<50x4096x128xf32, #tpu.memory_space<hbm>> -> memref<1x64x128xf32, #tpu.memory_space<hbm>>
      %dma_wait3A_2036 = tpu.memref_squeeze %dma_wait3A_2035 : memref<1x64x128xf32, #tpu.memory_space<hbm>> -> memref<64x128xf32, #tpu.memory_space<hbm>>
      %dma_wait3A_2037 = arith.constant 0 : i32
      %dma_wait3A_2038 = tpu.memref_slice %arg4[%select_n3A_1140, %add3A_1159, %dma_wait3A_2037] : memref<50x4096x128xf32, #tpu.memory_space<hbm>> -> memref<1x64x128xf32, #tpu.memory_space<hbm>>
      %dma_wait3A_2039 = tpu.memref_squeeze %dma_wait3A_2038 : memref<1x64x128xf32, #tpu.memory_space<hbm>> -> memref<64x128xf32, #tpu.memory_space<hbm>>
      %dma_wait3A_2040 = arith.constant 0 : i32
      %dma_wait3A_2041 = arith.constant 0 : i32
      %dma_wait3A_2042 = tpu.memref_slice %arg6[%dma_wait3A_2029, %dma_wait3A_2040, %dma_wait3A_2041] : memref<10x64x128xf32, #tpu.memory_space<vmem>> -> memref<1x64x128xf32, #tpu.memory_space<vmem>>
      %dma_wait3A_2043 = tpu.memref_squeeze %dma_wait3A_2042 : memref<1x64x128xf32, #tpu.memory_space<vmem>> -> memref<64x128xf32, #tpu.memory_space<vmem>>
      tpu.wait_dma2 semaphore(%arg23 : memref<!tpu.dma_semaphore, #tpu.memory_space<semaphore_mem>>) src(%dma_wait3A_2043 : memref<64x128xf32, #tpu.memory_space<vmem>>) dst(%dma_wait3A_2039 : memref<64x128xf32, #tpu.memory_space<hbm>>)
      %add3A_2044 = arith.constant 10 : i32
      %add3A_2045 = arith.addi %mul3A_612, %add3A_2044 : i32
      %add3A_2046 = arith.constant 4 : i32
      %add3A_2047 = arith.addi %add3A_2045, %add3A_2046 : i32
      %jit3A_2048 = arith.constant 2 : i32
      %div3A_2049 = arith.divsi %add3A_2047, %jit3A_2048 : i32
      %sign3A_2050 = arith.constant 0 : i32
      %sign3A_2051 = arith.cmpi sgt, %add3A_2047, %sign3A_2050 : i32
      %sign3A_2052 = arith.extui %sign3A_2051 : i1 to i32
      %sign3A_2053 = arith.constant 0 : i32
      %sign3A_2054 = arith.cmpi slt, %add3A_2047, %sign3A_2053 : i32
      %sign3A_2055 = arith.extui %sign3A_2054 : i1 to i32
      %sign3A_2056 = arith.subi %sign3A_2052, %sign3A_2055 : i32
      %sign3A_2057 = arith.constant 0 : i32
      %sign3A_2058 = arith.cmpi sgt, %jit3A_2048, %sign3A_2057 : i32
      %sign3A_2059 = arith.extui %sign3A_2058 : i1 to i32
      %sign3A_2060 = arith.constant 0 : i32
      %sign3A_2061 = arith.cmpi slt, %jit3A_2048, %sign3A_2060 : i32
      %sign3A_2062 = arith.extui %sign3A_2061 : i1 to i32
      %sign3A_2063 = arith.subi %sign3A_2059, %sign3A_2062 : i32
      %ne3A_2064 = arith.cmpi ne, %sign3A_2056, %sign3A_2063 : i32
      %rem3A_2065 = arith.remsi %add3A_2047, %jit3A_2048 : i32
      %ne3A_2066 = arith.constant 0 : i32
      %ne3A_2067 = arith.cmpi ne, %rem3A_2065, %ne3A_2066 : i32
      %and3A_2068 = arith.andi %ne3A_2064, %ne3A_2067 : i1
      %sub3A_2069 = arith.constant 1 : i32
      %sub3A_2070 = arith.subi %div3A_2049, %sub3A_2069 : i32
      %select_n3A_2071 = arith.select %and3A_2068, %sub3A_2070, %div3A_2049 : i32
      %jit3A_2072 = arith.constant 2 : i32
      %eq3A_2073 = arith.constant 0 : i32
      %eq3A_2074 = arith.cmpi eq, %jit3A_2072, %eq3A_2073 : i32
      %jit3A_2075 = arith.constant 1 : i32
      %select_n3A_2076 = arith.select %eq3A_2074, %jit3A_2075, %jit3A_2072 : i32
      %rem3A_2077 = arith.remsi %add3A_2047, %select_n3A_2076 : i32
      %ne3A_2078 = arith.constant 0 : i32
      %ne3A_2079 = arith.cmpi ne, %rem3A_2077, %ne3A_2078 : i32
      %lt3A_2080 = arith.constant 0 : i32
      %lt3A_2081 = arith.cmpi slt, %rem3A_2077, %lt3A_2080 : i32
      %lt3A_2082 = arith.constant 0 : i32
      %lt3A_2083 = arith.cmpi slt, %select_n3A_2076, %lt3A_2082 : i32
      %ne3A_2084 = arith.xori %lt3A_2081, %lt3A_2083 : i1
      %and3A_2085 = arith.andi %ne3A_2084, %ne3A_2079 : i1
      %add3A_2086 = arith.addi %rem3A_2077, %select_n3A_2076 : i32
      %select_n3A_2087 = arith.select %and3A_2085, %add3A_2086, %rem3A_2077 : i32
      %mul3A_2088 = arith.constant 64 : i32
      %mul3A_2089 = arith.muli %select_n3A_2087, %mul3A_2088 : i32
      %dma_start3A_2090 = arith.constant 4 : i32
      %dma_start3A_2091 = arith.constant 0 : i32
      %dma_start3A_2092 = arith.constant 0 : i32
      %dma_start3A_2093 = tpu.memref_slice %arg6[%dma_start3A_2090, %dma_start3A_2091, %dma_start3A_2092] : memref<10x64x128xf32, #tpu.memory_space<vmem>> -> memref<1x64x128xf32, #tpu.memory_space<vmem>>
      %dma_start3A_2094 = tpu.memref_squeeze %dma_start3A_2093 : memref<1x64x128xf32, #tpu.memory_space<vmem>> -> memref<64x128xf32, #tpu.memory_space<vmem>>
      %dma_start3A_2095 = tpu.memref_slice %arg5[%select_n3A_2071, %mul3A_2089] : memref<50x128xi32, #tpu.memory_space<vmem>> -> memref<1x64xi32, #tpu.memory_space<vmem>>
      %dma_start3A_2096 = tpu.memref_squeeze %dma_start3A_2095 : memref<1x64xi32, #tpu.memory_space<vmem>> -> memref<64xi32, #tpu.memory_space<vmem>>
      %dma_start3A_2097 = arith.constant 0 : i32
      %dma_start3A_2098 = arith.constant 0 : i32
      %dma_start3A_2099 = tpu.memref_slice %arg7[%dma_start3A_2097, %dma_start3A_2098] : memref<1000x128xf32, #tpu.memory_space<vmem_shared>> -> memref<1000x128xf32, #tpu.memory_space<vmem_shared>>
      tpu.enqueue_indirect_dma source(%dma_start3A_2099 : memref<1000x128xf32, #tpu.memory_space<vmem_shared>>) target(%dma_start3A_2094 : memref<64x128xf32, #tpu.memory_space<vmem>>) offsets(%dma_start3A_2096 : memref<64xi32, #tpu.memory_space<vmem>>) semaphore(%arg13 : memref<!tpu.dma_semaphore, #tpu.memory_space<semaphore_mem>>)
      %dma_wait3A_2100 = arith.constant 5 : i32
      %dma_wait3A_2101 = arith.constant 0 : i32
      %dma_wait3A_2102 = arith.constant 0 : i32
      %dma_wait3A_2103 = tpu.memref_slice %arg6[%dma_wait3A_2100, %dma_wait3A_2101, %dma_wait3A_2102] : memref<10x64x128xf32, #tpu.memory_space<vmem>> -> memref<1x64x128xf32, #tpu.memory_space<vmem>>
      %dma_wait3A_2104 = tpu.memref_squeeze %dma_wait3A_2103 : memref<1x64x128xf32, #tpu.memory_space<vmem>> -> memref<64x128xf32, #tpu.memory_space<vmem>>
      %dma_wait3A_2105 = arith.constant 0 : i32
      %dma_wait3A_2106 = tpu.memref_slice %arg4[%select_n3A_1254, %add3A_1273, %dma_wait3A_2105] : memref<50x4096x128xf32, #tpu.memory_space<hbm>> -> memref<1x64x128xf32, #tpu.memory_space<hbm>>
      %dma_wait3A_2107 = tpu.memref_squeeze %dma_wait3A_2106 : memref<1x64x128xf32, #tpu.memory_space<hbm>> -> memref<64x128xf32, #tpu.memory_space<hbm>>
      %dma_wait3A_2108 = arith.constant 0 : i32
      %dma_wait3A_2109 = tpu.memref_slice %arg4[%select_n3A_1254, %add3A_1273, %dma_wait3A_2108] : memref<50x4096x128xf32, #tpu.memory_space<hbm>> -> memref<1x64x128xf32, #tpu.memory_space<hbm>>
      %dma_wait3A_2110 = tpu.memref_squeeze %dma_wait3A_2109 : memref<1x64x128xf32, #tpu.memory_space<hbm>> -> memref<64x128xf32, #tpu.memory_space<hbm>>
      %dma_wait3A_2111 = arith.constant 0 : i32
      %dma_wait3A_2112 = arith.constant 0 : i32
      %dma_wait3A_2113 = tpu.memref_slice %arg6[%dma_wait3A_2100, %dma_wait3A_2111, %dma_wait3A_2112] : memref<10x64x128xf32, #tpu.memory_space<vmem>> -> memref<1x64x128xf32, #tpu.memory_space<vmem>>
      %dma_wait3A_2114 = tpu.memref_squeeze %dma_wait3A_2113 : memref<1x64x128xf32, #tpu.memory_space<vmem>> -> memref<64x128xf32, #tpu.memory_space<vmem>>
      tpu.wait_dma2 semaphore(%arg24 : memref<!tpu.dma_semaphore, #tpu.memory_space<semaphore_mem>>) src(%dma_wait3A_2114 : memref<64x128xf32, #tpu.memory_space<vmem>>) dst(%dma_wait3A_2110 : memref<64x128xf32, #tpu.memory_space<hbm>>)
      %add3A_2115 = arith.constant 10 : i32
      %add3A_2116 = arith.addi %mul3A_612, %add3A_2115 : i32
      %add3A_2117 = arith.constant 5 : i32
      %add3A_2118 = arith.addi %add3A_2116, %add3A_2117 : i32
      %jit3A_2119 = arith.constant 2 : i32
      %div3A_2120 = arith.divsi %add3A_2118, %jit3A_2119 : i32
      %sign3A_2121 = arith.constant 0 : i32
      %sign3A_2122 = arith.cmpi sgt, %add3A_2118, %sign3A_2121 : i32
      %sign3A_2123 = arith.extui %sign3A_2122 : i1 to i32
      %sign3A_2124 = arith.constant 0 : i32
      %sign3A_2125 = arith.cmpi slt, %add3A_2118, %sign3A_2124 : i32
      %sign3A_2126 = arith.extui %sign3A_2125 : i1 to i32
      %sign3A_2127 = arith.subi %sign3A_2123, %sign3A_2126 : i32
      %sign3A_2128 = arith.constant 0 : i32
      %sign3A_2129 = arith.cmpi sgt, %jit3A_2119, %sign3A_2128 : i32
      %sign3A_2130 = arith.extui %sign3A_2129 : i1 to i32
      %sign3A_2131 = arith.constant 0 : i32
      %sign3A_2132 = arith.cmpi slt, %jit3A_2119, %sign3A_2131 : i32
      %sign3A_2133 = arith.extui %sign3A_2132 : i1 to i32
      %sign3A_2134 = arith.subi %sign3A_2130, %sign3A_2133 : i32
      %ne3A_2135 = arith.cmpi ne, %sign3A_2127, %sign3A_2134 : i32
      %rem3A_2136 = arith.remsi %add3A_2118, %jit3A_2119 : i32
      %ne3A_2137 = arith.constant 0 : i32
      %ne3A_2138 = arith.cmpi ne, %rem3A_2136, %ne3A_2137 : i32
      %and3A_2139 = arith.andi %ne3A_2135, %ne3A_2138 : i1
      %sub3A_2140 = arith.constant 1 : i32
      %sub3A_2141 = arith.subi %div3A_2120, %sub3A_2140 : i32
      %select_n3A_2142 = arith.select %and3A_2139, %sub3A_2141, %div3A_2120 : i32
      %jit3A_2143 = arith.constant 2 : i32
      %eq3A_2144 = arith.constant 0 : i32
      %eq3A_2145 = arith.cmpi eq, %jit3A_2143, %eq3A_2144 : i32
      %jit3A_2146 = arith.constant 1 : i32
      %select_n3A_2147 = arith.select %eq3A_2145, %jit3A_2146, %jit3A_2143 : i32
      %rem3A_2148 = arith.remsi %add3A_2118, %select_n3A_2147 : i32
      %ne3A_2149 = arith.constant 0 : i32
      %ne3A_2150 = arith.cmpi ne, %rem3A_2148, %ne3A_2149 : i32
      %lt3A_2151 = arith.constant 0 : i32
      %lt3A_2152 = arith.cmpi slt, %rem3A_2148, %lt3A_2151 : i32
      %lt3A_2153 = arith.constant 0 : i32
      %lt3A_2154 = arith.cmpi slt, %select_n3A_2147, %lt3A_2153 : i32
      %ne3A_2155 = arith.xori %lt3A_2152, %lt3A_2154 : i1
      %and3A_2156 = arith.andi %ne3A_2155, %ne3A_2150 : i1
      %add3A_2157 = arith.addi %rem3A_2148, %select_n3A_2147 : i32
      %select_n3A_2158 = arith.select %and3A_2156, %add3A_2157, %rem3A_2148 : i32
      %mul3A_2159 = arith.constant 64 : i32
      %mul3A_2160 = arith.muli %select_n3A_2158, %mul3A_2159 : i32
      %dma_start3A_2161 = arith.constant 5 : i32
      %dma_start3A_2162 = arith.constant 0 : i32
      %dma_start3A_2163 = arith.constant 0 : i32
      %dma_start3A_2164 = tpu.memref_slice %arg6[%dma_start3A_2161, %dma_start3A_2162, %dma_start3A_2163] : memref<10x64x128xf32, #tpu.memory_space<vmem>> -> memref<1x64x128xf32, #tpu.memory_space<vmem>>
      %dma_start3A_2165 = tpu.memref_squeeze %dma_start3A_2164 : memref<1x64x128xf32, #tpu.memory_space<vmem>> -> memref<64x128xf32, #tpu.memory_space<vmem>>
      %dma_start3A_2166 = tpu.memref_slice %arg5[%select_n3A_2142, %mul3A_2160] : memref<50x128xi32, #tpu.memory_space<vmem>> -> memref<1x64xi32, #tpu.memory_space<vmem>>
      %dma_start3A_2167 = tpu.memref_squeeze %dma_start3A_2166 : memref<1x64xi32, #tpu.memory_space<vmem>> -> memref<64xi32, #tpu.memory_space<vmem>>
      %dma_start3A_2168 = arith.constant 0 : i32
      %dma_start3A_2169 = arith.constant 0 : i32
      %dma_start3A_2170 = tpu.memref_slice %arg7[%dma_start3A_2168, %dma_start3A_2169] : memref<1000x128xf32, #tpu.memory_space<vmem_shared>> -> memref<1000x128xf32, #tpu.memory_space<vmem_shared>>
      tpu.enqueue_indirect_dma source(%dma_start3A_2170 : memref<1000x128xf32, #tpu.memory_space<vmem_shared>>) target(%dma_start3A_2165 : memref<64x128xf32, #tpu.memory_space<vmem>>) offsets(%dma_start3A_2167 : memref<64xi32, #tpu.memory_space<vmem>>) semaphore(%arg14 : memref<!tpu.dma_semaphore, #tpu.memory_space<semaphore_mem>>)
      %dma_wait3A_2171 = arith.constant 6 : i32
      %dma_wait3A_2172 = arith.constant 0 : i32
      %dma_wait3A_2173 = arith.constant 0 : i32
      %dma_wait3A_2174 = tpu.memref_slice %arg6[%dma_wait3A_2171, %dma_wait3A_2172, %dma_wait3A_2173] : memref<10x64x128xf32, #tpu.memory_space<vmem>> -> memref<1x64x128xf32, #tpu.memory_space<vmem>>
      %dma_wait3A_2175 = tpu.memref_squeeze %dma_wait3A_2174 : memref<1x64x128xf32, #tpu.memory_space<vmem>> -> memref<64x128xf32, #tpu.memory_space<vmem>>
      %dma_wait3A_2176 = arith.constant 0 : i32
      %dma_wait3A_2177 = tpu.memref_slice %arg4[%select_n3A_1368, %add3A_1387, %dma_wait3A_2176] : memref<50x4096x128xf32, #tpu.memory_space<hbm>> -> memref<1x64x128xf32, #tpu.memory_space<hbm>>
      %dma_wait3A_2178 = tpu.memref_squeeze %dma_wait3A_2177 : memref<1x64x128xf32, #tpu.memory_space<hbm>> -> memref<64x128xf32, #tpu.memory_space<hbm>>
      %dma_wait3A_2179 = arith.constant 0 : i32
      %dma_wait3A_2180 = tpu.memref_slice %arg4[%select_n3A_1368, %add3A_1387, %dma_wait3A_2179] : memref<50x4096x128xf32, #tpu.memory_space<hbm>> -> memref<1x64x128xf32, #tpu.memory_space<hbm>>
      %dma_wait3A_2181 = tpu.memref_squeeze %dma_wait3A_2180 : memref<1x64x128xf32, #tpu.memory_space<hbm>> -> memref<64x128xf32, #tpu.memory_space<hbm>>
      %dma_wait3A_2182 = arith.constant 0 : i32
      %dma_wait3A_2183 = arith.constant 0 : i32
      %dma_wait3A_2184 = tpu.memref_slice %arg6[%dma_wait3A_2171, %dma_wait3A_2182, %dma_wait3A_2183] : memref<10x64x128xf32, #tpu.memory_space<vmem>> -> memref<1x64x128xf32, #tpu.memory_space<vmem>>
      %dma_wait3A_2185 = tpu.memref_squeeze %dma_wait3A_2184 : memref<1x64x128xf32, #tpu.memory_space<vmem>> -> memref<64x128xf32, #tpu.memory_space<vmem>>
      tpu.wait_dma2 semaphore(%arg25 : memref<!tpu.dma_semaphore, #tpu.memory_space<semaphore_mem>>) src(%dma_wait3A_2185 : memref<64x128xf32, #tpu.memory_space<vmem>>) dst(%dma_wait3A_2181 : memref<64x128xf32, #tpu.memory_space<hbm>>)
      %add3A_2186 = arith.constant 10 : i32
      %add3A_2187 = arith.addi %mul3A_612, %add3A_2186 : i32
      %add3A_2188 = arith.constant 6 : i32
      %add3A_2189 = arith.addi %add3A_2187, %add3A_2188 : i32
      %jit3A_2190 = arith.constant 2 : i32
      %div3A_2191 = arith.divsi %add3A_2189, %jit3A_2190 : i32
      %sign3A_2192 = arith.constant 0 : i32
      %sign3A_2193 = arith.cmpi sgt, %add3A_2189, %sign3A_2192 : i32
      %sign3A_2194 = arith.extui %sign3A_2193 : i1 to i32
      %sign3A_2195 = arith.constant 0 : i32
      %sign3A_2196 = arith.cmpi slt, %add3A_2189, %sign3A_2195 : i32
      %sign3A_2197 = arith.extui %sign3A_2196 : i1 to i32
      %sign3A_2198 = arith.subi %sign3A_2194, %sign3A_2197 : i32
      %sign3A_2199 = arith.constant 0 : i32
      %sign3A_2200 = arith.cmpi sgt, %jit3A_2190, %sign3A_2199 : i32
      %sign3A_2201 = arith.extui %sign3A_2200 : i1 to i32
      %sign3A_2202 = arith.constant 0 : i32
      %sign3A_2203 = arith.cmpi slt, %jit3A_2190, %sign3A_2202 : i32
      %sign3A_2204 = arith.extui %sign3A_2203 : i1 to i32
      %sign3A_2205 = arith.subi %sign3A_2201, %sign3A_2204 : i32
      %ne3A_2206 = arith.cmpi ne, %sign3A_2198, %sign3A_2205 : i32
      %rem3A_2207 = arith.remsi %add3A_2189, %jit3A_2190 : i32
      %ne3A_2208 = arith.constant 0 : i32
      %ne3A_2209 = arith.cmpi ne, %rem3A_2207, %ne3A_2208 : i32
      %and3A_2210 = arith.andi %ne3A_2206, %ne3A_2209 : i1
      %sub3A_2211 = arith.constant 1 : i32
      %sub3A_2212 = arith.subi %div3A_2191, %sub3A_2211 : i32
      %select_n3A_2213 = arith.select %and3A_2210, %sub3A_2212, %div3A_2191 : i32
      %jit3A_2214 = arith.constant 2 : i32
      %eq3A_2215 = arith.constant 0 : i32
      %eq3A_2216 = arith.cmpi eq, %jit3A_2214, %eq3A_2215 : i32
      %jit3A_2217 = arith.constant 1 : i32
      %select_n3A_2218 = arith.select %eq3A_2216, %jit3A_2217, %jit3A_2214 : i32
      %rem3A_2219 = arith.remsi %add3A_2189, %select_n3A_2218 : i32
      %ne3A_2220 = arith.constant 0 : i32
      %ne3A_2221 = arith.cmpi ne, %rem3A_2219, %ne3A_2220 : i32
      %lt3A_2222 = arith.constant 0 : i32
      %lt3A_2223 = arith.cmpi slt, %rem3A_2219, %lt3A_2222 : i32
      %lt3A_2224 = arith.constant 0 : i32
      %lt3A_2225 = arith.cmpi slt, %select_n3A_2218, %lt3A_2224 : i32
      %ne3A_2226 = arith.xori %lt3A_2223, %lt3A_2225 : i1
      %and3A_2227 = arith.andi %ne3A_2226, %ne3A_2221 : i1
      %add3A_2228 = arith.addi %rem3A_2219, %select_n3A_2218 : i32
      %select_n3A_2229 = arith.select %and3A_2227, %add3A_2228, %rem3A_2219 : i32
      %mul3A_2230 = arith.constant 64 : i32
      %mul3A_2231 = arith.muli %select_n3A_2229, %mul3A_2230 : i32
      %dma_start3A_2232 = arith.constant 6 : i32
      %dma_start3A_2233 = arith.constant 0 : i32
      %dma_start3A_2234 = arith.constant 0 : i32
      %dma_start3A_2235 = tpu.memref_slice %arg6[%dma_start3A_2232, %dma_start3A_2233, %dma_start3A_2234] : memref<10x64x128xf32, #tpu.memory_space<vmem>> -> memref<1x64x128xf32, #tpu.memory_space<vmem>>
      %dma_start3A_2236 = tpu.memref_squeeze %dma_start3A_2235 : memref<1x64x128xf32, #tpu.memory_space<vmem>> -> memref<64x128xf32, #tpu.memory_space<vmem>>
      %dma_start3A_2237 = tpu.memref_slice %arg5[%select_n3A_2213, %mul3A_2231] : memref<50x128xi32, #tpu.memory_space<vmem>> -> memref<1x64xi32, #tpu.memory_space<vmem>>
      %dma_start3A_2238 = tpu.memref_squeeze %dma_start3A_2237 : memref<1x64xi32, #tpu.memory_space<vmem>> -> memref<64xi32, #tpu.memory_space<vmem>>
      %dma_start3A_2239 = arith.constant 0 : i32
      %dma_start3A_2240 = arith.constant 0 : i32
      %dma_start3A_2241 = tpu.memref_slice %arg7[%dma_start3A_2239, %dma_start3A_2240] : memref<1000x128xf32, #tpu.memory_space<vmem_shared>> -> memref<1000x128xf32, #tpu.memory_space<vmem_shared>>
      tpu.enqueue_indirect_dma source(%dma_start3A_2241 : memref<1000x128xf32, #tpu.memory_space<vmem_shared>>) target(%dma_start3A_2236 : memref<64x128xf32, #tpu.memory_space<vmem>>) offsets(%dma_start3A_2238 : memref<64xi32, #tpu.memory_space<vmem>>) semaphore(%arg15 : memref<!tpu.dma_semaphore, #tpu.memory_space<semaphore_mem>>)
      %dma_wait3A_2242 = arith.constant 7 : i32
      %dma_wait3A_2243 = arith.constant 0 : i32
      %dma_wait3A_2244 = arith.constant 0 : i32
      %dma_wait3A_2245 = tpu.memref_slice %arg6[%dma_wait3A_2242, %dma_wait3A_2243, %dma_wait3A_2244] : memref<10x64x128xf32, #tpu.memory_space<vmem>> -> memref<1x64x128xf32, #tpu.memory_space<vmem>>
      %dma_wait3A_2246 = tpu.memref_squeeze %dma_wait3A_2245 : memref<1x64x128xf32, #tpu.memory_space<vmem>> -> memref<64x128xf32, #tpu.memory_space<vmem>>
      %dma_wait3A_2247 = arith.constant 0 : i32
      %dma_wait3A_2248 = tpu.memref_slice %arg4[%select_n3A_1482, %add3A_1501, %dma_wait3A_2247] : memref<50x4096x128xf32, #tpu.memory_space<hbm>> -> memref<1x64x128xf32, #tpu.memory_space<hbm>>
      %dma_wait3A_2249 = tpu.memref_squeeze %dma_wait3A_2248 : memref<1x64x128xf32, #tpu.memory_space<hbm>> -> memref<64x128xf32, #tpu.memory_space<hbm>>
      %dma_wait3A_2250 = arith.constant 0 : i32
      %dma_wait3A_2251 = tpu.memref_slice %arg4[%select_n3A_1482, %add3A_1501, %dma_wait3A_2250] : memref<50x4096x128xf32, #tpu.memory_space<hbm>> -> memref<1x64x128xf32, #tpu.memory_space<hbm>>
      %dma_wait3A_2252 = tpu.memref_squeeze %dma_wait3A_2251 : memref<1x64x128xf32, #tpu.memory_space<hbm>> -> memref<64x128xf32, #tpu.memory_space<hbm>>
      %dma_wait3A_2253 = arith.constant 0 : i32
      %dma_wait3A_2254 = arith.constant 0 : i32
      %dma_wait3A_2255 = tpu.memref_slice %arg6[%dma_wait3A_2242, %dma_wait3A_2253, %dma_wait3A_2254] : memref<10x64x128xf32, #tpu.memory_space<vmem>> -> memref<1x64x128xf32, #tpu.memory_space<vmem>>
      %dma_wait3A_2256 = tpu.memref_squeeze %dma_wait3A_2255 : memref<1x64x128xf32, #tpu.memory_space<vmem>> -> memref<64x128xf32, #tpu.memory_space<vmem>>
      tpu.wait_dma2 semaphore(%arg26 : memref<!tpu.dma_semaphore, #tpu.memory_space<semaphore_mem>>) src(%dma_wait3A_2256 : memref<64x128xf32, #tpu.memory_space<vmem>>) dst(%dma_wait3A_2252 : memref<64x128xf32, #tpu.memory_space<hbm>>)
      %add3A_2257 = arith.constant 10 : i32
      %add3A_2258 = arith.addi %mul3A_612, %add3A_2257 : i32
      %add3A_2259 = arith.constant 7 : i32
      %add3A_2260 = arith.addi %add3A_2258, %add3A_2259 : i32
      %jit3A_2261 = arith.constant 2 : i32
      %div3A_2262 = arith.divsi %add3A_2260, %jit3A_2261 : i32
      %sign3A_2263 = arith.constant 0 : i32
      %sign3A_2264 = arith.cmpi sgt, %add3A_2260, %sign3A_2263 : i32
      %sign3A_2265 = arith.extui %sign3A_2264 : i1 to i32
      %sign3A_2266 = arith.constant 0 : i32
      %sign3A_2267 = arith.cmpi slt, %add3A_2260, %sign3A_2266 : i32
      %sign3A_2268 = arith.extui %sign3A_2267 : i1 to i32
      %sign3A_2269 = arith.subi %sign3A_2265, %sign3A_2268 : i32
      %sign3A_2270 = arith.constant 0 : i32
      %sign3A_2271 = arith.cmpi sgt, %jit3A_2261, %sign3A_2270 : i32
      %sign3A_2272 = arith.extui %sign3A_2271 : i1 to i32
      %sign3A_2273 = arith.constant 0 : i32
      %sign3A_2274 = arith.cmpi slt, %jit3A_2261, %sign3A_2273 : i32
      %sign3A_2275 = arith.extui %sign3A_2274 : i1 to i32
      %sign3A_2276 = arith.subi %sign3A_2272, %sign3A_2275 : i32
      %ne3A_2277 = arith.cmpi ne, %sign3A_2269, %sign3A_2276 : i32
      %rem3A_2278 = arith.remsi %add3A_2260, %jit3A_2261 : i32
      %ne3A_2279 = arith.constant 0 : i32
      %ne3A_2280 = arith.cmpi ne, %rem3A_2278, %ne3A_2279 : i32
      %and3A_2281 = arith.andi %ne3A_2277, %ne3A_2280 : i1
      %sub3A_2282 = arith.constant 1 : i32
      %sub3A_2283 = arith.subi %div3A_2262, %sub3A_2282 : i32
      %select_n3A_2284 = arith.select %and3A_2281, %sub3A_2283, %div3A_2262 : i32
      %jit3A_2285 = arith.constant 2 : i32
      %eq3A_2286 = arith.constant 0 : i32
      %eq3A_2287 = arith.cmpi eq, %jit3A_2285, %eq3A_2286 : i32
      %jit3A_2288 = arith.constant 1 : i32
      %select_n3A_2289 = arith.select %eq3A_2287, %jit3A_2288, %jit3A_2285 : i32
      %rem3A_2290 = arith.remsi %add3A_2260, %select_n3A_2289 : i32
      %ne3A_2291 = arith.constant 0 : i32
      %ne3A_2292 = arith.cmpi ne, %rem3A_2290, %ne3A_2291 : i32
      %lt3A_2293 = arith.constant 0 : i32
      %lt3A_2294 = arith.cmpi slt, %rem3A_2290, %lt3A_2293 : i32
      %lt3A_2295 = arith.constant 0 : i32
      %lt3A_2296 = arith.cmpi slt, %select_n3A_2289, %lt3A_2295 : i32
      %ne3A_2297 = arith.xori %lt3A_2294, %lt3A_2296 : i1
      %and3A_2298 = arith.andi %ne3A_2297, %ne3A_2292 : i1
      %add3A_2299 = arith.addi %rem3A_2290, %select_n3A_2289 : i32
      %select_n3A_2300 = arith.select %and3A_2298, %add3A_2299, %rem3A_2290 : i32
      %mul3A_2301 = arith.constant 64 : i32
      %mul3A_2302 = arith.muli %select_n3A_2300, %mul3A_2301 : i32
      %dma_start3A_2303 = arith.constant 7 : i32
      %dma_start3A_2304 = arith.constant 0 : i32
      %dma_start3A_2305 = arith.constant 0 : i32
      %dma_start3A_2306 = tpu.memref_slice %arg6[%dma_start3A_2303, %dma_start3A_2304, %dma_start3A_2305] : memref<10x64x128xf32, #tpu.memory_space<vmem>> -> memref<1x64x128xf32, #tpu.memory_space<vmem>>
      %dma_start3A_2307 = tpu.memref_squeeze %dma_start3A_2306 : memref<1x64x128xf32, #tpu.memory_space<vmem>> -> memref<64x128xf32, #tpu.memory_space<vmem>>
      %dma_start3A_2308 = tpu.memref_slice %arg5[%select_n3A_2284, %mul3A_2302] : memref<50x128xi32, #tpu.memory_space<vmem>> -> memref<1x64xi32, #tpu.memory_space<vmem>>
      %dma_start3A_2309 = tpu.memref_squeeze %dma_start3A_2308 : memref<1x64xi32, #tpu.memory_space<vmem>> -> memref<64xi32, #tpu.memory_space<vmem>>
      %dma_start3A_2310 = arith.constant 0 : i32
      %dma_start3A_2311 = arith.constant 0 : i32
      %dma_start3A_2312 = tpu.memref_slice %arg7[%dma_start3A_2310, %dma_start3A_2311] : memref<1000x128xf32, #tpu.memory_space<vmem_shared>> -> memref<1000x128xf32, #tpu.memory_space<vmem_shared>>
      tpu.enqueue_indirect_dma source(%dma_start3A_2312 : memref<1000x128xf32, #tpu.memory_space<vmem_shared>>) target(%dma_start3A_2307 : memref<64x128xf32, #tpu.memory_space<vmem>>) offsets(%dma_start3A_2309 : memref<64xi32, #tpu.memory_space<vmem>>) semaphore(%arg16 : memref<!tpu.dma_semaphore, #tpu.memory_space<semaphore_mem>>)
      %dma_wait3A_2313 = arith.constant 8 : i32
      %dma_wait3A_2314 = arith.constant 0 : i32
      %dma_wait3A_2315 = arith.constant 0 : i32
      %dma_wait3A_2316 = tpu.memref_slice %arg6[%dma_wait3A_2313, %dma_wait3A_2314, %dma_wait3A_2315] : memref<10x64x128xf32, #tpu.memory_space<vmem>> -> memref<1x64x128xf32, #tpu.memory_space<vmem>>
      %dma_wait3A_2317 = tpu.memref_squeeze %dma_wait3A_2316 : memref<1x64x128xf32, #tpu.memory_space<vmem>> -> memref<64x128xf32, #tpu.memory_space<vmem>>
      %dma_wait3A_2318 = arith.constant 0 : i32
      %dma_wait3A_2319 = tpu.memref_slice %arg4[%select_n3A_1596, %add3A_1615, %dma_wait3A_2318] : memref<50x4096x128xf32, #tpu.memory_space<hbm>> -> memref<1x64x128xf32, #tpu.memory_space<hbm>>
      %dma_wait3A_2320 = tpu.memref_squeeze %dma_wait3A_2319 : memref<1x64x128xf32, #tpu.memory_space<hbm>> -> memref<64x128xf32, #tpu.memory_space<hbm>>
      %dma_wait3A_2321 = arith.constant 0 : i32
      %dma_wait3A_2322 = tpu.memref_slice %arg4[%select_n3A_1596, %add3A_1615, %dma_wait3A_2321] : memref<50x4096x128xf32, #tpu.memory_space<hbm>> -> memref<1x64x128xf32, #tpu.memory_space<hbm>>
      %dma_wait3A_2323 = tpu.memref_squeeze %dma_wait3A_2322 : memref<1x64x128xf32, #tpu.memory_space<hbm>> -> memref<64x128xf32, #tpu.memory_space<hbm>>
      %dma_wait3A_2324 = arith.constant 0 : i32
      %dma_wait3A_2325 = arith.constant 0 : i32
      %dma_wait3A_2326 = tpu.memref_slice %arg6[%dma_wait3A_2313, %dma_wait3A_2324, %dma_wait3A_2325] : memref<10x64x128xf32, #tpu.memory_space<vmem>> -> memref<1x64x128xf32, #tpu.memory_space<vmem>>
      %dma_wait3A_2327 = tpu.memref_squeeze %dma_wait3A_2326 : memref<1x64x128xf32, #tpu.memory_space<vmem>> -> memref<64x128xf32, #tpu.memory_space<vmem>>
      tpu.wait_dma2 semaphore(%arg27 : memref<!tpu.dma_semaphore, #tpu.memory_space<semaphore_mem>>) src(%dma_wait3A_2327 : memref<64x128xf32, #tpu.memory_space<vmem>>) dst(%dma_wait3A_2323 : memref<64x128xf32, #tpu.memory_space<hbm>>)
      %add3A_2328 = arith.constant 10 : i32
      %add3A_2329 = arith.addi %mul3A_612, %add3A_2328 : i32
      %add3A_2330 = arith.constant 8 : i32
      %add3A_2331 = arith.addi %add3A_2329, %add3A_2330 : i32
      %jit3A_2332 = arith.constant 2 : i32
      %div3A_2333 = arith.divsi %add3A_2331, %jit3A_2332 : i32
      %sign3A_2334 = arith.constant 0 : i32
      %sign3A_2335 = arith.cmpi sgt, %add3A_2331, %sign3A_2334 : i32
      %sign3A_2336 = arith.extui %sign3A_2335 : i1 to i32
      %sign3A_2337 = arith.constant 0 : i32
      %sign3A_2338 = arith.cmpi slt, %add3A_2331, %sign3A_2337 : i32
      %sign3A_2339 = arith.extui %sign3A_2338 : i1 to i32
      %sign3A_2340 = arith.subi %sign3A_2336, %sign3A_2339 : i32
      %sign3A_2341 = arith.constant 0 : i32
      %sign3A_2342 = arith.cmpi sgt, %jit3A_2332, %sign3A_2341 : i32
      %sign3A_2343 = arith.extui %sign3A_2342 : i1 to i32
      %sign3A_2344 = arith.constant 0 : i32
      %sign3A_2345 = arith.cmpi slt, %jit3A_2332, %sign3A_2344 : i32
      %sign3A_2346 = arith.extui %sign3A_2345 : i1 to i32
      %sign3A_2347 = arith.subi %sign3A_2343, %sign3A_2346 : i32
      %ne3A_2348 = arith.cmpi ne, %sign3A_2340, %sign3A_2347 : i32
      %rem3A_2349 = arith.remsi %add3A_2331, %jit3A_2332 : i32
      %ne3A_2350 = arith.constant 0 : i32
      %ne3A_2351 = arith.cmpi ne, %rem3A_2349, %ne3A_2350 : i32
      %and3A_2352 = arith.andi %ne3A_2348, %ne3A_2351 : i1
      %sub3A_2353 = arith.constant 1 : i32
      %sub3A_2354 = arith.subi %div3A_2333, %sub3A_2353 : i32
      %select_n3A_2355 = arith.select %and3A_2352, %sub3A_2354, %div3A_2333 : i32
      %jit3A_2356 = arith.constant 2 : i32
      %eq3A_2357 = arith.constant 0 : i32
      %eq3A_2358 = arith.cmpi eq, %jit3A_2356, %eq3A_2357 : i32
      %jit3A_2359 = arith.constant 1 : i32
      %select_n3A_2360 = arith.select %eq3A_2358, %jit3A_2359, %jit3A_2356 : i32
      %rem3A_2361 = arith.remsi %add3A_2331, %select_n3A_2360 : i32
      %ne3A_2362 = arith.constant 0 : i32
      %ne3A_2363 = arith.cmpi ne, %rem3A_2361, %ne3A_2362 : i32
      %lt3A_2364 = arith.constant 0 : i32
      %lt3A_2365 = arith.cmpi slt, %rem3A_2361, %lt3A_2364 : i32
      %lt3A_2366 = arith.constant 0 : i32
      %lt3A_2367 = arith.cmpi slt, %select_n3A_2360, %lt3A_2366 : i32
      %ne3A_2368 = arith.xori %lt3A_2365, %lt3A_2367 : i1
      %and3A_2369 = arith.andi %ne3A_2368, %ne3A_2363 : i1
      %add3A_2370 = arith.addi %rem3A_2361, %select_n3A_2360 : i32
      %select_n3A_2371 = arith.select %and3A_2369, %add3A_2370, %rem3A_2361 : i32
      %mul3A_2372 = arith.constant 64 : i32
      %mul3A_2373 = arith.muli %select_n3A_2371, %mul3A_2372 : i32
      %dma_start3A_2374 = arith.constant 8 : i32
      %dma_start3A_2375 = arith.constant 0 : i32
      %dma_start3A_2376 = arith.constant 0 : i32
      %dma_start3A_2377 = tpu.memref_slice %arg6[%dma_start3A_2374, %dma_start3A_2375, %dma_start3A_2376] : memref<10x64x128xf32, #tpu.memory_space<vmem>> -> memref<1x64x128xf32, #tpu.memory_space<vmem>>
      %dma_start3A_2378 = tpu.memref_squeeze %dma_start3A_2377 : memref<1x64x128xf32, #tpu.memory_space<vmem>> -> memref<64x128xf32, #tpu.memory_space<vmem>>
      %dma_start3A_2379 = tpu.memref_slice %arg5[%select_n3A_2355, %mul3A_2373] : memref<50x128xi32, #tpu.memory_space<vmem>> -> memref<1x64xi32, #tpu.memory_space<vmem>>
      %dma_start3A_2380 = tpu.memref_squeeze %dma_start3A_2379 : memref<1x64xi32, #tpu.memory_space<vmem>> -> memref<64xi32, #tpu.memory_space<vmem>>
      %dma_start3A_2381 = arith.constant 0 : i32
      %dma_start3A_2382 = arith.constant 0 : i32
      %dma_start3A_2383 = tpu.memref_slice %arg7[%dma_start3A_2381, %dma_start3A_2382] : memref<1000x128xf32, #tpu.memory_space<vmem_shared>> -> memref<1000x128xf32, #tpu.memory_space<vmem_shared>>
      tpu.enqueue_indirect_dma source(%dma_start3A_2383 : memref<1000x128xf32, #tpu.memory_space<vmem_shared>>) target(%dma_start3A_2378 : memref<64x128xf32, #tpu.memory_space<vmem>>) offsets(%dma_start3A_2380 : memref<64xi32, #tpu.memory_space<vmem>>) semaphore(%arg17 : memref<!tpu.dma_semaphore, #tpu.memory_space<semaphore_mem>>)
      %dma_wait3A_2384 = arith.constant 9 : i32
      %dma_wait3A_2385 = arith.constant 0 : i32
      %dma_wait3A_2386 = arith.constant 0 : i32
      %dma_wait3A_2387 = tpu.memref_slice %arg6[%dma_wait3A_2384, %dma_wait3A_2385, %dma_wait3A_2386] : memref<10x64x128xf32, #tpu.memory_space<vmem>> -> memref<1x64x128xf32, #tpu.memory_space<vmem>>
      %dma_wait3A_2388 = tpu.memref_squeeze %dma_wait3A_2387 : memref<1x64x128xf32, #tpu.memory_space<vmem>> -> memref<64x128xf32, #tpu.memory_space<vmem>>
      %dma_wait3A_2389 = arith.constant 0 : i32
      %dma_wait3A_2390 = tpu.memref_slice %arg4[%select_n3A_1710, %add3A_1729, %dma_wait3A_2389] : memref<50x4096x128xf32, #tpu.memory_space<hbm>> -> memref<1x64x128xf32, #tpu.memory_space<hbm>>
      %dma_wait3A_2391 = tpu.memref_squeeze %dma_wait3A_2390 : memref<1x64x128xf32, #tpu.memory_space<hbm>> -> memref<64x128xf32, #tpu.memory_space<hbm>>
      %dma_wait3A_2392 = arith.constant 0 : i32
      %dma_wait3A_2393 = tpu.memref_slice %arg4[%select_n3A_1710, %add3A_1729, %dma_wait3A_2392] : memref<50x4096x128xf32, #tpu.memory_space<hbm>> -> memref<1x64x128xf32, #tpu.memory_space<hbm>>
      %dma_wait3A_2394 = tpu.memref_squeeze %dma_wait3A_2393 : memref<1x64x128xf32, #tpu.memory_space<hbm>> -> memref<64x128xf32, #tpu.memory_space<hbm>>
      %dma_wait3A_2395 = arith.constant 0 : i32
      %dma_wait3A_2396 = arith.constant 0 : i32
      %dma_wait3A_2397 = tpu.memref_slice %arg6[%dma_wait3A_2384, %dma_wait3A_2395, %dma_wait3A_2396] : memref<10x64x128xf32, #tpu.memory_space<vmem>> -> memref<1x64x128xf32, #tpu.memory_space<vmem>>
      %dma_wait3A_2398 = tpu.memref_squeeze %dma_wait3A_2397 : memref<1x64x128xf32, #tpu.memory_space<vmem>> -> memref<64x128xf32, #tpu.memory_space<vmem>>
      tpu.wait_dma2 semaphore(%arg28 : memref<!tpu.dma_semaphore, #tpu.memory_space<semaphore_mem>>) src(%dma_wait3A_2398 : memref<64x128xf32, #tpu.memory_space<vmem>>) dst(%dma_wait3A_2394 : memref<64x128xf32, #tpu.memory_space<hbm>>)
      %add3A_2399 = arith.constant 10 : i32
      %add3A_2400 = arith.addi %mul3A_612, %add3A_2399 : i32
      %add3A_2401 = arith.constant 9 : i32
      %add3A_2402 = arith.addi %add3A_2400, %add3A_2401 : i32
      %jit3A_2403 = arith.constant 2 : i32
      %div3A_2404 = arith.divsi %add3A_2402, %jit3A_2403 : i32
      %sign3A_2405 = arith.constant 0 : i32
      %sign3A_2406 = arith.cmpi sgt, %add3A_2402, %sign3A_2405 : i32
      %sign3A_2407 = arith.extui %sign3A_2406 : i1 to i32
      %sign3A_2408 = arith.constant 0 : i32
      %sign3A_2409 = arith.cmpi slt, %add3A_2402, %sign3A_2408 : i32
      %sign3A_2410 = arith.extui %sign3A_2409 : i1 to i32
      %sign3A_2411 = arith.subi %sign3A_2407, %sign3A_2410 : i32
      %sign3A_2412 = arith.constant 0 : i32
      %sign3A_2413 = arith.cmpi sgt, %jit3A_2403, %sign3A_2412 : i32
      %sign3A_2414 = arith.extui %sign3A_2413 : i1 to i32
      %sign3A_2415 = arith.constant 0 : i32
      %sign3A_2416 = arith.cmpi slt, %jit3A_2403, %sign3A_2415 : i32
      %sign3A_2417 = arith.extui %sign3A_2416 : i1 to i32
      %sign3A_2418 = arith.subi %sign3A_2414, %sign3A_2417 : i32
      %ne3A_2419 = arith.cmpi ne, %sign3A_2411, %sign3A_2418 : i32
      %rem3A_2420 = arith.remsi %add3A_2402, %jit3A_2403 : i32
      %ne3A_2421 = arith.constant 0 : i32
      %ne3A_2422 = arith.cmpi ne, %rem3A_2420, %ne3A_2421 : i32
      %and3A_2423 = arith.andi %ne3A_2419, %ne3A_2422 : i1
      %sub3A_2424 = arith.constant 1 : i32
      %sub3A_2425 = arith.subi %div3A_2404, %sub3A_2424 : i32
      %select_n3A_2426 = arith.select %and3A_2423, %sub3A_2425, %div3A_2404 : i32
      %jit3A_2427 = arith.constant 2 : i32
      %eq3A_2428 = arith.constant 0 : i32
      %eq3A_2429 = arith.cmpi eq, %jit3A_2427, %eq3A_2428 : i32
      %jit3A_2430 = arith.constant 1 : i32
      %select_n3A_2431 = arith.select %eq3A_2429, %jit3A_2430, %jit3A_2427 : i32
      %rem3A_2432 = arith.remsi %add3A_2402, %select_n3A_2431 : i32
      %ne3A_2433 = arith.constant 0 : i32
      %ne3A_2434 = arith.cmpi ne, %rem3A_2432, %ne3A_2433 : i32
      %lt3A_2435 = arith.constant 0 : i32
      %lt3A_2436 = arith.cmpi slt, %rem3A_2432, %lt3A_2435 : i32
      %lt3A_2437 = arith.constant 0 : i32
      %lt3A_2438 = arith.cmpi slt, %select_n3A_2431, %lt3A_2437 : i32
      %ne3A_2439 = arith.xori %lt3A_2436, %lt3A_2438 : i1
      %and3A_2440 = arith.andi %ne3A_2439, %ne3A_2434 : i1
      %add3A_2441 = arith.addi %rem3A_2432, %select_n3A_2431 : i32
      %select_n3A_2442 = arith.select %and3A_2440, %add3A_2441, %rem3A_2432 : i32
      %mul3A_2443 = arith.constant 64 : i32
      %mul3A_2444 = arith.muli %select_n3A_2442, %mul3A_2443 : i32
      %dma_start3A_2445 = arith.constant 9 : i32
      %dma_start3A_2446 = arith.constant 0 : i32
      %dma_start3A_2447 = arith.constant 0 : i32
      %dma_start3A_2448 = tpu.memref_slice %arg6[%dma_start3A_2445, %dma_start3A_2446, %dma_start3A_2447] : memref<10x64x128xf32, #tpu.memory_space<vmem>> -> memref<1x64x128xf32, #tpu.memory_space<vmem>>
      %dma_start3A_2449 = tpu.memref_squeeze %dma_start3A_2448 : memref<1x64x128xf32, #tpu.memory_space<vmem>> -> memref<64x128xf32, #tpu.memory_space<vmem>>
      %dma_start3A_2450 = tpu.memref_slice %arg5[%select_n3A_2426, %mul3A_2444] : memref<50x128xi32, #tpu.memory_space<vmem>> -> memref<1x64xi32, #tpu.memory_space<vmem>>
      %dma_start3A_2451 = tpu.memref_squeeze %dma_start3A_2450 : memref<1x64xi32, #tpu.memory_space<vmem>> -> memref<64xi32, #tpu.memory_space<vmem>>
      %dma_start3A_2452 = arith.constant 0 : i32
      %dma_start3A_2453 = arith.constant 0 : i32
      %dma_start3A_2454 = tpu.memref_slice %arg7[%dma_start3A_2452, %dma_start3A_2453] : memref<1000x128xf32, #tpu.memory_space<vmem_shared>> -> memref<1000x128xf32, #tpu.memory_space<vmem_shared>>
      tpu.enqueue_indirect_dma source(%dma_start3A_2454 : memref<1000x128xf32, #tpu.memory_space<vmem_shared>>) target(%dma_start3A_2449 : memref<64x128xf32, #tpu.memory_space<vmem>>) offsets(%dma_start3A_2451 : memref<64xi32, #tpu.memory_space<vmem>>) semaphore(%arg18 : memref<!tpu.dma_semaphore, #tpu.memory_space<semaphore_mem>>)
    }
    %scan3A_147 = arith.constant 9 : i32
    %dma_wait3A_148 = arith.constant 45 : i32
    %dma_wait3A_149 = arith.constant 0 : i32
    %dma_wait3A_150 = arith.constant 0 : i32
    %dma_wait3A_151 = arith.constant 0 : i32
    %dma_wait3A_152 = tpu.memref_slice %arg6[%dma_wait3A_149, %dma_wait3A_150, %dma_wait3A_151] : memref<10x64x128xf32, #tpu.memory_space<vmem>> -> memref<1x64x128xf32, #tpu.memory_space<vmem>>
    %dma_wait3A_153 = tpu.memref_squeeze %dma_wait3A_152 : memref<1x64x128xf32, #tpu.memory_space<vmem>> -> memref<64x128xf32, #tpu.memory_space<vmem>>
    %dma_wait3A_154 = arith.constant 0 : i32
    %dma_wait3A_155 = tpu.memref_slice %arg5[%dma_wait3A_148, %dma_wait3A_154] : memref<50x128xi32, #tpu.memory_space<vmem>> -> memref<1x64xi32, #tpu.memory_space<vmem>>
    %dma_wait3A_156 = tpu.memref_squeeze %dma_wait3A_155 : memref<1x64xi32, #tpu.memory_space<vmem>> -> memref<64xi32, #tpu.memory_space<vmem>>
    %dma_wait3A_157 = arith.constant 0 : i32
    %dma_wait3A_158 = arith.constant 0 : i32
    %dma_wait3A_159 = tpu.memref_slice %arg7[%dma_wait3A_157, %dma_wait3A_158] : memref<1000x128xf32, #tpu.memory_space<vmem_shared>> -> memref<1000x128xf32, #tpu.memory_space<vmem_shared>>
    tpu.wait_indirect_dma semaphore(%arg9 : memref<!tpu.dma_semaphore, #tpu.memory_space<semaphore_mem>>) src(%dma_wait3A_159 : memref<1000x128xf32, #tpu.memory_space<vmem_shared>>) dst(%dma_wait3A_153 : memref<64x128xf32, #tpu.memory_space<vmem>>)
    %add3A_160 = arith.constant 0 : i32
    %add3A_161 = arith.addi %mul3A_2, %add3A_160 : i32
    %dma_start3A_162 = arith.constant 0 : i32
    %dma_start3A_163 = arith.constant 45 : i32
    %dma_start3A_164 = arith.constant 0 : i32
    %dma_start3A_165 = arith.constant 0 : i32
    %dma_start3A_166 = tpu.memref_slice %arg6[%dma_start3A_162, %dma_start3A_164, %dma_start3A_165] : memref<10x64x128xf32, #tpu.memory_space<vmem>> -> memref<1x64x128xf32, #tpu.memory_space<vmem>>
    %dma_start3A_167 = tpu.memref_squeeze %dma_start3A_166 : memref<1x64x128xf32, #tpu.memory_space<vmem>> -> memref<64x128xf32, #tpu.memory_space<vmem>>
    %dma_start3A_168 = arith.constant 0 : i32
    %dma_start3A_169 = tpu.memref_slice %arg4[%dma_start3A_163, %add3A_161, %dma_start3A_168] : memref<50x4096x128xf32, #tpu.memory_space<hbm>> -> memref<1x64x128xf32, #tpu.memory_space<hbm>>
    %dma_start3A_170 = tpu.memref_squeeze %dma_start3A_169 : memref<1x64x128xf32, #tpu.memory_space<hbm>> -> memref<64x128xf32, #tpu.memory_space<hbm>>
    %dma_start3A_171 = arith.constant 0 : i32
    %dma_start3A_172 = tpu.memref_slice %arg4[%dma_start3A_163, %add3A_161, %dma_start3A_171] : memref<50x4096x128xf32, #tpu.memory_space<hbm>> -> memref<1x64x128xf32, #tpu.memory_space<hbm>>
    %dma_start3A_173 = tpu.memref_squeeze %dma_start3A_172 : memref<1x64x128xf32, #tpu.memory_space<hbm>> -> memref<64x128xf32, #tpu.memory_space<hbm>>
    %dma_start3A_174 = arith.constant 0 : i32
    %dma_start3A_175 = arith.constant 0 : i32
    %dma_start3A_176 = tpu.memref_slice %arg6[%dma_start3A_162, %dma_start3A_174, %dma_start3A_175] : memref<10x64x128xf32, #tpu.memory_space<vmem>> -> memref<1x64x128xf32, #tpu.memory_space<vmem>>
    %dma_start3A_177 = tpu.memref_squeeze %dma_start3A_176 : memref<1x64x128xf32, #tpu.memory_space<vmem>> -> memref<64x128xf32, #tpu.memory_space<vmem>>
    tpu.enqueue_dma source(%dma_start3A_177 : memref<64x128xf32, #tpu.memory_space<vmem>>) target(%dma_start3A_173 : memref<64x128xf32, #tpu.memory_space<hbm>>) target_semaphore(%arg19 : memref<!tpu.dma_semaphore, #tpu.memory_space<semaphore_mem>>)
    %dma_wait3A_178 = arith.constant 45 : i32
    %dma_wait3A_179 = arith.constant 1 : i32
    %dma_wait3A_180 = arith.constant 0 : i32
    %dma_wait3A_181 = arith.constant 0 : i32
    %dma_wait3A_182 = tpu.memref_slice %arg6[%dma_wait3A_179, %dma_wait3A_180, %dma_wait3A_181] : memref<10x64x128xf32, #tpu.memory_space<vmem>> -> memref<1x64x128xf32, #tpu.memory_space<vmem>>
    %dma_wait3A_183 = tpu.memref_squeeze %dma_wait3A_182 : memref<1x64x128xf32, #tpu.memory_space<vmem>> -> memref<64x128xf32, #tpu.memory_space<vmem>>
    %dma_wait3A_184 = arith.constant 64 : i32
    %dma_wait3A_185 = tpu.memref_slice %arg5[%dma_wait3A_178, %dma_wait3A_184] : memref<50x128xi32, #tpu.memory_space<vmem>> -> memref<1x64xi32, #tpu.memory_space<vmem>>
    %dma_wait3A_186 = tpu.memref_squeeze %dma_wait3A_185 : memref<1x64xi32, #tpu.memory_space<vmem>> -> memref<64xi32, #tpu.memory_space<vmem>>
    %dma_wait3A_187 = arith.constant 0 : i32
    %dma_wait3A_188 = arith.constant 0 : i32
    %dma_wait3A_189 = tpu.memref_slice %arg7[%dma_wait3A_187, %dma_wait3A_188] : memref<1000x128xf32, #tpu.memory_space<vmem_shared>> -> memref<1000x128xf32, #tpu.memory_space<vmem_shared>>
    tpu.wait_indirect_dma semaphore(%arg10 : memref<!tpu.dma_semaphore, #tpu.memory_space<semaphore_mem>>) src(%dma_wait3A_189 : memref<1000x128xf32, #tpu.memory_space<vmem_shared>>) dst(%dma_wait3A_183 : memref<64x128xf32, #tpu.memory_space<vmem>>)
    %add3A_190 = arith.constant 64 : i32
    %add3A_191 = arith.addi %mul3A_2, %add3A_190 : i32
    %dma_start3A_192 = arith.constant 1 : i32
    %dma_start3A_193 = arith.constant 45 : i32
    %dma_start3A_194 = arith.constant 0 : i32
    %dma_start3A_195 = arith.constant 0 : i32
    %dma_start3A_196 = tpu.memref_slice %arg6[%dma_start3A_192, %dma_start3A_194, %dma_start3A_195] : memref<10x64x128xf32, #tpu.memory_space<vmem>> -> memref<1x64x128xf32, #tpu.memory_space<vmem>>
    %dma_start3A_197 = tpu.memref_squeeze %dma_start3A_196 : memref<1x64x128xf32, #tpu.memory_space<vmem>> -> memref<64x128xf32, #tpu.memory_space<vmem>>
    %dma_start3A_198 = arith.constant 0 : i32
    %dma_start3A_199 = tpu.memref_slice %arg4[%dma_start3A_193, %add3A_191, %dma_start3A_198] : memref<50x4096x128xf32, #tpu.memory_space<hbm>> -> memref<1x64x128xf32, #tpu.memory_space<hbm>>
    %dma_start3A_200 = tpu.memref_squeeze %dma_start3A_199 : memref<1x64x128xf32, #tpu.memory_space<hbm>> -> memref<64x128xf32, #tpu.memory_space<hbm>>
    %dma_start3A_201 = arith.constant 0 : i32
    %dma_start3A_202 = tpu.memref_slice %arg4[%dma_start3A_193, %add3A_191, %dma_start3A_201] : memref<50x4096x128xf32, #tpu.memory_space<hbm>> -> memref<1x64x128xf32, #tpu.memory_space<hbm>>
    %dma_start3A_203 = tpu.memref_squeeze %dma_start3A_202 : memref<1x64x128xf32, #tpu.memory_space<hbm>> -> memref<64x128xf32, #tpu.memory_space<hbm>>
    %dma_start3A_204 = arith.constant 0 : i32
    %dma_start3A_205 = arith.constant 0 : i32
    %dma_start3A_206 = tpu.memref_slice %arg6[%dma_start3A_192, %dma_start3A_204, %dma_start3A_205] : memref<10x64x128xf32, #tpu.memory_space<vmem>> -> memref<1x64x128xf32, #tpu.memory_space<vmem>>
    %dma_start3A_207 = tpu.memref_squeeze %dma_start3A_206 : memref<1x64x128xf32, #tpu.memory_space<vmem>> -> memref<64x128xf32, #tpu.memory_space<vmem>>
    tpu.enqueue_dma source(%dma_start3A_207 : memref<64x128xf32, #tpu.memory_space<vmem>>) target(%dma_start3A_203 : memref<64x128xf32, #tpu.memory_space<hbm>>) target_semaphore(%arg20 : memref<!tpu.dma_semaphore, #tpu.memory_space<semaphore_mem>>)
    %dma_wait3A_208 = arith.constant 46 : i32
    %dma_wait3A_209 = arith.constant 2 : i32
    %dma_wait3A_210 = arith.constant 0 : i32
    %dma_wait3A_211 = arith.constant 0 : i32
    %dma_wait3A_212 = tpu.memref_slice %arg6[%dma_wait3A_209, %dma_wait3A_210, %dma_wait3A_211] : memref<10x64x128xf32, #tpu.memory_space<vmem>> -> memref<1x64x128xf32, #tpu.memory_space<vmem>>
    %dma_wait3A_213 = tpu.memref_squeeze %dma_wait3A_212 : memref<1x64x128xf32, #tpu.memory_space<vmem>> -> memref<64x128xf32, #tpu.memory_space<vmem>>
    %dma_wait3A_214 = arith.constant 0 : i32
    %dma_wait3A_215 = tpu.memref_slice %arg5[%dma_wait3A_208, %dma_wait3A_214] : memref<50x128xi32, #tpu.memory_space<vmem>> -> memref<1x64xi32, #tpu.memory_space<vmem>>
    %dma_wait3A_216 = tpu.memref_squeeze %dma_wait3A_215 : memref<1x64xi32, #tpu.memory_space<vmem>> -> memref<64xi32, #tpu.memory_space<vmem>>
    %dma_wait3A_217 = arith.constant 0 : i32
    %dma_wait3A_218 = arith.constant 0 : i32
    %dma_wait3A_219 = tpu.memref_slice %arg7[%dma_wait3A_217, %dma_wait3A_218] : memref<1000x128xf32, #tpu.memory_space<vmem_shared>> -> memref<1000x128xf32, #tpu.memory_space<vmem_shared>>
    tpu.wait_indirect_dma semaphore(%arg11 : memref<!tpu.dma_semaphore, #tpu.memory_space<semaphore_mem>>) src(%dma_wait3A_219 : memref<1000x128xf32, #tpu.memory_space<vmem_shared>>) dst(%dma_wait3A_213 : memref<64x128xf32, #tpu.memory_space<vmem>>)
    %add3A_220 = arith.constant 0 : i32
    %add3A_221 = arith.addi %mul3A_2, %add3A_220 : i32
    %dma_start3A_222 = arith.constant 2 : i32
    %dma_start3A_223 = arith.constant 46 : i32
    %dma_start3A_224 = arith.constant 0 : i32
    %dma_start3A_225 = arith.constant 0 : i32
    %dma_start3A_226 = tpu.memref_slice %arg6[%dma_start3A_222, %dma_start3A_224, %dma_start3A_225] : memref<10x64x128xf32, #tpu.memory_space<vmem>> -> memref<1x64x128xf32, #tpu.memory_space<vmem>>
    %dma_start3A_227 = tpu.memref_squeeze %dma_start3A_226 : memref<1x64x128xf32, #tpu.memory_space<vmem>> -> memref<64x128xf32, #tpu.memory_space<vmem>>
    %dma_start3A_228 = arith.constant 0 : i32
    %dma_start3A_229 = tpu.memref_slice %arg4[%dma_start3A_223, %add3A_221, %dma_start3A_228] : memref<50x4096x128xf32, #tpu.memory_space<hbm>> -> memref<1x64x128xf32, #tpu.memory_space<hbm>>
    %dma_start3A_230 = tpu.memref_squeeze %dma_start3A_229 : memref<1x64x128xf32, #tpu.memory_space<hbm>> -> memref<64x128xf32, #tpu.memory_space<hbm>>
    %dma_start3A_231 = arith.constant 0 : i32
    %dma_start3A_232 = tpu.memref_slice %arg4[%dma_start3A_223, %add3A_221, %dma_start3A_231] : memref<50x4096x128xf32, #tpu.memory_space<hbm>> -> memref<1x64x128xf32, #tpu.memory_space<hbm>>
    %dma_start3A_233 = tpu.memref_squeeze %dma_start3A_232 : memref<1x64x128xf32, #tpu.memory_space<hbm>> -> memref<64x128xf32, #tpu.memory_space<hbm>>
    %dma_start3A_234 = arith.constant 0 : i32
    %dma_start3A_235 = arith.constant 0 : i32
    %dma_start3A_236 = tpu.memref_slice %arg6[%dma_start3A_222, %dma_start3A_234, %dma_start3A_235] : memref<10x64x128xf32, #tpu.memory_space<vmem>> -> memref<1x64x128xf32, #tpu.memory_space<vmem>>
    %dma_start3A_237 = tpu.memref_squeeze %dma_start3A_236 : memref<1x64x128xf32, #tpu.memory_space<vmem>> -> memref<64x128xf32, #tpu.memory_space<vmem>>
    tpu.enqueue_dma source(%dma_start3A_237 : memref<64x128xf32, #tpu.memory_space<vmem>>) target(%dma_start3A_233 : memref<64x128xf32, #tpu.memory_space<hbm>>) target_semaphore(%arg21 : memref<!tpu.dma_semaphore, #tpu.memory_space<semaphore_mem>>)
    %dma_wait3A_238 = arith.constant 46 : i32
    %dma_wait3A_239 = arith.constant 3 : i32
    %dma_wait3A_240 = arith.constant 0 : i32
    %dma_wait3A_241 = arith.constant 0 : i32
    %dma_wait3A_242 = tpu.memref_slice %arg6[%dma_wait3A_239, %dma_wait3A_240, %dma_wait3A_241] : memref<10x64x128xf32, #tpu.memory_space<vmem>> -> memref<1x64x128xf32, #tpu.memory_space<vmem>>
    %dma_wait3A_243 = tpu.memref_squeeze %dma_wait3A_242 : memref<1x64x128xf32, #tpu.memory_space<vmem>> -> memref<64x128xf32, #tpu.memory_space<vmem>>
    %dma_wait3A_244 = arith.constant 64 : i32
    %dma_wait3A_245 = tpu.memref_slice %arg5[%dma_wait3A_238, %dma_wait3A_244] : memref<50x128xi32, #tpu.memory_space<vmem>> -> memref<1x64xi32, #tpu.memory_space<vmem>>
    %dma_wait3A_246 = tpu.memref_squeeze %dma_wait3A_245 : memref<1x64xi32, #tpu.memory_space<vmem>> -> memref<64xi32, #tpu.memory_space<vmem>>
    %dma_wait3A_247 = arith.constant 0 : i32
    %dma_wait3A_248 = arith.constant 0 : i32
    %dma_wait3A_249 = tpu.memref_slice %arg7[%dma_wait3A_247, %dma_wait3A_248] : memref<1000x128xf32, #tpu.memory_space<vmem_shared>> -> memref<1000x128xf32, #tpu.memory_space<vmem_shared>>
    tpu.wait_indirect_dma semaphore(%arg12 : memref<!tpu.dma_semaphore, #tpu.memory_space<semaphore_mem>>) src(%dma_wait3A_249 : memref<1000x128xf32, #tpu.memory_space<vmem_shared>>) dst(%dma_wait3A_243 : memref<64x128xf32, #tpu.memory_space<vmem>>)
    %add3A_250 = arith.constant 64 : i32
    %add3A_251 = arith.addi %mul3A_2, %add3A_250 : i32
    %dma_start3A_252 = arith.constant 3 : i32
    %dma_start3A_253 = arith.constant 46 : i32
    %dma_start3A_254 = arith.constant 0 : i32
    %dma_start3A_255 = arith.constant 0 : i32
    %dma_start3A_256 = tpu.memref_slice %arg6[%dma_start3A_252, %dma_start3A_254, %dma_start3A_255] : memref<10x64x128xf32, #tpu.memory_space<vmem>> -> memref<1x64x128xf32, #tpu.memory_space<vmem>>
    %dma_start3A_257 = tpu.memref_squeeze %dma_start3A_256 : memref<1x64x128xf32, #tpu.memory_space<vmem>> -> memref<64x128xf32, #tpu.memory_space<vmem>>
    %dma_start3A_258 = arith.constant 0 : i32
    %dma_start3A_259 = tpu.memref_slice %arg4[%dma_start3A_253, %add3A_251, %dma_start3A_258] : memref<50x4096x128xf32, #tpu.memory_space<hbm>> -> memref<1x64x128xf32, #tpu.memory_space<hbm>>
    %dma_start3A_260 = tpu.memref_squeeze %dma_start3A_259 : memref<1x64x128xf32, #tpu.memory_space<hbm>> -> memref<64x128xf32, #tpu.memory_space<hbm>>
    %dma_start3A_261 = arith.constant 0 : i32
    %dma_start3A_262 = tpu.memref_slice %arg4[%dma_start3A_253, %add3A_251, %dma_start3A_261] : memref<50x4096x128xf32, #tpu.memory_space<hbm>> -> memref<1x64x128xf32, #tpu.memory_space<hbm>>
    %dma_start3A_263 = tpu.memref_squeeze %dma_start3A_262 : memref<1x64x128xf32, #tpu.memory_space<hbm>> -> memref<64x128xf32, #tpu.memory_space<hbm>>
    %dma_start3A_264 = arith.constant 0 : i32
    %dma_start3A_265 = arith.constant 0 : i32
    %dma_start3A_266 = tpu.memref_slice %arg6[%dma_start3A_252, %dma_start3A_264, %dma_start3A_265] : memref<10x64x128xf32, #tpu.memory_space<vmem>> -> memref<1x64x128xf32, #tpu.memory_space<vmem>>
    %dma_start3A_267 = tpu.memref_squeeze %dma_start3A_266 : memref<1x64x128xf32, #tpu.memory_space<vmem>> -> memref<64x128xf32, #tpu.memory_space<vmem>>
    tpu.enqueue_dma source(%dma_start3A_267 : memref<64x128xf32, #tpu.memory_space<vmem>>) target(%dma_start3A_263 : memref<64x128xf32, #tpu.memory_space<hbm>>) target_semaphore(%arg22 : memref<!tpu.dma_semaphore, #tpu.memory_space<semaphore_mem>>)
    %dma_wait3A_268 = arith.constant 47 : i32
    %dma_wait3A_269 = arith.constant 4 : i32
    %dma_wait3A_270 = arith.constant 0 : i32
    %dma_wait3A_271 = arith.constant 0 : i32
    %dma_wait3A_272 = tpu.memref_slice %arg6[%dma_wait3A_269, %dma_wait3A_270, %dma_wait3A_271] : memref<10x64x128xf32, #tpu.memory_space<vmem>> -> memref<1x64x128xf32, #tpu.memory_space<vmem>>
    %dma_wait3A_273 = tpu.memref_squeeze %dma_wait3A_272 : memref<1x64x128xf32, #tpu.memory_space<vmem>> -> memref<64x128xf32, #tpu.memory_space<vmem>>
    %dma_wait3A_274 = arith.constant 0 : i32
    %dma_wait3A_275 = tpu.memref_slice %arg5[%dma_wait3A_268, %dma_wait3A_274] : memref<50x128xi32, #tpu.memory_space<vmem>> -> memref<1x64xi32, #tpu.memory_space<vmem>>
    %dma_wait3A_276 = tpu.memref_squeeze %dma_wait3A_275 : memref<1x64xi32, #tpu.memory_space<vmem>> -> memref<64xi32, #tpu.memory_space<vmem>>
    %dma_wait3A_277 = arith.constant 0 : i32
    %dma_wait3A_278 = arith.constant 0 : i32
    %dma_wait3A_279 = tpu.memref_slice %arg7[%dma_wait3A_277, %dma_wait3A_278] : memref<1000x128xf32, #tpu.memory_space<vmem_shared>> -> memref<1000x128xf32, #tpu.memory_space<vmem_shared>>
    tpu.wait_indirect_dma semaphore(%arg13 : memref<!tpu.dma_semaphore, #tpu.memory_space<semaphore_mem>>) src(%dma_wait3A_279 : memref<1000x128xf32, #tpu.memory_space<vmem_shared>>) dst(%dma_wait3A_273 : memref<64x128xf32, #tpu.memory_space<vmem>>)
    %add3A_280 = arith.constant 0 : i32
    %add3A_281 = arith.addi %mul3A_2, %add3A_280 : i32
    %dma_start3A_282 = arith.constant 4 : i32
    %dma_start3A_283 = arith.constant 47 : i32
    %dma_start3A_284 = arith.constant 0 : i32
    %dma_start3A_285 = arith.constant 0 : i32
    %dma_start3A_286 = tpu.memref_slice %arg6[%dma_start3A_282, %dma_start3A_284, %dma_start3A_285] : memref<10x64x128xf32, #tpu.memory_space<vmem>> -> memref<1x64x128xf32, #tpu.memory_space<vmem>>
    %dma_start3A_287 = tpu.memref_squeeze %dma_start3A_286 : memref<1x64x128xf32, #tpu.memory_space<vmem>> -> memref<64x128xf32, #tpu.memory_space<vmem>>
    %dma_start3A_288 = arith.constant 0 : i32
    %dma_start3A_289 = tpu.memref_slice %arg4[%dma_start3A_283, %add3A_281, %dma_start3A_288] : memref<50x4096x128xf32, #tpu.memory_space<hbm>> -> memref<1x64x128xf32, #tpu.memory_space<hbm>>
    %dma_start3A_290 = tpu.memref_squeeze %dma_start3A_289 : memref<1x64x128xf32, #tpu.memory_space<hbm>> -> memref<64x128xf32, #tpu.memory_space<hbm>>
    %dma_start3A_291 = arith.constant 0 : i32
    %dma_start3A_292 = tpu.memref_slice %arg4[%dma_start3A_283, %add3A_281, %dma_start3A_291] : memref<50x4096x128xf32, #tpu.memory_space<hbm>> -> memref<1x64x128xf32, #tpu.memory_space<hbm>>
    %dma_start3A_293 = tpu.memref_squeeze %dma_start3A_292 : memref<1x64x128xf32, #tpu.memory_space<hbm>> -> memref<64x128xf32, #tpu.memory_space<hbm>>
    %dma_start3A_294 = arith.constant 0 : i32
    %dma_start3A_295 = arith.constant 0 : i32
    %dma_start3A_296 = tpu.memref_slice %arg6[%dma_start3A_282, %dma_start3A_294, %dma_start3A_295] : memref<10x64x128xf32, #tpu.memory_space<vmem>> -> memref<1x64x128xf32, #tpu.memory_space<vmem>>
    %dma_start3A_297 = tpu.memref_squeeze %dma_start3A_296 : memref<1x64x128xf32, #tpu.memory_space<vmem>> -> memref<64x128xf32, #tpu.memory_space<vmem>>
    tpu.enqueue_dma source(%dma_start3A_297 : memref<64x128xf32, #tpu.memory_space<vmem>>) target(%dma_start3A_293 : memref<64x128xf32, #tpu.memory_space<hbm>>) target_semaphore(%arg23 : memref<!tpu.dma_semaphore, #tpu.memory_space<semaphore_mem>>)
    %dma_wait3A_298 = arith.constant 47 : i32
    %dma_wait3A_299 = arith.constant 5 : i32
    %dma_wait3A_300 = arith.constant 0 : i32
    %dma_wait3A_301 = arith.constant 0 : i32
    %dma_wait3A_302 = tpu.memref_slice %arg6[%dma_wait3A_299, %dma_wait3A_300, %dma_wait3A_301] : memref<10x64x128xf32, #tpu.memory_space<vmem>> -> memref<1x64x128xf32, #tpu.memory_space<vmem>>
    %dma_wait3A_303 = tpu.memref_squeeze %dma_wait3A_302 : memref<1x64x128xf32, #tpu.memory_space<vmem>> -> memref<64x128xf32, #tpu.memory_space<vmem>>
    %dma_wait3A_304 = arith.constant 64 : i32
    %dma_wait3A_305 = tpu.memref_slice %arg5[%dma_wait3A_298, %dma_wait3A_304] : memref<50x128xi32, #tpu.memory_space<vmem>> -> memref<1x64xi32, #tpu.memory_space<vmem>>
    %dma_wait3A_306 = tpu.memref_squeeze %dma_wait3A_305 : memref<1x64xi32, #tpu.memory_space<vmem>> -> memref<64xi32, #tpu.memory_space<vmem>>
    %dma_wait3A_307 = arith.constant 0 : i32
    %dma_wait3A_308 = arith.constant 0 : i32
    %dma_wait3A_309 = tpu.memref_slice %arg7[%dma_wait3A_307, %dma_wait3A_308] : memref<1000x128xf32, #tpu.memory_space<vmem_shared>> -> memref<1000x128xf32, #tpu.memory_space<vmem_shared>>
    tpu.wait_indirect_dma semaphore(%arg14 : memref<!tpu.dma_semaphore, #tpu.memory_space<semaphore_mem>>) src(%dma_wait3A_309 : memref<1000x128xf32, #tpu.memory_space<vmem_shared>>) dst(%dma_wait3A_303 : memref<64x128xf32, #tpu.memory_space<vmem>>)
    %add3A_310 = arith.constant 64 : i32
    %add3A_311 = arith.addi %mul3A_2, %add3A_310 : i32
    %dma_start3A_312 = arith.constant 5 : i32
    %dma_start3A_313 = arith.constant 47 : i32
    %dma_start3A_314 = arith.constant 0 : i32
    %dma_start3A_315 = arith.constant 0 : i32
    %dma_start3A_316 = tpu.memref_slice %arg6[%dma_start3A_312, %dma_start3A_314, %dma_start3A_315] : memref<10x64x128xf32, #tpu.memory_space<vmem>> -> memref<1x64x128xf32, #tpu.memory_space<vmem>>
    %dma_start3A_317 = tpu.memref_squeeze %dma_start3A_316 : memref<1x64x128xf32, #tpu.memory_space<vmem>> -> memref<64x128xf32, #tpu.memory_space<vmem>>
    %dma_start3A_318 = arith.constant 0 : i32
    %dma_start3A_319 = tpu.memref_slice %arg4[%dma_start3A_313, %add3A_311, %dma_start3A_318] : memref<50x4096x128xf32, #tpu.memory_space<hbm>> -> memref<1x64x128xf32, #tpu.memory_space<hbm>>
    %dma_start3A_320 = tpu.memref_squeeze %dma_start3A_319 : memref<1x64x128xf32, #tpu.memory_space<hbm>> -> memref<64x128xf32, #tpu.memory_space<hbm>>
    %dma_start3A_321 = arith.constant 0 : i32
    %dma_start3A_322 = tpu.memref_slice %arg4[%dma_start3A_313, %add3A_311, %dma_start3A_321] : memref<50x4096x128xf32, #tpu.memory_space<hbm>> -> memref<1x64x128xf32, #tpu.memory_space<hbm>>
    %dma_start3A_323 = tpu.memref_squeeze %dma_start3A_322 : memref<1x64x128xf32, #tpu.memory_space<hbm>> -> memref<64x128xf32, #tpu.memory_space<hbm>>
    %dma_start3A_324 = arith.constant 0 : i32
    %dma_start3A_325 = arith.constant 0 : i32
    %dma_start3A_326 = tpu.memref_slice %arg6[%dma_start3A_312, %dma_start3A_324, %dma_start3A_325] : memref<10x64x128xf32, #tpu.memory_space<vmem>> -> memref<1x64x128xf32, #tpu.memory_space<vmem>>
    %dma_start3A_327 = tpu.memref_squeeze %dma_start3A_326 : memref<1x64x128xf32, #tpu.memory_space<vmem>> -> memref<64x128xf32, #tpu.memory_space<vmem>>
    tpu.enqueue_dma source(%dma_start3A_327 : memref<64x128xf32, #tpu.memory_space<vmem>>) target(%dma_start3A_323 : memref<64x128xf32, #tpu.memory_space<hbm>>) target_semaphore(%arg24 : memref<!tpu.dma_semaphore, #tpu.memory_space<semaphore_mem>>)
    %dma_wait3A_328 = arith.constant 48 : i32
    %dma_wait3A_329 = arith.constant 6 : i32
    %dma_wait3A_330 = arith.constant 0 : i32
    %dma_wait3A_331 = arith.constant 0 : i32
    %dma_wait3A_332 = tpu.memref_slice %arg6[%dma_wait3A_329, %dma_wait3A_330, %dma_wait3A_331] : memref<10x64x128xf32, #tpu.memory_space<vmem>> -> memref<1x64x128xf32, #tpu.memory_space<vmem>>
    %dma_wait3A_333 = tpu.memref_squeeze %dma_wait3A_332 : memref<1x64x128xf32, #tpu.memory_space<vmem>> -> memref<64x128xf32, #tpu.memory_space<vmem>>
    %dma_wait3A_334 = arith.constant 0 : i32
    %dma_wait3A_335 = tpu.memref_slice %arg5[%dma_wait3A_328, %dma_wait3A_334] : memref<50x128xi32, #tpu.memory_space<vmem>> -> memref<1x64xi32, #tpu.memory_space<vmem>>
    %dma_wait3A_336 = tpu.memref_squeeze %dma_wait3A_335 : memref<1x64xi32, #tpu.memory_space<vmem>> -> memref<64xi32, #tpu.memory_space<vmem>>
    %dma_wait3A_337 = arith.constant 0 : i32
    %dma_wait3A_338 = arith.constant 0 : i32
    %dma_wait3A_339 = tpu.memref_slice %arg7[%dma_wait3A_337, %dma_wait3A_338] : memref<1000x128xf32, #tpu.memory_space<vmem_shared>> -> memref<1000x128xf32, #tpu.memory_space<vmem_shared>>
    tpu.wait_indirect_dma semaphore(%arg15 : memref<!tpu.dma_semaphore, #tpu.memory_space<semaphore_mem>>) src(%dma_wait3A_339 : memref<1000x128xf32, #tpu.memory_space<vmem_shared>>) dst(%dma_wait3A_333 : memref<64x128xf32, #tpu.memory_space<vmem>>)
    %add3A_340 = arith.constant 0 : i32
    %add3A_341 = arith.addi %mul3A_2, %add3A_340 : i32
    %dma_start3A_342 = arith.constant 6 : i32
    %dma_start3A_343 = arith.constant 48 : i32
    %dma_start3A_344 = arith.constant 0 : i32
    %dma_start3A_345 = arith.constant 0 : i32
    %dma_start3A_346 = tpu.memref_slice %arg6[%dma_start3A_342, %dma_start3A_344, %dma_start3A_345] : memref<10x64x128xf32, #tpu.memory_space<vmem>> -> memref<1x64x128xf32, #tpu.memory_space<vmem>>
    %dma_start3A_347 = tpu.memref_squeeze %dma_start3A_346 : memref<1x64x128xf32, #tpu.memory_space<vmem>> -> memref<64x128xf32, #tpu.memory_space<vmem>>
    %dma_start3A_348 = arith.constant 0 : i32
    %dma_start3A_349 = tpu.memref_slice %arg4[%dma_start3A_343, %add3A_341, %dma_start3A_348] : memref<50x4096x128xf32, #tpu.memory_space<hbm>> -> memref<1x64x128xf32, #tpu.memory_space<hbm>>
    %dma_start3A_350 = tpu.memref_squeeze %dma_start3A_349 : memref<1x64x128xf32, #tpu.memory_space<hbm>> -> memref<64x128xf32, #tpu.memory_space<hbm>>
    %dma_start3A_351 = arith.constant 0 : i32
    %dma_start3A_352 = tpu.memref_slice %arg4[%dma_start3A_343, %add3A_341, %dma_start3A_351] : memref<50x4096x128xf32, #tpu.memory_space<hbm>> -> memref<1x64x128xf32, #tpu.memory_space<hbm>>
    %dma_start3A_353 = tpu.memref_squeeze %dma_start3A_352 : memref<1x64x128xf32, #tpu.memory_space<hbm>> -> memref<64x128xf32, #tpu.memory_space<hbm>>
    %dma_start3A_354 = arith.constant 0 : i32
    %dma_start3A_355 = arith.constant 0 : i32
    %dma_start3A_356 = tpu.memref_slice %arg6[%dma_start3A_342, %dma_start3A_354, %dma_start3A_355] : memref<10x64x128xf32, #tpu.memory_space<vmem>> -> memref<1x64x128xf32, #tpu.memory_space<vmem>>
    %dma_start3A_357 = tpu.memref_squeeze %dma_start3A_356 : memref<1x64x128xf32, #tpu.memory_space<vmem>> -> memref<64x128xf32, #tpu.memory_space<vmem>>
    tpu.enqueue_dma source(%dma_start3A_357 : memref<64x128xf32, #tpu.memory_space<vmem>>) target(%dma_start3A_353 : memref<64x128xf32, #tpu.memory_space<hbm>>) target_semaphore(%arg25 : memref<!tpu.dma_semaphore, #tpu.memory_space<semaphore_mem>>)
    %dma_wait3A_358 = arith.constant 48 : i32
    %dma_wait3A_359 = arith.constant 7 : i32
    %dma_wait3A_360 = arith.constant 0 : i32
    %dma_wait3A_361 = arith.constant 0 : i32
    %dma_wait3A_362 = tpu.memref_slice %arg6[%dma_wait3A_359, %dma_wait3A_360, %dma_wait3A_361] : memref<10x64x128xf32, #tpu.memory_space<vmem>> -> memref<1x64x128xf32, #tpu.memory_space<vmem>>
    %dma_wait3A_363 = tpu.memref_squeeze %dma_wait3A_362 : memref<1x64x128xf32, #tpu.memory_space<vmem>> -> memref<64x128xf32, #tpu.memory_space<vmem>>
    %dma_wait3A_364 = arith.constant 64 : i32
    %dma_wait3A_365 = tpu.memref_slice %arg5[%dma_wait3A_358, %dma_wait3A_364] : memref<50x128xi32, #tpu.memory_space<vmem>> -> memref<1x64xi32, #tpu.memory_space<vmem>>
    %dma_wait3A_366 = tpu.memref_squeeze %dma_wait3A_365 : memref<1x64xi32, #tpu.memory_space<vmem>> -> memref<64xi32, #tpu.memory_space<vmem>>
    %dma_wait3A_367 = arith.constant 0 : i32
    %dma_wait3A_368 = arith.constant 0 : i32
    %dma_wait3A_369 = tpu.memref_slice %arg7[%dma_wait3A_367, %dma_wait3A_368] : memref<1000x128xf32, #tpu.memory_space<vmem_shared>> -> memref<1000x128xf32, #tpu.memory_space<vmem_shared>>
    tpu.wait_indirect_dma semaphore(%arg16 : memref<!tpu.dma_semaphore, #tpu.memory_space<semaphore_mem>>) src(%dma_wait3A_369 : memref<1000x128xf32, #tpu.memory_space<vmem_shared>>) dst(%dma_wait3A_363 : memref<64x128xf32, #tpu.memory_space<vmem>>)
    %add3A_370 = arith.constant 64 : i32
    %add3A_371 = arith.addi %mul3A_2, %add3A_370 : i32
    %dma_start3A_372 = arith.constant 7 : i32
    %dma_start3A_373 = arith.constant 48 : i32
    %dma_start3A_374 = arith.constant 0 : i32
    %dma_start3A_375 = arith.constant 0 : i32
    %dma_start3A_376 = tpu.memref_slice %arg6[%dma_start3A_372, %dma_start3A_374, %dma_start3A_375] : memref<10x64x128xf32, #tpu.memory_space<vmem>> -> memref<1x64x128xf32, #tpu.memory_space<vmem>>
    %dma_start3A_377 = tpu.memref_squeeze %dma_start3A_376 : memref<1x64x128xf32, #tpu.memory_space<vmem>> -> memref<64x128xf32, #tpu.memory_space<vmem>>
    %dma_start3A_378 = arith.constant 0 : i32
    %dma_start3A_379 = tpu.memref_slice %arg4[%dma_start3A_373, %add3A_371, %dma_start3A_378] : memref<50x4096x128xf32, #tpu.memory_space<hbm>> -> memref<1x64x128xf32, #tpu.memory_space<hbm>>
    %dma_start3A_380 = tpu.memref_squeeze %dma_start3A_379 : memref<1x64x128xf32, #tpu.memory_space<hbm>> -> memref<64x128xf32, #tpu.memory_space<hbm>>
    %dma_start3A_381 = arith.constant 0 : i32
    %dma_start3A_382 = tpu.memref_slice %arg4[%dma_start3A_373, %add3A_371, %dma_start3A_381] : memref<50x4096x128xf32, #tpu.memory_space<hbm>> -> memref<1x64x128xf32, #tpu.memory_space<hbm>>
    %dma_start3A_383 = tpu.memref_squeeze %dma_start3A_382 : memref<1x64x128xf32, #tpu.memory_space<hbm>> -> memref<64x128xf32, #tpu.memory_space<hbm>>
    %dma_start3A_384 = arith.constant 0 : i32
    %dma_start3A_385 = arith.constant 0 : i32
    %dma_start3A_386 = tpu.memref_slice %arg6[%dma_start3A_372, %dma_start3A_384, %dma_start3A_385] : memref<10x64x128xf32, #tpu.memory_space<vmem>> -> memref<1x64x128xf32, #tpu.memory_space<vmem>>
    %dma_start3A_387 = tpu.memref_squeeze %dma_start3A_386 : memref<1x64x128xf32, #tpu.memory_space<vmem>> -> memref<64x128xf32, #tpu.memory_space<vmem>>
    tpu.enqueue_dma source(%dma_start3A_387 : memref<64x128xf32, #tpu.memory_space<vmem>>) target(%dma_start3A_383 : memref<64x128xf32, #tpu.memory_space<hbm>>) target_semaphore(%arg26 : memref<!tpu.dma_semaphore, #tpu.memory_space<semaphore_mem>>)
    %dma_wait3A_388 = arith.constant 49 : i32
    %dma_wait3A_389 = arith.constant 8 : i32
    %dma_wait3A_390 = arith.constant 0 : i32
    %dma_wait3A_391 = arith.constant 0 : i32
    %dma_wait3A_392 = tpu.memref_slice %arg6[%dma_wait3A_389, %dma_wait3A_390, %dma_wait3A_391] : memref<10x64x128xf32, #tpu.memory_space<vmem>> -> memref<1x64x128xf32, #tpu.memory_space<vmem>>
    %dma_wait3A_393 = tpu.memref_squeeze %dma_wait3A_392 : memref<1x64x128xf32, #tpu.memory_space<vmem>> -> memref<64x128xf32, #tpu.memory_space<vmem>>
    %dma_wait3A_394 = arith.constant 0 : i32
    %dma_wait3A_395 = tpu.memref_slice %arg5[%dma_wait3A_388, %dma_wait3A_394] : memref<50x128xi32, #tpu.memory_space<vmem>> -> memref<1x64xi32, #tpu.memory_space<vmem>>
    %dma_wait3A_396 = tpu.memref_squeeze %dma_wait3A_395 : memref<1x64xi32, #tpu.memory_space<vmem>> -> memref<64xi32, #tpu.memory_space<vmem>>
    %dma_wait3A_397 = arith.constant 0 : i32
    %dma_wait3A_398 = arith.constant 0 : i32
    %dma_wait3A_399 = tpu.memref_slice %arg7[%dma_wait3A_397, %dma_wait3A_398] : memref<1000x128xf32, #tpu.memory_space<vmem_shared>> -> memref<1000x128xf32, #tpu.memory_space<vmem_shared>>
    tpu.wait_indirect_dma semaphore(%arg17 : memref<!tpu.dma_semaphore, #tpu.memory_space<semaphore_mem>>) src(%dma_wait3A_399 : memref<1000x128xf32, #tpu.memory_space<vmem_shared>>) dst(%dma_wait3A_393 : memref<64x128xf32, #tpu.memory_space<vmem>>)
    %add3A_400 = arith.constant 0 : i32
    %add3A_401 = arith.addi %mul3A_2, %add3A_400 : i32
    %dma_start3A_402 = arith.constant 8 : i32
    %dma_start3A_403 = arith.constant 49 : i32
    %dma_start3A_404 = arith.constant 0 : i32
    %dma_start3A_405 = arith.constant 0 : i32
    %dma_start3A_406 = tpu.memref_slice %arg6[%dma_start3A_402, %dma_start3A_404, %dma_start3A_405] : memref<10x64x128xf32, #tpu.memory_space<vmem>> -> memref<1x64x128xf32, #tpu.memory_space<vmem>>
    %dma_start3A_407 = tpu.memref_squeeze %dma_start3A_406 : memref<1x64x128xf32, #tpu.memory_space<vmem>> -> memref<64x128xf32, #tpu.memory_space<vmem>>
    %dma_start3A_408 = arith.constant 0 : i32
    %dma_start3A_409 = tpu.memref_slice %arg4[%dma_start3A_403, %add3A_401, %dma_start3A_408] : memref<50x4096x128xf32, #tpu.memory_space<hbm>> -> memref<1x64x128xf32, #tpu.memory_space<hbm>>
    %dma_start3A_410 = tpu.memref_squeeze %dma_start3A_409 : memref<1x64x128xf32, #tpu.memory_space<hbm>> -> memref<64x128xf32, #tpu.memory_space<hbm>>
    %dma_start3A_411 = arith.constant 0 : i32
    %dma_start3A_412 = tpu.memref_slice %arg4[%dma_start3A_403, %add3A_401, %dma_start3A_411] : memref<50x4096x128xf32, #tpu.memory_space<hbm>> -> memref<1x64x128xf32, #tpu.memory_space<hbm>>
    %dma_start3A_413 = tpu.memref_squeeze %dma_start3A_412 : memref<1x64x128xf32, #tpu.memory_space<hbm>> -> memref<64x128xf32, #tpu.memory_space<hbm>>
    %dma_start3A_414 = arith.constant 0 : i32
    %dma_start3A_415 = arith.constant 0 : i32
    %dma_start3A_416 = tpu.memref_slice %arg6[%dma_start3A_402, %dma_start3A_414, %dma_start3A_415] : memref<10x64x128xf32, #tpu.memory_space<vmem>> -> memref<1x64x128xf32, #tpu.memory_space<vmem>>
    %dma_start3A_417 = tpu.memref_squeeze %dma_start3A_416 : memref<1x64x128xf32, #tpu.memory_space<vmem>> -> memref<64x128xf32, #tpu.memory_space<vmem>>
    tpu.enqueue_dma source(%dma_start3A_417 : memref<64x128xf32, #tpu.memory_space<vmem>>) target(%dma_start3A_413 : memref<64x128xf32, #tpu.memory_space<hbm>>) target_semaphore(%arg27 : memref<!tpu.dma_semaphore, #tpu.memory_space<semaphore_mem>>)
    %dma_wait3A_418 = arith.constant 49 : i32
    %dma_wait3A_419 = arith.constant 9 : i32
    %dma_wait3A_420 = arith.constant 0 : i32
    %dma_wait3A_421 = arith.constant 0 : i32
    %dma_wait3A_422 = tpu.memref_slice %arg6[%dma_wait3A_419, %dma_wait3A_420, %dma_wait3A_421] : memref<10x64x128xf32, #tpu.memory_space<vmem>> -> memref<1x64x128xf32, #tpu.memory_space<vmem>>
    %dma_wait3A_423 = tpu.memref_squeeze %dma_wait3A_422 : memref<1x64x128xf32, #tpu.memory_space<vmem>> -> memref<64x128xf32, #tpu.memory_space<vmem>>
    %dma_wait3A_424 = arith.constant 64 : i32
    %dma_wait3A_425 = tpu.memref_slice %arg5[%dma_wait3A_418, %dma_wait3A_424] : memref<50x128xi32, #tpu.memory_space<vmem>> -> memref<1x64xi32, #tpu.memory_space<vmem>>
    %dma_wait3A_426 = tpu.memref_squeeze %dma_wait3A_425 : memref<1x64xi32, #tpu.memory_space<vmem>> -> memref<64xi32, #tpu.memory_space<vmem>>
    %dma_wait3A_427 = arith.constant 0 : i32
    %dma_wait3A_428 = arith.constant 0 : i32
    %dma_wait3A_429 = tpu.memref_slice %arg7[%dma_wait3A_427, %dma_wait3A_428] : memref<1000x128xf32, #tpu.memory_space<vmem_shared>> -> memref<1000x128xf32, #tpu.memory_space<vmem_shared>>
    tpu.wait_indirect_dma semaphore(%arg18 : memref<!tpu.dma_semaphore, #tpu.memory_space<semaphore_mem>>) src(%dma_wait3A_429 : memref<1000x128xf32, #tpu.memory_space<vmem_shared>>) dst(%dma_wait3A_423 : memref<64x128xf32, #tpu.memory_space<vmem>>)
    %add3A_430 = arith.constant 64 : i32
    %add3A_431 = arith.addi %mul3A_2, %add3A_430 : i32
    %dma_start3A_432 = arith.constant 9 : i32
    %dma_start3A_433 = arith.constant 49 : i32
    %dma_start3A_434 = arith.constant 0 : i32
    %dma_start3A_435 = arith.constant 0 : i32
    %dma_start3A_436 = tpu.memref_slice %arg6[%dma_start3A_432, %dma_start3A_434, %dma_start3A_435] : memref<10x64x128xf32, #tpu.memory_space<vmem>> -> memref<1x64x128xf32, #tpu.memory_space<vmem>>
    %dma_start3A_437 = tpu.memref_squeeze %dma_start3A_436 : memref<1x64x128xf32, #tpu.memory_space<vmem>> -> memref<64x128xf32, #tpu.memory_space<vmem>>
    %dma_start3A_438 = arith.constant 0 : i32
    %dma_start3A_439 = tpu.memref_slice %arg4[%dma_start3A_433, %add3A_431, %dma_start3A_438] : memref<50x4096x128xf32, #tpu.memory_space<hbm>> -> memref<1x64x128xf32, #tpu.memory_space<hbm>>
    %dma_start3A_440 = tpu.memref_squeeze %dma_start3A_439 : memref<1x64x128xf32, #tpu.memory_space<hbm>> -> memref<64x128xf32, #tpu.memory_space<hbm>>
    %dma_start3A_441 = arith.constant 0 : i32
    %dma_start3A_442 = tpu.memref_slice %arg4[%dma_start3A_433, %add3A_431, %dma_start3A_441] : memref<50x4096x128xf32, #tpu.memory_space<hbm>> -> memref<1x64x128xf32, #tpu.memory_space<hbm>>
    %dma_start3A_443 = tpu.memref_squeeze %dma_start3A_442 : memref<1x64x128xf32, #tpu.memory_space<hbm>> -> memref<64x128xf32, #tpu.memory_space<hbm>>
    %dma_start3A_444 = arith.constant 0 : i32
    %dma_start3A_445 = arith.constant 0 : i32
    %dma_start3A_446 = tpu.memref_slice %arg6[%dma_start3A_432, %dma_start3A_444, %dma_start3A_445] : memref<10x64x128xf32, #tpu.memory_space<vmem>> -> memref<1x64x128xf32, #tpu.memory_space<vmem>>
    %dma_start3A_447 = tpu.memref_squeeze %dma_start3A_446 : memref<1x64x128xf32, #tpu.memory_space<vmem>> -> memref<64x128xf32, #tpu.memory_space<vmem>>
    tpu.enqueue_dma source(%dma_start3A_447 : memref<64x128xf32, #tpu.memory_space<vmem>>) target(%dma_start3A_443 : memref<64x128xf32, #tpu.memory_space<hbm>>) target_semaphore(%arg28 : memref<!tpu.dma_semaphore, #tpu.memory_space<semaphore_mem>>)
    %dma_wait3A_448 = arith.constant 0 : i32
    %dma_wait3A_449 = arith.constant 45 : i32
    %dma_wait3A_450 = arith.constant 0 : i32
    %dma_wait3A_451 = arith.constant 0 : i32
    %dma_wait3A_452 = tpu.memref_slice %arg6[%dma_wait3A_448, %dma_wait3A_450, %dma_wait3A_451] : memref<10x64x128xf32, #tpu.memory_space<vmem>> -> memref<1x64x128xf32, #tpu.memory_space<vmem>>
    %dma_wait3A_453 = tpu.memref_squeeze %dma_wait3A_452 : memref<1x64x128xf32, #tpu.memory_space<vmem>> -> memref<64x128xf32, #tpu.memory_space<vmem>>
    %dma_wait3A_454 = arith.constant 0 : i32
    %dma_wait3A_455 = tpu.memref_slice %arg4[%dma_wait3A_449, %add3A_161, %dma_wait3A_454] : memref<50x4096x128xf32, #tpu.memory_space<hbm>> -> memref<1x64x128xf32, #tpu.memory_space<hbm>>
    %dma_wait3A_456 = tpu.memref_squeeze %dma_wait3A_455 : memref<1x64x128xf32, #tpu.memory_space<hbm>> -> memref<64x128xf32, #tpu.memory_space<hbm>>
    %dma_wait3A_457 = arith.constant 0 : i32
    %dma_wait3A_458 = tpu.memref_slice %arg4[%dma_wait3A_449, %add3A_161, %dma_wait3A_457] : memref<50x4096x128xf32, #tpu.memory_space<hbm>> -> memref<1x64x128xf32, #tpu.memory_space<hbm>>
    %dma_wait3A_459 = tpu.memref_squeeze %dma_wait3A_458 : memref<1x64x128xf32, #tpu.memory_space<hbm>> -> memref<64x128xf32, #tpu.memory_space<hbm>>
    %dma_wait3A_460 = arith.constant 0 : i32
    %dma_wait3A_461 = arith.constant 0 : i32
    %dma_wait3A_462 = tpu.memref_slice %arg6[%dma_wait3A_448, %dma_wait3A_460, %dma_wait3A_461] : memref<10x64x128xf32, #tpu.memory_space<vmem>> -> memref<1x64x128xf32, #tpu.memory_space<vmem>>
    %dma_wait3A_463 = tpu.memref_squeeze %dma_wait3A_462 : memref<1x64x128xf32, #tpu.memory_space<vmem>> -> memref<64x128xf32, #tpu.memory_space<vmem>>
    tpu.wait_dma2 semaphore(%arg19 : memref<!tpu.dma_semaphore, #tpu.memory_space<semaphore_mem>>) src(%dma_wait3A_463 : memref<64x128xf32, #tpu.memory_space<vmem>>) dst(%dma_wait3A_459 : memref<64x128xf32, #tpu.memory_space<hbm>>)
    %dma_wait3A_464 = arith.constant 1 : i32
    %dma_wait3A_465 = arith.constant 45 : i32
    %dma_wait3A_466 = arith.constant 0 : i32
    %dma_wait3A_467 = arith.constant 0 : i32
    %dma_wait3A_468 = tpu.memref_slice %arg6[%dma_wait3A_464, %dma_wait3A_466, %dma_wait3A_467] : memref<10x64x128xf32, #tpu.memory_space<vmem>> -> memref<1x64x128xf32, #tpu.memory_space<vmem>>
    %dma_wait3A_469 = tpu.memref_squeeze %dma_wait3A_468 : memref<1x64x128xf32, #tpu.memory_space<vmem>> -> memref<64x128xf32, #tpu.memory_space<vmem>>
    %dma_wait3A_470 = arith.constant 0 : i32
    %dma_wait3A_471 = tpu.memref_slice %arg4[%dma_wait3A_465, %add3A_191, %dma_wait3A_470] : memref<50x4096x128xf32, #tpu.memory_space<hbm>> -> memref<1x64x128xf32, #tpu.memory_space<hbm>>
    %dma_wait3A_472 = tpu.memref_squeeze %dma_wait3A_471 : memref<1x64x128xf32, #tpu.memory_space<hbm>> -> memref<64x128xf32, #tpu.memory_space<hbm>>
    %dma_wait3A_473 = arith.constant 0 : i32
    %dma_wait3A_474 = tpu.memref_slice %arg4[%dma_wait3A_465, %add3A_191, %dma_wait3A_473] : memref<50x4096x128xf32, #tpu.memory_space<hbm>> -> memref<1x64x128xf32, #tpu.memory_space<hbm>>
    %dma_wait3A_475 = tpu.memref_squeeze %dma_wait3A_474 : memref<1x64x128xf32, #tpu.memory_space<hbm>> -> memref<64x128xf32, #tpu.memory_space<hbm>>
    %dma_wait3A_476 = arith.constant 0 : i32
    %dma_wait3A_477 = arith.constant 0 : i32
    %dma_wait3A_478 = tpu.memref_slice %arg6[%dma_wait3A_464, %dma_wait3A_476, %dma_wait3A_477] : memref<10x64x128xf32, #tpu.memory_space<vmem>> -> memref<1x64x128xf32, #tpu.memory_space<vmem>>
    %dma_wait3A_479 = tpu.memref_squeeze %dma_wait3A_478 : memref<1x64x128xf32, #tpu.memory_space<vmem>> -> memref<64x128xf32, #tpu.memory_space<vmem>>
    tpu.wait_dma2 semaphore(%arg20 : memref<!tpu.dma_semaphore, #tpu.memory_space<semaphore_mem>>) src(%dma_wait3A_479 : memref<64x128xf32, #tpu.memory_space<vmem>>) dst(%dma_wait3A_475 : memref<64x128xf32, #tpu.memory_space<hbm>>)
    %dma_wait3A_480 = arith.constant 2 : i32
    %dma_wait3A_481 = arith.constant 46 : i32
    %dma_wait3A_482 = arith.constant 0 : i32
    %dma_wait3A_483 = arith.constant 0 : i32
    %dma_wait3A_484 = tpu.memref_slice %arg6[%dma_wait3A_480, %dma_wait3A_482, %dma_wait3A_483] : memref<10x64x128xf32, #tpu.memory_space<vmem>> -> memref<1x64x128xf32, #tpu.memory_space<vmem>>
    %dma_wait3A_485 = tpu.memref_squeeze %dma_wait3A_484 : memref<1x64x128xf32, #tpu.memory_space<vmem>> -> memref<64x128xf32, #tpu.memory_space<vmem>>
    %dma_wait3A_486 = arith.constant 0 : i32
    %dma_wait3A_487 = tpu.memref_slice %arg4[%dma_wait3A_481, %add3A_221, %dma_wait3A_486] : memref<50x4096x128xf32, #tpu.memory_space<hbm>> -> memref<1x64x128xf32, #tpu.memory_space<hbm>>
    %dma_wait3A_488 = tpu.memref_squeeze %dma_wait3A_487 : memref<1x64x128xf32, #tpu.memory_space<hbm>> -> memref<64x128xf32, #tpu.memory_space<hbm>>
    %dma_wait3A_489 = arith.constant 0 : i32
    %dma_wait3A_490 = tpu.memref_slice %arg4[%dma_wait3A_481, %add3A_221, %dma_wait3A_489] : memref<50x4096x128xf32, #tpu.memory_space<hbm>> -> memref<1x64x128xf32, #tpu.memory_space<hbm>>
    %dma_wait3A_491 = tpu.memref_squeeze %dma_wait3A_490 : memref<1x64x128xf32, #tpu.memory_space<hbm>> -> memref<64x128xf32, #tpu.memory_space<hbm>>
    %dma_wait3A_492 = arith.constant 0 : i32
    %dma_wait3A_493 = arith.constant 0 : i32
    %dma_wait3A_494 = tpu.memref_slice %arg6[%dma_wait3A_480, %dma_wait3A_492, %dma_wait3A_493] : memref<10x64x128xf32, #tpu.memory_space<vmem>> -> memref<1x64x128xf32, #tpu.memory_space<vmem>>
    %dma_wait3A_495 = tpu.memref_squeeze %dma_wait3A_494 : memref<1x64x128xf32, #tpu.memory_space<vmem>> -> memref<64x128xf32, #tpu.memory_space<vmem>>
    tpu.wait_dma2 semaphore(%arg21 : memref<!tpu.dma_semaphore, #tpu.memory_space<semaphore_mem>>) src(%dma_wait3A_495 : memref<64x128xf32, #tpu.memory_space<vmem>>) dst(%dma_wait3A_491 : memref<64x128xf32, #tpu.memory_space<hbm>>)
    %dma_wait3A_496 = arith.constant 3 : i32
    %dma_wait3A_497 = arith.constant 46 : i32
    %dma_wait3A_498 = arith.constant 0 : i32
    %dma_wait3A_499 = arith.constant 0 : i32
    %dma_wait3A_500 = tpu.memref_slice %arg6[%dma_wait3A_496, %dma_wait3A_498, %dma_wait3A_499] : memref<10x64x128xf32, #tpu.memory_space<vmem>> -> memref<1x64x128xf32, #tpu.memory_space<vmem>>
    %dma_wait3A_501 = tpu.memref_squeeze %dma_wait3A_500 : memref<1x64x128xf32, #tpu.memory_space<vmem>> -> memref<64x128xf32, #tpu.memory_space<vmem>>
    %dma_wait3A_502 = arith.constant 0 : i32
    %dma_wait3A_503 = tpu.memref_slice %arg4[%dma_wait3A_497, %add3A_251, %dma_wait3A_502] : memref<50x4096x128xf32, #tpu.memory_space<hbm>> -> memref<1x64x128xf32, #tpu.memory_space<hbm>>
    %dma_wait3A_504 = tpu.memref_squeeze %dma_wait3A_503 : memref<1x64x128xf32, #tpu.memory_space<hbm>> -> memref<64x128xf32, #tpu.memory_space<hbm>>
    %dma_wait3A_505 = arith.constant 0 : i32
    %dma_wait3A_506 = tpu.memref_slice %arg4[%dma_wait3A_497, %add3A_251, %dma_wait3A_505] : memref<50x4096x128xf32, #tpu.memory_space<hbm>> -> memref<1x64x128xf32, #tpu.memory_space<hbm>>
    %dma_wait3A_507 = tpu.memref_squeeze %dma_wait3A_506 : memref<1x64x128xf32, #tpu.memory_space<hbm>> -> memref<64x128xf32, #tpu.memory_space<hbm>>
    %dma_wait3A_508 = arith.constant 0 : i32
    %dma_wait3A_509 = arith.constant 0 : i32
    %dma_wait3A_510 = tpu.memref_slice %arg6[%dma_wait3A_496, %dma_wait3A_508, %dma_wait3A_509] : memref<10x64x128xf32, #tpu.memory_space<vmem>> -> memref<1x64x128xf32, #tpu.memory_space<vmem>>
    %dma_wait3A_511 = tpu.memref_squeeze %dma_wait3A_510 : memref<1x64x128xf32, #tpu.memory_space<vmem>> -> memref<64x128xf32, #tpu.memory_space<vmem>>
    tpu.wait_dma2 semaphore(%arg22 : memref<!tpu.dma_semaphore, #tpu.memory_space<semaphore_mem>>) src(%dma_wait3A_511 : memref<64x128xf32, #tpu.memory_space<vmem>>) dst(%dma_wait3A_507 : memref<64x128xf32, #tpu.memory_space<hbm>>)
    %dma_wait3A_512 = arith.constant 4 : i32
    %dma_wait3A_513 = arith.constant 47 : i32
    %dma_wait3A_514 = arith.constant 0 : i32
    %dma_wait3A_515 = arith.constant 0 : i32
    %dma_wait3A_516 = tpu.memref_slice %arg6[%dma_wait3A_512, %dma_wait3A_514, %dma_wait3A_515] : memref<10x64x128xf32, #tpu.memory_space<vmem>> -> memref<1x64x128xf32, #tpu.memory_space<vmem>>
    %dma_wait3A_517 = tpu.memref_squeeze %dma_wait3A_516 : memref<1x64x128xf32, #tpu.memory_space<vmem>> -> memref<64x128xf32, #tpu.memory_space<vmem>>
    %dma_wait3A_518 = arith.constant 0 : i32
    %dma_wait3A_519 = tpu.memref_slice %arg4[%dma_wait3A_513, %add3A_281, %dma_wait3A_518] : memref<50x4096x128xf32, #tpu.memory_space<hbm>> -> memref<1x64x128xf32, #tpu.memory_space<hbm>>
    %dma_wait3A_520 = tpu.memref_squeeze %dma_wait3A_519 : memref<1x64x128xf32, #tpu.memory_space<hbm>> -> memref<64x128xf32, #tpu.memory_space<hbm>>
    %dma_wait3A_521 = arith.constant 0 : i32
    %dma_wait3A_522 = tpu.memref_slice %arg4[%dma_wait3A_513, %add3A_281, %dma_wait3A_521] : memref<50x4096x128xf32, #tpu.memory_space<hbm>> -> memref<1x64x128xf32, #tpu.memory_space<hbm>>
    %dma_wait3A_523 = tpu.memref_squeeze %dma_wait3A_522 : memref<1x64x128xf32, #tpu.memory_space<hbm>> -> memref<64x128xf32, #tpu.memory_space<hbm>>
    %dma_wait3A_524 = arith.constant 0 : i32
    %dma_wait3A_525 = arith.constant 0 : i32
    %dma_wait3A_526 = tpu.memref_slice %arg6[%dma_wait3A_512, %dma_wait3A_524, %dma_wait3A_525] : memref<10x64x128xf32, #tpu.memory_space<vmem>> -> memref<1x64x128xf32, #tpu.memory_space<vmem>>
    %dma_wait3A_527 = tpu.memref_squeeze %dma_wait3A_526 : memref<1x64x128xf32, #tpu.memory_space<vmem>> -> memref<64x128xf32, #tpu.memory_space<vmem>>
    tpu.wait_dma2 semaphore(%arg23 : memref<!tpu.dma_semaphore, #tpu.memory_space<semaphore_mem>>) src(%dma_wait3A_527 : memref<64x128xf32, #tpu.memory_space<vmem>>) dst(%dma_wait3A_523 : memref<64x128xf32, #tpu.memory_space<hbm>>)
    %dma_wait3A_528 = arith.constant 5 : i32
    %dma_wait3A_529 = arith.constant 47 : i32
    %dma_wait3A_530 = arith.constant 0 : i32
    %dma_wait3A_531 = arith.constant 0 : i32
    %dma_wait3A_532 = tpu.memref_slice %arg6[%dma_wait3A_528, %dma_wait3A_530, %dma_wait3A_531] : memref<10x64x128xf32, #tpu.memory_space<vmem>> -> memref<1x64x128xf32, #tpu.memory_space<vmem>>
    %dma_wait3A_533 = tpu.memref_squeeze %dma_wait3A_532 : memref<1x64x128xf32, #tpu.memory_space<vmem>> -> memref<64x128xf32, #tpu.memory_space<vmem>>
    %dma_wait3A_534 = arith.constant 0 : i32
    %dma_wait3A_535 = tpu.memref_slice %arg4[%dma_wait3A_529, %add3A_311, %dma_wait3A_534] : memref<50x4096x128xf32, #tpu.memory_space<hbm>> -> memref<1x64x128xf32, #tpu.memory_space<hbm>>
    %dma_wait3A_536 = tpu.memref_squeeze %dma_wait3A_535 : memref<1x64x128xf32, #tpu.memory_space<hbm>> -> memref<64x128xf32, #tpu.memory_space<hbm>>
    %dma_wait3A_537 = arith.constant 0 : i32
    %dma_wait3A_538 = tpu.memref_slice %arg4[%dma_wait3A_529, %add3A_311, %dma_wait3A_537] : memref<50x4096x128xf32, #tpu.memory_space<hbm>> -> memref<1x64x128xf32, #tpu.memory_space<hbm>>
    %dma_wait3A_539 = tpu.memref_squeeze %dma_wait3A_538 : memref<1x64x128xf32, #tpu.memory_space<hbm>> -> memref<64x128xf32, #tpu.memory_space<hbm>>
    %dma_wait3A_540 = arith.constant 0 : i32
    %dma_wait3A_541 = arith.constant 0 : i32
    %dma_wait3A_542 = tpu.memref_slice %arg6[%dma_wait3A_528, %dma_wait3A_540, %dma_wait3A_541] : memref<10x64x128xf32, #tpu.memory_space<vmem>> -> memref<1x64x128xf32, #tpu.memory_space<vmem>>
    %dma_wait3A_543 = tpu.memref_squeeze %dma_wait3A_542 : memref<1x64x128xf32, #tpu.memory_space<vmem>> -> memref<64x128xf32, #tpu.memory_space<vmem>>
    tpu.wait_dma2 semaphore(%arg24 : memref<!tpu.dma_semaphore, #tpu.memory_space<semaphore_mem>>) src(%dma_wait3A_543 : memref<64x128xf32, #tpu.memory_space<vmem>>) dst(%dma_wait3A_539 : memref<64x128xf32, #tpu.memory_space<hbm>>)
    %dma_wait3A_544 = arith.constant 6 : i32
    %dma_wait3A_545 = arith.constant 48 : i32
    %dma_wait3A_546 = arith.constant 0 : i32
    %dma_wait3A_547 = arith.constant 0 : i32
    %dma_wait3A_548 = tpu.memref_slice %arg6[%dma_wait3A_544, %dma_wait3A_546, %dma_wait3A_547] : memref<10x64x128xf32, #tpu.memory_space<vmem>> -> memref<1x64x128xf32, #tpu.memory_space<vmem>>
    %dma_wait3A_549 = tpu.memref_squeeze %dma_wait3A_548 : memref<1x64x128xf32, #tpu.memory_space<vmem>> -> memref<64x128xf32, #tpu.memory_space<vmem>>
    %dma_wait3A_550 = arith.constant 0 : i32
    %dma_wait3A_551 = tpu.memref_slice %arg4[%dma_wait3A_545, %add3A_341, %dma_wait3A_550] : memref<50x4096x128xf32, #tpu.memory_space<hbm>> -> memref<1x64x128xf32, #tpu.memory_space<hbm>>
    %dma_wait3A_552 = tpu.memref_squeeze %dma_wait3A_551 : memref<1x64x128xf32, #tpu.memory_space<hbm>> -> memref<64x128xf32, #tpu.memory_space<hbm>>
    %dma_wait3A_553 = arith.constant 0 : i32
    %dma_wait3A_554 = tpu.memref_slice %arg4[%dma_wait3A_545, %add3A_341, %dma_wait3A_553] : memref<50x4096x128xf32, #tpu.memory_space<hbm>> -> memref<1x64x128xf32, #tpu.memory_space<hbm>>
    %dma_wait3A_555 = tpu.memref_squeeze %dma_wait3A_554 : memref<1x64x128xf32, #tpu.memory_space<hbm>> -> memref<64x128xf32, #tpu.memory_space<hbm>>
    %dma_wait3A_556 = arith.constant 0 : i32
    %dma_wait3A_557 = arith.constant 0 : i32
    %dma_wait3A_558 = tpu.memref_slice %arg6[%dma_wait3A_544, %dma_wait3A_556, %dma_wait3A_557] : memref<10x64x128xf32, #tpu.memory_space<vmem>> -> memref<1x64x128xf32, #tpu.memory_space<vmem>>
    %dma_wait3A_559 = tpu.memref_squeeze %dma_wait3A_558 : memref<1x64x128xf32, #tpu.memory_space<vmem>> -> memref<64x128xf32, #tpu.memory_space<vmem>>
    tpu.wait_dma2 semaphore(%arg25 : memref<!tpu.dma_semaphore, #tpu.memory_space<semaphore_mem>>) src(%dma_wait3A_559 : memref<64x128xf32, #tpu.memory_space<vmem>>) dst(%dma_wait3A_555 : memref<64x128xf32, #tpu.memory_space<hbm>>)
    %dma_wait3A_560 = arith.constant 7 : i32
    %dma_wait3A_561 = arith.constant 48 : i32
    %dma_wait3A_562 = arith.constant 0 : i32
    %dma_wait3A_563 = arith.constant 0 : i32
    %dma_wait3A_564 = tpu.memref_slice %arg6[%dma_wait3A_560, %dma_wait3A_562, %dma_wait3A_563] : memref<10x64x128xf32, #tpu.memory_space<vmem>> -> memref<1x64x128xf32, #tpu.memory_space<vmem>>
    %dma_wait3A_565 = tpu.memref_squeeze %dma_wait3A_564 : memref<1x64x128xf32, #tpu.memory_space<vmem>> -> memref<64x128xf32, #tpu.memory_space<vmem>>
    %dma_wait3A_566 = arith.constant 0 : i32
    %dma_wait3A_567 = tpu.memref_slice %arg4[%dma_wait3A_561, %add3A_371, %dma_wait3A_566] : memref<50x4096x128xf32, #tpu.memory_space<hbm>> -> memref<1x64x128xf32, #tpu.memory_space<hbm>>
    %dma_wait3A_568 = tpu.memref_squeeze %dma_wait3A_567 : memref<1x64x128xf32, #tpu.memory_space<hbm>> -> memref<64x128xf32, #tpu.memory_space<hbm>>
    %dma_wait3A_569 = arith.constant 0 : i32
    %dma_wait3A_570 = tpu.memref_slice %arg4[%dma_wait3A_561, %add3A_371, %dma_wait3A_569] : memref<50x4096x128xf32, #tpu.memory_space<hbm>> -> memref<1x64x128xf32, #tpu.memory_space<hbm>>
    %dma_wait3A_571 = tpu.memref_squeeze %dma_wait3A_570 : memref<1x64x128xf32, #tpu.memory_space<hbm>> -> memref<64x128xf32, #tpu.memory_space<hbm>>
    %dma_wait3A_572 = arith.constant 0 : i32
    %dma_wait3A_573 = arith.constant 0 : i32
    %dma_wait3A_574 = tpu.memref_slice %arg6[%dma_wait3A_560, %dma_wait3A_572, %dma_wait3A_573] : memref<10x64x128xf32, #tpu.memory_space<vmem>> -> memref<1x64x128xf32, #tpu.memory_space<vmem>>
    %dma_wait3A_575 = tpu.memref_squeeze %dma_wait3A_574 : memref<1x64x128xf32, #tpu.memory_space<vmem>> -> memref<64x128xf32, #tpu.memory_space<vmem>>
    tpu.wait_dma2 semaphore(%arg26 : memref<!tpu.dma_semaphore, #tpu.memory_space<semaphore_mem>>) src(%dma_wait3A_575 : memref<64x128xf32, #tpu.memory_space<vmem>>) dst(%dma_wait3A_571 : memref<64x128xf32, #tpu.memory_space<hbm>>)
    %dma_wait3A_576 = arith.constant 8 : i32
    %dma_wait3A_577 = arith.constant 49 : i32
    %dma_wait3A_578 = arith.constant 0 : i32
    %dma_wait3A_579 = arith.constant 0 : i32
    %dma_wait3A_580 = tpu.memref_slice %arg6[%dma_wait3A_576, %dma_wait3A_578, %dma_wait3A_579] : memref<10x64x128xf32, #tpu.memory_space<vmem>> -> memref<1x64x128xf32, #tpu.memory_space<vmem>>
    %dma_wait3A_581 = tpu.memref_squeeze %dma_wait3A_580 : memref<1x64x128xf32, #tpu.memory_space<vmem>> -> memref<64x128xf32, #tpu.memory_space<vmem>>
    %dma_wait3A_582 = arith.constant 0 : i32
    %dma_wait3A_583 = tpu.memref_slice %arg4[%dma_wait3A_577, %add3A_401, %dma_wait3A_582] : memref<50x4096x128xf32, #tpu.memory_space<hbm>> -> memref<1x64x128xf32, #tpu.memory_space<hbm>>
    %dma_wait3A_584 = tpu.memref_squeeze %dma_wait3A_583 : memref<1x64x128xf32, #tpu.memory_space<hbm>> -> memref<64x128xf32, #tpu.memory_space<hbm>>
    %dma_wait3A_585 = arith.constant 0 : i32
    %dma_wait3A_586 = tpu.memref_slice %arg4[%dma_wait3A_577, %add3A_401, %dma_wait3A_585] : memref<50x4096x128xf32, #tpu.memory_space<hbm>> -> memref<1x64x128xf32, #tpu.memory_space<hbm>>
    %dma_wait3A_587 = tpu.memref_squeeze %dma_wait3A_586 : memref<1x64x128xf32, #tpu.memory_space<hbm>> -> memref<64x128xf32, #tpu.memory_space<hbm>>
    %dma_wait3A_588 = arith.constant 0 : i32
    %dma_wait3A_589 = arith.constant 0 : i32
    %dma_wait3A_590 = tpu.memref_slice %arg6[%dma_wait3A_576, %dma_wait3A_588, %dma_wait3A_589] : memref<10x64x128xf32, #tpu.memory_space<vmem>> -> memref<1x64x128xf32, #tpu.memory_space<vmem>>
    %dma_wait3A_591 = tpu.memref_squeeze %dma_wait3A_590 : memref<1x64x128xf32, #tpu.memory_space<vmem>> -> memref<64x128xf32, #tpu.memory_space<vmem>>
    tpu.wait_dma2 semaphore(%arg27 : memref<!tpu.dma_semaphore, #tpu.memory_space<semaphore_mem>>) src(%dma_wait3A_591 : memref<64x128xf32, #tpu.memory_space<vmem>>) dst(%dma_wait3A_587 : memref<64x128xf32, #tpu.memory_space<hbm>>)
    %dma_wait3A_592 = arith.constant 9 : i32
    %dma_wait3A_593 = arith.constant 49 : i32
    %dma_wait3A_594 = arith.constant 0 : i32
    %dma_wait3A_595 = arith.constant 0 : i32
    %dma_wait3A_596 = tpu.memref_slice %arg6[%dma_wait3A_592, %dma_wait3A_594, %dma_wait3A_595] : memref<10x64x128xf32, #tpu.memory_space<vmem>> -> memref<1x64x128xf32, #tpu.memory_space<vmem>>
    %dma_wait3A_597 = tpu.memref_squeeze %dma_wait3A_596 : memref<1x64x128xf32, #tpu.memory_space<vmem>> -> memref<64x128xf32, #tpu.memory_space<vmem>>
    %dma_wait3A_598 = arith.constant 0 : i32
    %dma_wait3A_599 = tpu.memref_slice %arg4[%dma_wait3A_593, %add3A_431, %dma_wait3A_598] : memref<50x4096x128xf32, #tpu.memory_space<hbm>> -> memref<1x64x128xf32, #tpu.memory_space<hbm>>
    %dma_wait3A_600 = tpu.memref_squeeze %dma_wait3A_599 : memref<1x64x128xf32, #tpu.memory_space<hbm>> -> memref<64x128xf32, #tpu.memory_space<hbm>>
    %dma_wait3A_601 = arith.constant 0 : i32
    %dma_wait3A_602 = tpu.memref_slice %arg4[%dma_wait3A_593, %add3A_431, %dma_wait3A_601] : memref<50x4096x128xf32, #tpu.memory_space<hbm>> -> memref<1x64x128xf32, #tpu.memory_space<hbm>>
    %dma_wait3A_603 = tpu.memref_squeeze %dma_wait3A_602 : memref<1x64x128xf32, #tpu.memory_space<hbm>> -> memref<64x128xf32, #tpu.memory_space<hbm>>
    %dma_wait3A_604 = arith.constant 0 : i32
    %dma_wait3A_605 = arith.constant 0 : i32
    %dma_wait3A_606 = tpu.memref_slice %arg6[%dma_wait3A_592, %dma_wait3A_604, %dma_wait3A_605] : memref<10x64x128xf32, #tpu.memory_space<vmem>> -> memref<1x64x128xf32, #tpu.memory_space<vmem>>
    %dma_wait3A_607 = tpu.memref_squeeze %dma_wait3A_606 : memref<1x64x128xf32, #tpu.memory_space<vmem>> -> memref<64x128xf32, #tpu.memory_space<vmem>>
    tpu.wait_dma2 semaphore(%arg28 : memref<!tpu.dma_semaphore, #tpu.memory_space<semaphore_mem>>) src(%dma_wait3A_607 : memref<64x128xf32, #tpu.memory_space<vmem>>) dst(%dma_wait3A_603 : memref<64x128xf32, #tpu.memory_space<hbm>>)
    return
  }
}

</mosaic_0001>

<sc_bundles>
// kernel: kernel.3.cloned.1.call-start
scs
__scs_entry_jumppad:
0x0: {  	(pc) =	sbr.rel $0x88, $3  }
0x1: {  	(tag) =	ssettag $0x0;
	lr =	simm.s32 $0x1  }
0x2: {  	[smem:$0x3F9F] =	sst lr;
	_ =	strace $0xD0000000  }
0x3: {  	_ = 	snop  }
0x4: {  	_ = 	snop  }
0x5: {  	_ = 	snop  }
0x6: {  	_ = 	snop  }
0x7: {  	_ = 	snop  }
__scs_overlays_trampoline_lowered:
0x8: {  	[smem:$0x3FAE] =	sst s0  }
0x9: {  	[smem:$0x3FAF] =	sst s1  }
0xa: {  	[smem:$0x3FB0] =	sst s2  }
0xb: {  	[smem:$0x3FB1] =	sst s3  }
0xc: {  	[smem:$0x3FB2] =	sst s4  }
0xd: {  	[smem:$0x3FB3] =	sst s5  }
0xe: {  	[smem:$0x3FB4] =	sst s6  }
0xf: {  	[smem:$0x3FB5] =	sst s7  }
0x10: {  	[smem:$0x3FB6] =	sst s8  }
0x11: {  	[smem:$0x3FB7] =	sst s9;
	s0 =	simm.s32 @!p0 $0x0  }
0x12: {  	s1 =	sld [smem:$0x3F9D];
	s0 =	simm.s32 @p0 $0x1  }
0x13: {  	[smem:$0x3FB8] =	sst s0;
	s0 =	simm.s32 @!p1 $0x0  }
0x14: {  	s2 =	sld [smem:$0x3F9C];
	s0 =	simm.s32 @p1 $0x1  }
0x15: {  	[smem:$0x3FB9] =	sst s0;
	s0 =	simm.s32 @!p2 $0x0  }
0x16: {  	s3 =	sld [smem:$0x3FDB];
	s0 =	simm.s32 @p2 $0x1  }
0x17: {  	s4 =	simm.s32 $0x1BF5;
	[smem:$0x3FBB] =	sst s0  }
0x18: {  	s0 =	sld [smem:$0x3F9E];
	_ =	swait.ge [sflag:s4], $0x0  }
0x19: {  	s7 =	sld [smem:$0x3F9F]  }
0x1a: {  	s8 =	sadd.s32 $0xFFFFE003, lr  }
0x1b: {  	s9 =	sadd.s32 $0xFFFFFEF7, lr;
	s5 =	simm.s32 $0xFFFFFFFF;
	p2 =	slt.u32 s8, $0xFFFFF086  }
0x1c: {  	p1 =	slt.u32 s9, $0xF7A;
	s5 =	simm.s32 @!p2 $0x0  }
0x1d: {  	s5 =	simm.s32 @p1 $0x1;
	p0 =	seq.s32 s7, s2  }
0x1e: {  	s7 =	smul.u32 @!p0 $0xF7A, s2;
	p2 =	seq.s32 @!p0 s5, $0x0  }
0x1f: {  	s9 =	smul.u32 $0xF7A, s1;
	s8 =	simm.s32 @!p0 $0x1BF5;
	p2 =	por !p2, p0  }
0x20: {  	[sflag:s8] =	ssyncset.s32 @!p0 $0xFFFFF086;
	s6 =	sadd.s32 @!p0 s3, s7;
	s7 =	simm.s32 @!p0 $0x108  }
0x21: {  	s3 =	sadd.s32 s3, s9;
	s6 =	sadd.s32 @!p0 $0x88, s6;
	s7 =	simm.s32 @p2 $0x1082  }
0x22: {  	[simem:s7], [sflag:s8] =	dma.local @!p0 [hbm:s6], $0xF7A  }
0x23: {  	s9 =	sor.u32 $0xD0000000, s2;
	s6 =	simm.s32 $0x108;
	_ =	swait.ge @!p0 [sflag:s8], $0x0  }
0x24: {  	s3 =	sadd.s32 $0x88, s3;
	s6 =	simm.s32 @!p1 $0x1082;
	[sflag:s4] =	ssyncset.s32 $0xFFFFF086  }
0x25: {  	[simem:s6], [sflag:s4] =	dma.local [hbm:s3], $0xF7A  }
0x26: {  	[smem:$0x3F9F] =	sst s1;
	(tag) =	ssettag s2;
	_ =	strace s9  }
0x27: {  	s1 =	sld [smem:$0x3FAF]  }
0x28: {  	s2 =	sld [smem:$0x3FB0]  }
0x29: {  	s4 =	sld [smem:$0x3FB2]  }
0x2a: {  	p0 =	seq.s32 s5, $0x0;
	s5 =	sld [smem:$0x3FB3]  }
0x2b: {  	s6 =	sld [smem:$0x3FB4]  }
0x2c: {  	s7 =	sld [smem:$0x3FB5]  }
0x2d: {  	s3 =	simm.s32 $0x108;
	s8 =	sld [smem:$0x3FB6]  }
0x2e: {  	s3 =	simm.s32 @!p0 $0x1082;
	s9 =	sld [smem:$0x3FB7]  }
0x2f: {  	lr =	sadd.s32 s0, s3;
	s0 =	sld [smem:$0x3FAE]  }
0x30: {  	s3 =	sld [smem:$0x3FB1]  }
0x31: {  	[smem:$0x3FBA] =	sst s10  }
0x32: {  	s10 =	sld [smem:$0x3FB8];
	_ =	sdelay $0x3  }
0x33: {  	p0 =	seq.s32 s10, $0x1;
	s10 =	sld [smem:$0x3FBA];
	_ =	sdelay $0x3  }
0x34: {  	[smem:$0x3FBA] =	sst s10  }
0x35: {  	s10 =	sld [smem:$0x3FB9];
	_ =	sdelay $0x3  }
0x36: {  	p1 =	seq.s32 s10, $0x1;
	s10 =	sld [smem:$0x3FBA];
	_ =	sdelay $0x3  }
0x37: {  	[smem:$0x3FBA] =	sst s10  }
0x38: {  	s10 =	sld [smem:$0x3FBB]  }
0x39: {  	_ = 	snop;
	(pc) =	sbr.ind lr, $3  }
0x3a: {  	_ = 	snop  }
0x3b: {  	_ = 	snop  }
0x3c: {  	p2 =	seq.s32 s10, $0x1;
	s10 =	sld [smem:$0x3FBA]  }
0x3d: {  	_ =	shalt  }
0x3e: {  	_ =	shalt  }
0x3f: {  	_ =	shalt  }
0x40: {  	_ =	shalt  }
0x41: {  	_ =	shalt  }
0x42: {  	_ =	shalt  }
0x43: {  	_ =	shalt  }
0x44: {  	_ =	shalt  }
0x45: {  	_ =	shalt  }
0x46: {  	_ =	shalt  }
0x47: {  	_ =	shalt  }
0x48: {  	_ =	shalt  }
0x49: {  	_ =	shalt  }
0x4a: {  	_ =	shalt  }
0x4b: {  	_ =	shalt  }
0x4c: {  	_ =	shalt  }
0x4d: {  	_ =	shalt  }
0x4e: {  	_ =	shalt  }
0x4f: {  	_ =	shalt  }
0x50: {  	_ =	shalt  }
0x51: {  	_ =	shalt  }
0x52: {  	_ =	shalt  }
0x53: {  	_ =	shalt  }
0x54: {  	_ =	shalt  }
0x55: {  	_ =	shalt  }
0x56: {  	_ =	shalt  }
0x57: {  	_ =	shalt  }
0x58: {  	_ =	shalt  }
0x59: {  	_ =	shalt  }
0x5a: {  	_ =	shalt  }
0x5b: {  	_ =	shalt  }
0x5c: {  	_ =	shalt  }
0x5d: {  	_ =	shalt  }
0x5e: {  	_ =	shalt  }
0x5f: {  	_ =	shalt  }
0x60: {  	_ =	shalt  }
0x61: {  	_ =	shalt  }
0x62: {  	_ =	shalt  }
0x63: {  	_ =	shalt  }
0x64: {  	_ =	shalt  }
0x65: {  	_ =	shalt  }
0x66: {  	_ =	shalt  }
0x67: {  	_ =	shalt  }
0x68: {  	_ =	shalt  }
0x69: {  	_ =	shalt  }
0x6a: {  	_ =	shalt  }
0x6b: {  	_ =	shalt  }
0x6c: {  	_ =	shalt  }
0x6d: {  	_ =	shalt  }
0x6e: {  	_ =	shalt  }
0x6f: {  	_ =	shalt  }
0x70: {  	_ =	shalt  }
0x71: {  	_ =	shalt  }
0x72: {  	_ =	shalt  }
0x73: {  	_ =	shalt  }
0x74: {  	_ =	shalt  }
0x75: {  	_ =	shalt  }
0x76: {  	_ =	shalt  }
0x77: {  	_ =	shalt  }
0x78: {  	_ =	shalt  }
0x79: {  	_ =	shalt  }
0x7a: {  	_ =	shalt  }
0x7b: {  	_ =	shalt  }
0x7c: {  	_ =	shalt  }
0x7d: {  	_ =	shalt  }
0x7e: {  	_ =	shalt  }
0x7f: {  	_ =	shalt  }
0x80: {  	_ =	shalt  }
0x81: {  	_ =	shalt  }
0x82: {  	_ =	shalt  }
0x83: {  	_ =	shalt  }
0x84: {  	_ =	shalt  }
0x85: {  	_ =	shalt  }
0x86: {  	_ =	shalt  }
0x87: {  	_ =	shalt  }
.Lfunc_end0:
.L_simem_size_0:
called_computation_lowered:
.L_overlay_start_0:
0x88: {  	s2 =	sld [smem:$0x3FD9]  }
0x89: {  	s3 =	sld [smem:$0x3FFE];
	_ =	sdelay $0x1  }
0x8a: {  	s1 =	srdreg.scid  }
0x8b: {  	s0 =	sand.u32 $0x1, s1  }
0x8c: {  	s17 =	sshll.u32 s0, $0xA;
	s2 =	sadd.s32 s3, s2  }
0x8d: {  	s2 =	sadd.s32 s2, s17  }
0x8e: {  	[smem:$0x3FC6] =	sst s2  }
0x8f: {  	_ = 	snop  }
0x90: {  	s2 =	sld [smem:$0x3FC8]  }
0x91: {  	s18 =	sld [smem:$0x3FD0];
	(tm) =	ssettm $0x1  }
0x92: {  	s4 =	sld [smem:$0x3FFB];
	_ =	sdelay $0x3  }
0x93: {  	_ =	strace s4  }
0x94: {  	s4 =	sld [smem:$0x3FFC];
	_ =	sdelay $0x3  }
0x95: {  	_ =	strace s4  }
0x96: {  	s4 =	sld [smem:$0x3FFD];
	_ =	sdelay $0x3  }
0x97: {  	_ =	strace s4  }
0x98: {  	_ =	strace $0x8FFFFFFF  }
0x99: {  	s19 =	sld [smem:$0x3FDB];
	_ =	sdelay $0x1  }
0x9a: {  	s5 =	simm.s32 $_scs_section_size  }
0x9b: {  	s6 =	simm.s32 $_size__tile_overlayer_lowered;
	s7 =	simm.s32 $_tile_overlayer_lowered  }
0x9c: {  	s22 =	simm.s32 $0x1BFF;
	s21 =	sshll.u32 s7, $0x1;
	s4 =	sadd.s32 s5, s19  }
0x9d: {  	s8 =	simm.s32 $0x0;
	s20 =	sshll.u32 s6, $0x1;
	s6 =	sadd.s32 s21, s4  }
0x9e: {  	[timem:s8], [sflag:s22] =	dma.local [hbm:s6], s20  }
0x9f: {  	_ =	swait.ge [sflag:s22], s20  }
0xa0: {  	s5 =	ssub.s32 $0x0, s20;
	[sflag:s22] =	ssyncset.done $0x0  }
0xa1: {  	[sflag:s22] =	ssyncadd.s32 s5;
	_ =	sdelay $0x1  }
0xa2: {  	s23 =	simm.s32 $0x1B8B  }
0xa3: {  	_ =	swait.ge [sflag:s23], $0x1  }
0xa4: {  	[sflag:s23] =	ssyncset.done $0x0  }
0xa5: {  	s25 =	simm.s32 $0x1B8E;
	s24 =	sld [smem:$0x3FFE];
	[sflag:s23] =	ssyncadd.s32 $0xFFFFFFFF  }
0xa6: {  	s26 =	simm.s32 $execute0_lowered;
	[smem:$0x3FD2] =	sst s25  }
0xa7: {  	s6 =	sshll.u32 s26, $0x1;
	_ =	strace $0x80000046;
	[dreg:$0x1] =	wrdreg $0xFFFFFFFF  }
0xa8: {  	s28 =	simm.s32 $_size_execute0_lowered;
	s4 =	sadd.s32 s4, s6;
	[dreg:$0x0] =	wrdreg $0x0  }
0xa9: {  	s6 =	sshll.u32 s28, $0x1;
	[dreg:$0x2] =	wrdreg s4  }
0xaa: {  	[dreg:$0x3] =	wrdreg s6  }
0xab: {  	[dreg:$0x4] =	wrdreg $0xC0  }
0xac: {  	_ =	task [dreg:s8], $0x5FFFF  }
0xad: {  	[dreg:$0x1] =	wrdreg $0xFFFFFFFF  }
0xae: {  	[dreg:$0x0] =	wrdreg $0x60  }
0xaf: {  	[dreg:$0x2] =	wrdreg s2  }
0xb0: {  	[dreg:$0x3] =	wrdreg s24  }
0xb1: {  	[dreg:$0x4] =	wrdreg s18  }
0xb2: {  	[dreg:$0x5] =	wrdreg $0x15C000  }
0xb3: {  	[dreg:$0x6] =	wrdreg $0x9  }
0xb4: {  	_ =	task.clear_ibuf [dreg:s8], $0x7FFFF;
	_ =	strace $0x90000046  }
0xb5: {  	s29 =	simm.s32 $0x9;
	_ =	strace $0x80000048  }
0xb6: {  	_ =	swait.ge [sflag:s29], $0x1  }
0xb7: {  	[sflag:s29] =	ssyncadd.s32 $0xFFFFFFFF  }
0xb8: {  	_ =	strace $0x90000048  }
0xb9: {  	_ =	sfence  }
0xba: {  	s30 =	sld [smem:$0x0];
	_ =	sdelay $0x2  }
0xbb: {  	s31 =	sshll.u32 s1, $0xD;
	s1 =	sshrl.u32 s1, $0x2  }
0xbc: {  	s3 =	sand.u32 $0x4000, s31;
	s1 =	sadd.s32 s1, s30  }
0xbd: {  	s0 =	sor.u32 s3, s0;
	s1 =	sshll.u32 s1, $0x11  }
0xbe: {  	s0 =	sor.u32 s1, s0  }
0xbf: {  	s0 =	sadd.s32 $0x8F2B, s0  }
0xc0: {  	[sflag:s0] =	ssyncadd.remote.s32 $0x1  }
0xc1: {  	_ =	sfence.sel $0xFFFF  }
0xc2: {  	[dreg:$0x0] =	wrdreg $0xFFFFFFFF;
	(pc) =	sbr.abs _section_cstart, $3  }
0xc3: {  	[dreg:$0x1] =	wrdreg $0xFFFFFFFF  }
0xc4: {  	_ =	task.clear_ibuf [dreg:s8], $0x2FFFF;
	_ =	strace $0x9FFFFFFF  }
0xc5: {  	(tm) =	ssettm $0x7FFFFFFF  }
tec
execute0_lowered:
.L_overlay_start_1:
0x0: {  	(tag) =	ssettag $0x1  }
0x1: {  	s0 =	rddreg [dreg:$0x0]  }
0x2: {  	s1 =	rddreg [dreg:$0x1];
	s2 =	srdreg.scid  }
0x3: {  	s9 =	stileid.u32;
	s10 =	rddreg [dreg:$0x2]  }
0x4: {  	s3 =	rddreg [dreg:$0x3];
	s2 =	sand.u32 $0x1, s2;
	s4 =	sshll.u32 s9, $0x1  }
0x5: {  	s18 =	sshll.u32 s9, $0xF;
	s19 =	sshll.u32 s9, $0xA;
	s21 =	sadd.s32 $0x1E000, s3  }
0x6: {  	s5 =	sor.u32 s2, s4;
	s4 =	simm.s32 $0x0;
	s8 =	sshrl.u32 s18, $0x2  }
0x7: {  	s7 =	ssub.s32 $0x2, s2;
	[smem:$0x7FF] =	sst s4;
	s20 =	sadd.s32 s8, s3  }
0x8: {  	s6 =	smul.u32 $0x380, s5;
	_ =	strace $0x80000047;
	[dreg:$0x11] =	wrdreg s20  }
0x9: {  	s17 =	sshrl.u32 s7, $0x1;
	s5 =	sshll.u32 s5, $0xB;
	[dreg:$0x13] =	wrdreg s21  }
0xa: {  	s1 =	sadd.s32 s6, s1;
	s6 =	ssub.s32 s7, s17;
	s7 =	sadd.s32 s0, s19  }
0xb: {  	s5 =	sadd.s32 s5, s10;
	s0 =	sadd.s32 $0x3C00, s0;
	[dreg:$0x10] =	wrdreg s7  }
0xc: {  	s22 =	sadd.s32 $0x2D0000, s5;
	[dreg:$0x12] =	wrdreg s0  }
0xd: {  	s23 =	sadd.s32 $0x2D0400, s5;
	[dreg:$0x14] =	wrdreg s22  }
0xe: {  	s24 =	sadd.s32 $0x2E0000, s5;
	[dreg:$0x15] =	wrdreg s23  }
0xf: {  	s26 =	sadd.s32 $0x2E0400, s5;
	[dreg:$0x16] =	wrdreg s24  }
0x10: {  	s28 =	sadd.s32 $0x2F0000, s5;
	[dreg:$0x17] =	wrdreg s26  }
0x11: {  	s25 =	sshll.u32 s2, $0xE;
	s30 =	sadd.s32 $0x2F0400, s5;
	[dreg:$0x18] =	wrdreg s28  }
0x12: {  	s2 =	sadd.s32 $0x300000, s5;
	s8 =	sadd.s32 $0x300400, s5;
	[dreg:$0x19] =	wrdreg s30  }
0x13: {  	s1 =	sadd.s32 $0x400, s1;
	s0 =	sor.u32 s25, s18;
	[dreg:$0x1a] =	wrdreg s2  }
0x14: {  	[dreg:$0x1b] =	wrdreg s8;
	s25 =	sadd.s32 $0x310000, s5;
	s28 =	sadd.s32 $0x310400, s5  }
0x15: {  	s30 =	smax.u32 s6, $0x1;
	[dreg:$0xf] =	wrdreg s1;
	s7 =	sor.u32 $0x202000, s0  }
0x16: {  	s10 =	sor.u32 $0x200000, s0;
	s12 =	sor.u32 $0x182000, s0;
	s14 =	sor.u32 $0x180000, s0  }
0x17: {  	s16 =	sor.u32 $0x102000, s0;
	s18 =	sor.u32 $0x100000, s0;
	[dreg:$0x1c] =	wrdreg s25  }
0x18: {  	s20 =	sor.u32 $0x82000, s0;
	s22 =	sor.u32 $0x80000, s0;
	[dreg:$0x1d] =	wrdreg s28  }
0x19: {  	s24 =	sor.u32 $0x2000, s0;
	s0 =	sshrl.u32 s0, $0x3;
	[dreg:$0x1e] =	wrdreg s30  }
0x1a: {  	s1 =	sshrl.u32 s7, $0x3;
	[dreg:$0xe] =	wrdreg s0  }
0x1b: {  	s29 =	simm.s32 $0x14;
	s11 =	sshrl.u32 s10, $0x3;
	[dreg:$0x5] =	wrdreg s1  }
0x1c: {  	s31 =	simm.s32 $0x11C00;
	s13 =	sshrl.u32 s12, $0x3;
	[dreg:$0x6] =	wrdreg s11  }
0x1d: {  	p0 =	seq.s32 s9, $0xF;
	s15 =	sshrl.u32 s14, $0x3;
	[dreg:$0x7] =	wrdreg s13  }
0x1e: {  	s8 =	simm.s32 $0x1C00;
	s17 =	sshrl.u32 s16, $0x3;
	[dreg:$0x8] =	wrdreg s15  }
0x1f: {  	s25 =	simm.s32 $0xF;
	s19 =	sshrl.u32 s18, $0x3;
	[dreg:$0x9] =	wrdreg s17  }
0x20: {  	s21 =	sshrl.u32 s20, $0x3;
	s23 =	sshrl.u32 s22, $0x3;
	[dreg:$0xa] =	wrdreg s19  }
0x21: {  	s26 =	sshrl.u32 s24, $0x3;
	s24 =	simm.s32 $0x40;
	[dreg:$0xb] =	wrdreg s21  }
0x22: {  	s0 =	simm.s32 $0x0;
	s20 =	simm.s32 $0xA;
	[dreg:$0xc] =	wrdreg s23  }
0x23: {  	s22 =	simm.s32 $0xC;
	s18 =	simm.s32 $0x1C00;
	[dreg:$0xd] =	wrdreg s26  }
0x24: {  	s19 =	simm.s32 $0x9;
	s23 =	simm.s32 $0xB;
	s21 =	simm.s32 $0xE  }
.LBB2_1:
.Ltmp0:
0x25: {  	(pc) =	sbr.rel @!p0 .LBB2_2-.Ltmp0, $4  }
0x26: {  	_ = 	snop  }
0x27: {  	s1 =	rddreg [dreg:$0xf]  }
0x28: {  	[tilespmem:s4], [sflag:$0x1] =	stream.linear.gather [hbm4b:s1+s4], $0x1900, $0x38;
	[tilespmem:$0x17B40] =	vst v63  }
0x29: {  	[dreg:$0x1f] =	wrdreg s0;
	s1 =	simm.s32 $0x0  }
0x2a: {  	s6 =	rddreg [dreg:$0x12];
	s30 =	simm.s32 $0x16  }
0x2b: {  	[tilespmem:s8], [sflag:$0x16] =	stream.linear.gather [hbm4b:s6+s1], $0x1400, $0x38;
	[tilespmem:$0x17B40] =	vst v63  }
0x2c: {  	_ =	swait.ge [sflag:s30], $0x1400  }
0x2d: {  	[sflag:s30] =	ssyncset.done $0x0  }
0x2e: {  	s1 =	simm.s32 $0x0;
	[sflag:s30] =	ssyncadd.s32 $0xFFFFEC00  }
0x2f: {  	v3 =	vld [tilespmem:s1+$0x1C00]  }
0x30: {  	v5 =	vld [tilespmem:s1+$0x1C10]  }
0x31: {  	v4 =	vld [tilespmem:s1+$0x1C20]  }
0x32: {  	v2 =	vld [tilespmem:s1+$0x1C30]  }
0x33: {  	v0 =	vld [tilespmem:s1+$0x1C40]  }
0x34: {  	v1 =	vld [tilespmem:s1+$0x1C50];
	v6 =	vmul.f32 $1.131370830e+01, v3  }
0x35: {  	s28 =	simm.s32 $0x200;
	v5 =	vmul.f32 $1.131370830e+01, v5;
	v3 =	vld [tilespmem:s1+$0x1C60]  }
.LBB2_6:
0x36: {  	s30 =	sshra.s32 s28, $0x2;
	p1 =	sne.s32 s28, $0x4E00;
	[tilespmem:s1+$0x1C00] =	vst v6;
	v4 =	vmul.f32 $1.131370830e+01, v4;
	v6 =	vld [tilespmem:s1+$0x1C70]  }
0x37: {  	v7 =	vld [tilespmem:s30+$0x1C00];
	[tilespmem:s1+$0x1C10] =	vst v5;
	v2 =	vmul.f32 $1.131370830e+01, v2  }
0x38: {  	v5 =	vld [tilespmem:s30+$0x1C10];
	[tilespmem:s1+$0x1C20] =	vst v4;
	v0 =	vmul.f32 $1.131370830e+01, v0  }
.Ltmp1:
0x39: {  	v4 =	vld [tilespmem:s30+$0x1C20];
	[tilespmem:s1+$0x1C30] =	vst v2;
	v1 =	vmul.f32 $1.131370830e+01, v1;
	(pc) =	sbr.rel @p1 .LBB2_6-.Ltmp1, $4  }
0x3a: {  	v2 =	vld [tilespmem:s30+$0x1C30];
	[tilespmem:s1+$0x1C40] =	vst v0;
	v3 =	vmul.f32 $1.131370830e+01, v3  }
0x3b: {  	v0 =	vld [tilespmem:s30+$0x1C40];
	[tilespmem:s1+$0x1C50] =	vst v1;
	v8 =	vmul.f32 $1.131370830e+01, v6  }
0x3c: {  	v6 =	vmul.f32 $1.131370830e+01, v7;
	v1 =	vld [tilespmem:s30+$0x1C50];
	[tilespmem:s1+$0x1C60] =	vst v3  }
0x3d: {  	s28 =	sadd.s32 $0x200, s28;
	v5 =	vmul.f32 $1.131370830e+01, v5;
	v3 =	vld [tilespmem:s30+$0x1C60];
	[tilespmem:s1+$0x1C70] =	vst v8;
	s1 =	smov.u32 s30  }
0x3e: {  	[tilespmem:s1+$0x1C00] =	vst v6;
	v4 =	vmul.f32 $1.131370830e+01, v4;
	v61 =	vld [tilespmem:s1+$0x1C70]  }
0x3f: {  	[tilespmem:s1+$0x1C10] =	vst v5;
	v2 =	vmul.f32 $1.131370830e+01, v2  }
0x40: {  	[tilespmem:s1+$0x1C20] =	vst v4;
	v0 =	vmul.f32 $1.131370830e+01, v0  }
0x41: {  	[tilespmem:s1+$0x1C30] =	vst v2;
	v1 =	vmul.f32 $1.131370830e+01, v1  }
0x42: {  	[tilespmem:s1+$0x1C40] =	vst v0;
	v62 =	vmul.f32 $1.131370830e+01, v3  }
0x43: {  	[tilespmem:s1+$0x1C50] =	vst v1;
	v63 =	vmul.f32 $1.131370830e+01, v61  }
0x44: {  	s28 =	rddreg [dreg:$0x13];
	[tilespmem:s1+$0x1C60] =	vst v62  }
.Ltmp2:
0x45: {  	s8 =	simm.s32 $0x1C00;
	s30 =	simm.s32 $0x16;
	[tilespmem:s1+$0x1C70] =	vst v63;
	(pc) =	sbr.rel .LBB2_8-.Ltmp2, $4  }
0x46: {  	[spmem:s28] =	stream.linear.scatter [tilespmem:s8], [sflag:$0x16], $0x1400, $0x38;
	[tilespmem:$0x17B40] =	vst v63  }
0x47: {  	_ =	swait.ge [sflag:s30], $0x1400  }
0x48: {  	[sflag:s30] =	ssyncset.done $0x0  }
0x49: {  	[sflag:s30] =	ssyncadd.s32 $0xFFFFEC00  }
.LBB2_2:
0x4a: {  	s6 =	rddreg [dreg:$0x10];
	s30 =	simm.s32 $0x16  }
0x4b: {  	[tilespmem:s8], [sflag:$0x16] =	stream.linear.gather [hbm4b:s6+s1], $0x2000, $0x38;
	[tilespmem:$0x17B40] =	vst v63  }
0x4c: {  	_ =	swait.ge [sflag:s30], $0x2000  }
0x4d: {  	[sflag:s30] =	ssyncset.done $0x0  }
0x4e: {  	s1 =	simm.s32 $0x0;
	[sflag:s30] =	ssyncadd.s32 $0xFFFFE000  }
0x4f: {  	v3 =	vld [tilespmem:s1+$0x1C00]  }
0x50: {  	v5 =	vld [tilespmem:s1+$0x1C10]  }
0x51: {  	v4 =	vld [tilespmem:s1+$0x1C20]  }
0x52: {  	v2 =	vld [tilespmem:s1+$0x1C30]  }
0x53: {  	v0 =	vld [tilespmem:s1+$0x1C40]  }
0x54: {  	v1 =	vld [tilespmem:s1+$0x1C50];
	v6 =	vmul.f32 $1.131370830e+01, v3  }
0x55: {  	s28 =	simm.s32 $0x200;
	v5 =	vmul.f32 $1.131370830e+01, v5;
	v3 =	vld [tilespmem:s1+$0x1C60]  }
.LBB2_3:
0x56: {  	s30 =	sshra.s32 s28, $0x2;
	p1 =	sne.s32 s28, $0x7E00;
	[tilespmem:s1+$0x1C00] =	vst v6;
	v4 =	vmul.f32 $1.131370830e+01, v4;
	v6 =	vld [tilespmem:s1+$0x1C70]  }
0x57: {  	v7 =	vld [tilespmem:s30+$0x1C00];
	[tilespmem:s1+$0x1C10] =	vst v5;
	v2 =	vmul.f32 $1.131370830e+01, v2  }
0x58: {  	v5 =	vld [tilespmem:s30+$0x1C10];
	[tilespmem:s1+$0x1C20] =	vst v4;
	v0 =	vmul.f32 $1.131370830e+01, v0  }
.Ltmp3:
0x59: {  	v4 =	vld [tilespmem:s30+$0x1C20];
	[tilespmem:s1+$0x1C30] =	vst v2;
	v1 =	vmul.f32 $1.131370830e+01, v1;
	(pc) =	sbr.rel @p1 .LBB2_3-.Ltmp3, $4  }
0x5a: {  	v2 =	vld [tilespmem:s30+$0x1C30];
	[tilespmem:s1+$0x1C40] =	vst v0;
	v3 =	vmul.f32 $1.131370830e+01, v3  }
0x5b: {  	v0 =	vld [tilespmem:s30+$0x1C40];
	[tilespmem:s1+$0x1C50] =	vst v1;
	v8 =	vmul.f32 $1.131370830e+01, v6  }
0x5c: {  	v6 =	vmul.f32 $1.131370830e+01, v7;
	v1 =	vld [tilespmem:s30+$0x1C50];
	[tilespmem:s1+$0x1C60] =	vst v3  }
0x5d: {  	s28 =	sadd.s32 $0x200, s28;
	v5 =	vmul.f32 $1.131370830e+01, v5;
	v3 =	vld [tilespmem:s30+$0x1C60];
	[tilespmem:s1+$0x1C70] =	vst v8;
	s1 =	smov.u32 s30  }
0x5e: {  	[tilespmem:s1+$0x1C00] =	vst v6;
	v4 =	vmul.f32 $1.131370830e+01, v4;
	v61 =	vld [tilespmem:s1+$0x1C70]  }
0x5f: {  	[tilespmem:s1+$0x1C10] =	vst v5;
	v2 =	vmul.f32 $1.131370830e+01, v2  }
0x60: {  	[tilespmem:s1+$0x1C20] =	vst v4;
	v0 =	vmul.f32 $1.131370830e+01, v0  }
0x61: {  	[tilespmem:s1+$0x1C30] =	vst v2;
	v1 =	vmul.f32 $1.131370830e+01, v1  }
0x62: {  	[tilespmem:s1+$0x1C40] =	vst v0;
	v62 =	vmul.f32 $1.131370830e+01, v3  }
0x63: {  	[tilespmem:s1+$0x1C50] =	vst v1;
	v63 =	vmul.f32 $1.131370830e+01, v61  }
0x64: {  	[tilespmem:s1+$0x1C60] =	vst v62  }
0x65: {  	s28 =	rddreg [dreg:$0x11];
	s8 =	simm.s32 $0x1C00;
	s30 =	simm.s32 $0x16;
	[tilespmem:s1+$0x1C70] =	vst v63  }
0x66: {  	[spmem:s28] =	stream.linear.scatter [tilespmem:s8], [sflag:$0x16], $0x2000, $0x38;
	[tilespmem:$0x17B40] =	vst v63  }
0x67: {  	_ =	swait.ge [sflag:s30], $0x2000  }
0x68: {  	[sflag:s30] =	ssyncset.done $0x0  }
0x69: {  	[sflag:s30] =	ssyncadd.s32 $0xFFFFE000  }
.LBB2_8:
0x6a: {  	s1 =	simm.s32 $0x1  }
0x6b: {  	_ =	swait.ge [sflag:s1], $0x1900  }
0x6c: {  	[sflag:s1] =	ssyncset.done $0x0  }
0x6d: {  	[sflag:s1] =	ssyncadd.s32 $0xFFFFE700  }
0x6e: {  	s0 =	simm.s32 $0x0;
	[bflag:$0x0] =	sbarrier.arrive $0xFFFF  }
0x6f: {  	[tilespmem:s8], [sflag:$0x2] =	stream.indirect.gather [spmem:s3], $0x80, s0, s24, $0xb8;
	[tilespmem:$0x17B40] =	vst v63  }
0x70: {  	s13 =	simm.s32 $0x3C00  }
0x71: {  	[tilespmem:s13], [sflag:$0x3] =	stream.indirect.gather [spmem:s3], $0x80, s24, s24, $0xb8;
	[tilespmem:$0x17B40] =	vst v63  }
0x72: {  	s2 =	simm.s32 $0x80;
	s12 =	simm.s32 $0x5C00  }
0x73: {  	[tilespmem:s12], [sflag:$0x4] =	stream.indirect.gather [spmem:s3], $0x80, s2, s24, $0xb8;
	[tilespmem:$0x17B40] =	vst v63  }
0x74: {  	s5 =	simm.s32 $0xC0;
	s11 =	simm.s32 $0x7C00  }
0x75: {  	[tilespmem:s11], [sflag:$0x5] =	stream.indirect.gather [spmem:s3], $0x80, s5, s24, $0xb8;
	[tilespmem:$0x17B40] =	vst v63  }
0x76: {  	s6 =	simm.s32 $0x100;
	s10 =	simm.s32 $0x9C00  }
0x77: {  	[tilespmem:s10], [sflag:$0x6] =	stream.indirect.gather [spmem:s3], $0x80, s6, s24, $0xb8;
	[tilespmem:$0x17B40] =	vst v63  }
0x78: {  	s7 =	simm.s32 $0x140;
	s5 =	simm.s32 $0xBC00  }
0x79: {  	[tilespmem:s5], [sflag:$0x7] =	stream.indirect.gather [spmem:s3], $0x80, s7, s24, $0xb8;
	[tilespmem:$0x17B40] =	vst v63  }
0x7a: {  	s9 =	simm.s32 $0x180;
	s26 =	simm.s32 $0xDC00  }
0x7b: {  	[tilespmem:s26], [sflag:$0x8] =	stream.indirect.gather [spmem:s3], $0x80, s9, s24, $0xb8;
	[tilespmem:$0x17B40] =	vst v63  }
0x7c: {  	s14 =	simm.s32 $0x1C0;
	s9 =	simm.s32 $0xFC00  }
0x7d: {  	[tilespmem:s9], [sflag:$0x9] =	stream.indirect.gather [spmem:s3], $0x80, s14, s24, $0xb8;
	[tilespmem:$0x17B40] =	vst v63  }
0x7e: {  	s15 =	simm.s32 $0x200;
	s7 =	simm.s32 $0x11C00  }
0x7f: {  	[tilespmem:s7], [sflag:$0xA] =	stream.indirect.gather [spmem:s3], $0x80, s15, s24, $0xb8;
	[tilespmem:$0x17B40] =	vst v63  }
0x80: {  	s16 =	simm.s32 $0x240;
	s0 =	simm.s32 $0x13C00;
	s2 =	simm.s32 $0x2  }
0x81: {  	[tilespmem:s0], [sflag:$0xB] =	stream.indirect.gather [spmem:s3], $0x80, s16, s24, $0xb8;
	[tilespmem:$0x17B40] =	vst v63  }
0x82: {  	_ =	swait.ge [sflag:s2], $0x2000  }
0x83: {  	[sflag:s2] =	ssyncset.done $0x0  }
0x84: {  	s17 =	rddreg [dreg:$0xe];
	[sflag:s2] =	ssyncadd.s32 $0xFFFFE000  }
0x85: {  	s6 =	rddreg [dreg:$0x2]  }
0x86: {  	s14 =	simm.s32 $0x3;
	s1 =	sadd.s32 s6, s17  }
0x87: {  	[hbm4b:s1+s4] =	stream.linear.scatter [tilespmem:s8], [sflag:$0xC], $0x2000, $0x38;
	[tilespmem:$0x17B40] =	vst v63  }
0x88: {  	_ =	swait.ge [sflag:s14], $0x2000  }
0x89: {  	s15 =	rddreg [dreg:$0xd];
	[sflag:s14] =	ssyncset.done $0x0  }
0x8a: {  	s16 =	simm.s32 $0x4;
	[sflag:s14] =	ssyncadd.s32 $0xFFFFE000;
	s1 =	sadd.s32 s6, s15  }
0x8b: {  	[hbm4b:s1+s4] =	stream.linear.scatter [tilespmem:s13], [sflag:$0xD], $0x2000, $0x38;
	[tilespmem:$0x17B40] =	vst v63  }
0x8c: {  	_ =	swait.ge [sflag:s16], $0x2000  }
0x8d: {  	s17 =	rddreg [dreg:$0xc];
	[sflag:s16] =	ssyncset.done $0x0  }
0x8e: {  	s14 =	simm.s32 $0x5;
	[sflag:s16] =	ssyncadd.s32 $0xFFFFE000;
	s1 =	sadd.s32 s6, s17  }
0x8f: {  	[hbm4b:s1+s4] =	stream.linear.scatter [tilespmem:s12], [sflag:$0xE], $0x2000, $0x38;
	[tilespmem:$0x17B40] =	vst v63  }
0x90: {  	_ =	swait.ge [sflag:s14], $0x2000  }
0x91: {  	s15 =	rddreg [dreg:$0xb];
	[sflag:s14] =	ssyncset.done $0x0  }
0x92: {  	s16 =	simm.s32 $0x6;
	[sflag:s14] =	ssyncadd.s32 $0xFFFFE000;
	s1 =	sadd.s32 s6, s15  }
0x93: {  	[hbm4b:s1+s4] =	stream.linear.scatter [tilespmem:s11], [sflag:$0xF], $0x2000, $0x38;
	[tilespmem:$0x17B40] =	vst v63  }
0x94: {  	_ =	swait.ge [sflag:s16], $0x2000  }
0x95: {  	s17 =	rddreg [dreg:$0xa];
	[sflag:s16] =	ssyncset.done $0x0  }
0x96: {  	s14 =	simm.s32 $0x7;
	[sflag:s16] =	ssyncadd.s32 $0xFFFFE000;
	s1 =	sadd.s32 s6, s17  }
0x97: {  	[hbm4b:s1+s4] =	stream.linear.scatter [tilespmem:s10], [sflag:$0x10], $0x2000, $0x38;
	[tilespmem:$0x17B40] =	vst v63  }
0x98: {  	_ =	swait.ge [sflag:s14], $0x2000  }
0x99: {  	s15 =	rddreg [dreg:$0x9];
	[sflag:s14] =	ssyncset.done $0x0  }
0x9a: {  	s16 =	simm.s32 $0x8;
	[sflag:s14] =	ssyncadd.s32 $0xFFFFE000;
	s1 =	sadd.s32 s6, s15  }
0x9b: {  	[hbm4b:s1+s4] =	stream.linear.scatter [tilespmem:s5], [sflag:$0x11], $0x2000, $0x38;
	[tilespmem:$0x17B40] =	vst v63  }
0x9c: {  	_ =	swait.ge [sflag:s16], $0x2000  }
0x9d: {  	s17 =	rddreg [dreg:$0x8];
	[sflag:s16] =	ssyncset.done $0x0  }
0x9e: {  	[sflag:s16] =	ssyncadd.s32 $0xFFFFE000;
	s1 =	sadd.s32 s6, s17  }
0x9f: {  	[hbm4b:s1+s4] =	stream.linear.scatter [tilespmem:s26], [sflag:$0x12], $0x2000, $0x38;
	[tilespmem:$0x17B40] =	vst v63  }
0xa0: {  	_ =	swait.ge [sflag:s19], $0x2000  }
0xa1: {  	s14 =	rddreg [dreg:$0x7];
	[sflag:s19] =	ssyncset.done $0x0  }
0xa2: {  	[sflag:s19] =	ssyncadd.s32 $0xFFFFE000;
	s1 =	sadd.s32 s6, s14  }
0xa3: {  	[hbm4b:s1+s4] =	stream.linear.scatter [tilespmem:s9], [sflag:$0x13], $0x2000, $0x38;
	[tilespmem:$0x17B40] =	vst v63  }
0xa4: {  	_ =	swait.ge [sflag:s20], $0x2000  }
0xa5: {  	s15 =	rddreg [dreg:$0x6];
	[sflag:s20] =	ssyncset.done $0x0  }
0xa6: {  	[sflag:s20] =	ssyncadd.s32 $0xFFFFE000;
	s1 =	sadd.s32 s6, s15  }
0xa7: {  	[hbm4b:s1+s4] =	stream.linear.scatter [tilespmem:s7], [sflag:$0x14], $0x2000, $0x38;
	[tilespmem:$0x17B40] =	vst v63  }
0xa8: {  	_ =	swait.ge [sflag:s23], $0x2000  }
0xa9: {  	s16 =	rddreg [dreg:$0x5];
	[sflag:s23] =	ssyncset.done $0x0  }
0xaa: {  	[sflag:s23] =	ssyncadd.s32 $0xFFFFE000;
	s1 =	sadd.s32 s6, s16  }
0xab: {  	[hbm4b:s1+s4] =	stream.linear.scatter [tilespmem:s0], [sflag:$0x15], $0x2000, $0x38;
	[tilespmem:$0x17B40] =	vst v63  }
0xac: {  	_ =	swait.ge [sflag:s22], $0x2000  }
0xad: {  	[sflag:s22] =	ssyncset.done $0x0  }
0xae: {  	s2 =	simm.s32 $0xD;
	s17 =	simm.s32 $0x280;
	[sflag:s22] =	ssyncadd.s32 $0xFFFFE000  }
0xaf: {  	[tilespmem:s8], [sflag:$0x2] =	stream.indirect.gather [spmem:s3], $0x80, s17, s24, $0xb8;
	[tilespmem:$0x17B40] =	vst v63  }
0xb0: {  	_ =	swait.ge [sflag:s2], $0x2000  }
0xb1: {  	[sflag:s2] =	ssyncset.done $0x0  }
0xb2: {  	s0 =	simm.s32 $0x2C0;
	[sflag:s2] =	ssyncadd.s32 $0xFFFFE000  }
0xb3: {  	[tilespmem:s13], [sflag:$0x3] =	stream.indirect.gather [spmem:s3], $0x80, s0, s24, $0xb8;
	[tilespmem:$0x17B40] =	vst v63  }
0xb4: {  	_ =	swait.ge [sflag:s21], $0x2000  }
0xb5: {  	[sflag:s21] =	ssyncset.done $0x0  }
0xb6: {  	s8 =	simm.s32 $0x300;
	[sflag:s21] =	ssyncadd.s32 $0xFFFFE000  }
0xb7: {  	[tilespmem:s12], [sflag:$0x4] =	stream.indirect.gather [spmem:s3], $0x80, s8, s24, $0xb8;
	[tilespmem:$0x17B40] =	vst v63  }
0xb8: {  	_ =	swait.ge [sflag:s25], $0x2000  }
0xb9: {  	[sflag:s25] =	ssyncset.done $0x0  }
0xba: {  	s13 =	simm.s32 $0x340;
	[sflag:s25] =	ssyncadd.s32 $0xFFFFE000  }
0xbb: {  	[tilespmem:s11], [sflag:$0x5] =	stream.indirect.gather [spmem:s3], $0x80, s13, s24, $0xb8;
	[tilespmem:$0x17B40] =	vst v63  }
0xbc: {  	s11 =	simm.s32 $0x10  }
0xbd: {  	_ =	swait.ge [sflag:s11], $0x2000  }
0xbe: {  	[sflag:s11] =	ssyncset.done $0x0  }
0xbf: {  	s14 =	simm.s32 $0x380;
	[sflag:s11] =	ssyncadd.s32 $0xFFFFE000  }
0xc0: {  	[tilespmem:s10], [sflag:$0x6] =	stream.indirect.gather [spmem:s3], $0x80, s14, s24, $0xb8;
	[tilespmem:$0x17B40] =	vst v63  }
0xc1: {  	s10 =	simm.s32 $0x11  }
0xc2: {  	_ =	swait.ge [sflag:s10], $0x2000  }
0xc3: {  	[sflag:s10] =	ssyncset.done $0x0  }
0xc4: {  	s15 =	simm.s32 $0x3C0;
	[sflag:s10] =	ssyncadd.s32 $0xFFFFE000  }
0xc5: {  	[tilespmem:s5], [sflag:$0x7] =	stream.indirect.gather [spmem:s3], $0x80, s15, s24, $0xb8;
	[tilespmem:$0x17B40] =	vst v63  }
0xc6: {  	s5 =	simm.s32 $0x12  }
0xc7: {  	_ =	swait.ge [sflag:s5], $0x2000  }
0xc8: {  	[sflag:s5] =	ssyncset.done $0x0  }
0xc9: {  	s16 =	simm.s32 $0x400;
	s0 =	simm.s32 $0x13;
	[sflag:s5] =	ssyncadd.s32 $0xFFFFE000  }
0xca: {  	[tilespmem:s26], [sflag:$0x8] =	stream.indirect.gather [spmem:s3], $0x80, s16, s24, $0xb8;
	[tilespmem:$0x17B40] =	vst v63  }
0xcb: {  	_ =	swait.ge [sflag:s0], $0x2000  }
0xcc: {  	[sflag:s0] =	ssyncset.done $0x0  }
0xcd: {  	s17 =	simm.s32 $0x440;
	[sflag:s0] =	ssyncadd.s32 $0xFFFFE000  }
0xce: {  	[tilespmem:s9], [sflag:$0x9] =	stream.indirect.gather [spmem:s3], $0x80, s17, s24, $0xb8;
	[tilespmem:$0x17B40] =	vst v63  }
0xcf: {  	_ =	swait.ge [sflag:s29], $0x2000  }
0xd0: {  	[sflag:s29] =	ssyncset.done $0x0  }
0xd1: {  	s26 =	simm.s32 $0x480;
	s9 =	simm.s32 $0x15;
	[sflag:s29] =	ssyncadd.s32 $0xFFFFE000  }
0xd2: {  	[tilespmem:s7], [sflag:$0xA] =	stream.indirect.gather [spmem:s3], $0x80, s26, s24, $0xb8;
	[tilespmem:$0x17B40] =	vst v63  }
0xd3: {  	_ =	swait.ge [sflag:s9], $0x2000  }
0xd4: {  	s28 =	simm.s32 $0xA00;
	[sflag:s9] =	ssyncset.done $0x0  }
0xd5: {  	s30 =	sadd.s32 $0x50000, s6;
	s1 =	simm.s32 $0x4C0;
	[sflag:s9] =	ssyncadd.s32 $0xFFFFE000  }
.LBB2_9:
0xd6: {  	s7 =	simm.s32 $0x13C00;
	s8 =	simm.s32 $0x2  }
0xd7: {  	[tilespmem:s7], [sflag:$0xB] =	stream.indirect.gather [spmem:s3], $0x80, s1, s24, $0xb8;
	[tilespmem:$0x17B40] =	vst v63  }
0xd8: {  	_ =	swait.ge [sflag:s8], $0x2000  }
0xd9: {  	s17 =	simm.s32 $0x1C00;
	s6 =	rddreg [dreg:$0xe];
	[sflag:s8] =	ssyncset.done $0x0  }
0xda: {  	s13 =	simm.s32 $0x3;
	[sflag:s8] =	ssyncadd.s32 $0xFFFFE000;
	s6 =	sadd.s32 s30, s6  }
0xdb: {  	[hbm4b:s6+s4] =	stream.linear.scatter [tilespmem:s17], [sflag:$0xC], $0x2000, $0x38;
	[tilespmem:$0x17B40] =	vst v63  }
0xdc: {  	_ =	swait.ge [sflag:s13], $0x2000  }
0xdd: {  	s16 =	simm.s32 $0x3C00;
	s14 =	rddreg [dreg:$0xd];
	[sflag:s13] =	ssyncset.done $0x0  }
0xde: {  	s15 =	simm.s32 $0x4;
	[sflag:s13] =	ssyncadd.s32 $0xFFFFE000;
	s6 =	sadd.s32 s30, s14  }
0xdf: {  	[hbm4b:s6+s4] =	stream.linear.scatter [tilespmem:s16], [sflag:$0xD], $0x2000, $0x38;
	[tilespmem:$0x17B40] =	vst v63  }
0xe0: {  	_ =	swait.ge [sflag:s15], $0x2000  }
0xe1: {  	s26 =	rddreg [dreg:$0xc];
	[sflag:s15] =	ssyncset.done $0x0  }
0xe2: {  	[sflag:s15] =	ssyncadd.s32 $0xFFFFE000;
	s6 =	sadd.s32 s30, s26;
	s15 =	simm.s32 $0x5C00  }
0xe3: {  	[hbm4b:s6+s4] =	stream.linear.scatter [tilespmem:s15], [sflag:$0xE], $0x2000, $0x38;
	[tilespmem:$0x17B40] =	vst v63  }
0xe4: {  	s6 =	simm.s32 $0x5  }
0xe5: {  	_ =	swait.ge [sflag:s6], $0x2000  }
0xe6: {  	s14 =	simm.s32 $0x7C00;
	s12 =	rddreg [dreg:$0xb];
	[sflag:s6] =	ssyncset.done $0x0  }
0xe7: {  	s13 =	simm.s32 $0x6;
	[sflag:s6] =	ssyncadd.s32 $0xFFFFE000;
	s6 =	sadd.s32 s30, s12  }
0xe8: {  	[hbm4b:s6+s4] =	stream.linear.scatter [tilespmem:s14], [sflag:$0xF], $0x2000, $0x38;
	[tilespmem:$0x17B40] =	vst v63  }
0xe9: {  	_ =	swait.ge [sflag:s13], $0x2000  }
0xea: {  	s12 =	simm.s32 $0x7;
	s26 =	rddreg [dreg:$0xa];
	[sflag:s13] =	ssyncset.done $0x0  }
0xeb: {  	[sflag:s13] =	ssyncadd.s32 $0xFFFFE000;
	s6 =	sadd.s32 s30, s26;
	s13 =	simm.s32 $0x9C00  }
0xec: {  	[hbm4b:s6+s4] =	stream.linear.scatter [tilespmem:s13], [sflag:$0x10], $0x2000, $0x38;
	[tilespmem:$0x17B40] =	vst v63  }
0xed: {  	_ =	swait.ge [sflag:s12], $0x2000  }
0xee: {  	s26 =	rddreg [dreg:$0x9];
	[sflag:s12] =	ssyncset.done $0x0  }
0xef: {  	[sflag:s12] =	ssyncadd.s32 $0xFFFFE000;
	s6 =	sadd.s32 s30, s26;
	s12 =	simm.s32 $0xBC00  }
0xf0: {  	[hbm4b:s6+s4] =	stream.linear.scatter [tilespmem:s12], [sflag:$0x11], $0x2000, $0x38;
	[tilespmem:$0x17B40] =	vst v63  }
0xf1: {  	s6 =	simm.s32 $0x8  }
0xf2: {  	_ =	swait.ge [sflag:s6], $0x2000  }
0xf3: {  	s26 =	rddreg [dreg:$0x8];
	[sflag:s6] =	ssyncset.done $0x0  }
0xf4: {  	s8 =	simm.s32 $0xDC00;
	[sflag:s6] =	ssyncadd.s32 $0xFFFFE000;
	s6 =	sadd.s32 s30, s26  }
0xf5: {  	[hbm4b:s6+s4] =	stream.linear.scatter [tilespmem:s8], [sflag:$0x12], $0x2000, $0x38;
	[tilespmem:$0x17B40] =	vst v63  }
0xf6: {  	_ =	swait.ge [sflag:s19], $0x2000  }
0xf7: {  	s26 =	rddreg [dreg:$0x7];
	[sflag:s19] =	ssyncset.done $0x0  }
0xf8: {  	[sflag:s19] =	ssyncadd.s32 $0xFFFFE000;
	s6 =	sadd.s32 s30, s26;
	s26 =	simm.s32 $0xFC00  }
0xf9: {  	[hbm4b:s6+s4] =	stream.linear.scatter [tilespmem:s26], [sflag:$0x13], $0x2000, $0x38;
	[tilespmem:$0x17B40] =	vst v63  }
0xfa: {  	_ =	swait.ge [sflag:s20], $0x2000  }
0xfb: {  	s6 =	rddreg [dreg:$0x6];
	[sflag:s20] =	ssyncset.done $0x0  }
0xfc: {  	[sflag:s20] =	ssyncadd.s32 $0xFFFFE000;
	s6 =	sadd.s32 s30, s6  }
0xfd: {  	[hbm4b:s6+s4] =	stream.linear.scatter [tilespmem:s31], [sflag:$0x14], $0x2000, $0x38;
	[tilespmem:$0x17B40] =	vst v63  }
0xfe: {  	_ =	swait.ge [sflag:s23], $0x2000  }
0xff: {  	s6 =	rddreg [dreg:$0x5];
	[sflag:s23] =	ssyncset.done $0x0  }
0x100: {  	[sflag:s23] =	ssyncadd.s32 $0xFFFFE000;
	s6 =	sadd.s32 s30, s6  }
0x101: {  	[hbm4b:s6+s4] =	stream.linear.scatter [tilespmem:s7], [sflag:$0x15], $0x2000, $0x38;
	[tilespmem:$0x17B40] =	vst v63  }
0x102: {  	s1 =	smov.u32 s28;
	_ =	swait.ge [sflag:s22], $0x2000  }
0x103: {  	s1 =	sshra.s32 s1, $0x2;
	[sflag:s22] =	ssyncset.done $0x0  }
0x104: {  	s7 =	sadd.s32 $0x280, s1;
	[sflag:s22] =	ssyncadd.s32 $0xFFFFE000  }
0x105: {  	[tilespmem:s17], [sflag:$0x2] =	stream.indirect.gather [spmem:s3], $0x80, s7, s24, $0xb8;
	[tilespmem:$0x17B40] =	vst v63  }
0x106: {  	_ =	swait.ge [sflag:s2], $0x2000  }
0x107: {  	[sflag:s2] =	ssyncset.done $0x0  }
0x108: {  	s7 =	sadd.s32 $0x2C0, s1;
	[sflag:s2] =	ssyncadd.s32 $0xFFFFE000  }
0x109: {  	[tilespmem:s16], [sflag:$0x3] =	stream.indirect.gather [spmem:s3], $0x80, s7, s24, $0xb8;
	[tilespmem:$0x17B40] =	vst v63  }
0x10a: {  	_ =	swait.ge [sflag:s21], $0x2000  }
0x10b: {  	[sflag:s21] =	ssyncset.done $0x0  }
0x10c: {  	s7 =	sadd.s32 $0x300, s1;
	[sflag:s21] =	ssyncadd.s32 $0xFFFFE000  }
0x10d: {  	[tilespmem:s15], [sflag:$0x4] =	stream.indirect.gather [spmem:s3], $0x80, s7, s24, $0xb8;
	[tilespmem:$0x17B40] =	vst v63  }
0x10e: {  	_ =	swait.ge [sflag:s25], $0x2000  }
0x10f: {  	[sflag:s25] =	ssyncset.done $0x0  }
0x110: {  	s7 =	sadd.s32 $0x340, s1;
	[sflag:s25] =	ssyncadd.s32 $0xFFFFE000  }
0x111: {  	[tilespmem:s14], [sflag:$0x5] =	stream.indirect.gather [spmem:s3], $0x80, s7, s24, $0xb8;
	[tilespmem:$0x17B40] =	vst v63  }
0x112: {  	_ =	swait.ge [sflag:s11], $0x2000  }
0x113: {  	[sflag:s11] =	ssyncset.done $0x0  }
0x114: {  	s7 =	sadd.s32 $0x380, s1;
	[sflag:s11] =	ssyncadd.s32 $0xFFFFE000  }
0x115: {  	[tilespmem:s13], [sflag:$0x6] =	stream.indirect.gather [spmem:s3], $0x80, s7, s24, $0xb8;
	[tilespmem:$0x17B40] =	vst v63  }
0x116: {  	_ =	swait.ge [sflag:s10], $0x2000  }
0x117: {  	[sflag:s10] =	ssyncset.done $0x0  }
0x118: {  	s7 =	sadd.s32 $0x3C0, s1;
	[sflag:s10] =	ssyncadd.s32 $0xFFFFE000  }
0x119: {  	[tilespmem:s12], [sflag:$0x7] =	stream.indirect.gather [spmem:s3], $0x80, s7, s24, $0xb8;
	[tilespmem:$0x17B40] =	vst v63  }
0x11a: {  	_ =	swait.ge [sflag:s5], $0x2000  }
0x11b: {  	[sflag:s5] =	ssyncset.done $0x0  }
0x11c: {  	s7 =	sadd.s32 $0x400, s1;
	[sflag:s5] =	ssyncadd.s32 $0xFFFFE000  }
0x11d: {  	[tilespmem:s8], [sflag:$0x8] =	stream.indirect.gather [spmem:s3], $0x80, s7, s24, $0xb8;
	[tilespmem:$0x17B40] =	vst v63  }
0x11e: {  	_ =	swait.ge [sflag:s0], $0x2000  }
0x11f: {  	p1 =	sne.s32 s28, $0x5000;
	[sflag:s0] =	ssyncset.done $0x0  }
0x120: {  	s28 =	sadd.s32 $0xA00, s28;
	s7 =	sadd.s32 $0x440, s1;
	[sflag:s0] =	ssyncadd.s32 $0xFFFFE000  }
0x121: {  	[tilespmem:s26], [sflag:$0x9] =	stream.indirect.gather [spmem:s3], $0x80, s7, s24, $0xb8;
	[tilespmem:$0x17B40] =	vst v63  }
0x122: {  	s30 =	sadd.s32 $0x50000, s30;
	s17 =	simm.s32 $0x3C00;
	_ =	swait.ge [sflag:s29], $0x2000  }
0x123: {  	s16 =	simm.s32 $0x5C00;
	s15 =	simm.s32 $0x7C00;
	[sflag:s29] =	ssyncset.done $0x0  }
.Ltmp4:
0x124: {  	s26 =	sadd.s32 $0x480, s1;
	[sflag:s29] =	ssyncadd.s32 $0xFFFFE000;
	(pc) =	sbr.rel @p1 .LBB2_9-.Ltmp4, $4  }
0x125: {  	[tilespmem:s31], [sflag:$0xA] =	stream.indirect.gather [spmem:s3], $0x80, s26, s24, $0xb8;
	[tilespmem:$0x17B40] =	vst v63  }
0x126: {  	s14 =	simm.s32 $0x9C00;
	s13 =	simm.s32 $0xBC00;
	_ =	swait.ge [sflag:s9], $0x2000  }
0x127: {  	s12 =	simm.s32 $0xDC00;
	s8 =	simm.s32 $0xFC00;
	[sflag:s9] =	ssyncset.done $0x0  }
0x128: {  	s7 =	simm.s32 $0x11C00;
	s1 =	sadd.s32 $0x4C0, s1;
	[sflag:s9] =	ssyncadd.s32 $0xFFFFE000  }
0x129: {  	s6 =	simm.s32 $0x13C00;
	s30 =	simm.s32 $0x2  }
0x12a: {  	[tilespmem:s6], [sflag:$0xB] =	stream.indirect.gather [spmem:s3], $0x80, s1, s24, $0xb8;
	[tilespmem:$0x17B40] =	vst v63  }
0x12b: {  	_ =	swait.ge [sflag:s30], $0x2000  }
0x12c: {  	[sflag:s30] =	ssyncset.done $0x0  }
0x12d: {  	s28 =	simm.s32 $0x3;
	s26 =	rddreg [dreg:$0x14];
	[sflag:s30] =	ssyncadd.s32 $0xFFFFE000  }
0x12e: {  	[hbm4b:s26+s4] =	stream.linear.scatter [tilespmem:s18], [sflag:$0xC], $0x2000, $0x38;
	[tilespmem:$0x17B40] =	vst v63  }
0x12f: {  	_ =	swait.ge [sflag:s28], $0x2000  }
0x130: {  	[sflag:s28] =	ssyncset.done $0x0  }
0x131: {  	s26 =	simm.s32 $0x4;
	s30 =	rddreg [dreg:$0x15];
	[sflag:s28] =	ssyncadd.s32 $0xFFFFE000  }
0x132: {  	[hbm4b:s30+s4] =	stream.linear.scatter [tilespmem:s17], [sflag:$0xD], $0x2000, $0x38;
	[tilespmem:$0x17B40] =	vst v63  }
0x133: {  	_ =	swait.ge [sflag:s26], $0x2000  }
0x134: {  	[sflag:s26] =	ssyncset.done $0x0  }
0x135: {  	s30 =	simm.s32 $0x5;
	s28 =	rddreg [dreg:$0x16];
	[sflag:s26] =	ssyncadd.s32 $0xFFFFE000  }
0x136: {  	[hbm4b:s28+s4] =	stream.linear.scatter [tilespmem:s16], [sflag:$0xE], $0x2000, $0x38;
	[tilespmem:$0x17B40] =	vst v63  }
0x137: {  	_ =	swait.ge [sflag:s30], $0x2000  }
0x138: {  	[sflag:s30] =	ssyncset.done $0x0  }
0x139: {  	s17 =	simm.s32 $0x6;
	s16 =	rddreg [dreg:$0x17];
	[sflag:s30] =	ssyncadd.s32 $0xFFFFE000  }
0x13a: {  	[hbm4b:s16+s4] =	stream.linear.scatter [tilespmem:s15], [sflag:$0xF], $0x2000, $0x38;
	[tilespmem:$0x17B40] =	vst v63  }
0x13b: {  	_ =	swait.ge [sflag:s17], $0x2000  }
0x13c: {  	[sflag:s17] =	ssyncset.done $0x0  }
0x13d: {  	s28 =	simm.s32 $0x7;
	s26 =	rddreg [dreg:$0x18];
	[sflag:s17] =	ssyncadd.s32 $0xFFFFE000  }
0x13e: {  	[hbm4b:s26+s4] =	stream.linear.scatter [tilespmem:s14], [sflag:$0x10], $0x2000, $0x38;
	[tilespmem:$0x17B40] =	vst v63  }
0x13f: {  	_ =	swait.ge [sflag:s28], $0x2000  }
0x140: {  	[sflag:s28] =	ssyncset.done $0x0  }
0x141: {  	s14 =	simm.s32 $0x8;
	s30 =	rddreg [dreg:$0x19];
	[sflag:s28] =	ssyncadd.s32 $0xFFFFE000  }
0x142: {  	[hbm4b:s30+s4] =	stream.linear.scatter [tilespmem:s13], [sflag:$0x11], $0x2000, $0x38;
	[tilespmem:$0x17B40] =	vst v63  }
0x143: {  	_ =	swait.ge [sflag:s14], $0x2000  }
0x144: {  	[sflag:s14] =	ssyncset.done $0x0  }
0x145: {  	s15 =	rddreg [dreg:$0x1a];
	[sflag:s14] =	ssyncadd.s32 $0xFFFFE000  }
0x146: {  	[hbm4b:s15+s4] =	stream.linear.scatter [tilespmem:s12], [sflag:$0x12], $0x2000, $0x38;
	[tilespmem:$0x17B40] =	vst v63  }
0x147: {  	_ =	swait.ge [sflag:s19], $0x2000  }
0x148: {  	[sflag:s19] =	ssyncset.done $0x0  }
0x149: {  	s16 =	rddreg [dreg:$0x1b];
	[sflag:s19] =	ssyncadd.s32 $0xFFFFE000  }
0x14a: {  	[hbm4b:s16+s4] =	stream.linear.scatter [tilespmem:s8], [sflag:$0x13], $0x2000, $0x38;
	[tilespmem:$0x17B40] =	vst v63  }
0x14b: {  	_ =	swait.ge [sflag:s20], $0x2000  }
0x14c: {  	[sflag:s20] =	ssyncset.done $0x0  }
0x14d: {  	s17 =	rddreg [dreg:$0x1c];
	[sflag:s20] =	ssyncadd.s32 $0xFFFFE000  }
0x14e: {  	[hbm4b:s17+s4] =	stream.linear.scatter [tilespmem:s7], [sflag:$0x14], $0x2000, $0x38;
	[tilespmem:$0x17B40] =	vst v63  }
0x14f: {  	_ =	swait.ge [sflag:s23], $0x2000  }
0x150: {  	[sflag:s23] =	ssyncset.done $0x0  }
0x151: {  	s26 =	rddreg [dreg:$0x1d];
	[sflag:s23] =	ssyncadd.s32 $0xFFFFE000  }
0x152: {  	[hbm4b:s26+s4] =	stream.linear.scatter [tilespmem:s6], [sflag:$0x15], $0x2000, $0x38;
	[tilespmem:$0x17B40] =	vst v63  }
0x153: {  	_ =	swait.ge [sflag:s22], $0x2000  }
0x154: {  	[sflag:s22] =	ssyncset.done $0x0  }
0x155: {  	[sflag:s22] =	ssyncadd.s32 $0xFFFFE000  }
0x156: {  	_ =	swait.ge [sflag:s2], $0x2000  }
0x157: {  	[sflag:s2] =	ssyncset.done $0x0  }
0x158: {  	[sflag:s2] =	ssyncadd.s32 $0xFFFFE000  }
0x159: {  	_ =	swait.ge [sflag:s21], $0x2000  }
0x15a: {  	[sflag:s21] =	ssyncset.done $0x0  }
0x15b: {  	[sflag:s21] =	ssyncadd.s32 $0xFFFFE000  }
0x15c: {  	_ =	swait.ge [sflag:s25], $0x2000  }
0x15d: {  	[sflag:s25] =	ssyncset.done $0x0  }
0x15e: {  	[sflag:s25] =	ssyncadd.s32 $0xFFFFE000  }
0x15f: {  	_ =	swait.ge [sflag:s11], $0x2000  }
0x160: {  	[sflag:s11] =	ssyncset.done $0x0  }
0x161: {  	[sflag:s11] =	ssyncadd.s32 $0xFFFFE000  }
0x162: {  	_ =	swait.ge [sflag:s10], $0x2000  }
0x163: {  	[sflag:s10] =	ssyncset.done $0x0  }
0x164: {  	[sflag:s10] =	ssyncadd.s32 $0xFFFFE000  }
0x165: {  	_ =	swait.ge [sflag:s5], $0x2000  }
0x166: {  	[sflag:s5] =	ssyncset.done $0x0  }
0x167: {  	[sflag:s5] =	ssyncadd.s32 $0xFFFFE000  }
0x168: {  	_ =	swait.ge [sflag:s0], $0x2000  }
0x169: {  	[sflag:s0] =	ssyncset.done $0x0  }
0x16a: {  	[sflag:s0] =	ssyncadd.s32 $0xFFFFE000  }
0x16b: {  	_ =	swait.ge [sflag:s29], $0x2000  }
0x16c: {  	[sflag:s29] =	ssyncset.done $0x0  }
0x16d: {  	[sflag:s29] =	ssyncadd.s32 $0xFFFFE000  }
0x16e: {  	_ =	swait.ge [sflag:s9], $0x2000  }
0x16f: {  	s28 =	rddreg [dreg:$0x1f]  }
0x170: {  	s30 =	rddreg [dreg:$0x1e];
	s0 =	sadd.s32 $0x1, s28  }
0x171: {  	p1 =	sne.s32 s0, s30  }
.Ltmp5:
0x172: {  	_ = 	snop;
	(pc) =	sbr.rel @p1 .LBB2_1-.Ltmp5, $3  }
0x173: {  	_ =	sdelay $0x1  }
0x174: {  	[sflag:s9] =	ssyncset.done $0x0  }
0x175: {  	s8 =	simm.s32 $0x1C00;
	[sflag:s9] =	ssyncadd.s32 $0xFFFFE000  }
0x176: {  	_ =	sfence.sel $0x180000  }
0x177: {  	[bflag:$0x0] =	sbarrier.arrive $0xFFFF  }
0x178: {  	_ =	strace $0x90000047  }
0x179: {  	s0 =	stileid.u32;
	[bflag:$0x2] =	sbarrier.arrive $0xFFFF  }
0x17a: {  	p0 =	sne.s32 s0, $0x0;
	s0 =	rddreg [dreg:$0x4]  }
0x17b: {  	s0 =	sadd.s32 @!p0 $0x100000, s0  }
0x17c: {  	[sflag:s0] =	ssyncadd.tile.s32 @!p0 $0x1;
	_ =	shalt  }
.Lfunc_end2:
_tile_overlayer_lowered:
.L_overlay_start_2:
0x17d: {  	(tag) =	ssettag $0x2  }
0x17e: {  	s0 =	rddreg [dreg:$0x0];
	s2 =	stileid.u32  }
0x17f: {  	s1 =	rddreg [dreg:$0x1];
	p0 =	sne.s32 s2, $0x0  }
0x180: {  	s3 =	rddreg [dreg:$0x2];
	[bflag:$0x3] =	sbarrier.arrive $0xFFFF;
	s2 =	simm.s32 @!p0 $0x1C16  }
0x181: {  	[timem:s3], [sflag:s2] =	dma.local @!p0 [hbm:s0], s1  }
0x182: {  	s0 =	simm.s32 @!p0 $0x16  }
0x183: {  	_ =	swait.ge @!p0 [sflag:s0], s1  }
0x184: {  	s1 =	ssub.s32 @!p0 $0x0, s1;
	[sflag:s0] =	ssyncset.done @!p0 $0x0  }
0x185: {  	[sflag:s0] =	ssyncadd.s32 @!p0 s1  }
0x186: {  	[bflag:$0x3] =	sbarrier.arrive $0xFFFF  }
0x187: {  	_ =	shalt  }

</sc_bundles>
